<compile_context>
chip_gen: v7x
topology: tpu7x:2x2x1
jax: 0.10.2.dev20260603
libtpu: 0.0.44.dev20260713+nightly
codegen_flags: <defaults>
</compile_context>

<pallas_src>
import jax
import jax.numpy as jnp
from jax import lax
from jax.experimental import pallas as pl
from jax.experimental.pallas import tpu as pltpu
from jax.experimental.pallas import tpu_sc as plsc

NN = 10000
EE = 320000
H = 8
OUT = 16
HID = 128
HXA_W = 144

NTILES = 32
CHG = 64
CHS = 128
ZCH = 80
NZ = NN // ZCH

_MM = dict(preferred_element_type=jnp.float32)


def _tc1_body(sf, nf, w1, b1, w2, b2, gw, a_s, a_d, so_ref, hxa_ref, adst_ref):
    h1 = jnp.maximum(jnp.dot(sf[...], w1[...], **_MM) + b1[...], 0.0)
    so_ref[...] = jnp.maximum(jnp.dot(h1, w2[...], **_MM) + b2[...], 0.0)
    hx = jnp.dot(nf[...], gw[...], **_MM)
    hxa_ref[:, 0:128] = hx
    hxa_ref[:, 128:136] = jnp.dot(hx, a_s[...], **_MM)
    hxa_ref[:, 136:144] = jnp.zeros_like(hxa_ref[:, 136:144])
    adst_ref[:, 0:8] = jnp.dot(hx, a_d[...], **_MM)
    adst_ref[:, 8:16] = jnp.zeros_like(adst_ref[:, 8:16])


def _tc1(sf, nf, w1, b1, w2, b2, gw, a_s, a_d):
    B = 1000
    g = NN // B
    row = lambda i: (i, 0)
    full = lambda i: (0, 0)
    return pl.pallas_call(
        _tc1_body,
        grid=(g,),
        in_specs=[
            pl.BlockSpec((B, 65), row),
            pl.BlockSpec((B, HID), row),
            pl.BlockSpec((65, HID), full),
            pl.BlockSpec((1, HID), full),
            pl.BlockSpec((HID, HID), full),
            pl.BlockSpec((1, HID), full),
            pl.BlockSpec((HID, HID), full),
            pl.BlockSpec((HID, H), full),
            pl.BlockSpec((HID, H), full),
        ],
        out_specs=[
            pl.BlockSpec((B, HID), row),
            pl.BlockSpec((B, HXA_W), row),
            pl.BlockSpec((B, 16), row),
        ],
        out_shape=[
            jax.ShapeDtypeStruct((NN, HID), jnp.float32),
            jax.ShapeDtypeStruct((NN, HXA_W), jnp.float32),
            jax.ShapeDtypeStruct((NN, 16), jnp.float32),
        ],
    )(sf, nf, w1, b1, w2, b2, gw, a_s, a_d)


def _zero_accum(buf_v, accum, sid, width, zch):
    nz = NN // zch

    def zrow(r, _):
        for kk in range(width // 16):
            buf_v[r, pl.ds(kk * 16, 16)] = jnp.zeros((16,), jnp.float32)
        return 0

    lax.fori_loop(0, zch, zrow, 0)

    def zac(k, _):
        idx = sid + k * 16

        @pl.when(idx < nz)
        def _():
            pltpu.sync_copy(buf_v.at[pl.ds(0, zch)],
                            accum.at[pl.ds(idx * zch, zch)])

        return 0

    lax.fori_loop(0, (nz + 15) // 16, zac, 0)


def _writeback(accum, out_hbm, cid, sid):
    def wb(k, _):
        idx = sid + k * 16

        @pl.when(idx < NZ)
        def _():
            pltpu.sync_copy(accum.at[pl.ds(idx * ZCH, ZCH)],
                            out_hbm.at[cid, pl.ds(idx * ZCH, ZCH)])

        return 0

    lax.fori_loop(0, (NZ + 15) // 16, wb, 0)


def _writeback_split(accum, out1_hbm, out2_hbm, cid, sid):

    def wb(k, _):
        idx = sid + k * 16

        @pl.when(idx < NZ)
        def _():
            pltpu.sync_copy(accum.at[pl.ds(idx * ZCH, ZCH), pl.ds(0, HID)],
                            out1_hbm.at[cid, pl.ds(idx * ZCH, ZCH)])
            pltpu.sync_copy(accum.at[pl.ds(idx * ZCH, ZCH), pl.ds(HID, 16)],
                            out2_hbm.at[cid, pl.ds(idx * ZCH, ZCH)])

        return 0

    lax.fori_loop(0, (NZ + 15) // 16, wb, 0)


def _copy_dsc(ei_v, dsc_v, ch):
    for kk in range(ch // 16):
        dsc_v[pl.ds(kk * 16, 16)] = ei_v[1, pl.ds(kk * 16, 16)]


def _gat_edges_body(hxa_hbm, adst_hbm, ei_hbm, out1_hbm, out2_hbm, accum,
                    ei_v0, ei_v1, ei_v2, hxa_v0, hxa_v1, hxa_v2,
                    adst_v0, adst_v1, adst_v2, dsc_v0, dsc_v1, dsc_v2,
                    sem_i0, sem_i1, sem_i2, sem_g0, sem_g1, sem_g2,
                    sem_a0, sem_a1, sem_a2, sem_s0, sem_s1, sem_s2):
    cid = lax.axis_index("c")
    sid = lax.axis_index("s")
    wid = sid * 2 + cid
    nchunk = EE // CHG
    njs = (nchunk + NTILES - 1) // NTILES
    nj = (nchunk + NTILES - 1 - wid) // NTILES

    ei_v = (ei_v0, ei_v1, ei_v2)
    hxa_v = (hxa_v0, hxa_v1, hxa_v2)
    adst_v = (adst_v0, adst_v1, adst_v2)
    dsc_v = (dsc_v0, dsc_v1, dsc_v2)
    sem_i = (sem_i0, sem_i1, sem_i2)
    sem_g = (sem_g0, sem_g1, sem_g2)
    sem_a = (sem_a0, sem_a1, sem_a2)
    sem_s = (sem_s0, sem_s1, sem_s2)

    _zero_accum(hxa_v0, accum, sid, HXA_W, 40)
    plsc.subcore_barrier()

    def idx_args(j, s):
        return ei_hbm.at[:, pl.ds((wid + j * NTILES) * CHG, CHG)], ei_v[s], sem_i[s]

    def gather_args(s):
        return ((hxa_hbm.at[ei_v[s].at[0]], hxa_v[s], sem_g[s]),
                (adst_hbm.at[ei_v[s].at[1]], adst_v[s], sem_a[s]))

    def scatter_args(s):
        return hxa_v[s], accum.at[dsc_v[s]], sem_s[s]

    def compute(s):
        lane = lax.iota(jnp.int32, 16)
        mlo = jnp.where(lane < 8, 1.0, 0.0)
        dg1 = jnp.where(lane == 8, 1.0, 0.0)

        @plsc.parallel_loop(0, CHG, unroll=4)
        def _(c):
            av = hxa_v[s][c, pl.ds(128, 16)] + adst_v[s][c, pl.ds(0, 16)]
            al = jnp.where(av > 0.0, av, av * 0.2)
            tail = jnp.exp(al) * mlo + dg1
            for h in range(H):
                hxa_v[s][c, pl.ds(h * 16, 16)] = (
                    hxa_v[s][c, pl.ds(h * 16, 16)] * tail[h])
            hxa_v[s][c, pl.ds(128, 16)] = tail

    pltpu.async_copy(*idx_args(0, 0)).wait()
    for a in gather_args(0):
        pltpu.async_copy(*a)
    pltpu.async_copy(*idx_args(1, 1))
    pltpu.async_copy(*idx_args(2, 2))

    def pipe(jj, _):
        for b in (0, 1, 2):
            j = jj * 3 + b
            b1 = (b + 1) % 3

            @pl.when(j + 1 < nj)
            def _():
                pltpu.make_async_copy(*idx_args(j + 1, b1)).wait()

                @pl.when(j >= 2)
                def _():
                    pltpu.make_async_copy(*scatter_args(b1)).wait()

                for a in gather_args(b1):
                    pltpu.async_copy(*a)

            @pl.when(j < nj)
            def _():
                for a in gather_args(b):
                    pltpu.make_async_copy(*a).wait()
                _copy_dsc(ei_v[b], dsc_v[b], CHG)

            @pl.when(j + 3 < nj)
            def _():
                pltpu.async_copy(*idx_args(j + 3, b))

            @pl.when(j < nj)
            def _():
                compute(b)
                pltpu.async_copy(*scatter_args(b), add=True)

        return 0

    lax.fori_loop(0, (njs + 2) // 3, pipe, 0)
    pltpu.make_async_copy(*scatter_args(0)).wait()
    pltpu.make_async_copy(*scatter_args(1)).wait()
    pltpu.make_async_copy(*scatter_args(2)).wait()
    plsc.subcore_barrier()
    _writeback_split(accum, out1_hbm, out2_hbm, cid, sid)


def _gat_edges(hxa, adst, ei):
    mesh = plsc.VectorSubcoreMesh(core_axis_name="c", subcore_axis_name="s", num_cores=2, num_subcores=16)
    return pl.kernel(
        _gat_edges_body,
        out_type=[jax.ShapeDtypeStruct((2, NN, HID), jnp.float32),
                  jax.ShapeDtypeStruct((2, NN, 16), jnp.float32)],
        mesh=mesh,
        compiler_params=pltpu.CompilerParams(use_tc_tiling_on_sc=False),
        scratch_types=[
            pltpu.VMEM_SHARED((NN, HXA_W), jnp.float32),
            pltpu.VMEM((2, CHG), jnp.int32),
            pltpu.VMEM((2, CHG), jnp.int32),
            pltpu.VMEM((2, CHG), jnp.int32),
            pltpu.VMEM((CHG, HXA_W), jnp.float32),
            pltpu.VMEM((CHG, HXA_W), jnp.float32),
            pltpu.VMEM((CHG, HXA_W), jnp.float32),
            pltpu.VMEM((CHG, 16), jnp.float32),
            pltpu.VMEM((CHG, 16), jnp.float32),
            pltpu.VMEM((CHG, 16), jnp.float32),
            pltpu.VMEM((CHG,), jnp.int32),
            pltpu.VMEM((CHG,), jnp.int32),
            pltpu.VMEM((CHG,), jnp.int32),
            pltpu.SemaphoreType.DMA,
            pltpu.SemaphoreType.DMA,
            pltpu.SemaphoreType.DMA,
            pltpu.SemaphoreType.DMA,
            pltpu.SemaphoreType.DMA,
            pltpu.SemaphoreType.DMA,
            pltpu.SemaphoreType.DMA,
            pltpu.SemaphoreType.DMA,
            pltpu.SemaphoreType.DMA,
            pltpu.SemaphoreType.DMA,
            pltpu.SemaphoreType.DMA,
            pltpu.SemaphoreType.DMA,
        ],
    )(hxa, adst, ei)


def _tc2_body(pn0v, pn1v, pt0v, pt1v, hxa, adst, gb, rmat, wr,
              x_ref, xr_ref, deg_ref):
    pn0 = pn0v[0]
    pn1 = pn1v[0]
    pt0 = pt0v[0]
    pt1 = pt1v[0]
    a_s = hxa[:, 128:136]
    a_d = adst[:, 0:8]
    t = a_s + a_d
    al = jnp.where(t > 0.0, t, t * 0.2)
    exl = jnp.exp(al)
    denom = pt0[:, 0:8] + pt1[:, 0:8] + exl
    exl_rep = jnp.dot(exl, rmat[...], **_MM)
    den_rep = jnp.dot(denom, rmat[...], **_MM)
    msum = pn0[...] + pn1[...] + hxa[:, 0:128] * exl_rep
    gat = msum / (den_rep + 1e-16)
    xx = gat + gb[...]
    x = jnp.where(xx > 0.0, xx, xx * 0.2)
    x_ref[...] = x
    xr_ref[...] = jnp.dot(x, wr[...], **_MM)
    deg_ref[...] = pt0[:, 8:9] + pt1[:, 8:9]


def _tc2(pn, pt, hxa, adst, gb, rmat, wr):
    B = 1000
    g = NN // B
    row = lambda i: (i, 0)
    full = lambda i: (0, 0)
    return pl.pallas_call(
        _tc2_body,
        grid=(g,),
        in_specs=[
            pl.BlockSpec((1, B, HID), lambda i: (0, i, 0)),
            pl.BlockSpec((1, B, HID), lambda i: (1, i, 0)),
            pl.BlockSpec((1, B, 16), lambda i: (0, i, 0)),
            pl.BlockSpec((1, B, 16), lambda i: (1, i, 0)),
            pl.BlockSpec((B, HXA_W), row),
            pl.BlockSpec((B, 16), row),
            pl.BlockSpec((1, HID), full),
            pl.BlockSpec((H, HID), full),
            pl.BlockSpec((HID, HID), full),
        ],
        out_specs=[
            pl.BlockSpec((B, HID), row),
            pl.BlockSpec((B, HID), row),
            pl.BlockSpec((B, 1), row),
        ],
        out_shape=[
            jax.ShapeDtypeStruct((NN, HID), jnp.float32),
            jax.ShapeDtypeStruct((NN, HID), jnp.float32),
            jax.ShapeDtypeStruct((NN, 1), jnp.float32),
        ],
    )(pn, pn, pt, pt, hxa, adst, gb, rmat, wr)


def _sage_edges_body(x_hbm, ei_hbm, out_hbm, accum,
                     ei_v0, ei_v1, x_v0, x_v1, dsc_v0, dsc_v1,
                     sem_i0, sem_i1, sem_g0, sem_g1, sem_s0, sem_s1):
    cid = lax.axis_index("c")
    sid = lax.axis_index("s")
    wid = sid * 2 + cid
    nchunk = EE // CHS
    njs = (nchunk + NTILES - 1) // NTILES
    nj = (nchunk + NTILES - 1 - wid) // NTILES

    ei_v = (ei_v0, ei_v1)
    x_v = (x_v0, x_v1)
    dsc_v = (dsc_v0, dsc_v1)
    sem_i = (sem_i0, sem_i1)
    sem_g = (sem_g0, sem_g1)
    sem_s = (sem_s0, sem_s1)

    _zero_accum(x_v0, accum, sid, HID, ZCH)
    plsc.subcore_barrier()

    def idx_args(j, s):
        return ei_hbm.at[:, pl.ds((wid + j * NTILES) * CHS, CHS)], ei_v[s], sem_i[s]

    def gather_args(s):
        return x_hbm.at[ei_v[s].at[0]], x_v[s], sem_g[s]

    def scatter_args(s):
        return x_v[s], accum.at[dsc_v[s]], sem_s[s]

    pltpu.async_copy(*idx_args(0, 0)).wait()
    pltpu.async_copy(*gather_args(0))
    pltpu.async_copy(*idx_args(1, 1))

    def pipe(jj, _):
        for b in (0, 1):
            j = jj * 2 + b
            nb = 1 - b

            @pl.when(j + 1 < nj)
            def _():
                pltpu.make_async_copy(*idx_args(j + 1, nb)).wait()

                @pl.when(j >= 1)
                def _():
                    pltpu.make_async_copy(*scatter_args(nb)).wait()

                pltpu.async_copy(*gather_args(nb))

            @pl.when(j < nj)
            def _():
                pltpu.make_async_copy(*gather_args(b)).wait()
                _copy_dsc(ei_v[b], dsc_v[b], CHS)

            @pl.when(j + 2 < nj)
            def _():
                pltpu.async_copy(*idx_args(j + 2, b))

            @pl.when(j < nj)
            def _():
                pltpu.async_copy(*scatter_args(b), add=True)

        return 0

    lax.fori_loop(0, (njs + 1) // 2, pipe, 0)
    pltpu.make_async_copy(*scatter_args(0)).wait()
    pltpu.make_async_copy(*scatter_args(1)).wait()
    plsc.subcore_barrier()
    _writeback(accum, out_hbm, cid, sid)


def _sage_edges(x, ei):
    mesh = plsc.VectorSubcoreMesh(core_axis_name="c", subcore_axis_name="s", num_cores=2, num_subcores=16)
    return pl.kernel(
        _sage_edges_body,
        out_type=jax.ShapeDtypeStruct((2, NN, HID), jnp.float32),
        mesh=mesh,
        compiler_params=pltpu.CompilerParams(use_tc_tiling_on_sc=False),
        scratch_types=[
            pltpu.VMEM_SHARED((NN, HID), jnp.float32),
            pltpu.VMEM((2, CHS), jnp.int32),
            pltpu.VMEM((2, CHS), jnp.int32),
            pltpu.VMEM((CHS, HID), jnp.float32),
            pltpu.VMEM((CHS, HID), jnp.float32),
            pltpu.VMEM((CHS,), jnp.int32),
            pltpu.VMEM((CHS,), jnp.int32),
            pltpu.SemaphoreType.DMA,
            pltpu.SemaphoreType.DMA,
            pltpu.SemaphoreType.DMA,
            pltpu.SemaphoreType.DMA,
            pltpu.SemaphoreType.DMA,
            pltpu.SemaphoreType.DMA,
        ],
    )(x, ei)


def _tc3_body(s0v, s1v, deg, xr, wl, bl, gsum_ref):
    agg = (s0v[0] + s1v[0]) / jnp.maximum(deg[...], 1.0)
    pre = jnp.dot(agg, wl[...], **_MM) + bl[...] + xr[...]
    sg = jnp.maximum(pre, 0.0)

    @pl.when(pl.program_id(0) == 0)
    def _():
        gsum_ref[...] = jnp.zeros_like(gsum_ref)

    gsum_ref[...] += jnp.sum(sg, axis=0, keepdims=True)


def _tc3(s, deg, xr, wl, bl):
    B = 1000
    g = NN // B
    row = lambda i: (i, 0)
    full = lambda i: (0, 0)
    return pl.pallas_call(
        _tc3_body,
        grid=(g,),
        in_specs=[
            pl.BlockSpec((1, B, HID), lambda i: (0, i, 0)),
            pl.BlockSpec((1, B, HID), lambda i: (1, i, 0)),
            pl.BlockSpec((B, 1), row),
            pl.BlockSpec((B, HID), row),
            pl.BlockSpec((HID, HID), full),
            pl.BlockSpec((1, HID), full),
        ],
        out_specs=pl.BlockSpec((1, HID), full),
        out_shape=jax.ShapeDtypeStruct((1, HID), jnp.float32),
    )(s, s, deg, xr, wl, bl)


def _tc4_body(so, gsum, out_ref):
    out_ref[...] = so[...] + gsum[...] * (1.0 / NN)


def _tc4(so, gsum):
    B = 1000
    g = NN // B
    row = lambda i: (i, 0)
    full = lambda i: (0, 0)
    return pl.pallas_call(
        _tc4_body,
        grid=(g,),
        in_specs=[
            pl.BlockSpec((B, HID), row),
            pl.BlockSpec((1, HID), full),
        ],
        out_specs=pl.BlockSpec((B, HID), row),
        out_shape=jax.ShapeDtypeStruct((NN, HID), jnp.float32),
    )(so, gsum)


def kernel(structural_features, node_features, edge_index, W1, b1, W2, b2,
           gat_W, att_src, att_dst, gat_b, sage_Wl, sage_bl, sage_Wr):
    rows = jnp.arange(HID, dtype=jnp.int32)
    heads = rows // OUT
    hmask = (heads[:, None] == jnp.arange(H)[None, :]).astype(jnp.float32)
    a_s = hmask * att_src.reshape(-1)[:, None]
    a_d = hmask * att_dst.reshape(-1)[:, None]
    rmat = hmask.T

    so, hxa, adst = _tc1(structural_features, node_features,
                         W1, b1.reshape(1, HID), W2, b2.reshape(1, HID),
                         gat_W, a_s, a_d)
    pn, pt = _gat_edges(hxa, adst, edge_index)
    x, xr, deg = _tc2(pn, pt, hxa, adst, gat_b.reshape(1, HID), rmat, sage_Wr)
    s = _sage_edges(x, edge_index)
    gsum = _tc3(s, deg, xr, sage_Wl, sage_bl.reshape(1, HID))
    return _tc4(so, gsum)

# --- scband reference (transcript-rebuilt; emitter-appended) ---
"""Pipeline reference for scband-graph-branch-88914412961958 (READ-ONLY COPY).

The authoritative reference and input builder live on the scoring server;
editing this copy changes nothing except your own understanding.
"""

import jax, jax.numpy as jnp
import numpy as np

N = 10000
E = 320000
HEADS = 8
OUT = 16
HID = 128


def setup_inputs(seed: int = 0) -> dict:
    key = jax.random.key(seed)
    ks = jax.random.split(key, 12)

    def gl(k, shape, fan):
        return jax.random.normal(k, shape, dtype=jnp.float32) * (1.0 / np.sqrt(fan))

    inp = {}
    inp["structural_features"] = jax.random.normal(ks[0], (N, 65), dtype=jnp.float32)
    inp["node_features"] = jax.random.normal(ks[1], (N, HID), dtype=jnp.float32)
    inp["edge_index"] = jax.random.randint(ks[2], (2, E), 0, N, dtype=jnp.int32)
    # StructuralMLP params
    inp["W1"] = gl(ks[3], (65, HID), 65)
    inp["b1"] = jnp.zeros((HID,), jnp.float32)
    inp["W2"] = gl(ks[4], (HID, HID), HID)
    inp["b2"] = jnp.zeros((HID,), jnp.float32)
    # GATConv params (in=128, out=16, heads=8, concat=True)
    inp["gat_W"] = gl(ks[5], (HID, HEADS * OUT), HID)
    inp["att_src"] = gl(ks[6], (HEADS, OUT), OUT)
    inp["att_dst"] = gl(ks[7], (HEADS, OUT), OUT)
    inp["gat_b"] = jnp.zeros((HEADS * OUT,), jnp.float32)
    # SAGEConv params (mean aggr)
    inp["sage_Wl"] = gl(ks[8], (HID, HID), HID)
    inp["sage_bl"] = jnp.zeros((HID,), jnp.float32)
    inp["sage_Wr"] = gl(ks[9], (HID, HID), HID)
    return inp


def _forward(structural_features, node_features, edge_index, W1, b1, W2, b2,
             gat_W, att_src, att_dst, gat_b, sage_Wl, sage_bl, sage_Wr):
    n = structural_features.shape[0]
    # StructuralMLP (dropout is a no-op in eval)
    h = jax.nn.relu(structural_features @ W1 + b1)
    struct_out = jax.nn.relu(h @ W2 + b2)

    # --- GATConv with self-loops (PyG default add_self_loops=True) ---
    loops = jnp.arange(n, dtype=edge_index.dtype)
    src = jnp.concatenate([edge_index[0], loops])
    dst = jnp.concatenate([edge_index[1], loops])
    hx = (node_features @ gat_W).reshape(n, HEADS, OUT)
    a_src = (hx * att_src[None, :, :]).sum(-1)  # [N, H]
    a_dst = (hx * att_dst[None, :, :]).sum(-1)  # [N, H]
    alpha = jax.nn.leaky_relu(a_src[src] + a_dst[dst], 0.2)  # [E+N, H]
    amax = jax.ops.segment_max(alpha, dst, num_segments=n)
    amax = jax.lax.stop_gradient(jnp.where(jnp.isfinite(amax), amax, 0.0))
    ex = jnp.exp(alpha - amax[dst])
    denom = jax.ops.segment_sum(ex, dst, num_segments=n)
    attn = ex / (denom[dst] + 1e-16)
    msg = hx[src] * attn[:, :, None]
    gat_out = jax.ops.segment_sum(msg, dst, num_segments=n).reshape(n, HEADS * OUT) + gat_b
    x = jax.nn.leaky_relu(gat_out, 0.2)

    # --- SAGEConv (mean aggregation, no self-loops) ---
    s, d = edge_index[0], edge_index[1]
    deg = jax.ops.segment_sum(jnp.ones(s.shape, dtype=x.dtype), d, num_segments=n)
    agg = jax.ops.segment_sum(x[s], d, num_segments=n) / jnp.clip(deg, 1.0)[:, None]
    sage_out = agg @ sage_Wl + sage_bl + x @ sage_Wr
    x = jax.nn.relu(sage_out)

    graph_out = x.mean(axis=0, keepdims=True)
    return struct_out + jnp.broadcast_to(graph_out, struct_out.shape)


def reference(structural_features, node_features, edge_index, W1, b1, W2, b2,
              gat_W, att_src, att_dst, gat_b, sage_Wl, sage_bl, sage_Wr):
    return _forward(structural_features=structural_features,
                    node_features=node_features,
                    edge_index=edge_index,
                    W1=W1, b1=b1, W2=W2, b2=b2,
                    gat_W=gat_W, att_src=att_src, att_dst=att_dst, gat_b=gat_b,
                    sage_Wl=sage_Wl, sage_bl=sage_bl, sage_Wr=sage_Wr)

if __name__ == "__main__":
    import jax
    _d = setup_inputs()
    print(jax.jit(kernel)(*tuple(_d.values())))

</pallas_src>

<mosaic_0001>
#map = affine_map<(d0, d1) -> (0, 0)>
#map1 = affine_map<(d0, d1) -> (0, 0, 0)>
module attributes {stable_mosaic.version = 14 : i64} {
  func.func @_gat_edges_body(%arg0: i32, %arg1: i32, %arg2: memref<10000x144xf32, #tpu.memory_space<hbm>>, %arg3: memref<10000x16xf32, #tpu.memory_space<hbm>>, %arg4: memref<2x320000xi32, #tpu.memory_space<hbm>>, %arg5: memref<2x10000x128xf32, #tpu.memory_space<hbm>>, %arg6: memref<2x10000x16xf32, #tpu.memory_space<hbm>>, %arg7: memref<10000x144xf32, #tpu.memory_space<vmem_shared>>, %arg8: memref<2x64xi32, #tpu.memory_space<vmem>>, %arg9: memref<2x64xi32, #tpu.memory_space<vmem>>, %arg10: memref<2x64xi32, #tpu.memory_space<vmem>>, %arg11: memref<64x144xf32, #tpu.memory_space<vmem>>, %arg12: memref<64x144xf32, #tpu.memory_space<vmem>>, %arg13: memref<64x144xf32, #tpu.memory_space<vmem>>, %arg14: memref<64x16xf32, #tpu.memory_space<vmem>>, %arg15: memref<64x16xf32, #tpu.memory_space<vmem>>, %arg16: memref<64x16xf32, #tpu.memory_space<vmem>>, %arg17: memref<64xi32, #tpu.memory_space<vmem>>, %arg18: memref<64xi32, #tpu.memory_space<vmem>>, %arg19: memref<64xi32, #tpu.memory_space<vmem>>, %arg20: memref<!tpu.dma_semaphore, #tpu.memory_space<semaphore_mem>>, %arg21: memref<!tpu.dma_semaphore, #tpu.memory_space<semaphore_mem>>, %arg22: memref<!tpu.dma_semaphore, #tpu.memory_space<semaphore_mem>>, %arg23: memref<!tpu.dma_semaphore, #tpu.memory_space<semaphore_mem>>, %arg24: memref<!tpu.dma_semaphore, #tpu.memory_space<semaphore_mem>>, %arg25: memref<!tpu.dma_semaphore, #tpu.memory_space<semaphore_mem>>, %arg26: memref<!tpu.dma_semaphore, #tpu.memory_space<semaphore_mem>>, %arg27: memref<!tpu.dma_semaphore, #tpu.memory_space<semaphore_mem>>, %arg28: memref<!tpu.dma_semaphore, #tpu.memory_space<semaphore_mem>>, %arg29: memref<!tpu.dma_semaphore, #tpu.memory_space<semaphore_mem>>, %arg30: memref<!tpu.dma_semaphore, #tpu.memory_space<semaphore_mem>>, %arg31: memref<!tpu.dma_semaphore, #tpu.memory_space<semaphore_mem>>) attributes {dimension_semantics = [#tpu.dimension_semantics<core_parallel>, #tpu.dimension_semantics<subcore_parallel>], iteration_bounds = array<i64: 2, 16>, scalar_prefetch = 0 : i64, scratch_operands = 25 : i64, tpu.core_type = #tpu.core_type<sc_vector_subcore>, window_params = [{transform_indices = #map}, {transform_indices = #map}, {transform_indices = #map}, {transform_indices = #map1}, {transform_indices = #map1}]} {
    %mul3A = arith.constant 2 : i32
    %mul3A_0 = arith.muli %arg1, %mul3A : i32
    %add3A = arith.addi %mul3A_0, %arg0 : i32
    %sub3A = arith.constant 5031 : i32
    %sub3A_1 = arith.subi %sub3A, %add3A : i32
    %jit3A = arith.constant 32 : i32
    %div3A = arith.divsi %sub3A_1, %jit3A : i32
    %sign3A = arith.constant 0 : i32
    %sign3A_2 = arith.cmpi sgt, %sub3A_1, %sign3A : i32
    %sign3A_3 = arith.extui %sign3A_2 : i1 to i32
    %sign3A_4 = arith.constant 0 : i32
    %sign3A_5 = arith.cmpi slt, %sub3A_1, %sign3A_4 : i32
    %sign3A_6 = arith.extui %sign3A_5 : i1 to i32
    %sign3A_7 = arith.subi %sign3A_3, %sign3A_6 : i32
    %sign3A_8 = arith.constant 0 : i32
    %sign3A_9 = arith.cmpi sgt, %jit3A, %sign3A_8 : i32
    %sign3A_10 = arith.extui %sign3A_9 : i1 to i32
    %sign3A_11 = arith.constant 0 : i32
    %sign3A_12 = arith.cmpi slt, %jit3A, %sign3A_11 : i32
    %sign3A_13 = arith.extui %sign3A_12 : i1 to i32
    %sign3A_14 = arith.subi %sign3A_10, %sign3A_13 : i32
    %ne3A = arith.cmpi ne, %sign3A_7, %sign3A_14 : i32
    %rem3A = arith.remsi %sub3A_1, %jit3A : i32
    %ne3A_15 = arith.constant 0 : i32
    %ne3A_16 = arith.cmpi ne, %rem3A, %ne3A_15 : i32
    %and3A = arith.andi %ne3A, %ne3A_16 : i1
    %sub3A_17 = arith.constant 1 : i32
    %sub3A_18 = arith.subi %div3A, %sub3A_17 : i32
    %select_n3A = arith.select %and3A, %sub3A_18, %div3A : i32
    %scan3A = arith.constant 0 : i32
    %scan3A_19 = arith.constant 0 : i32
    %scan3A_20 = arith.constant 40 : i32
    %scan3A_21 = arith.addi %scan3A_19, %scan3A_20 : i32
    %scan3A_22 = arith.constant 1 : i32
    %scan3A_23 = scf.for %scan3A_96 = %scan3A_19 to %scan3A_21 step %scan3A_22 iter_args(%scan3A_97 = %scan3A) -> (i32)  : i32 {
      %broadcast_in_dim3A = arith.constant 0.000000e+00 : f32
      %broadcast_in_dim3A_98 = vector.broadcast %broadcast_in_dim3A : f32 to vector<16xf32>
      %swap3A = arith.index_cast %scan3A_96 : i32 to index
      %swap3A_99 = arith.constant 0 : index
      %swap3A_100 = tpu.vector_load %arg11[%swap3A, %swap3A_99] {strides = array<i32>} : memref<64x144xf32, #tpu.memory_space<vmem>>, vector<1x16xf32>,
      %swap3A_101 = vector.shape_cast %swap3A_100 : vector<1x16xf32> to vector<16xf32>
      %swap3A_102 = vector.shape_cast %broadcast_in_dim3A_98 : vector<16xf32> to vector<1x16xf32>
      tpu.vector_store %arg11[%swap3A, %swap3A_99], %swap3A_102 {strides = array<i32>} : memref<64x144xf32, #tpu.memory_space<vmem>>, vector<1x16xf32>,
      %broadcast_in_dim3A_103 = arith.constant 0.000000e+00 : f32
      %broadcast_in_dim3A_104 = vector.broadcast %broadcast_in_dim3A_103 : f32 to vector<16xf32>
      %swap3A_105 = arith.index_cast %scan3A_96 : i32 to index
      %swap3A_106 = arith.constant 16 : index
      %swap3A_107 = tpu.vector_load %arg11[%swap3A_105, %swap3A_106] {strides = array<i32>} : memref<64x144xf32, #tpu.memory_space<vmem>>, vector<1x16xf32>,
      %swap3A_108 = vector.shape_cast %swap3A_107 : vector<1x16xf32> to vector<16xf32>
      %swap3A_109 = vector.shape_cast %broadcast_in_dim3A_104 : vector<16xf32> to vector<1x16xf32>
      tpu.vector_store %arg11[%swap3A_105, %swap3A_106], %swap3A_109 {strides = array<i32>} : memref<64x144xf32, #tpu.memory_space<vmem>>, vector<1x16xf32>,
      %broadcast_in_dim3A_110 = arith.constant 0.000000e+00 : f32
      %broadcast_in_dim3A_111 = vector.broadcast %broadcast_in_dim3A_110 : f32 to vector<16xf32>
      %swap3A_112 = arith.index_cast %scan3A_96 : i32 to index
      %swap3A_113 = arith.constant 32 : index
      %swap3A_114 = tpu.vector_load %arg11[%swap3A_112, %swap3A_113] {strides = array<i32>} : memref<64x144xf32, #tpu.memory_space<vmem>>, vector<1x16xf32>,
      %swap3A_115 = vector.shape_cast %swap3A_114 : vector<1x16xf32> to vector<16xf32>
      %swap3A_116 = vector.shape_cast %broadcast_in_dim3A_111 : vector<16xf32> to vector<1x16xf32>
      tpu.vector_store %arg11[%swap3A_112, %swap3A_113], %swap3A_116 {strides = array<i32>} : memref<64x144xf32, #tpu.memory_space<vmem>>, vector<1x16xf32>,
      %broadcast_in_dim3A_117 = arith.constant 0.000000e+00 : f32
      %broadcast_in_dim3A_118 = vector.broadcast %broadcast_in_dim3A_117 : f32 to vector<16xf32>
      %swap3A_119 = arith.index_cast %scan3A_96 : i32 to index
      %swap3A_120 = arith.constant 48 : index
      %swap3A_121 = tpu.vector_load %arg11[%swap3A_119, %swap3A_120] {strides = array<i32>} : memref<64x144xf32, #tpu.memory_space<vmem>>, vector<1x16xf32>,
      %swap3A_122 = vector.shape_cast %swap3A_121 : vector<1x16xf32> to vector<16xf32>
      %swap3A_123 = vector.shape_cast %broadcast_in_dim3A_118 : vector<16xf32> to vector<1x16xf32>
      tpu.vector_store %arg11[%swap3A_119, %swap3A_120], %swap3A_123 {strides = array<i32>} : memref<64x144xf32, #tpu.memory_space<vmem>>, vector<1x16xf32>,
      %broadcast_in_dim3A_124 = arith.constant 0.000000e+00 : f32
      %broadcast_in_dim3A_125 = vector.broadcast %broadcast_in_dim3A_124 : f32 to vector<16xf32>
      %swap3A_126 = arith.index_cast %scan3A_96 : i32 to index
      %swap3A_127 = arith.constant 64 : index
      %swap3A_128 = tpu.vector_load %arg11[%swap3A_126, %swap3A_127] {strides = array<i32>} : memref<64x144xf32, #tpu.memory_space<vmem>>, vector<1x16xf32>,
      %swap3A_129 = vector.shape_cast %swap3A_128 : vector<1x16xf32> to vector<16xf32>
      %swap3A_130 = vector.shape_cast %broadcast_in_dim3A_125 : vector<16xf32> to vector<1x16xf32>
      tpu.vector_store %arg11[%swap3A_126, %swap3A_127], %swap3A_130 {strides = array<i32>} : memref<64x144xf32, #tpu.memory_space<vmem>>, vector<1x16xf32>,
      %broadcast_in_dim3A_131 = arith.constant 0.000000e+00 : f32
      %broadcast_in_dim3A_132 = vector.broadcast %broadcast_in_dim3A_131 : f32 to vector<16xf32>
      %swap3A_133 = arith.index_cast %scan3A_96 : i32 to index
      %swap3A_134 = arith.constant 80 : index
      %swap3A_135 = tpu.vector_load %arg11[%swap3A_133, %swap3A_134] {strides = array<i32>} : memref<64x144xf32, #tpu.memory_space<vmem>>, vector<1x16xf32>,
      %swap3A_136 = vector.shape_cast %swap3A_135 : vector<1x16xf32> to vector<16xf32>
      %swap3A_137 = vector.shape_cast %broadcast_in_dim3A_132 : vector<16xf32> to vector<1x16xf32>
      tpu.vector_store %arg11[%swap3A_133, %swap3A_134], %swap3A_137 {strides = array<i32>} : memref<64x144xf32, #tpu.memory_space<vmem>>, vector<1x16xf32>,
      %broadcast_in_dim3A_138 = arith.constant 0.000000e+00 : f32
      %broadcast_in_dim3A_139 = vector.broadcast %broadcast_in_dim3A_138 : f32 to vector<16xf32>
      %swap3A_140 = arith.index_cast %scan3A_96 : i32 to index
      %swap3A_141 = arith.constant 96 : index
      %swap3A_142 = tpu.vector_load %arg11[%swap3A_140, %swap3A_141] {strides = array<i32>} : memref<64x144xf32, #tpu.memory_space<vmem>>, vector<1x16xf32>,
      %swap3A_143 = vector.shape_cast %swap3A_142 : vector<1x16xf32> to vector<16xf32>
      %swap3A_144 = vector.shape_cast %broadcast_in_dim3A_139 : vector<16xf32> to vector<1x16xf32>
      tpu.vector_store %arg11[%swap3A_140, %swap3A_141], %swap3A_144 {strides = array<i32>} : memref<64x144xf32, #tpu.memory_space<vmem>>, vector<1x16xf32>,
      %broadcast_in_dim3A_145 = arith.constant 0.000000e+00 : f32
      %broadcast_in_dim3A_146 = vector.broadcast %broadcast_in_dim3A_145 : f32 to vector<16xf32>
      %swap3A_147 = arith.index_cast %scan3A_96 : i32 to index
      %swap3A_148 = arith.constant 112 : index
      %swap3A_149 = tpu.vector_load %arg11[%swap3A_147, %swap3A_148] {strides = array<i32>} : memref<64x144xf32, #tpu.memory_space<vmem>>, vector<1x16xf32>,
      %swap3A_150 = vector.shape_cast %swap3A_149 : vector<1x16xf32> to vector<16xf32>
      %swap3A_151 = vector.shape_cast %broadcast_in_dim3A_146 : vector<16xf32> to vector<1x16xf32>
      tpu.vector_store %arg11[%swap3A_147, %swap3A_148], %swap3A_151 {strides = array<i32>} : memref<64x144xf32, #tpu.memory_space<vmem>>, vector<1x16xf32>,
      %broadcast_in_dim3A_152 = arith.constant 0.000000e+00 : f32
      %broadcast_in_dim3A_153 = vector.broadcast %broadcast_in_dim3A_152 : f32 to vector<16xf32>
      %swap3A_154 = arith.index_cast %scan3A_96 : i32 to index
      %swap3A_155 = arith.constant 128 : index
      %swap3A_156 = tpu.vector_load %arg11[%swap3A_154, %swap3A_155] {strides = array<i32>} : memref<64x144xf32, #tpu.memory_space<vmem>>, vector<1x16xf32>,
      %swap3A_157 = vector.shape_cast %swap3A_156 : vector<1x16xf32> to vector<16xf32>
      %swap3A_158 = vector.shape_cast %broadcast_in_dim3A_153 : vector<16xf32> to vector<1x16xf32>
      tpu.vector_store %arg11[%swap3A_154, %swap3A_155], %swap3A_158 {strides = array<i32>} : memref<64x144xf32, #tpu.memory_space<vmem>>, vector<1x16xf32>,
      %scan3A_159 = arith.constant 0 : i32
      scf.yield %scan3A_159 : i32
    }
    %scan3A_24 = arith.constant 40 : i32
    %scan3A_25 = arith.constant 0 : i32
    %scan3A_26 = arith.constant 0 : i32
    %scan3A_27 = arith.constant 16 : i32
    %scan3A_28 = arith.addi %scan3A_26, %scan3A_27 : i32
    %scan3A_29 = arith.constant 1 : i32
    %scan3A_30 = scf.for %scan3A_96 = %scan3A_26 to %scan3A_28 step %scan3A_29 iter_args(%scan3A_97 = %scan3A_25) -> (i32)  : i32 {
      %mul3A_98 = arith.constant 16 : i32
      %mul3A_99 = arith.muli %scan3A_96, %mul3A_98 : i32
      %add3A_100 = arith.addi %arg1, %mul3A_99 : i32
      %lt3A = arith.constant 250 : i32
      %lt3A_101 = arith.cmpi slt, %add3A_100, %lt3A : i32
      %convert_element_type3A = arith.extui %lt3A_101 : i1 to i32
      %cond3A = arith.constant 0 : i32
      %cond3A_102 = arith.cmpi ne, %convert_element_type3A, %cond3A : i32
      scf.if %cond3A_102 {
        %mul3A_104 = arith.constant 40 : i32
        %mul3A_105 = arith.muli %add3A_100, %mul3A_104 : i32
        "tpu.region"() ({
          %run_scoped3A = tpu.sem_alloc : memref<!tpu.dma_semaphore, #tpu.memory_space<semaphore_mem>>
          %dma_start3A_106 = arith.constant 0 : i32
          %dma_start3A_107 = arith.constant 0 : i32
          %dma_start3A_108 = tpu.memref_slice %arg11[%dma_start3A_106, %dma_start3A_107] : memref<64x144xf32, #tpu.memory_space<vmem>> -> memref<40x144xf32, #tpu.memory_space<vmem>>
          %dma_start3A_109 = arith.constant 0 : i32
          %dma_start3A_110 = tpu.memref_slice %arg7[%mul3A_105, %dma_start3A_109] : memref<10000x144xf32, #tpu.memory_space<vmem_shared>> -> memref<40x144xf32, #tpu.memory_space<vmem_shared>>
          %dma_start3A_111 = arith.constant 0 : i32
          %dma_start3A_112 = tpu.memref_slice %arg7[%mul3A_105, %dma_start3A_111] : memref<10000x144xf32, #tpu.memory_space<vmem_shared>> -> memref<40x144xf32, #tpu.memory_space<vmem_shared>>
          %dma_start3A_113 = arith.constant 0 : i32
          %dma_start3A_114 = arith.constant 0 : i32
          %dma_start3A_115 = tpu.memref_slice %arg11[%dma_start3A_113, %dma_start3A_114] : memref<64x144xf32, #tpu.memory_space<vmem>> -> memref<40x144xf32, #tpu.memory_space<vmem>>
          tpu.enqueue_dma source(%dma_start3A_115 : memref<40x144xf32, #tpu.memory_space<vmem>>) target(%dma_start3A_112 : memref<40x144xf32, #tpu.memory_space<vmem_shared>>) target_semaphore(%run_scoped3A : memref<!tpu.dma_semaphore, #tpu.memory_space<semaphore_mem>>)
          %dma_wait3A_116 = arith.constant 0 : i32
          %dma_wait3A_117 = arith.constant 0 : i32
          %dma_wait3A_118 = tpu.memref_slice %arg11[%dma_wait3A_116, %dma_wait3A_117] : memref<64x144xf32, #tpu.memory_space<vmem>> -> memref<40x144xf32, #tpu.memory_space<vmem>>
          %dma_wait3A_119 = arith.constant 0 : i32
          %dma_wait3A_120 = tpu.memref_slice %arg7[%mul3A_105, %dma_wait3A_119] : memref<10000x144xf32, #tpu.memory_space<vmem_shared>> -> memref<40x144xf32, #tpu.memory_space<vmem_shared>>
          %dma_wait3A_121 = arith.constant 0 : i32
          %dma_wait3A_122 = tpu.memref_slice %arg7[%mul3A_105, %dma_wait3A_121] : memref<10000x144xf32, #tpu.memory_space<vmem_shared>> -> memref<40x144xf32, #tpu.memory_space<vmem_shared>>
          %dma_wait3A_123 = arith.constant 0 : i32
          %dma_wait3A_124 = arith.constant 0 : i32
          %dma_wait3A_125 = tpu.memref_slice %arg11[%dma_wait3A_123, %dma_wait3A_124] : memref<64x144xf32, #tpu.memory_space<vmem>> -> memref<40x144xf32, #tpu.memory_space<vmem>>
          tpu.wait_dma2 semaphore(%run_scoped3A : memref<!tpu.dma_semaphore, #tpu.memory_space<semaphore_mem>>) src(%dma_wait3A_125 : memref<40x144xf32, #tpu.memory_space<vmem>>) dst(%dma_wait3A_122 : memref<40x144xf32, #tpu.memory_space<vmem_shared>>)
          tpu.yield
        }) : () -> ()
      } else {
      }
      %scan3A_103 = arith.constant 0 : i32
      scf.yield %scan3A_103 : i32
    }
    %scan3A_31 = arith.constant 16 : i32
    %barrier3A = arith.constant 0 : index
    tpu.barrier barrier_id(%barrier3A)
    %add3A_32 = arith.constant 0 : i32
    %add3A_33 = arith.addi %add3A, %add3A_32 : i32
    %mul3A_34 = arith.constant 64 : i32
    %mul3A_35 = arith.muli %add3A_33, %mul3A_34 : i32
    %dma_start3A = arith.constant 0 : i32
    %dma_start3A_36 = tpu.memref_slice %arg4[%dma_start3A, %mul3A_35] : memref<2x320000xi32, #tpu.memory_space<hbm>> -> memref<2x64xi32, #tpu.memory_space<hbm>>
    %dma_start3A_37 = arith.constant 0 : i32
    %dma_start3A_38 = tpu.memref_slice %arg4[%dma_start3A_37, %mul3A_35] : memref<2x320000xi32, #tpu.memory_space<hbm>> -> memref<2x64xi32, #tpu.memory_space<hbm>>
    tpu.enqueue_dma source(%dma_start3A_38 : memref<2x64xi32, #tpu.memory_space<hbm>>) target(%arg8 : memref<2x64xi32, #tpu.memory_space<vmem>>) target_semaphore(%arg20 : memref<!tpu.dma_semaphore, #tpu.memory_space<semaphore_mem>>)
    %dma_wait3A = arith.constant 0 : i32
    %dma_wait3A_39 = tpu.memref_slice %arg4[%dma_wait3A, %mul3A_35] : memref<2x320000xi32, #tpu.memory_space<hbm>> -> memref<2x64xi32, #tpu.memory_space<hbm>>
    %dma_wait3A_40 = arith.constant 0 : i32
    %dma_wait3A_41 = tpu.memref_slice %arg4[%dma_wait3A_40, %mul3A_35] : memref<2x320000xi32, #tpu.memory_space<hbm>> -> memref<2x64xi32, #tpu.memory_space<hbm>>
    tpu.wait_dma2 semaphore(%arg20 : memref<!tpu.dma_semaphore, #tpu.memory_space<semaphore_mem>>) src(%dma_wait3A_41 : memref<2x64xi32, #tpu.memory_space<hbm>>) dst(%arg8 : memref<2x64xi32, #tpu.memory_space<vmem>>)
    %dma_start3A_42 = arith.constant 0 : i32
    %dma_start3A_43 = arith.constant 0 : i32
    %dma_start3A_44 = tpu.memref_slice %arg8[%dma_start3A_42, %dma_start3A_43] : memref<2x64xi32, #tpu.memory_space<vmem>> -> memref<1x64xi32, #tpu.memory_space<vmem>>
    %dma_start3A_45 = tpu.memref_squeeze %dma_start3A_44 : memref<1x64xi32, #tpu.memory_space<vmem>> -> memref<64xi32, #tpu.memory_space<vmem>>
    %dma_start3A_46 = arith.constant 0 : i32
    %dma_start3A_47 = arith.constant 0 : i32
    %dma_start3A_48 = tpu.memref_slice %arg2[%dma_start3A_46, %dma_start3A_47] : memref<10000x144xf32, #tpu.memory_space<hbm>> -> memref<10000x144xf32, #tpu.memory_space<hbm>>
    tpu.enqueue_indirect_dma source(%dma_start3A_48 : memref<10000x144xf32, #tpu.memory_space<hbm>>) target(%arg11 : memref<64x144xf32, #tpu.memory_space<vmem>>) offsets(%dma_start3A_45 : memref<64xi32, #tpu.memory_space<vmem>>) semaphore(%arg23 : memref<!tpu.dma_semaphore, #tpu.memory_space<semaphore_mem>>)
    %dma_start3A_49 = arith.constant 1 : i32
    %dma_start3A_50 = arith.constant 0 : i32
    %dma_start3A_51 = tpu.memref_slice %arg8[%dma_start3A_49, %dma_start3A_50] : memref<2x64xi32, #tpu.memory_space<vmem>> -> memref<1x64xi32, #tpu.memory_space<vmem>>
    %dma_start3A_52 = tpu.memref_squeeze %dma_start3A_51 : memref<1x64xi32, #tpu.memory_space<vmem>> -> memref<64xi32, #tpu.memory_space<vmem>>
    %dma_start3A_53 = arith.constant 0 : i32
    %dma_start3A_54 = arith.constant 0 : i32
    %dma_start3A_55 = tpu.memref_slice %arg3[%dma_start3A_53, %dma_start3A_54] : memref<10000x16xf32, #tpu.memory_space<hbm>> -> memref<10000x16xf32, #tpu.memory_space<hbm>>
    tpu.enqueue_indirect_dma source(%dma_start3A_55 : memref<10000x16xf32, #tpu.memory_space<hbm>>) target(%arg14 : memref<64x16xf32, #tpu.memory_space<vmem>>) offsets(%dma_start3A_52 : memref<64xi32, #tpu.memory_space<vmem>>) semaphore(%arg26 : memref<!tpu.dma_semaphore, #tpu.memory_space<semaphore_mem>>)
    %add3A_56 = arith.constant 32 : i32
    %add3A_57 = arith.addi %add3A, %add3A_56 : i32
    %mul3A_58 = arith.constant 64 : i32
    %mul3A_59 = arith.muli %add3A_57, %mul3A_58 : i32
    %dma_start3A_60 = arith.constant 0 : i32
    %dma_start3A_61 = tpu.memref_slice %arg4[%dma_start3A_60, %mul3A_59] : memref<2x320000xi32, #tpu.memory_space<hbm>> -> memref<2x64xi32, #tpu.memory_space<hbm>>
    %dma_start3A_62 = arith.constant 0 : i32
    %dma_start3A_63 = tpu.memref_slice %arg4[%dma_start3A_62, %mul3A_59] : memref<2x320000xi32, #tpu.memory_space<hbm>> -> memref<2x64xi32, #tpu.memory_space<hbm>>
    tpu.enqueue_dma source(%dma_start3A_63 : memref<2x64xi32, #tpu.memory_space<hbm>>) target(%arg9 : memref<2x64xi32, #tpu.memory_space<vmem>>) target_semaphore(%arg21 : memref<!tpu.dma_semaphore, #tpu.memory_space<semaphore_mem>>)
    %add3A_64 = arith.constant 64 : i32
    %add3A_65 = arith.addi %add3A, %add3A_64 : i32
    %mul3A_66 = arith.constant 64 : i32
    %mul3A_67 = arith.muli %add3A_65, %mul3A_66 : i32
    %dma_start3A_68 = arith.constant 0 : i32
    %dma_start3A_69 = tpu.memref_slice %arg4[%dma_start3A_68, %mul3A_67] : memref<2x320000xi32, #tpu.memory_space<hbm>> -> memref<2x64xi32, #tpu.memory_space<hbm>>
    %dma_start3A_70 = arith.constant 0 : i32
    %dma_start3A_71 = tpu.memref_slice %arg4[%dma_start3A_70, %mul3A_67] : memref<2x320000xi32, #tpu.memory_space<hbm>> -> memref<2x64xi32, #tpu.memory_space<hbm>>
    tpu.enqueue_dma source(%dma_start3A_71 : memref<2x64xi32, #tpu.memory_space<hbm>>) target(%arg10 : memref<2x64xi32, #tpu.memory_space<vmem>>) target_semaphore(%arg22 : memref<!tpu.dma_semaphore, #tpu.memory_space<semaphore_mem>>)
    %scan3A_72 = arith.constant 0 : i32
    %scan3A_73 = arith.constant 0 : i32
    %scan3A_74 = arith.constant 53 : i32
    %scan3A_75 = arith.addi %scan3A_73, %scan3A_74 : i32
    %scan3A_76 = arith.constant 1 : i32
    %scan3A_77 = scf.for %scan3A_96 = %scan3A_73 to %scan3A_75 step %scan3A_76 iter_args(%scan3A_97 = %scan3A_72) -> (i32)  : i32 {
      %mul3A_98 = arith.constant 3 : i32
      %mul3A_99 = arith.muli %scan3A_96, %mul3A_98 : i32
      %add3A_100 = arith.constant 0 : i32
      %add3A_101 = arith.addi %mul3A_99, %add3A_100 : i32
      %add3A_102 = arith.constant 1 : i32
      %add3A_103 = arith.addi %add3A_101, %add3A_102 : i32
      %lt3A = arith.cmpi slt, %add3A_103, %select_n3A : i32
      %convert_element_type3A = arith.extui %lt3A : i1 to i32
      %cond3A = arith.constant 0 : i32
      %cond3A_104 = arith.cmpi ne, %convert_element_type3A, %cond3A : i32
      scf.if %cond3A_104 {
        %add3A_168 = arith.constant 1 : i32
        %add3A_169 = arith.addi %add3A_101, %add3A_168 : i32
        %mul3A_170 = arith.constant 32 : i32
        %mul3A_171 = arith.muli %add3A_169, %mul3A_170 : i32
        %add3A_172 = arith.addi %add3A, %mul3A_171 : i32
        %mul3A_173 = arith.constant 64 : i32
        %mul3A_174 = arith.muli %add3A_172, %mul3A_173 : i32
        %dma_wait3A_175 = arith.constant 0 : i32
        %dma_wait3A_176 = tpu.memref_slice %arg4[%dma_wait3A_175, %mul3A_174] : memref<2x320000xi32, #tpu.memory_space<hbm>> -> memref<2x64xi32, #tpu.memory_space<hbm>>
        %dma_wait3A_177 = arith.constant 0 : i32
        %dma_wait3A_178 = tpu.memref_slice %arg4[%dma_wait3A_177, %mul3A_174] : memref<2x320000xi32, #tpu.memory_space<hbm>> -> memref<2x64xi32, #tpu.memory_space<hbm>>
        tpu.wait_dma2 semaphore(%arg21 : memref<!tpu.dma_semaphore, #tpu.memory_space<semaphore_mem>>) src(%dma_wait3A_178 : memref<2x64xi32, #tpu.memory_space<hbm>>) dst(%arg9 : memref<2x64xi32, #tpu.memory_space<vmem>>)
        %ge3A = arith.constant 2 : i32
        %ge3A_179 = arith.cmpi sge, %add3A_101, %ge3A : i32
        %convert_element_type3A_180 = arith.extui %ge3A_179 : i1 to i32
        %cond3A_181 = arith.constant 0 : i32
        %cond3A_182 = arith.cmpi ne, %convert_element_type3A_180, %cond3A_181 : i32
        scf.if %cond3A_182 {
          %dma_wait3A_197 = arith.constant 0 : i32
          %dma_wait3A_198 = arith.constant 0 : i32
          %dma_wait3A_199 = tpu.memref_slice %arg7[%dma_wait3A_197, %dma_wait3A_198] : memref<10000x144xf32, #tpu.memory_space<vmem_shared>> -> memref<10000x144xf32, #tpu.memory_space<vmem_shared>>
          tpu.wait_indirect_dma semaphore(%arg30 : memref<!tpu.dma_semaphore, #tpu.memory_space<semaphore_mem>>) src(%arg12 : memref<64x144xf32, #tpu.memory_space<vmem>>) dst(%dma_wait3A_199 : memref<10000x144xf32, #tpu.memory_space<vmem_shared>>)
        } else {
        }
        %dma_start3A_183 = arith.constant 0 : i32
        %dma_start3A_184 = arith.constant 0 : i32
        %dma_start3A_185 = tpu.memref_slice %arg9[%dma_start3A_183, %dma_start3A_184] : memref<2x64xi32, #tpu.memory_space<vmem>> -> memref<1x64xi32, #tpu.memory_space<vmem>>
        %dma_start3A_186 = tpu.memref_squeeze %dma_start3A_185 : memref<1x64xi32, #tpu.memory_space<vmem>> -> memref<64xi32, #tpu.memory_space<vmem>>
        %dma_start3A_187 = arith.constant 0 : i32
        %dma_start3A_188 = arith.constant 0 : i32
        %dma_start3A_189 = tpu.memref_slice %arg2[%dma_start3A_187, %dma_start3A_188] : memref<10000x144xf32, #tpu.memory_space<hbm>> -> memref<10000x144xf32, #tpu.memory_space<hbm>>
        tpu.enqueue_indirect_dma source(%dma_start3A_189 : memref<10000x144xf32, #tpu.memory_space<hbm>>) target(%arg12 : memref<64x144xf32, #tpu.memory_space<vmem>>) offsets(%dma_start3A_186 : memref<64xi32, #tpu.memory_space<vmem>>) semaphore(%arg24 : memref<!tpu.dma_semaphore, #tpu.memory_space<semaphore_mem>>)
        %dma_start3A_190 = arith.constant 1 : i32
        %dma_start3A_191 = arith.constant 0 : i32
        %dma_start3A_192 = tpu.memref_slice %arg9[%dma_start3A_190, %dma_start3A_191] : memref<2x64xi32, #tpu.memory_space<vmem>> -> memref<1x64xi32, #tpu.memory_space<vmem>>
        %dma_start3A_193 = tpu.memref_squeeze %dma_start3A_192 : memref<1x64xi32, #tpu.memory_space<vmem>> -> memref<64xi32, #tpu.memory_space<vmem>>
        %dma_start3A_194 = arith.constant 0 : i32
        %dma_start3A_195 = arith.constant 0 : i32
        %dma_start3A_196 = tpu.memref_slice %arg3[%dma_start3A_194, %dma_start3A_195] : memref<10000x16xf32, #tpu.memory_space<hbm>> -> memref<10000x16xf32, #tpu.memory_space<hbm>>
        tpu.enqueue_indirect_dma source(%dma_start3A_196 : memref<10000x16xf32, #tpu.memory_space<hbm>>) target(%arg15 : memref<64x16xf32, #tpu.memory_space<vmem>>) offsets(%dma_start3A_193 : memref<64xi32, #tpu.memory_space<vmem>>) semaphore(%arg27 : memref<!tpu.dma_semaphore, #tpu.memory_space<semaphore_mem>>)
      } else {
      }
      %lt3A_105 = arith.cmpi slt, %add3A_101, %select_n3A : i32
      %convert_element_type3A_106 = arith.extui %lt3A_105 : i1 to i32
      %cond3A_107 = arith.constant 0 : i32
      %cond3A_108 = arith.cmpi ne, %convert_element_type3A_106, %cond3A_107 : i32
      scf.if %cond3A_108 {
        %dma_wait3A_168 = arith.constant 0 : i32
        %dma_wait3A_169 = arith.constant 0 : i32
        %dma_wait3A_170 = tpu.memref_slice %arg8[%dma_wait3A_168, %dma_wait3A_169] : memref<2x64xi32, #tpu.memory_space<vmem>> -> memref<1x64xi32, #tpu.memory_space<vmem>>
        %dma_wait3A_171 = tpu.memref_squeeze %dma_wait3A_170 : memref<1x64xi32, #tpu.memory_space<vmem>> -> memref<64xi32, #tpu.memory_space<vmem>>
        %dma_wait3A_172 = arith.constant 0 : i32
        %dma_wait3A_173 = arith.constant 0 : i32
        %dma_wait3A_174 = tpu.memref_slice %arg2[%dma_wait3A_172, %dma_wait3A_173] : memref<10000x144xf32, #tpu.memory_space<hbm>> -> memref<10000x144xf32, #tpu.memory_space<hbm>>
        tpu.wait_indirect_dma semaphore(%arg23 : memref<!tpu.dma_semaphore, #tpu.memory_space<semaphore_mem>>) src(%dma_wait3A_174 : memref<10000x144xf32, #tpu.memory_space<hbm>>) dst(%arg11 : memref<64x144xf32, #tpu.memory_space<vmem>>)
        %dma_wait3A_175 = arith.constant 1 : i32
        %dma_wait3A_176 = arith.constant 0 : i32
        %dma_wait3A_177 = tpu.memref_slice %arg8[%dma_wait3A_175, %dma_wait3A_176] : memref<2x64xi32, #tpu.memory_space<vmem>> -> memref<1x64xi32, #tpu.memory_space<vmem>>
        %dma_wait3A_178 = tpu.memref_squeeze %dma_wait3A_177 : memref<1x64xi32, #tpu.memory_space<vmem>> -> memref<64xi32, #tpu.memory_space<vmem>>
        %dma_wait3A_179 = arith.constant 0 : i32
        %dma_wait3A_180 = arith.constant 0 : i32
        %dma_wait3A_181 = tpu.memref_slice %arg3[%dma_wait3A_179, %dma_wait3A_180] : memref<10000x16xf32, #tpu.memory_space<hbm>> -> memref<10000x16xf32, #tpu.memory_space<hbm>>
        tpu.wait_indirect_dma semaphore(%arg26 : memref<!tpu.dma_semaphore, #tpu.memory_space<semaphore_mem>>) src(%dma_wait3A_181 : memref<10000x16xf32, #tpu.memory_space<hbm>>) dst(%arg14 : memref<64x16xf32, #tpu.memory_space<vmem>>)
        %get3A = arith.constant 1 : i32
        %get3A_182 = arith.index_cast %get3A : i32 to index
        %get3A_183 = arith.constant 0 : index
        %get3A_184 = tpu.vector_load %arg8[%get3A_182, %get3A_183] {strides = array<i32>} : memref<2x64xi32, #tpu.memory_space<vmem>>, vector<1x16xi32>,
        %get3A_185 = vector.shape_cast %get3A_184 : vector<1x16xi32> to vector<16xi32>
        %swap3A = arith.constant 0 : index
        %swap3A_186 = tpu.vector_load %arg17[%swap3A] {strides = array<i32>} : memref<64xi32, #tpu.memory_space<vmem>>, vector<16xi32>,
        %swap3A_187 = vector.shape_cast %swap3A_186 : vector<16xi32> to vector<16xi32>
        %swap3A_188 = vector.shape_cast %get3A_185 : vector<16xi32> to vector<16xi32>
        tpu.vector_store %arg17[%swap3A], %swap3A_188 {strides = array<i32>} : memref<64xi32, #tpu.memory_space<vmem>>, vector<16xi32>,
        %get3A_189 = arith.constant 1 : i32
        %get3A_190 = arith.index_cast %get3A_189 : i32 to index
        %get3A_191 = arith.constant 16 : index
        %get3A_192 = tpu.vector_load %arg8[%get3A_190, %get3A_191] {strides = array<i32>} : memref<2x64xi32, #tpu.memory_space<vmem>>, vector<1x16xi32>,
        %get3A_193 = vector.shape_cast %get3A_192 : vector<1x16xi32> to vector<16xi32>
        %swap3A_194 = arith.constant 16 : index
        %swap3A_195 = tpu.vector_load %arg17[%swap3A_194] {strides = array<i32>} : memref<64xi32, #tpu.memory_space<vmem>>, vector<16xi32>,
        %swap3A_196 = vector.shape_cast %swap3A_195 : vector<16xi32> to vector<16xi32>
        %swap3A_197 = vector.shape_cast %get3A_193 : vector<16xi32> to vector<16xi32>
        tpu.vector_store %arg17[%swap3A_194], %swap3A_197 {strides = array<i32>} : memref<64xi32, #tpu.memory_space<vmem>>, vector<16xi32>,
        %get3A_198 = arith.constant 1 : i32
        %get3A_199 = arith.index_cast %get3A_198 : i32 to index
        %get3A_200 = arith.constant 32 : index
        %get3A_201 = tpu.vector_load %arg8[%get3A_199, %get3A_200] {strides = array<i32>} : memref<2x64xi32, #tpu.memory_space<vmem>>, vector<1x16xi32>,
        %get3A_202 = vector.shape_cast %get3A_201 : vector<1x16xi32> to vector<16xi32>
        %swap3A_203 = arith.constant 32 : index
        %swap3A_204 = tpu.vector_load %arg17[%swap3A_203] {strides = array<i32>} : memref<64xi32, #tpu.memory_space<vmem>>, vector<16xi32>,
        %swap3A_205 = vector.shape_cast %swap3A_204 : vector<16xi32> to vector<16xi32>
        %swap3A_206 = vector.shape_cast %get3A_202 : vector<16xi32> to vector<16xi32>
        tpu.vector_store %arg17[%swap3A_203], %swap3A_206 {strides = array<i32>} : memref<64xi32, #tpu.memory_space<vmem>>, vector<16xi32>,
        %get3A_207 = arith.constant 1 : i32
        %get3A_208 = arith.index_cast %get3A_207 : i32 to index
        %get3A_209 = arith.constant 48 : index
        %get3A_210 = tpu.vector_load %arg8[%get3A_208, %get3A_209] {strides = array<i32>} : memref<2x64xi32, #tpu.memory_space<vmem>>, vector<1x16xi32>,
        %get3A_211 = vector.shape_cast %get3A_210 : vector<1x16xi32> to vector<16xi32>
        %swap3A_212 = arith.constant 48 : index
        %swap3A_213 = tpu.vector_load %arg17[%swap3A_212] {strides = array<i32>} : memref<64xi32, #tpu.memory_space<vmem>>, vector<16xi32>,
        %swap3A_214 = vector.shape_cast %swap3A_213 : vector<16xi32> to vector<16xi32>
        %swap3A_215 = vector.shape_cast %get3A_211 : vector<16xi32> to vector<16xi32>
        tpu.vector_store %arg17[%swap3A_212], %swap3A_215 {strides = array<i32>} : memref<64xi32, #tpu.memory_space<vmem>>, vector<16xi32>,
      } else {
      }
      %add3A_109 = arith.constant 3 : i32
      %add3A_110 = arith.addi %add3A_101, %add3A_109 : i32
      %lt3A_111 = arith.cmpi slt, %add3A_110, %select_n3A : i32
      %convert_element_type3A_112 = arith.extui %lt3A_111 : i1 to i32
      %cond3A_113 = arith.constant 0 : i32
      %cond3A_114 = arith.cmpi ne, %convert_element_type3A_112, %cond3A_113 : i32
      scf.if %cond3A_114 {
        %add3A_168 = arith.constant 3 : i32
        %add3A_169 = arith.addi %add3A_101, %add3A_168 : i32
        %mul3A_170 = arith.constant 32 : i32
        %mul3A_171 = arith.muli %add3A_169, %mul3A_170 : i32
        %add3A_172 = arith.addi %add3A, %mul3A_171 : i32
        %mul3A_173 = arith.constant 64 : i32
        %mul3A_174 = arith.muli %add3A_172, %mul3A_173 : i32
        %dma_start3A_175 = arith.constant 0 : i32
        %dma_start3A_176 = tpu.memref_slice %arg4[%dma_start3A_175, %mul3A_174] : memref<2x320000xi32, #tpu.memory_space<hbm>> -> memref<2x64xi32, #tpu.memory_space<hbm>>
        %dma_start3A_177 = arith.constant 0 : i32
        %dma_start3A_178 = tpu.memref_slice %arg4[%dma_start3A_177, %mul3A_174] : memref<2x320000xi32, #tpu.memory_space<hbm>> -> memref<2x64xi32, #tpu.memory_space<hbm>>
        tpu.enqueue_dma source(%dma_start3A_178 : memref<2x64xi32, #tpu.memory_space<hbm>>) target(%arg8 : memref<2x64xi32, #tpu.memory_space<vmem>>) target_semaphore(%arg20 : memref<!tpu.dma_semaphore, #tpu.memory_space<semaphore_mem>>)
      } else {
      }
      %lt3A_115 = arith.cmpi slt, %add3A_101, %select_n3A : i32
      %convert_element_type3A_116 = arith.extui %lt3A_115 : i1 to i32
      %cond3A_117 = arith.constant 0 : i32
      %cond3A_118 = arith.cmpi ne, %convert_element_type3A_116, %cond3A_117 : i32
      scf.if %cond3A_118 {
        %iota3A = tpu.iota {dimensions = array<i32: 0>} : vector<16xi32>
        %lt3A_168 = arith.constant 8 : i32
        %lt3A_169 = vector.broadcast %lt3A_168 : i32 to vector<16xi32>
        %lt3A_170 = arith.cmpi slt, %iota3A, %lt3A_169 : vector<16xi32>
        %jit3A_171 = arith.constant 1.000000e+00 : f32
        %jit3A_172 = arith.constant 0.000000e+00 : f32
        %broadcast_in_dim3A = vector.broadcast %jit3A_171 : f32 to vector<16xf32>
        %broadcast_in_dim3A_173 = vector.broadcast %jit3A_172 : f32 to vector<16xf32>
        %select_n3A_174 = arith.select %lt3A_170, %broadcast_in_dim3A, %broadcast_in_dim3A_173 : vector<16xi1>, vector<16xf32>
        %eq3A = arith.constant 8 : i32
        %eq3A_175 = vector.broadcast %eq3A : i32 to vector<16xi32>
        %eq3A_176 = arith.cmpi eq, %iota3A, %eq3A_175 : vector<16xi32>
        %jit3A_177 = arith.constant 1.000000e+00 : f32
        %jit3A_178 = arith.constant 0.000000e+00 : f32
        %broadcast_in_dim3A_179 = vector.broadcast %jit3A_177 : f32 to vector<16xf32>
        %broadcast_in_dim3A_180 = vector.broadcast %jit3A_178 : f32 to vector<16xf32>
        %select_n3A_181 = arith.select %eq3A_176, %broadcast_in_dim3A_179, %broadcast_in_dim3A_180 : vector<16xi1>, vector<16xf32>
        %parallel_loop3A = arith.constant 0 : i32
        %parallel_loop3A_182 = arith.constant 64 : i32
        %parallel_loop3A_183 = arith.constant 1 : i32
        scf.for %parallel_loop3A_187 = %parallel_loop3A to %parallel_loop3A_182 step %parallel_loop3A_183  : i32 {
          %parallel_loop3A_188 = arith.index_cast %parallel_loop3A_187 : i32 to index
          %parallel_loop3A_189 = arith.constant 128 : index
          %parallel_loop3A_190 = tpu.vector_load %arg11[%parallel_loop3A_188, %parallel_loop3A_189] {strides = array<i32>} : memref<64x144xf32, #tpu.memory_space<vmem>>, vector<1x16xf32>,
          %parallel_loop3A_191 = vector.shape_cast %parallel_loop3A_190 : vector<1x16xf32> to vector<16xf32>
          %parallel_loop3A_192 = arith.index_cast %parallel_loop3A_187 : i32 to index
          %parallel_loop3A_193 = arith.constant 0 : index
          %parallel_loop3A_194 = tpu.vector_load %arg14[%parallel_loop3A_192, %parallel_loop3A_193] {strides = array<i32>} : memref<64x16xf32, #tpu.memory_space<vmem>>, vector<1x16xf32>,
          %parallel_loop3A_195 = vector.shape_cast %parallel_loop3A_194 : vector<1x16xf32> to vector<16xf32>
          %parallel_loop3A_196 = arith.addf %parallel_loop3A_191, %parallel_loop3A_195 : vector<16xf32>
          %parallel_loop3A_197 = arith.constant 0.000000e+00 : f32
          %parallel_loop3A_198 = vector.broadcast %parallel_loop3A_197 : f32 to vector<16xf32>
          %parallel_loop3A_199 = arith.cmpf ogt, %parallel_loop3A_196, %parallel_loop3A_198 : vector<16xf32>
          %parallel_loop3A_200 = arith.constant 2.000000e-01 : f32
          %parallel_loop3A_201 = vector.broadcast %parallel_loop3A_200 : f32 to vector<16xf32>
          %parallel_loop3A_202 = arith.mulf %parallel_loop3A_196, %parallel_loop3A_201 : vector<16xf32>
          %parallel_loop3A_203 = arith.select %parallel_loop3A_199, %parallel_loop3A_196, %parallel_loop3A_202 : vector<16xi1>, vector<16xf32>
          %parallel_loop3A_204 = math.exp %parallel_loop3A_203 : vector<16xf32>
          %parallel_loop3A_205 = arith.mulf %parallel_loop3A_204, %select_n3A_174 : vector<16xf32>
          %parallel_loop3A_206 = arith.addf %parallel_loop3A_205, %select_n3A_181 : vector<16xf32>
          %parallel_loop3A_207 = arith.index_cast %parallel_loop3A_187 : i32 to index
          %parallel_loop3A_208 = arith.constant 0 : index
          %parallel_loop3A_209 = tpu.vector_load %arg11[%parallel_loop3A_207, %parallel_loop3A_208] {strides = array<i32>} : memref<64x144xf32, #tpu.memory_space<vmem>>, vector<1x16xf32>,
          %parallel_loop3A_210 = vector.shape_cast %parallel_loop3A_209 : vector<1x16xf32> to vector<16xf32>
          %parallel_loop3A_211 = vector.extract_strided_slice %parallel_loop3A_206 {offsets = [0], sizes = [1], strides = [1]} : vector<16xf32> to vector<1xf32>
          %parallel_loop3A_212 = vector.extract %parallel_loop3A_211[0] : f32 from vector<1xf32>
          %parallel_loop3A_213 = vector.broadcast %parallel_loop3A_212 : f32 to vector<16xf32>
          %parallel_loop3A_214 = arith.mulf %parallel_loop3A_210, %parallel_loop3A_213 : vector<16xf32>
          %parallel_loop3A_215 = arith.index_cast %parallel_loop3A_187 : i32 to index
          %parallel_loop3A_216 = arith.constant 0 : index
          %parallel_loop3A_217 = tpu.vector_load %arg11[%parallel_loop3A_215, %parallel_loop3A_216] {strides = array<i32>} : memref<64x144xf32, #tpu.memory_space<vmem>>, vector<1x16xf32>,
          %parallel_loop3A_218 = vector.shape_cast %parallel_loop3A_217 : vector<1x16xf32> to vector<16xf32>
          %parallel_loop3A_219 = vector.shape_cast %parallel_loop3A_214 : vector<16xf32> to vector<1x16xf32>
          tpu.vector_store %arg11[%parallel_loop3A_215, %parallel_loop3A_216], %parallel_loop3A_219 {strides = array<i32>} : memref<64x144xf32, #tpu.memory_space<vmem>>, vector<1x16xf32>,
          %parallel_loop3A_220 = arith.index_cast %parallel_loop3A_187 : i32 to index
          %parallel_loop3A_221 = arith.constant 16 : index
          %parallel_loop3A_222 = tpu.vector_load %arg11[%parallel_loop3A_220, %parallel_loop3A_221] {strides = array<i32>} : memref<64x144xf32, #tpu.memory_space<vmem>>, vector<1x16xf32>,
          %parallel_loop3A_223 = vector.shape_cast %parallel_loop3A_222 : vector<1x16xf32> to vector<16xf32>
          %parallel_loop3A_224 = vector.extract_strided_slice %parallel_loop3A_206 {offsets = [1], sizes = [1], strides = [1]} : vector<16xf32> to vector<1xf32>
          %parallel_loop3A_225 = vector.extract %parallel_loop3A_224[0] : f32 from vector<1xf32>
          %parallel_loop3A_226 = vector.broadcast %parallel_loop3A_225 : f32 to vector<16xf32>
          %parallel_loop3A_227 = arith.mulf %parallel_loop3A_223, %parallel_loop3A_226 : vector<16xf32>
          %parallel_loop3A_228 = arith.index_cast %parallel_loop3A_187 : i32 to index
          %parallel_loop3A_229 = arith.constant 16 : index
          %parallel_loop3A_230 = tpu.vector_load %arg11[%parallel_loop3A_228, %parallel_loop3A_229] {strides = array<i32>} : memref<64x144xf32, #tpu.memory_space<vmem>>, vector<1x16xf32>,
          %parallel_loop3A_231 = vector.shape_cast %parallel_loop3A_230 : vector<1x16xf32> to vector<16xf32>
          %parallel_loop3A_232 = vector.shape_cast %parallel_loop3A_227 : vector<16xf32> to vector<1x16xf32>
          tpu.vector_store %arg11[%parallel_loop3A_228, %parallel_loop3A_229], %parallel_loop3A_232 {strides = array<i32>} : memref<64x144xf32, #tpu.memory_space<vmem>>, vector<1x16xf32>,
          %parallel_loop3A_233 = arith.index_cast %parallel_loop3A_187 : i32 to index
          %parallel_loop3A_234 = arith.constant 32 : index
          %parallel_loop3A_235 = tpu.vector_load %arg11[%parallel_loop3A_233, %parallel_loop3A_234] {strides = array<i32>} : memref<64x144xf32, #tpu.memory_space<vmem>>, vector<1x16xf32>,
          %parallel_loop3A_236 = vector.shape_cast %parallel_loop3A_235 : vector<1x16xf32> to vector<16xf32>
          %parallel_loop3A_237 = vector.extract_strided_slice %parallel_loop3A_206 {offsets = [2], sizes = [1], strides = [1]} : vector<16xf32> to vector<1xf32>
          %parallel_loop3A_238 = vector.extract %parallel_loop3A_237[0] : f32 from vector<1xf32>
          %parallel_loop3A_239 = vector.broadcast %parallel_loop3A_238 : f32 to vector<16xf32>
          %parallel_loop3A_240 = arith.mulf %parallel_loop3A_236, %parallel_loop3A_239 : vector<16xf32>
          %parallel_loop3A_241 = arith.index_cast %parallel_loop3A_187 : i32 to index
          %parallel_loop3A_242 = arith.constant 32 : index
          %parallel_loop3A_243 = tpu.vector_load %arg11[%parallel_loop3A_241, %parallel_loop3A_242] {strides = array<i32>} : memref<64x144xf32, #tpu.memory_space<vmem>>, vector<1x16xf32>,
          %parallel_loop3A_244 = vector.shape_cast %parallel_loop3A_243 : vector<1x16xf32> to vector<16xf32>
          %parallel_loop3A_245 = vector.shape_cast %parallel_loop3A_240 : vector<16xf32> to vector<1x16xf32>
          tpu.vector_store %arg11[%parallel_loop3A_241, %parallel_loop3A_242], %parallel_loop3A_245 {strides = array<i32>} : memref<64x144xf32, #tpu.memory_space<vmem>>, vector<1x16xf32>,
          %parallel_loop3A_246 = arith.index_cast %parallel_loop3A_187 : i32 to index
          %parallel_loop3A_247 = arith.constant 48 : index
          %parallel_loop3A_248 = tpu.vector_load %arg11[%parallel_loop3A_246, %parallel_loop3A_247] {strides = array<i32>} : memref<64x144xf32, #tpu.memory_space<vmem>>, vector<1x16xf32>,
          %parallel_loop3A_249 = vector.shape_cast %parallel_loop3A_248 : vector<1x16xf32> to vector<16xf32>
          %parallel_loop3A_250 = vector.extract_strided_slice %parallel_loop3A_206 {offsets = [3], sizes = [1], strides = [1]} : vector<16xf32> to vector<1xf32>
          %parallel_loop3A_251 = vector.extract %parallel_loop3A_250[0] : f32 from vector<1xf32>
          %parallel_loop3A_252 = vector.broadcast %parallel_loop3A_251 : f32 to vector<16xf32>
          %parallel_loop3A_253 = arith.mulf %parallel_loop3A_249, %parallel_loop3A_252 : vector<16xf32>
          %parallel_loop3A_254 = arith.index_cast %parallel_loop3A_187 : i32 to index
          %parallel_loop3A_255 = arith.constant 48 : index
          %parallel_loop3A_256 = tpu.vector_load %arg11[%parallel_loop3A_254, %parallel_loop3A_255] {strides = array<i32>} : memref<64x144xf32, #tpu.memory_space<vmem>>, vector<1x16xf32>,
          %parallel_loop3A_257 = vector.shape_cast %parallel_loop3A_256 : vector<1x16xf32> to vector<16xf32>
          %parallel_loop3A_258 = vector.shape_cast %parallel_loop3A_253 : vector<16xf32> to vector<1x16xf32>
          tpu.vector_store %arg11[%parallel_loop3A_254, %parallel_loop3A_255], %parallel_loop3A_258 {strides = array<i32>} : memref<64x144xf32, #tpu.memory_space<vmem>>, vector<1x16xf32>,
          %parallel_loop3A_259 = arith.index_cast %parallel_loop3A_187 : i32 to index
          %parallel_loop3A_260 = arith.constant 64 : index
          %parallel_loop3A_261 = tpu.vector_load %arg11[%parallel_loop3A_259, %parallel_loop3A_260] {strides = array<i32>} : memref<64x144xf32, #tpu.memory_space<vmem>>, vector<1x16xf32>,
          %parallel_loop3A_262 = vector.shape_cast %parallel_loop3A_261 : vector<1x16xf32> to vector<16xf32>
          %parallel_loop3A_263 = vector.extract_strided_slice %parallel_loop3A_206 {offsets = [4], sizes = [1], strides = [1]} : vector<16xf32> to vector<1xf32>
          %parallel_loop3A_264 = vector.extract %parallel_loop3A_263[0] : f32 from vector<1xf32>
          %parallel_loop3A_265 = vector.broadcast %parallel_loop3A_264 : f32 to vector<16xf32>
          %parallel_loop3A_266 = arith.mulf %parallel_loop3A_262, %parallel_loop3A_265 : vector<16xf32>
          %parallel_loop3A_267 = arith.index_cast %parallel_loop3A_187 : i32 to index
          %parallel_loop3A_268 = arith.constant 64 : index
          %parallel_loop3A_269 = tpu.vector_load %arg11[%parallel_loop3A_267, %parallel_loop3A_268] {strides = array<i32>} : memref<64x144xf32, #tpu.memory_space<vmem>>, vector<1x16xf32>,
          %parallel_loop3A_270 = vector.shape_cast %parallel_loop3A_269 : vector<1x16xf32> to vector<16xf32>
          %parallel_loop3A_271 = vector.shape_cast %parallel_loop3A_266 : vector<16xf32> to vector<1x16xf32>
          tpu.vector_store %arg11[%parallel_loop3A_267, %parallel_loop3A_268], %parallel_loop3A_271 {strides = array<i32>} : memref<64x144xf32, #tpu.memory_space<vmem>>, vector<1x16xf32>,
          %parallel_loop3A_272 = arith.index_cast %parallel_loop3A_187 : i32 to index
          %parallel_loop3A_273 = arith.constant 80 : index
          %parallel_loop3A_274 = tpu.vector_load %arg11[%parallel_loop3A_272, %parallel_loop3A_273] {strides = array<i32>} : memref<64x144xf32, #tpu.memory_space<vmem>>, vector<1x16xf32>,
          %parallel_loop3A_275 = vector.shape_cast %parallel_loop3A_274 : vector<1x16xf32> to vector<16xf32>
          %parallel_loop3A_276 = vector.extract_strided_slice %parallel_loop3A_206 {offsets = [5], sizes = [1], strides = [1]} : vector<16xf32> to vector<1xf32>
          %parallel_loop3A_277 = vector.extract %parallel_loop3A_276[0] : f32 from vector<1xf32>
          %parallel_loop3A_278 = vector.broadcast %parallel_loop3A_277 : f32 to vector<16xf32>
          %parallel_loop3A_279 = arith.mulf %parallel_loop3A_275, %parallel_loop3A_278 : vector<16xf32>
          %parallel_loop3A_280 = arith.index_cast %parallel_loop3A_187 : i32 to index
          %parallel_loop3A_281 = arith.constant 80 : index
          %parallel_loop3A_282 = tpu.vector_load %arg11[%parallel_loop3A_280, %parallel_loop3A_281] {strides = array<i32>} : memref<64x144xf32, #tpu.memory_space<vmem>>, vector<1x16xf32>,
          %parallel_loop3A_283 = vector.shape_cast %parallel_loop3A_282 : vector<1x16xf32> to vector<16xf32>
          %parallel_loop3A_284 = vector.shape_cast %parallel_loop3A_279 : vector<16xf32> to vector<1x16xf32>
          tpu.vector_store %arg11[%parallel_loop3A_280, %parallel_loop3A_281], %parallel_loop3A_284 {strides = array<i32>} : memref<64x144xf32, #tpu.memory_space<vmem>>, vector<1x16xf32>,
          %parallel_loop3A_285 = arith.index_cast %parallel_loop3A_187 : i32 to index
          %parallel_loop3A_286 = arith.constant 96 : index
          %parallel_loop3A_287 = tpu.vector_load %arg11[%parallel_loop3A_285, %parallel_loop3A_286] {strides = array<i32>} : memref<64x144xf32, #tpu.memory_space<vmem>>, vector<1x16xf32>,
          %parallel_loop3A_288 = vector.shape_cast %parallel_loop3A_287 : vector<1x16xf32> to vector<16xf32>
          %parallel_loop3A_289 = vector.extract_strided_slice %parallel_loop3A_206 {offsets = [6], sizes = [1], strides = [1]} : vector<16xf32> to vector<1xf32>
          %parallel_loop3A_290 = vector.extract %parallel_loop3A_289[0] : f32 from vector<1xf32>
          %parallel_loop3A_291 = vector.broadcast %parallel_loop3A_290 : f32 to vector<16xf32>
          %parallel_loop3A_292 = arith.mulf %parallel_loop3A_288, %parallel_loop3A_291 : vector<16xf32>
          %parallel_loop3A_293 = arith.index_cast %parallel_loop3A_187 : i32 to index
          %parallel_loop3A_294 = arith.constant 96 : index
          %parallel_loop3A_295 = tpu.vector_load %arg11[%parallel_loop3A_293, %parallel_loop3A_294] {strides = array<i32>} : memref<64x144xf32, #tpu.memory_space<vmem>>, vector<1x16xf32>,
          %parallel_loop3A_296 = vector.shape_cast %parallel_loop3A_295 : vector<1x16xf32> to vector<16xf32>
          %parallel_loop3A_297 = vector.shape_cast %parallel_loop3A_292 : vector<16xf32> to vector<1x16xf32>
          tpu.vector_store %arg11[%parallel_loop3A_293, %parallel_loop3A_294], %parallel_loop3A_297 {strides = array<i32>} : memref<64x144xf32, #tpu.memory_space<vmem>>, vector<1x16xf32>,
          %parallel_loop3A_298 = arith.index_cast %parallel_loop3A_187 : i32 to index
          %parallel_loop3A_299 = arith.constant 112 : index
          %parallel_loop3A_300 = tpu.vector_load %arg11[%parallel_loop3A_298, %parallel_loop3A_299] {strides = array<i32>} : memref<64x144xf32, #tpu.memory_space<vmem>>, vector<1x16xf32>,
          %parallel_loop3A_301 = vector.shape_cast %parallel_loop3A_300 : vector<1x16xf32> to vector<16xf32>
          %parallel_loop3A_302 = vector.extract_strided_slice %parallel_loop3A_206 {offsets = [7], sizes = [1], strides = [1]} : vector<16xf32> to vector<1xf32>
          %parallel_loop3A_303 = vector.extract %parallel_loop3A_302[0] : f32 from vector<1xf32>
          %parallel_loop3A_304 = vector.broadcast %parallel_loop3A_303 : f32 to vector<16xf32>
          %parallel_loop3A_305 = arith.mulf %parallel_loop3A_301, %parallel_loop3A_304 : vector<16xf32>
          %parallel_loop3A_306 = arith.index_cast %parallel_loop3A_187 : i32 to index
          %parallel_loop3A_307 = arith.constant 112 : index
          %parallel_loop3A_308 = tpu.vector_load %arg11[%parallel_loop3A_306, %parallel_loop3A_307] {strides = array<i32>} : memref<64x144xf32, #tpu.memory_space<vmem>>, vector<1x16xf32>,
          %parallel_loop3A_309 = vector.shape_cast %parallel_loop3A_308 : vector<1x16xf32> to vector<16xf32>
          %parallel_loop3A_310 = vector.shape_cast %parallel_loop3A_305 : vector<16xf32> to vector<1x16xf32>
          tpu.vector_store %arg11[%parallel_loop3A_306, %parallel_loop3A_307], %parallel_loop3A_310 {strides = array<i32>} : memref<64x144xf32, #tpu.memory_space<vmem>>, vector<1x16xf32>,
          %parallel_loop3A_311 = arith.index_cast %parallel_loop3A_187 : i32 to index
          %parallel_loop3A_312 = arith.constant 128 : index
          %parallel_loop3A_313 = tpu.vector_load %arg11[%parallel_loop3A_311, %parallel_loop3A_312] {strides = array<i32>} : memref<64x144xf32, #tpu.memory_space<vmem>>, vector<1x16xf32>,
          %parallel_loop3A_314 = vector.shape_cast %parallel_loop3A_313 : vector<1x16xf32> to vector<16xf32>
          %parallel_loop3A_315 = vector.shape_cast %parallel_loop3A_206 : vector<16xf32> to vector<1x16xf32>
          tpu.vector_store %arg11[%parallel_loop3A_311, %parallel_loop3A_312], %parallel_loop3A_315 {strides = array<i32>} : memref<64x144xf32, #tpu.memory_space<vmem>>, vector<1x16xf32>,
        } {sc.loop_unroll_factor = 4 : i64, sc.parallel_access}
        %dma_start3A_184 = arith.constant 0 : i32
        %dma_start3A_185 = arith.constant 0 : i32
        %dma_start3A_186 = tpu.memref_slice %arg7[%dma_start3A_184, %dma_start3A_185] : memref<10000x144xf32, #tpu.memory_space<vmem_shared>> -> memref<10000x144xf32, #tpu.memory_space<vmem_shared>>
        tpu.enqueue_indirect_dma source(%arg11 : memref<64x144xf32, #tpu.memory_space<vmem>>) target(%dma_start3A_186 : memref<10000x144xf32, #tpu.memory_space<vmem_shared>>) offsets(%arg17 : memref<64xi32, #tpu.memory_space<vmem>>) semaphore(%arg29 : memref<!tpu.dma_semaphore, #tpu.memory_space<semaphore_mem>>) {add = true}
      } else {
      }
      %mul3A_119 = arith.constant 3 : i32
      %mul3A_120 = arith.muli %scan3A_96, %mul3A_119 : i32
      %add3A_121 = arith.constant 1 : i32
      %add3A_122 = arith.addi %mul3A_120, %add3A_121 : i32
      %add3A_123 = arith.constant 1 : i32
      %add3A_124 = arith.addi %add3A_122, %add3A_123 : i32
      %lt3A_125 = arith.cmpi slt, %add3A_124, %select_n3A : i32
      %convert_element_type3A_126 = arith.extui %lt3A_125 : i1 to i32
      %cond3A_127 = arith.constant 0 : i32
      %cond3A_128 = arith.cmpi ne, %convert_element_type3A_126, %cond3A_127 : i32
      scf.if %cond3A_128 {
        %add3A_168 = arith.constant 1 : i32
        %add3A_169 = arith.addi %add3A_122, %add3A_168 : i32
        %mul3A_170 = arith.constant 32 : i32
        %mul3A_171 = arith.muli %add3A_169, %mul3A_170 : i32
        %add3A_172 = arith.addi %add3A, %mul3A_171 : i32
        %mul3A_173 = arith.constant 64 : i32
        %mul3A_174 = arith.muli %add3A_172, %mul3A_173 : i32
        %dma_wait3A_175 = arith.constant 0 : i32
        %dma_wait3A_176 = tpu.memref_slice %arg4[%dma_wait3A_175, %mul3A_174] : memref<2x320000xi32, #tpu.memory_space<hbm>> -> memref<2x64xi32, #tpu.memory_space<hbm>>
        %dma_wait3A_177 = arith.constant 0 : i32
        %dma_wait3A_178 = tpu.memref_slice %arg4[%dma_wait3A_177, %mul3A_174] : memref<2x320000xi32, #tpu.memory_space<hbm>> -> memref<2x64xi32, #tpu.memory_space<hbm>>
        tpu.wait_dma2 semaphore(%arg22 : memref<!tpu.dma_semaphore, #tpu.memory_space<semaphore_mem>>) src(%dma_wait3A_178 : memref<2x64xi32, #tpu.memory_space<hbm>>) dst(%arg10 : memref<2x64xi32, #tpu.memory_space<vmem>>)
        %ge3A = arith.constant 2 : i32
        %ge3A_179 = arith.cmpi sge, %add3A_122, %ge3A : i32
        %convert_element_type3A_180 = arith.extui %ge3A_179 : i1 to i32
        %cond3A_181 = arith.constant 0 : i32
        %cond3A_182 = arith.cmpi ne, %convert_element_type3A_180, %cond3A_181 : i32
        scf.if %cond3A_182 {
          %dma_wait3A_197 = arith.constant 0 : i32
          %dma_wait3A_198 = arith.constant 0 : i32
          %dma_wait3A_199 = tpu.memref_slice %arg7[%dma_wait3A_197, %dma_wait3A_198] : memref<10000x144xf32, #tpu.memory_space<vmem_shared>> -> memref<10000x144xf32, #tpu.memory_space<vmem_shared>>
          tpu.wait_indirect_dma semaphore(%arg31 : memref<!tpu.dma_semaphore, #tpu.memory_space<semaphore_mem>>) src(%arg13 : memref<64x144xf32, #tpu.memory_space<vmem>>) dst(%dma_wait3A_199 : memref<10000x144xf32, #tpu.memory_space<vmem_shared>>)
        } else {
        }
        %dma_start3A_183 = arith.constant 0 : i32
        %dma_start3A_184 = arith.constant 0 : i32
        %dma_start3A_185 = tpu.memref_slice %arg10[%dma_start3A_183, %dma_start3A_184] : memref<2x64xi32, #tpu.memory_space<vmem>> -> memref<1x64xi32, #tpu.memory_space<vmem>>
        %dma_start3A_186 = tpu.memref_squeeze %dma_start3A_185 : memref<1x64xi32, #tpu.memory_space<vmem>> -> memref<64xi32, #tpu.memory_space<vmem>>
        %dma_start3A_187 = arith.constant 0 : i32
        %dma_start3A_188 = arith.constant 0 : i32
        %dma_start3A_189 = tpu.memref_slice %arg2[%dma_start3A_187, %dma_start3A_188] : memref<10000x144xf32, #tpu.memory_space<hbm>> -> memref<10000x144xf32, #tpu.memory_space<hbm>>
        tpu.enqueue_indirect_dma source(%dma_start3A_189 : memref<10000x144xf32, #tpu.memory_space<hbm>>) target(%arg13 : memref<64x144xf32, #tpu.memory_space<vmem>>) offsets(%dma_start3A_186 : memref<64xi32, #tpu.memory_space<vmem>>) semaphore(%arg25 : memref<!tpu.dma_semaphore, #tpu.memory_space<semaphore_mem>>)
        %dma_start3A_190 = arith.constant 1 : i32
        %dma_start3A_191 = arith.constant 0 : i32
        %dma_start3A_192 = tpu.memref_slice %arg10[%dma_start3A_190, %dma_start3A_191] : memref<2x64xi32, #tpu.memory_space<vmem>> -> memref<1x64xi32, #tpu.memory_space<vmem>>
        %dma_start3A_193 = tpu.memref_squeeze %dma_start3A_192 : memref<1x64xi32, #tpu.memory_space<vmem>> -> memref<64xi32, #tpu.memory_space<vmem>>
        %dma_start3A_194 = arith.constant 0 : i32
        %dma_start3A_195 = arith.constant 0 : i32
        %dma_start3A_196 = tpu.memref_slice %arg3[%dma_start3A_194, %dma_start3A_195] : memref<10000x16xf32, #tpu.memory_space<hbm>> -> memref<10000x16xf32, #tpu.memory_space<hbm>>
        tpu.enqueue_indirect_dma source(%dma_start3A_196 : memref<10000x16xf32, #tpu.memory_space<hbm>>) target(%arg16 : memref<64x16xf32, #tpu.memory_space<vmem>>) offsets(%dma_start3A_193 : memref<64xi32, #tpu.memory_space<vmem>>) semaphore(%arg28 : memref<!tpu.dma_semaphore, #tpu.memory_space<semaphore_mem>>)
      } else {
      }
      %lt3A_129 = arith.cmpi slt, %add3A_122, %select_n3A : i32
      %convert_element_type3A_130 = arith.extui %lt3A_129 : i1 to i32
      %cond3A_131 = arith.constant 0 : i32
      %cond3A_132 = arith.cmpi ne, %convert_element_type3A_130, %cond3A_131 : i32
      scf.if %cond3A_132 {
        %dma_wait3A_168 = arith.constant 0 : i32
        %dma_wait3A_169 = arith.constant 0 : i32
        %dma_wait3A_170 = tpu.memref_slice %arg9[%dma_wait3A_168, %dma_wait3A_169] : memref<2x64xi32, #tpu.memory_space<vmem>> -> memref<1x64xi32, #tpu.memory_space<vmem>>
        %dma_wait3A_171 = tpu.memref_squeeze %dma_wait3A_170 : memref<1x64xi32, #tpu.memory_space<vmem>> -> memref<64xi32, #tpu.memory_space<vmem>>
        %dma_wait3A_172 = arith.constant 0 : i32
        %dma_wait3A_173 = arith.constant 0 : i32
        %dma_wait3A_174 = tpu.memref_slice %arg2[%dma_wait3A_172, %dma_wait3A_173] : memref<10000x144xf32, #tpu.memory_space<hbm>> -> memref<10000x144xf32, #tpu.memory_space<hbm>>
        tpu.wait_indirect_dma semaphore(%arg24 : memref<!tpu.dma_semaphore, #tpu.memory_space<semaphore_mem>>) src(%dma_wait3A_174 : memref<10000x144xf32, #tpu.memory_space<hbm>>) dst(%arg12 : memref<64x144xf32, #tpu.memory_space<vmem>>)
        %dma_wait3A_175 = arith.constant 1 : i32
        %dma_wait3A_176 = arith.constant 0 : i32
        %dma_wait3A_177 = tpu.memref_slice %arg9[%dma_wait3A_175, %dma_wait3A_176] : memref<2x64xi32, #tpu.memory_space<vmem>> -> memref<1x64xi32, #tpu.memory_space<vmem>>
        %dma_wait3A_178 = tpu.memref_squeeze %dma_wait3A_177 : memref<1x64xi32, #tpu.memory_space<vmem>> -> memref<64xi32, #tpu.memory_space<vmem>>
        %dma_wait3A_179 = arith.constant 0 : i32
        %dma_wait3A_180 = arith.constant 0 : i32
        %dma_wait3A_181 = tpu.memref_slice %arg3[%dma_wait3A_179, %dma_wait3A_180] : memref<10000x16xf32, #tpu.memory_space<hbm>> -> memref<10000x16xf32, #tpu.memory_space<hbm>>
        tpu.wait_indirect_dma semaphore(%arg27 : memref<!tpu.dma_semaphore, #tpu.memory_space<semaphore_mem>>) src(%dma_wait3A_181 : memref<10000x16xf32, #tpu.memory_space<hbm>>) dst(%arg15 : memref<64x16xf32, #tpu.memory_space<vmem>>)
        %get3A = arith.constant 1 : i32
        %get3A_182 = arith.index_cast %get3A : i32 to index
        %get3A_183 = arith.constant 0 : index
        %get3A_184 = tpu.vector_load %arg9[%get3A_182, %get3A_183] {strides = array<i32>} : memref<2x64xi32, #tpu.memory_space<vmem>>, vector<1x16xi32>,
        %get3A_185 = vector.shape_cast %get3A_184 : vector<1x16xi32> to vector<16xi32>
        %swap3A = arith.constant 0 : index
        %swap3A_186 = tpu.vector_load %arg18[%swap3A] {strides = array<i32>} : memref<64xi32, #tpu.memory_space<vmem>>, vector<16xi32>,
        %swap3A_187 = vector.shape_cast %swap3A_186 : vector<16xi32> to vector<16xi32>
        %swap3A_188 = vector.shape_cast %get3A_185 : vector<16xi32> to vector<16xi32>
        tpu.vector_store %arg18[%swap3A], %swap3A_188 {strides = array<i32>} : memref<64xi32, #tpu.memory_space<vmem>>, vector<16xi32>,
        %get3A_189 = arith.constant 1 : i32
        %get3A_190 = arith.index_cast %get3A_189 : i32 to index
        %get3A_191 = arith.constant 16 : index
        %get3A_192 = tpu.vector_load %arg9[%get3A_190, %get3A_191] {strides = array<i32>} : memref<2x64xi32, #tpu.memory_space<vmem>>, vector<1x16xi32>,
        %get3A_193 = vector.shape_cast %get3A_192 : vector<1x16xi32> to vector<16xi32>
        %swap3A_194 = arith.constant 16 : index
        %swap3A_195 = tpu.vector_load %arg18[%swap3A_194] {strides = array<i32>} : memref<64xi32, #tpu.memory_space<vmem>>, vector<16xi32>,
        %swap3A_196 = vector.shape_cast %swap3A_195 : vector<16xi32> to vector<16xi32>
        %swap3A_197 = vector.shape_cast %get3A_193 : vector<16xi32> to vector<16xi32>
        tpu.vector_store %arg18[%swap3A_194], %swap3A_197 {strides = array<i32>} : memref<64xi32, #tpu.memory_space<vmem>>, vector<16xi32>,
        %get3A_198 = arith.constant 1 : i32
        %get3A_199 = arith.index_cast %get3A_198 : i32 to index
        %get3A_200 = arith.constant 32 : index
        %get3A_201 = tpu.vector_load %arg9[%get3A_199, %get3A_200] {strides = array<i32>} : memref<2x64xi32, #tpu.memory_space<vmem>>, vector<1x16xi32>,
        %get3A_202 = vector.shape_cast %get3A_201 : vector<1x16xi32> to vector<16xi32>
        %swap3A_203 = arith.constant 32 : index
        %swap3A_204 = tpu.vector_load %arg18[%swap3A_203] {strides = array<i32>} : memref<64xi32, #tpu.memory_space<vmem>>, vector<16xi32>,
        %swap3A_205 = vector.shape_cast %swap3A_204 : vector<16xi32> to vector<16xi32>
        %swap3A_206 = vector.shape_cast %get3A_202 : vector<16xi32> to vector<16xi32>
        tpu.vector_store %arg18[%swap3A_203], %swap3A_206 {strides = array<i32>} : memref<64xi32, #tpu.memory_space<vmem>>, vector<16xi32>,
        %get3A_207 = arith.constant 1 : i32
        %get3A_208 = arith.index_cast %get3A_207 : i32 to index
        %get3A_209 = arith.constant 48 : index
        %get3A_210 = tpu.vector_load %arg9[%get3A_208, %get3A_209] {strides = array<i32>} : memref<2x64xi32, #tpu.memory_space<vmem>>, vector<1x16xi32>,
        %get3A_211 = vector.shape_cast %get3A_210 : vector<1x16xi32> to vector<16xi32>
        %swap3A_212 = arith.constant 48 : index
        %swap3A_213 = tpu.vector_load %arg18[%swap3A_212] {strides = array<i32>} : memref<64xi32, #tpu.memory_space<vmem>>, vector<16xi32>,
        %swap3A_214 = vector.shape_cast %swap3A_213 : vector<16xi32> to vector<16xi32>
        %swap3A_215 = vector.shape_cast %get3A_211 : vector<16xi32> to vector<16xi32>
        tpu.vector_store %arg18[%swap3A_212], %swap3A_215 {strides = array<i32>} : memref<64xi32, #tpu.memory_space<vmem>>, vector<16xi32>,
      } else {
      }
      %add3A_133 = arith.constant 3 : i32
      %add3A_134 = arith.addi %add3A_122, %add3A_133 : i32
      %lt3A_135 = arith.cmpi slt, %add3A_134, %select_n3A : i32
      %convert_element_type3A_136 = arith.extui %lt3A_135 : i1 to i32
      %cond3A_137 = arith.constant 0 : i32
      %cond3A_138 = arith.cmpi ne, %convert_element_type3A_136, %cond3A_137 : i32
      scf.if %cond3A_138 {
        %add3A_168 = arith.constant 3 : i32
        %add3A_169 = arith.addi %add3A_122, %add3A_168 : i32
        %mul3A_170 = arith.constant 32 : i32
        %mul3A_171 = arith.muli %add3A_169, %mul3A_170 : i32
        %add3A_172 = arith.addi %add3A, %mul3A_171 : i32
        %mul3A_173 = arith.constant 64 : i32
        %mul3A_174 = arith.muli %add3A_172, %mul3A_173 : i32
        %dma_start3A_175 = arith.constant 0 : i32
        %dma_start3A_176 = tpu.memref_slice %arg4[%dma_start3A_175, %mul3A_174] : memref<2x320000xi32, #tpu.memory_space<hbm>> -> memref<2x64xi32, #tpu.memory_space<hbm>>
        %dma_start3A_177 = arith.constant 0 : i32
        %dma_start3A_178 = tpu.memref_slice %arg4[%dma_start3A_177, %mul3A_174] : memref<2x320000xi32, #tpu.memory_space<hbm>> -> memref<2x64xi32, #tpu.memory_space<hbm>>
        tpu.enqueue_dma source(%dma_start3A_178 : memref<2x64xi32, #tpu.memory_space<hbm>>) target(%arg9 : memref<2x64xi32, #tpu.memory_space<vmem>>) target_semaphore(%arg21 : memref<!tpu.dma_semaphore, #tpu.memory_space<semaphore_mem>>)
      } else {
      }
      %lt3A_139 = arith.cmpi slt, %add3A_122, %select_n3A : i32
      %convert_element_type3A_140 = arith.extui %lt3A_139 : i1 to i32
      %cond3A_141 = arith.constant 0 : i32
      %cond3A_142 = arith.cmpi ne, %convert_element_type3A_140, %cond3A_141 : i32
      scf.if %cond3A_142 {
        %iota3A = tpu.iota {dimensions = array<i32: 0>} : vector<16xi32>
        %lt3A_168 = arith.constant 8 : i32
        %lt3A_169 = vector.broadcast %lt3A_168 : i32 to vector<16xi32>
        %lt3A_170 = arith.cmpi slt, %iota3A, %lt3A_169 : vector<16xi32>
        %jit3A_171 = arith.constant 1.000000e+00 : f32
        %jit3A_172 = arith.constant 0.000000e+00 : f32
        %broadcast_in_dim3A = vector.broadcast %jit3A_171 : f32 to vector<16xf32>
        %broadcast_in_dim3A_173 = vector.broadcast %jit3A_172 : f32 to vector<16xf32>
        %select_n3A_174 = arith.select %lt3A_170, %broadcast_in_dim3A, %broadcast_in_dim3A_173 : vector<16xi1>, vector<16xf32>
        %eq3A = arith.constant 8 : i32
        %eq3A_175 = vector.broadcast %eq3A : i32 to vector<16xi32>
        %eq3A_176 = arith.cmpi eq, %iota3A, %eq3A_175 : vector<16xi32>
        %jit3A_177 = arith.constant 1.000000e+00 : f32
        %jit3A_178 = arith.constant 0.000000e+00 : f32
        %broadcast_in_dim3A_179 = vector.broadcast %jit3A_177 : f32 to vector<16xf32>
        %broadcast_in_dim3A_180 = vector.broadcast %jit3A_178 : f32 to vector<16xf32>
        %select_n3A_181 = arith.select %eq3A_176, %broadcast_in_dim3A_179, %broadcast_in_dim3A_180 : vector<16xi1>, vector<16xf32>
        %parallel_loop3A = arith.constant 0 : i32
        %parallel_loop3A_182 = arith.constant 64 : i32
        %parallel_loop3A_183 = arith.constant 1 : i32
        scf.for %parallel_loop3A_187 = %parallel_loop3A to %parallel_loop3A_182 step %parallel_loop3A_183  : i32 {
          %parallel_loop3A_188 = arith.index_cast %parallel_loop3A_187 : i32 to index
          %parallel_loop3A_189 = arith.constant 128 : index
          %parallel_loop3A_190 = tpu.vector_load %arg12[%parallel_loop3A_188, %parallel_loop3A_189] {strides = array<i32>} : memref<64x144xf32, #tpu.memory_space<vmem>>, vector<1x16xf32>,
          %parallel_loop3A_191 = vector.shape_cast %parallel_loop3A_190 : vector<1x16xf32> to vector<16xf32>
          %parallel_loop3A_192 = arith.index_cast %parallel_loop3A_187 : i32 to index
          %parallel_loop3A_193 = arith.constant 0 : index
          %parallel_loop3A_194 = tpu.vector_load %arg15[%parallel_loop3A_192, %parallel_loop3A_193] {strides = array<i32>} : memref<64x16xf32, #tpu.memory_space<vmem>>, vector<1x16xf32>,
          %parallel_loop3A_195 = vector.shape_cast %parallel_loop3A_194 : vector<1x16xf32> to vector<16xf32>
          %parallel_loop3A_196 = arith.addf %parallel_loop3A_191, %parallel_loop3A_195 : vector<16xf32>
          %parallel_loop3A_197 = arith.constant 0.000000e+00 : f32
          %parallel_loop3A_198 = vector.broadcast %parallel_loop3A_197 : f32 to vector<16xf32>
          %parallel_loop3A_199 = arith.cmpf ogt, %parallel_loop3A_196, %parallel_loop3A_198 : vector<16xf32>
          %parallel_loop3A_200 = arith.constant 2.000000e-01 : f32
          %parallel_loop3A_201 = vector.broadcast %parallel_loop3A_200 : f32 to vector<16xf32>
          %parallel_loop3A_202 = arith.mulf %parallel_loop3A_196, %parallel_loop3A_201 : vector<16xf32>
          %parallel_loop3A_203 = arith.select %parallel_loop3A_199, %parallel_loop3A_196, %parallel_loop3A_202 : vector<16xi1>, vector<16xf32>
          %parallel_loop3A_204 = math.exp %parallel_loop3A_203 : vector<16xf32>
          %parallel_loop3A_205 = arith.mulf %parallel_loop3A_204, %select_n3A_174 : vector<16xf32>
          %parallel_loop3A_206 = arith.addf %parallel_loop3A_205, %select_n3A_181 : vector<16xf32>
          %parallel_loop3A_207 = arith.index_cast %parallel_loop3A_187 : i32 to index
          %parallel_loop3A_208 = arith.constant 0 : index
          %parallel_loop3A_209 = tpu.vector_load %arg12[%parallel_loop3A_207, %parallel_loop3A_208] {strides = array<i32>} : memref<64x144xf32, #tpu.memory_space<vmem>>, vector<1x16xf32>,
          %parallel_loop3A_210 = vector.shape_cast %parallel_loop3A_209 : vector<1x16xf32> to vector<16xf32>
          %parallel_loop3A_211 = vector.extract_strided_slice %parallel_loop3A_206 {offsets = [0], sizes = [1], strides = [1]} : vector<16xf32> to vector<1xf32>
          %parallel_loop3A_212 = vector.extract %parallel_loop3A_211[0] : f32 from vector<1xf32>
          %parallel_loop3A_213 = vector.broadcast %parallel_loop3A_212 : f32 to vector<16xf32>
          %parallel_loop3A_214 = arith.mulf %parallel_loop3A_210, %parallel_loop3A_213 : vector<16xf32>
          %parallel_loop3A_215 = arith.index_cast %parallel_loop3A_187 : i32 to index
          %parallel_loop3A_216 = arith.constant 0 : index
          %parallel_loop3A_217 = tpu.vector_load %arg12[%parallel_loop3A_215, %parallel_loop3A_216] {strides = array<i32>} : memref<64x144xf32, #tpu.memory_space<vmem>>, vector<1x16xf32>,
          %parallel_loop3A_218 = vector.shape_cast %parallel_loop3A_217 : vector<1x16xf32> to vector<16xf32>
          %parallel_loop3A_219 = vector.shape_cast %parallel_loop3A_214 : vector<16xf32> to vector<1x16xf32>
          tpu.vector_store %arg12[%parallel_loop3A_215, %parallel_loop3A_216], %parallel_loop3A_219 {strides = array<i32>} : memref<64x144xf32, #tpu.memory_space<vmem>>, vector<1x16xf32>,
          %parallel_loop3A_220 = arith.index_cast %parallel_loop3A_187 : i32 to index
          %parallel_loop3A_221 = arith.constant 16 : index
          %parallel_loop3A_222 = tpu.vector_load %arg12[%parallel_loop3A_220, %parallel_loop3A_221] {strides = array<i32>} : memref<64x144xf32, #tpu.memory_space<vmem>>, vector<1x16xf32>,
          %parallel_loop3A_223 = vector.shape_cast %parallel_loop3A_222 : vector<1x16xf32> to vector<16xf32>
          %parallel_loop3A_224 = vector.extract_strided_slice %parallel_loop3A_206 {offsets = [1], sizes = [1], strides = [1]} : vector<16xf32> to vector<1xf32>
          %parallel_loop3A_225 = vector.extract %parallel_loop3A_224[0] : f32 from vector<1xf32>
          %parallel_loop3A_226 = vector.broadcast %parallel_loop3A_225 : f32 to vector<16xf32>
          %parallel_loop3A_227 = arith.mulf %parallel_loop3A_223, %parallel_loop3A_226 : vector<16xf32>
          %parallel_loop3A_228 = arith.index_cast %parallel_loop3A_187 : i32 to index
          %parallel_loop3A_229 = arith.constant 16 : index
          %parallel_loop3A_230 = tpu.vector_load %arg12[%parallel_loop3A_228, %parallel_loop3A_229] {strides = array<i32>} : memref<64x144xf32, #tpu.memory_space<vmem>>, vector<1x16xf32>,
          %parallel_loop3A_231 = vector.shape_cast %parallel_loop3A_230 : vector<1x16xf32> to vector<16xf32>
          %parallel_loop3A_232 = vector.shape_cast %parallel_loop3A_227 : vector<16xf32> to vector<1x16xf32>
          tpu.vector_store %arg12[%parallel_loop3A_228, %parallel_loop3A_229], %parallel_loop3A_232 {strides = array<i32>} : memref<64x144xf32, #tpu.memory_space<vmem>>, vector<1x16xf32>,
          %parallel_loop3A_233 = arith.index_cast %parallel_loop3A_187 : i32 to index
          %parallel_loop3A_234 = arith.constant 32 : index
          %parallel_loop3A_235 = tpu.vector_load %arg12[%parallel_loop3A_233, %parallel_loop3A_234] {strides = array<i32>} : memref<64x144xf32, #tpu.memory_space<vmem>>, vector<1x16xf32>,
          %parallel_loop3A_236 = vector.shape_cast %parallel_loop3A_235 : vector<1x16xf32> to vector<16xf32>
          %parallel_loop3A_237 = vector.extract_strided_slice %parallel_loop3A_206 {offsets = [2], sizes = [1], strides = [1]} : vector<16xf32> to vector<1xf32>
          %parallel_loop3A_238 = vector.extract %parallel_loop3A_237[0] : f32 from vector<1xf32>
          %parallel_loop3A_239 = vector.broadcast %parallel_loop3A_238 : f32 to vector<16xf32>
          %parallel_loop3A_240 = arith.mulf %parallel_loop3A_236, %parallel_loop3A_239 : vector<16xf32>
          %parallel_loop3A_241 = arith.index_cast %parallel_loop3A_187 : i32 to index
          %parallel_loop3A_242 = arith.constant 32 : index
          %parallel_loop3A_243 = tpu.vector_load %arg12[%parallel_loop3A_241, %parallel_loop3A_242] {strides = array<i32>} : memref<64x144xf32, #tpu.memory_space<vmem>>, vector<1x16xf32>,
          %parallel_loop3A_244 = vector.shape_cast %parallel_loop3A_243 : vector<1x16xf32> to vector<16xf32>
          %parallel_loop3A_245 = vector.shape_cast %parallel_loop3A_240 : vector<16xf32> to vector<1x16xf32>
          tpu.vector_store %arg12[%parallel_loop3A_241, %parallel_loop3A_242], %parallel_loop3A_245 {strides = array<i32>} : memref<64x144xf32, #tpu.memory_space<vmem>>, vector<1x16xf32>,
          %parallel_loop3A_246 = arith.index_cast %parallel_loop3A_187 : i32 to index
          %parallel_loop3A_247 = arith.constant 48 : index
          %parallel_loop3A_248 = tpu.vector_load %arg12[%parallel_loop3A_246, %parallel_loop3A_247] {strides = array<i32>} : memref<64x144xf32, #tpu.memory_space<vmem>>, vector<1x16xf32>,
          %parallel_loop3A_249 = vector.shape_cast %parallel_loop3A_248 : vector<1x16xf32> to vector<16xf32>
          %parallel_loop3A_250 = vector.extract_strided_slice %parallel_loop3A_206 {offsets = [3], sizes = [1], strides = [1]} : vector<16xf32> to vector<1xf32>
          %parallel_loop3A_251 = vector.extract %parallel_loop3A_250[0] : f32 from vector<1xf32>
          %parallel_loop3A_252 = vector.broadcast %parallel_loop3A_251 : f32 to vector<16xf32>
          %parallel_loop3A_253 = arith.mulf %parallel_loop3A_249, %parallel_loop3A_252 : vector<16xf32>
          %parallel_loop3A_254 = arith.index_cast %parallel_loop3A_187 : i32 to index
          %parallel_loop3A_255 = arith.constant 48 : index
          %parallel_loop3A_256 = tpu.vector_load %arg12[%parallel_loop3A_254, %parallel_loop3A_255] {strides = array<i32>} : memref<64x144xf32, #tpu.memory_space<vmem>>, vector<1x16xf32>,
          %parallel_loop3A_257 = vector.shape_cast %parallel_loop3A_256 : vector<1x16xf32> to vector<16xf32>
          %parallel_loop3A_258 = vector.shape_cast %parallel_loop3A_253 : vector<16xf32> to vector<1x16xf32>
          tpu.vector_store %arg12[%parallel_loop3A_254, %parallel_loop3A_255], %parallel_loop3A_258 {strides = array<i32>} : memref<64x144xf32, #tpu.memory_space<vmem>>, vector<1x16xf32>,
          %parallel_loop3A_259 = arith.index_cast %parallel_loop3A_187 : i32 to index
          %parallel_loop3A_260 = arith.constant 64 : index
          %parallel_loop3A_261 = tpu.vector_load %arg12[%parallel_loop3A_259, %parallel_loop3A_260] {strides = array<i32>} : memref<64x144xf32, #tpu.memory_space<vmem>>, vector<1x16xf32>,
          %parallel_loop3A_262 = vector.shape_cast %parallel_loop3A_261 : vector<1x16xf32> to vector<16xf32>
          %parallel_loop3A_263 = vector.extract_strided_slice %parallel_loop3A_206 {offsets = [4], sizes = [1], strides = [1]} : vector<16xf32> to vector<1xf32>
          %parallel_loop3A_264 = vector.extract %parallel_loop3A_263[0] : f32 from vector<1xf32>
          %parallel_loop3A_265 = vector.broadcast %parallel_loop3A_264 : f32 to vector<16xf32>
          %parallel_loop3A_266 = arith.mulf %parallel_loop3A_262, %parallel_loop3A_265 : vector<16xf32>
          %parallel_loop3A_267 = arith.index_cast %parallel_loop3A_187 : i32 to index
          %parallel_loop3A_268 = arith.constant 64 : index
          %parallel_loop3A_269 = tpu.vector_load %arg12[%parallel_loop3A_267, %parallel_loop3A_268] {strides = array<i32>} : memref<64x144xf32, #tpu.memory_space<vmem>>, vector<1x16xf32>,
          %parallel_loop3A_270 = vector.shape_cast %parallel_loop3A_269 : vector<1x16xf32> to vector<16xf32>
          %parallel_loop3A_271 = vector.shape_cast %parallel_loop3A_266 : vector<16xf32> to vector<1x16xf32>
          tpu.vector_store %arg12[%parallel_loop3A_267, %parallel_loop3A_268], %parallel_loop3A_271 {strides = array<i32>} : memref<64x144xf32, #tpu.memory_space<vmem>>, vector<1x16xf32>,
          %parallel_loop3A_272 = arith.index_cast %parallel_loop3A_187 : i32 to index
          %parallel_loop3A_273 = arith.constant 80 : index
          %parallel_loop3A_274 = tpu.vector_load %arg12[%parallel_loop3A_272, %parallel_loop3A_273] {strides = array<i32>} : memref<64x144xf32, #tpu.memory_space<vmem>>, vector<1x16xf32>,
          %parallel_loop3A_275 = vector.shape_cast %parallel_loop3A_274 : vector<1x16xf32> to vector<16xf32>
          %parallel_loop3A_276 = vector.extract_strided_slice %parallel_loop3A_206 {offsets = [5], sizes = [1], strides = [1]} : vector<16xf32> to vector<1xf32>
          %parallel_loop3A_277 = vector.extract %parallel_loop3A_276[0] : f32 from vector<1xf32>
          %parallel_loop3A_278 = vector.broadcast %parallel_loop3A_277 : f32 to vector<16xf32>
          %parallel_loop3A_279 = arith.mulf %parallel_loop3A_275, %parallel_loop3A_278 : vector<16xf32>
          %parallel_loop3A_280 = arith.index_cast %parallel_loop3A_187 : i32 to index
          %parallel_loop3A_281 = arith.constant 80 : index
          %parallel_loop3A_282 = tpu.vector_load %arg12[%parallel_loop3A_280, %parallel_loop3A_281] {strides = array<i32>} : memref<64x144xf32, #tpu.memory_space<vmem>>, vector<1x16xf32>,
          %parallel_loop3A_283 = vector.shape_cast %parallel_loop3A_282 : vector<1x16xf32> to vector<16xf32>
          %parallel_loop3A_284 = vector.shape_cast %parallel_loop3A_279 : vector<16xf32> to vector<1x16xf32>
          tpu.vector_store %arg12[%parallel_loop3A_280, %parallel_loop3A_281], %parallel_loop3A_284 {strides = array<i32>} : memref<64x144xf32, #tpu.memory_space<vmem>>, vector<1x16xf32>,
          %parallel_loop3A_285 = arith.index_cast %parallel_loop3A_187 : i32 to index
          %parallel_loop3A_286 = arith.constant 96 : index
          %parallel_loop3A_287 = tpu.vector_load %arg12[%parallel_loop3A_285, %parallel_loop3A_286] {strides = array<i32>} : memref<64x144xf32, #tpu.memory_space<vmem>>, vector<1x16xf32>,
          %parallel_loop3A_288 = vector.shape_cast %parallel_loop3A_287 : vector<1x16xf32> to vector<16xf32>
          %parallel_loop3A_289 = vector.extract_strided_slice %parallel_loop3A_206 {offsets = [6], sizes = [1], strides = [1]} : vector<16xf32> to vector<1xf32>
          %parallel_loop3A_290 = vector.extract %parallel_loop3A_289[0] : f32 from vector<1xf32>
          %parallel_loop3A_291 = vector.broadcast %parallel_loop3A_290 : f32 to vector<16xf32>
          %parallel_loop3A_292 = arith.mulf %parallel_loop3A_288, %parallel_loop3A_291 : vector<16xf32>
          %parallel_loop3A_293 = arith.index_cast %parallel_loop3A_187 : i32 to index
          %parallel_loop3A_294 = arith.constant 96 : index
          %parallel_loop3A_295 = tpu.vector_load %arg12[%parallel_loop3A_293, %parallel_loop3A_294] {strides = array<i32>} : memref<64x144xf32, #tpu.memory_space<vmem>>, vector<1x16xf32>,
          %parallel_loop3A_296 = vector.shape_cast %parallel_loop3A_295 : vector<1x16xf32> to vector<16xf32>
          %parallel_loop3A_297 = vector.shape_cast %parallel_loop3A_292 : vector<16xf32> to vector<1x16xf32>
          tpu.vector_store %arg12[%parallel_loop3A_293, %parallel_loop3A_294], %parallel_loop3A_297 {strides = array<i32>} : memref<64x144xf32, #tpu.memory_space<vmem>>, vector<1x16xf32>,
          %parallel_loop3A_298 = arith.index_cast %parallel_loop3A_187 : i32 to index
          %parallel_loop3A_299 = arith.constant 112 : index
          %parallel_loop3A_300 = tpu.vector_load %arg12[%parallel_loop3A_298, %parallel_loop3A_299] {strides = array<i32>} : memref<64x144xf32, #tpu.memory_space<vmem>>, vector<1x16xf32>,
          %parallel_loop3A_301 = vector.shape_cast %parallel_loop3A_300 : vector<1x16xf32> to vector<16xf32>
          %parallel_loop3A_302 = vector.extract_strided_slice %parallel_loop3A_206 {offsets = [7], sizes = [1], strides = [1]} : vector<16xf32> to vector<1xf32>
          %parallel_loop3A_303 = vector.extract %parallel_loop3A_302[0] : f32 from vector<1xf32>
          %parallel_loop3A_304 = vector.broadcast %parallel_loop3A_303 : f32 to vector<16xf32>
          %parallel_loop3A_305 = arith.mulf %parallel_loop3A_301, %parallel_loop3A_304 : vector<16xf32>
          %parallel_loop3A_306 = arith.index_cast %parallel_loop3A_187 : i32 to index
          %parallel_loop3A_307 = arith.constant 112 : index
          %parallel_loop3A_308 = tpu.vector_load %arg12[%parallel_loop3A_306, %parallel_loop3A_307] {strides = array<i32>} : memref<64x144xf32, #tpu.memory_space<vmem>>, vector<1x16xf32>,
          %parallel_loop3A_309 = vector.shape_cast %parallel_loop3A_308 : vector<1x16xf32> to vector<16xf32>
          %parallel_loop3A_310 = vector.shape_cast %parallel_loop3A_305 : vector<16xf32> to vector<1x16xf32>
          tpu.vector_store %arg12[%parallel_loop3A_306, %parallel_loop3A_307], %parallel_loop3A_310 {strides = array<i32>} : memref<64x144xf32, #tpu.memory_space<vmem>>, vector<1x16xf32>,
          %parallel_loop3A_311 = arith.index_cast %parallel_loop3A_187 : i32 to index
          %parallel_loop3A_312 = arith.constant 128 : index
          %parallel_loop3A_313 = tpu.vector_load %arg12[%parallel_loop3A_311, %parallel_loop3A_312] {strides = array<i32>} : memref<64x144xf32, #tpu.memory_space<vmem>>, vector<1x16xf32>,
          %parallel_loop3A_314 = vector.shape_cast %parallel_loop3A_313 : vector<1x16xf32> to vector<16xf32>
          %parallel_loop3A_315 = vector.shape_cast %parallel_loop3A_206 : vector<16xf32> to vector<1x16xf32>
          tpu.vector_store %arg12[%parallel_loop3A_311, %parallel_loop3A_312], %parallel_loop3A_315 {strides = array<i32>} : memref<64x144xf32, #tpu.memory_space<vmem>>, vector<1x16xf32>,
        } {sc.loop_unroll_factor = 4 : i64, sc.parallel_access}
        %dma_start3A_184 = arith.constant 0 : i32
        %dma_start3A_185 = arith.constant 0 : i32
        %dma_start3A_186 = tpu.memref_slice %arg7[%dma_start3A_184, %dma_start3A_185] : memref<10000x144xf32, #tpu.memory_space<vmem_shared>> -> memref<10000x144xf32, #tpu.memory_space<vmem_shared>>
        tpu.enqueue_indirect_dma source(%arg12 : memref<64x144xf32, #tpu.memory_space<vmem>>) target(%dma_start3A_186 : memref<10000x144xf32, #tpu.memory_space<vmem_shared>>) offsets(%arg18 : memref<64xi32, #tpu.memory_space<vmem>>) semaphore(%arg30 : memref<!tpu.dma_semaphore, #tpu.memory_space<semaphore_mem>>) {add = true}
      } else {
      }
      %mul3A_143 = arith.constant 3 : i32
      %mul3A_144 = arith.muli %scan3A_96, %mul3A_143 : i32
      %add3A_145 = arith.constant 2 : i32
      %add3A_146 = arith.addi %mul3A_144, %add3A_145 : i32
      %add3A_147 = arith.constant 1 : i32
      %add3A_148 = arith.addi %add3A_146, %add3A_147 : i32
      %lt3A_149 = arith.cmpi slt, %add3A_148, %select_n3A : i32
      %convert_element_type3A_150 = arith.extui %lt3A_149 : i1 to i32
      %cond3A_151 = arith.constant 0 : i32
      %cond3A_152 = arith.cmpi ne, %convert_element_type3A_150, %cond3A_151 : i32
      scf.if %cond3A_152 {
        %add3A_168 = arith.constant 1 : i32
        %add3A_169 = arith.addi %add3A_146, %add3A_168 : i32
        %mul3A_170 = arith.constant 32 : i32
        %mul3A_171 = arith.muli %add3A_169, %mul3A_170 : i32
        %add3A_172 = arith.addi %add3A, %mul3A_171 : i32
        %mul3A_173 = arith.constant 64 : i32
        %mul3A_174 = arith.muli %add3A_172, %mul3A_173 : i32
        %dma_wait3A_175 = arith.constant 0 : i32
        %dma_wait3A_176 = tpu.memref_slice %arg4[%dma_wait3A_175, %mul3A_174] : memref<2x320000xi32, #tpu.memory_space<hbm>> -> memref<2x64xi32, #tpu.memory_space<hbm>>
        %dma_wait3A_177 = arith.constant 0 : i32
        %dma_wait3A_178 = tpu.memref_slice %arg4[%dma_wait3A_177, %mul3A_174] : memref<2x320000xi32, #tpu.memory_space<hbm>> -> memref<2x64xi32, #tpu.memory_space<hbm>>
        tpu.wait_dma2 semaphore(%arg20 : memref<!tpu.dma_semaphore, #tpu.memory_space<semaphore_mem>>) src(%dma_wait3A_178 : memref<2x64xi32, #tpu.memory_space<hbm>>) dst(%arg8 : memref<2x64xi32, #tpu.memory_space<vmem>>)
        %ge3A = arith.constant 2 : i32
        %ge3A_179 = arith.cmpi sge, %add3A_146, %ge3A : i32
        %convert_element_type3A_180 = arith.extui %ge3A_179 : i1 to i32
        %cond3A_181 = arith.constant 0 : i32
        %cond3A_182 = arith.cmpi ne, %convert_element_type3A_180, %cond3A_181 : i32
        scf.if %cond3A_182 {
          %dma_wait3A_197 = arith.constant 0 : i32
          %dma_wait3A_198 = arith.constant 0 : i32
          %dma_wait3A_199 = tpu.memref_slice %arg7[%dma_wait3A_197, %dma_wait3A_198] : memref<10000x144xf32, #tpu.memory_space<vmem_shared>> -> memref<10000x144xf32, #tpu.memory_space<vmem_shared>>
          tpu.wait_indirect_dma semaphore(%arg29 : memref<!tpu.dma_semaphore, #tpu.memory_space<semaphore_mem>>) src(%arg11 : memref<64x144xf32, #tpu.memory_space<vmem>>) dst(%dma_wait3A_199 : memref<10000x144xf32, #tpu.memory_space<vmem_shared>>)
        } else {
        }
        %dma_start3A_183 = arith.constant 0 : i32
        %dma_start3A_184 = arith.constant 0 : i32
        %dma_start3A_185 = tpu.memref_slice %arg8[%dma_start3A_183, %dma_start3A_184] : memref<2x64xi32, #tpu.memory_space<vmem>> -> memref<1x64xi32, #tpu.memory_space<vmem>>
        %dma_start3A_186 = tpu.memref_squeeze %dma_start3A_185 : memref<1x64xi32, #tpu.memory_space<vmem>> -> memref<64xi32, #tpu.memory_space<vmem>>
        %dma_start3A_187 = arith.constant 0 : i32
        %dma_start3A_188 = arith.constant 0 : i32
        %dma_start3A_189 = tpu.memref_slice %arg2[%dma_start3A_187, %dma_start3A_188] : memref<10000x144xf32, #tpu.memory_space<hbm>> -> memref<10000x144xf32, #tpu.memory_space<hbm>>
        tpu.enqueue_indirect_dma source(%dma_start3A_189 : memref<10000x144xf32, #tpu.memory_space<hbm>>) target(%arg11 : memref<64x144xf32, #tpu.memory_space<vmem>>) offsets(%dma_start3A_186 : memref<64xi32, #tpu.memory_space<vmem>>) semaphore(%arg23 : memref<!tpu.dma_semaphore, #tpu.memory_space<semaphore_mem>>)
        %dma_start3A_190 = arith.constant 1 : i32
        %dma_start3A_191 = arith.constant 0 : i32
        %dma_start3A_192 = tpu.memref_slice %arg8[%dma_start3A_190, %dma_start3A_191] : memref<2x64xi32, #tpu.memory_space<vmem>> -> memref<1x64xi32, #tpu.memory_space<vmem>>
        %dma_start3A_193 = tpu.memref_squeeze %dma_start3A_192 : memref<1x64xi32, #tpu.memory_space<vmem>> -> memref<64xi32, #tpu.memory_space<vmem>>
        %dma_start3A_194 = arith.constant 0 : i32
        %dma_start3A_195 = arith.constant 0 : i32
        %dma_start3A_196 = tpu.memref_slice %arg3[%dma_start3A_194, %dma_start3A_195] : memref<10000x16xf32, #tpu.memory_space<hbm>> -> memref<10000x16xf32, #tpu.memory_space<hbm>>
        tpu.enqueue_indirect_dma source(%dma_start3A_196 : memref<10000x16xf32, #tpu.memory_space<hbm>>) target(%arg14 : memref<64x16xf32, #tpu.memory_space<vmem>>) offsets(%dma_start3A_193 : memref<64xi32, #tpu.memory_space<vmem>>) semaphore(%arg26 : memref<!tpu.dma_semaphore, #tpu.memory_space<semaphore_mem>>)
      } else {
      }
      %lt3A_153 = arith.cmpi slt, %add3A_146, %select_n3A : i32
      %convert_element_type3A_154 = arith.extui %lt3A_153 : i1 to i32
      %cond3A_155 = arith.constant 0 : i32
      %cond3A_156 = arith.cmpi ne, %convert_element_type3A_154, %cond3A_155 : i32
      scf.if %cond3A_156 {
        %dma_wait3A_168 = arith.constant 0 : i32
        %dma_wait3A_169 = arith.constant 0 : i32
        %dma_wait3A_170 = tpu.memref_slice %arg10[%dma_wait3A_168, %dma_wait3A_169] : memref<2x64xi32, #tpu.memory_space<vmem>> -> memref<1x64xi32, #tpu.memory_space<vmem>>
        %dma_wait3A_171 = tpu.memref_squeeze %dma_wait3A_170 : memref<1x64xi32, #tpu.memory_space<vmem>> -> memref<64xi32, #tpu.memory_space<vmem>>
        %dma_wait3A_172 = arith.constant 0 : i32
        %dma_wait3A_173 = arith.constant 0 : i32
        %dma_wait3A_174 = tpu.memref_slice %arg2[%dma_wait3A_172, %dma_wait3A_173] : memref<10000x144xf32, #tpu.memory_space<hbm>> -> memref<10000x144xf32, #tpu.memory_space<hbm>>
        tpu.wait_indirect_dma semaphore(%arg25 : memref<!tpu.dma_semaphore, #tpu.memory_space<semaphore_mem>>) src(%dma_wait3A_174 : memref<10000x144xf32, #tpu.memory_space<hbm>>) dst(%arg13 : memref<64x144xf32, #tpu.memory_space<vmem>>)
        %dma_wait3A_175 = arith.constant 1 : i32
        %dma_wait3A_176 = arith.constant 0 : i32
        %dma_wait3A_177 = tpu.memref_slice %arg10[%dma_wait3A_175, %dma_wait3A_176] : memref<2x64xi32, #tpu.memory_space<vmem>> -> memref<1x64xi32, #tpu.memory_space<vmem>>
        %dma_wait3A_178 = tpu.memref_squeeze %dma_wait3A_177 : memref<1x64xi32, #tpu.memory_space<vmem>> -> memref<64xi32, #tpu.memory_space<vmem>>
        %dma_wait3A_179 = arith.constant 0 : i32
        %dma_wait3A_180 = arith.constant 0 : i32
        %dma_wait3A_181 = tpu.memref_slice %arg3[%dma_wait3A_179, %dma_wait3A_180] : memref<10000x16xf32, #tpu.memory_space<hbm>> -> memref<10000x16xf32, #tpu.memory_space<hbm>>
        tpu.wait_indirect_dma semaphore(%arg28 : memref<!tpu.dma_semaphore, #tpu.memory_space<semaphore_mem>>) src(%dma_wait3A_181 : memref<10000x16xf32, #tpu.memory_space<hbm>>) dst(%arg16 : memref<64x16xf32, #tpu.memory_space<vmem>>)
        %get3A = arith.constant 1 : i32
        %get3A_182 = arith.index_cast %get3A : i32 to index
        %get3A_183 = arith.constant 0 : index
        %get3A_184 = tpu.vector_load %arg10[%get3A_182, %get3A_183] {strides = array<i32>} : memref<2x64xi32, #tpu.memory_space<vmem>>, vector<1x16xi32>,
        %get3A_185 = vector.shape_cast %get3A_184 : vector<1x16xi32> to vector<16xi32>
        %swap3A = arith.constant 0 : index
        %swap3A_186 = tpu.vector_load %arg19[%swap3A] {strides = array<i32>} : memref<64xi32, #tpu.memory_space<vmem>>, vector<16xi32>,
        %swap3A_187 = vector.shape_cast %swap3A_186 : vector<16xi32> to vector<16xi32>
        %swap3A_188 = vector.shape_cast %get3A_185 : vector<16xi32> to vector<16xi32>
        tpu.vector_store %arg19[%swap3A], %swap3A_188 {strides = array<i32>} : memref<64xi32, #tpu.memory_space<vmem>>, vector<16xi32>,
        %get3A_189 = arith.constant 1 : i32
        %get3A_190 = arith.index_cast %get3A_189 : i32 to index
        %get3A_191 = arith.constant 16 : index
        %get3A_192 = tpu.vector_load %arg10[%get3A_190, %get3A_191] {strides = array<i32>} : memref<2x64xi32, #tpu.memory_space<vmem>>, vector<1x16xi32>,
        %get3A_193 = vector.shape_cast %get3A_192 : vector<1x16xi32> to vector<16xi32>
        %swap3A_194 = arith.constant 16 : index
        %swap3A_195 = tpu.vector_load %arg19[%swap3A_194] {strides = array<i32>} : memref<64xi32, #tpu.memory_space<vmem>>, vector<16xi32>,
        %swap3A_196 = vector.shape_cast %swap3A_195 : vector<16xi32> to vector<16xi32>
        %swap3A_197 = vector.shape_cast %get3A_193 : vector<16xi32> to vector<16xi32>
        tpu.vector_store %arg19[%swap3A_194], %swap3A_197 {strides = array<i32>} : memref<64xi32, #tpu.memory_space<vmem>>, vector<16xi32>,
        %get3A_198 = arith.constant 1 : i32
        %get3A_199 = arith.index_cast %get3A_198 : i32 to index
        %get3A_200 = arith.constant 32 : index
        %get3A_201 = tpu.vector_load %arg10[%get3A_199, %get3A_200] {strides = array<i32>} : memref<2x64xi32, #tpu.memory_space<vmem>>, vector<1x16xi32>,
        %get3A_202 = vector.shape_cast %get3A_201 : vector<1x16xi32> to vector<16xi32>
        %swap3A_203 = arith.constant 32 : index
        %swap3A_204 = tpu.vector_load %arg19[%swap3A_203] {strides = array<i32>} : memref<64xi32, #tpu.memory_space<vmem>>, vector<16xi32>,
        %swap3A_205 = vector.shape_cast %swap3A_204 : vector<16xi32> to vector<16xi32>
        %swap3A_206 = vector.shape_cast %get3A_202 : vector<16xi32> to vector<16xi32>
        tpu.vector_store %arg19[%swap3A_203], %swap3A_206 {strides = array<i32>} : memref<64xi32, #tpu.memory_space<vmem>>, vector<16xi32>,
        %get3A_207 = arith.constant 1 : i32
        %get3A_208 = arith.index_cast %get3A_207 : i32 to index
        %get3A_209 = arith.constant 48 : index
        %get3A_210 = tpu.vector_load %arg10[%get3A_208, %get3A_209] {strides = array<i32>} : memref<2x64xi32, #tpu.memory_space<vmem>>, vector<1x16xi32>,
        %get3A_211 = vector.shape_cast %get3A_210 : vector<1x16xi32> to vector<16xi32>
        %swap3A_212 = arith.constant 48 : index
        %swap3A_213 = tpu.vector_load %arg19[%swap3A_212] {strides = array<i32>} : memref<64xi32, #tpu.memory_space<vmem>>, vector<16xi32>,
        %swap3A_214 = vector.shape_cast %swap3A_213 : vector<16xi32> to vector<16xi32>
        %swap3A_215 = vector.shape_cast %get3A_211 : vector<16xi32> to vector<16xi32>
        tpu.vector_store %arg19[%swap3A_212], %swap3A_215 {strides = array<i32>} : memref<64xi32, #tpu.memory_space<vmem>>, vector<16xi32>,
      } else {
      }
      %add3A_157 = arith.constant 3 : i32
      %add3A_158 = arith.addi %add3A_146, %add3A_157 : i32
      %lt3A_159 = arith.cmpi slt, %add3A_158, %select_n3A : i32
      %convert_element_type3A_160 = arith.extui %lt3A_159 : i1 to i32
      %cond3A_161 = arith.constant 0 : i32
      %cond3A_162 = arith.cmpi ne, %convert_element_type3A_160, %cond3A_161 : i32
      scf.if %cond3A_162 {
        %add3A_168 = arith.constant 3 : i32
        %add3A_169 = arith.addi %add3A_146, %add3A_168 : i32
        %mul3A_170 = arith.constant 32 : i32
        %mul3A_171 = arith.muli %add3A_169, %mul3A_170 : i32
        %add3A_172 = arith.addi %add3A, %mul3A_171 : i32
        %mul3A_173 = arith.constant 64 : i32
        %mul3A_174 = arith.muli %add3A_172, %mul3A_173 : i32
        %dma_start3A_175 = arith.constant 0 : i32
        %dma_start3A_176 = tpu.memref_slice %arg4[%dma_start3A_175, %mul3A_174] : memref<2x320000xi32, #tpu.memory_space<hbm>> -> memref<2x64xi32, #tpu.memory_space<hbm>>
        %dma_start3A_177 = arith.constant 0 : i32
        %dma_start3A_178 = tpu.memref_slice %arg4[%dma_start3A_177, %mul3A_174] : memref<2x320000xi32, #tpu.memory_space<hbm>> -> memref<2x64xi32, #tpu.memory_space<hbm>>
        tpu.enqueue_dma source(%dma_start3A_178 : memref<2x64xi32, #tpu.memory_space<hbm>>) target(%arg10 : memref<2x64xi32, #tpu.memory_space<vmem>>) target_semaphore(%arg22 : memref<!tpu.dma_semaphore, #tpu.memory_space<semaphore_mem>>)
      } else {
      }
      %lt3A_163 = arith.cmpi slt, %add3A_146, %select_n3A : i32
      %convert_element_type3A_164 = arith.extui %lt3A_163 : i1 to i32
      %cond3A_165 = arith.constant 0 : i32
      %cond3A_166 = arith.cmpi ne, %convert_element_type3A_164, %cond3A_165 : i32
      scf.if %cond3A_166 {
        %iota3A = tpu.iota {dimensions = array<i32: 0>} : vector<16xi32>
        %lt3A_168 = arith.constant 8 : i32
        %lt3A_169 = vector.broadcast %lt3A_168 : i32 to vector<16xi32>
        %lt3A_170 = arith.cmpi slt, %iota3A, %lt3A_169 : vector<16xi32>
        %jit3A_171 = arith.constant 1.000000e+00 : f32
        %jit3A_172 = arith.constant 0.000000e+00 : f32
        %broadcast_in_dim3A = vector.broadcast %jit3A_171 : f32 to vector<16xf32>
        %broadcast_in_dim3A_173 = vector.broadcast %jit3A_172 : f32 to vector<16xf32>
        %select_n3A_174 = arith.select %lt3A_170, %broadcast_in_dim3A, %broadcast_in_dim3A_173 : vector<16xi1>, vector<16xf32>
        %eq3A = arith.constant 8 : i32
        %eq3A_175 = vector.broadcast %eq3A : i32 to vector<16xi32>
        %eq3A_176 = arith.cmpi eq, %iota3A, %eq3A_175 : vector<16xi32>
        %jit3A_177 = arith.constant 1.000000e+00 : f32
        %jit3A_178 = arith.constant 0.000000e+00 : f32
        %broadcast_in_dim3A_179 = vector.broadcast %jit3A_177 : f32 to vector<16xf32>
        %broadcast_in_dim3A_180 = vector.broadcast %jit3A_178 : f32 to vector<16xf32>
        %select_n3A_181 = arith.select %eq3A_176, %broadcast_in_dim3A_179, %broadcast_in_dim3A_180 : vector<16xi1>, vector<16xf32>
        %parallel_loop3A = arith.constant 0 : i32
        %parallel_loop3A_182 = arith.constant 64 : i32
        %parallel_loop3A_183 = arith.constant 1 : i32
        scf.for %parallel_loop3A_187 = %parallel_loop3A to %parallel_loop3A_182 step %parallel_loop3A_183  : i32 {
          %parallel_loop3A_188 = arith.index_cast %parallel_loop3A_187 : i32 to index
          %parallel_loop3A_189 = arith.constant 128 : index
          %parallel_loop3A_190 = tpu.vector_load %arg13[%parallel_loop3A_188, %parallel_loop3A_189] {strides = array<i32>} : memref<64x144xf32, #tpu.memory_space<vmem>>, vector<1x16xf32>,
          %parallel_loop3A_191 = vector.shape_cast %parallel_loop3A_190 : vector<1x16xf32> to vector<16xf32>
          %parallel_loop3A_192 = arith.index_cast %parallel_loop3A_187 : i32 to index
          %parallel_loop3A_193 = arith.constant 0 : index
          %parallel_loop3A_194 = tpu.vector_load %arg16[%parallel_loop3A_192, %parallel_loop3A_193] {strides = array<i32>} : memref<64x16xf32, #tpu.memory_space<vmem>>, vector<1x16xf32>,
          %parallel_loop3A_195 = vector.shape_cast %parallel_loop3A_194 : vector<1x16xf32> to vector<16xf32>
          %parallel_loop3A_196 = arith.addf %parallel_loop3A_191, %parallel_loop3A_195 : vector<16xf32>
          %parallel_loop3A_197 = arith.constant 0.000000e+00 : f32
          %parallel_loop3A_198 = vector.broadcast %parallel_loop3A_197 : f32 to vector<16xf32>
          %parallel_loop3A_199 = arith.cmpf ogt, %parallel_loop3A_196, %parallel_loop3A_198 : vector<16xf32>
          %parallel_loop3A_200 = arith.constant 2.000000e-01 : f32
          %parallel_loop3A_201 = vector.broadcast %parallel_loop3A_200 : f32 to vector<16xf32>
          %parallel_loop3A_202 = arith.mulf %parallel_loop3A_196, %parallel_loop3A_201 : vector<16xf32>
          %parallel_loop3A_203 = arith.select %parallel_loop3A_199, %parallel_loop3A_196, %parallel_loop3A_202 : vector<16xi1>, vector<16xf32>
          %parallel_loop3A_204 = math.exp %parallel_loop3A_203 : vector<16xf32>
          %parallel_loop3A_205 = arith.mulf %parallel_loop3A_204, %select_n3A_174 : vector<16xf32>
          %parallel_loop3A_206 = arith.addf %parallel_loop3A_205, %select_n3A_181 : vector<16xf32>
          %parallel_loop3A_207 = arith.index_cast %parallel_loop3A_187 : i32 to index
          %parallel_loop3A_208 = arith.constant 0 : index
          %parallel_loop3A_209 = tpu.vector_load %arg13[%parallel_loop3A_207, %parallel_loop3A_208] {strides = array<i32>} : memref<64x144xf32, #tpu.memory_space<vmem>>, vector<1x16xf32>,
          %parallel_loop3A_210 = vector.shape_cast %parallel_loop3A_209 : vector<1x16xf32> to vector<16xf32>
          %parallel_loop3A_211 = vector.extract_strided_slice %parallel_loop3A_206 {offsets = [0], sizes = [1], strides = [1]} : vector<16xf32> to vector<1xf32>
          %parallel_loop3A_212 = vector.extract %parallel_loop3A_211[0] : f32 from vector<1xf32>
          %parallel_loop3A_213 = vector.broadcast %parallel_loop3A_212 : f32 to vector<16xf32>
          %parallel_loop3A_214 = arith.mulf %parallel_loop3A_210, %parallel_loop3A_213 : vector<16xf32>
          %parallel_loop3A_215 = arith.index_cast %parallel_loop3A_187 : i32 to index
          %parallel_loop3A_216 = arith.constant 0 : index
          %parallel_loop3A_217 = tpu.vector_load %arg13[%parallel_loop3A_215, %parallel_loop3A_216] {strides = array<i32>} : memref<64x144xf32, #tpu.memory_space<vmem>>, vector<1x16xf32>,
          %parallel_loop3A_218 = vector.shape_cast %parallel_loop3A_217 : vector<1x16xf32> to vector<16xf32>
          %parallel_loop3A_219 = vector.shape_cast %parallel_loop3A_214 : vector<16xf32> to vector<1x16xf32>
          tpu.vector_store %arg13[%parallel_loop3A_215, %parallel_loop3A_216], %parallel_loop3A_219 {strides = array<i32>} : memref<64x144xf32, #tpu.memory_space<vmem>>, vector<1x16xf32>,
          %parallel_loop3A_220 = arith.index_cast %parallel_loop3A_187 : i32 to index
          %parallel_loop3A_221 = arith.constant 16 : index
          %parallel_loop3A_222 = tpu.vector_load %arg13[%parallel_loop3A_220, %parallel_loop3A_221] {strides = array<i32>} : memref<64x144xf32, #tpu.memory_space<vmem>>, vector<1x16xf32>,
          %parallel_loop3A_223 = vector.shape_cast %parallel_loop3A_222 : vector<1x16xf32> to vector<16xf32>
          %parallel_loop3A_224 = vector.extract_strided_slice %parallel_loop3A_206 {offsets = [1], sizes = [1], strides = [1]} : vector<16xf32> to vector<1xf32>
          %parallel_loop3A_225 = vector.extract %parallel_loop3A_224[0] : f32 from vector<1xf32>
          %parallel_loop3A_226 = vector.broadcast %parallel_loop3A_225 : f32 to vector<16xf32>
          %parallel_loop3A_227 = arith.mulf %parallel_loop3A_223, %parallel_loop3A_226 : vector<16xf32>
          %parallel_loop3A_228 = arith.index_cast %parallel_loop3A_187 : i32 to index
          %parallel_loop3A_229 = arith.constant 16 : index
          %parallel_loop3A_230 = tpu.vector_load %arg13[%parallel_loop3A_228, %parallel_loop3A_229] {strides = array<i32>} : memref<64x144xf32, #tpu.memory_space<vmem>>, vector<1x16xf32>,
          %parallel_loop3A_231 = vector.shape_cast %parallel_loop3A_230 : vector<1x16xf32> to vector<16xf32>
          %parallel_loop3A_232 = vector.shape_cast %parallel_loop3A_227 : vector<16xf32> to vector<1x16xf32>
          tpu.vector_store %arg13[%parallel_loop3A_228, %parallel_loop3A_229], %parallel_loop3A_232 {strides = array<i32>} : memref<64x144xf32, #tpu.memory_space<vmem>>, vector<1x16xf32>,
          %parallel_loop3A_233 = arith.index_cast %parallel_loop3A_187 : i32 to index
          %parallel_loop3A_234 = arith.constant 32 : index
          %parallel_loop3A_235 = tpu.vector_load %arg13[%parallel_loop3A_233, %parallel_loop3A_234] {strides = array<i32>} : memref<64x144xf32, #tpu.memory_space<vmem>>, vector<1x16xf32>,
          %parallel_loop3A_236 = vector.shape_cast %parallel_loop3A_235 : vector<1x16xf32> to vector<16xf32>
          %parallel_loop3A_237 = vector.extract_strided_slice %parallel_loop3A_206 {offsets = [2], sizes = [1], strides = [1]} : vector<16xf32> to vector<1xf32>
          %parallel_loop3A_238 = vector.extract %parallel_loop3A_237[0] : f32 from vector<1xf32>
          %parallel_loop3A_239 = vector.broadcast %parallel_loop3A_238 : f32 to vector<16xf32>
          %parallel_loop3A_240 = arith.mulf %parallel_loop3A_236, %parallel_loop3A_239 : vector<16xf32>
          %parallel_loop3A_241 = arith.index_cast %parallel_loop3A_187 : i32 to index
          %parallel_loop3A_242 = arith.constant 32 : index
          %parallel_loop3A_243 = tpu.vector_load %arg13[%parallel_loop3A_241, %parallel_loop3A_242] {strides = array<i32>} : memref<64x144xf32, #tpu.memory_space<vmem>>, vector<1x16xf32>,
          %parallel_loop3A_244 = vector.shape_cast %parallel_loop3A_243 : vector<1x16xf32> to vector<16xf32>
          %parallel_loop3A_245 = vector.shape_cast %parallel_loop3A_240 : vector<16xf32> to vector<1x16xf32>
          tpu.vector_store %arg13[%parallel_loop3A_241, %parallel_loop3A_242], %parallel_loop3A_245 {strides = array<i32>} : memref<64x144xf32, #tpu.memory_space<vmem>>, vector<1x16xf32>,
          %parallel_loop3A_246 = arith.index_cast %parallel_loop3A_187 : i32 to index
          %parallel_loop3A_247 = arith.constant 48 : index
          %parallel_loop3A_248 = tpu.vector_load %arg13[%parallel_loop3A_246, %parallel_loop3A_247] {strides = array<i32>} : memref<64x144xf32, #tpu.memory_space<vmem>>, vector<1x16xf32>,
          %parallel_loop3A_249 = vector.shape_cast %parallel_loop3A_248 : vector<1x16xf32> to vector<16xf32>
          %parallel_loop3A_250 = vector.extract_strided_slice %parallel_loop3A_206 {offsets = [3], sizes = [1], strides = [1]} : vector<16xf32> to vector<1xf32>
          %parallel_loop3A_251 = vector.extract %parallel_loop3A_250[0] : f32 from vector<1xf32>
          %parallel_loop3A_252 = vector.broadcast %parallel_loop3A_251 : f32 to vector<16xf32>
          %parallel_loop3A_253 = arith.mulf %parallel_loop3A_249, %parallel_loop3A_252 : vector<16xf32>
          %parallel_loop3A_254 = arith.index_cast %parallel_loop3A_187 : i32 to index
          %parallel_loop3A_255 = arith.constant 48 : index
          %parallel_loop3A_256 = tpu.vector_load %arg13[%parallel_loop3A_254, %parallel_loop3A_255] {strides = array<i32>} : memref<64x144xf32, #tpu.memory_space<vmem>>, vector<1x16xf32>,
          %parallel_loop3A_257 = vector.shape_cast %parallel_loop3A_256 : vector<1x16xf32> to vector<16xf32>
          %parallel_loop3A_258 = vector.shape_cast %parallel_loop3A_253 : vector<16xf32> to vector<1x16xf32>
          tpu.vector_store %arg13[%parallel_loop3A_254, %parallel_loop3A_255], %parallel_loop3A_258 {strides = array<i32>} : memref<64x144xf32, #tpu.memory_space<vmem>>, vector<1x16xf32>,
          %parallel_loop3A_259 = arith.index_cast %parallel_loop3A_187 : i32 to index
          %parallel_loop3A_260 = arith.constant 64 : index
          %parallel_loop3A_261 = tpu.vector_load %arg13[%parallel_loop3A_259, %parallel_loop3A_260] {strides = array<i32>} : memref<64x144xf32, #tpu.memory_space<vmem>>, vector<1x16xf32>,
          %parallel_loop3A_262 = vector.shape_cast %parallel_loop3A_261 : vector<1x16xf32> to vector<16xf32>
          %parallel_loop3A_263 = vector.extract_strided_slice %parallel_loop3A_206 {offsets = [4], sizes = [1], strides = [1]} : vector<16xf32> to vector<1xf32>
          %parallel_loop3A_264 = vector.extract %parallel_loop3A_263[0] : f32 from vector<1xf32>
          %parallel_loop3A_265 = vector.broadcast %parallel_loop3A_264 : f32 to vector<16xf32>
          %parallel_loop3A_266 = arith.mulf %parallel_loop3A_262, %parallel_loop3A_265 : vector<16xf32>
          %parallel_loop3A_267 = arith.index_cast %parallel_loop3A_187 : i32 to index
          %parallel_loop3A_268 = arith.constant 64 : index
          %parallel_loop3A_269 = tpu.vector_load %arg13[%parallel_loop3A_267, %parallel_loop3A_268] {strides = array<i32>} : memref<64x144xf32, #tpu.memory_space<vmem>>, vector<1x16xf32>,
          %parallel_loop3A_270 = vector.shape_cast %parallel_loop3A_269 : vector<1x16xf32> to vector<16xf32>
          %parallel_loop3A_271 = vector.shape_cast %parallel_loop3A_266 : vector<16xf32> to vector<1x16xf32>
          tpu.vector_store %arg13[%parallel_loop3A_267, %parallel_loop3A_268], %parallel_loop3A_271 {strides = array<i32>} : memref<64x144xf32, #tpu.memory_space<vmem>>, vector<1x16xf32>,
          %parallel_loop3A_272 = arith.index_cast %parallel_loop3A_187 : i32 to index
          %parallel_loop3A_273 = arith.constant 80 : index
          %parallel_loop3A_274 = tpu.vector_load %arg13[%parallel_loop3A_272, %parallel_loop3A_273] {strides = array<i32>} : memref<64x144xf32, #tpu.memory_space<vmem>>, vector<1x16xf32>,
          %parallel_loop3A_275 = vector.shape_cast %parallel_loop3A_274 : vector<1x16xf32> to vector<16xf32>
          %parallel_loop3A_276 = vector.extract_strided_slice %parallel_loop3A_206 {offsets = [5], sizes = [1], strides = [1]} : vector<16xf32> to vector<1xf32>
          %parallel_loop3A_277 = vector.extract %parallel_loop3A_276[0] : f32 from vector<1xf32>
          %parallel_loop3A_278 = vector.broadcast %parallel_loop3A_277 : f32 to vector<16xf32>
          %parallel_loop3A_279 = arith.mulf %parallel_loop3A_275, %parallel_loop3A_278 : vector<16xf32>
          %parallel_loop3A_280 = arith.index_cast %parallel_loop3A_187 : i32 to index
          %parallel_loop3A_281 = arith.constant 80 : index
          %parallel_loop3A_282 = tpu.vector_load %arg13[%parallel_loop3A_280, %parallel_loop3A_281] {strides = array<i32>} : memref<64x144xf32, #tpu.memory_space<vmem>>, vector<1x16xf32>,
          %parallel_loop3A_283 = vector.shape_cast %parallel_loop3A_282 : vector<1x16xf32> to vector<16xf32>
          %parallel_loop3A_284 = vector.shape_cast %parallel_loop3A_279 : vector<16xf32> to vector<1x16xf32>
          tpu.vector_store %arg13[%parallel_loop3A_280, %parallel_loop3A_281], %parallel_loop3A_284 {strides = array<i32>} : memref<64x144xf32, #tpu.memory_space<vmem>>, vector<1x16xf32>,
          %parallel_loop3A_285 = arith.index_cast %parallel_loop3A_187 : i32 to index
          %parallel_loop3A_286 = arith.constant 96 : index
          %parallel_loop3A_287 = tpu.vector_load %arg13[%parallel_loop3A_285, %parallel_loop3A_286] {strides = array<i32>} : memref<64x144xf32, #tpu.memory_space<vmem>>, vector<1x16xf32>,
          %parallel_loop3A_288 = vector.shape_cast %parallel_loop3A_287 : vector<1x16xf32> to vector<16xf32>
          %parallel_loop3A_289 = vector.extract_strided_slice %parallel_loop3A_206 {offsets = [6], sizes = [1], strides = [1]} : vector<16xf32> to vector<1xf32>
          %parallel_loop3A_290 = vector.extract %parallel_loop3A_289[0] : f32 from vector<1xf32>
          %parallel_loop3A_291 = vector.broadcast %parallel_loop3A_290 : f32 to vector<16xf32>
          %parallel_loop3A_292 = arith.mulf %parallel_loop3A_288, %parallel_loop3A_291 : vector<16xf32>
          %parallel_loop3A_293 = arith.index_cast %parallel_loop3A_187 : i32 to index
          %parallel_loop3A_294 = arith.constant 96 : index
          %parallel_loop3A_295 = tpu.vector_load %arg13[%parallel_loop3A_293, %parallel_loop3A_294] {strides = array<i32>} : memref<64x144xf32, #tpu.memory_space<vmem>>, vector<1x16xf32>,
          %parallel_loop3A_296 = vector.shape_cast %parallel_loop3A_295 : vector<1x16xf32> to vector<16xf32>
          %parallel_loop3A_297 = vector.shape_cast %parallel_loop3A_292 : vector<16xf32> to vector<1x16xf32>
          tpu.vector_store %arg13[%parallel_loop3A_293, %parallel_loop3A_294], %parallel_loop3A_297 {strides = array<i32>} : memref<64x144xf32, #tpu.memory_space<vmem>>, vector<1x16xf32>,
          %parallel_loop3A_298 = arith.index_cast %parallel_loop3A_187 : i32 to index
          %parallel_loop3A_299 = arith.constant 112 : index
          %parallel_loop3A_300 = tpu.vector_load %arg13[%parallel_loop3A_298, %parallel_loop3A_299] {strides = array<i32>} : memref<64x144xf32, #tpu.memory_space<vmem>>, vector<1x16xf32>,
          %parallel_loop3A_301 = vector.shape_cast %parallel_loop3A_300 : vector<1x16xf32> to vector<16xf32>
          %parallel_loop3A_302 = vector.extract_strided_slice %parallel_loop3A_206 {offsets = [7], sizes = [1], strides = [1]} : vector<16xf32> to vector<1xf32>
          %parallel_loop3A_303 = vector.extract %parallel_loop3A_302[0] : f32 from vector<1xf32>
          %parallel_loop3A_304 = vector.broadcast %parallel_loop3A_303 : f32 to vector<16xf32>
          %parallel_loop3A_305 = arith.mulf %parallel_loop3A_301, %parallel_loop3A_304 : vector<16xf32>
          %parallel_loop3A_306 = arith.index_cast %parallel_loop3A_187 : i32 to index
          %parallel_loop3A_307 = arith.constant 112 : index
          %parallel_loop3A_308 = tpu.vector_load %arg13[%parallel_loop3A_306, %parallel_loop3A_307] {strides = array<i32>} : memref<64x144xf32, #tpu.memory_space<vmem>>, vector<1x16xf32>,
          %parallel_loop3A_309 = vector.shape_cast %parallel_loop3A_308 : vector<1x16xf32> to vector<16xf32>
          %parallel_loop3A_310 = vector.shape_cast %parallel_loop3A_305 : vector<16xf32> to vector<1x16xf32>
          tpu.vector_store %arg13[%parallel_loop3A_306, %parallel_loop3A_307], %parallel_loop3A_310 {strides = array<i32>} : memref<64x144xf32, #tpu.memory_space<vmem>>, vector<1x16xf32>,
          %parallel_loop3A_311 = arith.index_cast %parallel_loop3A_187 : i32 to index
          %parallel_loop3A_312 = arith.constant 128 : index
          %parallel_loop3A_313 = tpu.vector_load %arg13[%parallel_loop3A_311, %parallel_loop3A_312] {strides = array<i32>} : memref<64x144xf32, #tpu.memory_space<vmem>>, vector<1x16xf32>,
          %parallel_loop3A_314 = vector.shape_cast %parallel_loop3A_313 : vector<1x16xf32> to vector<16xf32>
          %parallel_loop3A_315 = vector.shape_cast %parallel_loop3A_206 : vector<16xf32> to vector<1x16xf32>
          tpu.vector_store %arg13[%parallel_loop3A_311, %parallel_loop3A_312], %parallel_loop3A_315 {strides = array<i32>} : memref<64x144xf32, #tpu.memory_space<vmem>>, vector<1x16xf32>,
        } {sc.loop_unroll_factor = 4 : i64, sc.parallel_access}
        %dma_start3A_184 = arith.constant 0 : i32
        %dma_start3A_185 = arith.constant 0 : i32
        %dma_start3A_186 = tpu.memref_slice %arg7[%dma_start3A_184, %dma_start3A_185] : memref<10000x144xf32, #tpu.memory_space<vmem_shared>> -> memref<10000x144xf32, #tpu.memory_space<vmem_shared>>
        tpu.enqueue_indirect_dma source(%arg13 : memref<64x144xf32, #tpu.memory_space<vmem>>) target(%dma_start3A_186 : memref<10000x144xf32, #tpu.memory_space<vmem_shared>>) offsets(%arg19 : memref<64xi32, #tpu.memory_space<vmem>>) semaphore(%arg31 : memref<!tpu.dma_semaphore, #tpu.memory_space<semaphore_mem>>) {add = true}
      } else {
      }
      %scan3A_167 = arith.constant 0 : i32
      scf.yield %scan3A_167 : i32
    }
    %scan3A_78 = arith.constant 53 : i32
    %dma_wait3A_79 = arith.constant 0 : i32
    %dma_wait3A_80 = arith.constant 0 : i32
    %dma_wait3A_81 = tpu.memref_slice %arg7[%dma_wait3A_79, %dma_wait3A_80] : memref<10000x144xf32, #tpu.memory_space<vmem_shared>> -> memref<10000x144xf32, #tpu.memory_space<vmem_shared>>
    tpu.wait_indirect_dma semaphore(%arg29 : memref<!tpu.dma_semaphore, #tpu.memory_space<semaphore_mem>>) src(%arg11 : memref<64x144xf32, #tpu.memory_space<vmem>>) dst(%dma_wait3A_81 : memref<10000x144xf32, #tpu.memory_space<vmem_shared>>)
    %dma_wait3A_82 = arith.constant 0 : i32
    %dma_wait3A_83 = arith.constant 0 : i32
    %dma_wait3A_84 = tpu.memref_slice %arg7[%dma_wait3A_82, %dma_wait3A_83] : memref<10000x144xf32, #tpu.memory_space<vmem_shared>> -> memref<10000x144xf32, #tpu.memory_space<vmem_shared>>
    tpu.wait_indirect_dma semaphore(%arg30 : memref<!tpu.dma_semaphore, #tpu.memory_space<semaphore_mem>>) src(%arg12 : memref<64x144xf32, #tpu.memory_space<vmem>>) dst(%dma_wait3A_84 : memref<10000x144xf32, #tpu.memory_space<vmem_shared>>)
    %dma_wait3A_85 = arith.constant 0 : i32
    %dma_wait3A_86 = arith.constant 0 : i32
    %dma_wait3A_87 = tpu.memref_slice %arg7[%dma_wait3A_85, %dma_wait3A_86] : memref<10000x144xf32, #tpu.memory_space<vmem_shared>> -> memref<10000x144xf32, #tpu.memory_space<vmem_shared>>
    tpu.wait_indirect_dma semaphore(%arg31 : memref<!tpu.dma_semaphore, #tpu.memory_space<semaphore_mem>>) src(%arg13 : memref<64x144xf32, #tpu.memory_space<vmem>>) dst(%dma_wait3A_87 : memref<10000x144xf32, #tpu.memory_space<vmem_shared>>)
    %barrier3A_88 = arith.constant 0 : index
    tpu.barrier barrier_id(%barrier3A_88)
    %scan3A_89 = arith.constant 0 : i32
    %scan3A_90 = arith.constant 0 : i32
    %scan3A_91 = arith.constant 8 : i32
    %scan3A_92 = arith.addi %scan3A_90, %scan3A_91 : i32
    %scan3A_93 = arith.constant 1 : i32
    %scan3A_94 = scf.for %scan3A_96 = %scan3A_90 to %scan3A_92 step %scan3A_93 iter_args(%scan3A_97 = %scan3A_89) -> (i32)  : i32 {
      %mul3A_98 = arith.constant 16 : i32
      %mul3A_99 = arith.muli %scan3A_96, %mul3A_98 : i32
      %add3A_100 = arith.addi %arg1, %mul3A_99 : i32
      %lt3A = arith.constant 125 : i32
      %lt3A_101 = arith.cmpi slt, %add3A_100, %lt3A : i32
      %convert_element_type3A = arith.extui %lt3A_101 : i1 to i32
      %cond3A = arith.constant 0 : i32
      %cond3A_102 = arith.cmpi ne, %convert_element_type3A, %cond3A : i32
      scf.if %cond3A_102 {
        %mul3A_104 = arith.constant 80 : i32
        %mul3A_105 = arith.muli %add3A_100, %mul3A_104 : i32
        %mul3A_106 = arith.constant 80 : i32
        %mul3A_107 = arith.muli %add3A_100, %mul3A_106 : i32
        "tpu.region"() ({
          %run_scoped3A = tpu.sem_alloc : memref<!tpu.dma_semaphore, #tpu.memory_space<semaphore_mem>>
          %dma_start3A_112 = arith.constant 0 : i32
          %dma_start3A_113 = tpu.memref_slice %arg5[%arg0, %mul3A_107, %dma_start3A_112] : memref<2x10000x128xf32, #tpu.memory_space<hbm>> -> memref<1x80x128xf32, #tpu.memory_space<hbm>>
          %dma_start3A_114 = tpu.memref_squeeze %dma_start3A_113 : memref<1x80x128xf32, #tpu.memory_space<hbm>> -> memref<80x128xf32, #tpu.memory_space<hbm>>
          %dma_start3A_115 = arith.constant 0 : i32
          %dma_start3A_116 = tpu.memref_slice %arg7[%mul3A_105, %dma_start3A_115] : memref<10000x144xf32, #tpu.memory_space<vmem_shared>> -> memref<80x128xf32, #tpu.memory_space<vmem_shared>>
          tpu.enqueue_dma source(%dma_start3A_116 : memref<80x128xf32, #tpu.memory_space<vmem_shared>>) target(%dma_start3A_114 : memref<80x128xf32, #tpu.memory_space<hbm>>) target_semaphore(%run_scoped3A : memref<!tpu.dma_semaphore, #tpu.memory_space<semaphore_mem>>)
          %dma_wait3A_117 = arith.constant 0 : i32
          %dma_wait3A_118 = tpu.memref_slice %arg5[%arg0, %mul3A_107, %dma_wait3A_117] : memref<2x10000x128xf32, #tpu.memory_space<hbm>> -> memref<1x80x128xf32, #tpu.memory_space<hbm>>
          %dma_wait3A_119 = tpu.memref_squeeze %dma_wait3A_118 : memref<1x80x128xf32, #tpu.memory_space<hbm>> -> memref<80x128xf32, #tpu.memory_space<hbm>>
          %dma_wait3A_120 = arith.constant 0 : i32
          %dma_wait3A_121 = tpu.memref_slice %arg7[%mul3A_105, %dma_wait3A_120] : memref<10000x144xf32, #tpu.memory_space<vmem_shared>> -> memref<80x128xf32, #tpu.memory_space<vmem_shared>>
          tpu.wait_dma2 semaphore(%run_scoped3A : memref<!tpu.dma_semaphore, #tpu.memory_space<semaphore_mem>>) src(%dma_wait3A_121 : memref<80x128xf32, #tpu.memory_space<vmem_shared>>) dst(%dma_wait3A_119 : memref<80x128xf32, #tpu.memory_space<hbm>>)
          tpu.yield
        }) : () -> ()
        %mul3A_108 = arith.constant 80 : i32
        %mul3A_109 = arith.muli %add3A_100, %mul3A_108 : i32
        %mul3A_110 = arith.constant 80 : i32
        %mul3A_111 = arith.muli %add3A_100, %mul3A_110 : i32
        "tpu.region"() ({
          %run_scoped3A = tpu.sem_alloc : memref<!tpu.dma_semaphore, #tpu.memory_space<semaphore_mem>>
          %dma_start3A_112 = arith.constant 0 : i32
          %dma_start3A_113 = tpu.memref_slice %arg6[%arg0, %mul3A_111, %dma_start3A_112] : memref<2x10000x16xf32, #tpu.memory_space<hbm>> -> memref<1x80x16xf32, #tpu.memory_space<hbm>>
          %dma_start3A_114 = tpu.memref_squeeze %dma_start3A_113 : memref<1x80x16xf32, #tpu.memory_space<hbm>> -> memref<80x16xf32, #tpu.memory_space<hbm>>
          %dma_start3A_115 = arith.constant 128 : i32
          %dma_start3A_116 = tpu.memref_slice %arg7[%mul3A_109, %dma_start3A_115] : memref<10000x144xf32, #tpu.memory_space<vmem_shared>> -> memref<80x16xf32, #tpu.memory_space<vmem_shared>>
          tpu.enqueue_dma source(%dma_start3A_116 : memref<80x16xf32, #tpu.memory_space<vmem_shared>>) target(%dma_start3A_114 : memref<80x16xf32, #tpu.memory_space<hbm>>) target_semaphore(%run_scoped3A : memref<!tpu.dma_semaphore, #tpu.memory_space<semaphore_mem>>)
          %dma_wait3A_117 = arith.constant 0 : i32
          %dma_wait3A_118 = tpu.memref_slice %arg6[%arg0, %mul3A_111, %dma_wait3A_117] : memref<2x10000x16xf32, #tpu.memory_space<hbm>> -> memref<1x80x16xf32, #tpu.memory_space<hbm>>
          %dma_wait3A_119 = tpu.memref_squeeze %dma_wait3A_118 : memref<1x80x16xf32, #tpu.memory_space<hbm>> -> memref<80x16xf32, #tpu.memory_space<hbm>>
          %dma_wait3A_120 = arith.constant 128 : i32
          %dma_wait3A_121 = tpu.memref_slice %arg7[%mul3A_109, %dma_wait3A_120] : memref<10000x144xf32, #tpu.memory_space<vmem_shared>> -> memref<80x16xf32, #tpu.memory_space<vmem_shared>>
          tpu.wait_dma2 semaphore(%run_scoped3A : memref<!tpu.dma_semaphore, #tpu.memory_space<semaphore_mem>>) src(%dma_wait3A_121 : memref<80x16xf32, #tpu.memory_space<vmem_shared>>) dst(%dma_wait3A_119 : memref<80x16xf32, #tpu.memory_space<hbm>>)
          tpu.yield
        }) : () -> ()
      } else {
      }
      %scan3A_103 = arith.constant 0 : i32
      scf.yield %scan3A_103 : i32
    }
    %scan3A_95 = arith.constant 8 : i32
    return
  }
}

#map = affine_map<(d0, d1) -> (0, 0)>
#map1 = affine_map<(d0, d1) -> (0, 0, 0)>
module attributes {stable_mosaic.version = 14 : i64} {
  func.func @_sage_edges_body(%arg0: i32, %arg1: i32, %arg2: memref<10000x128xf32, #tpu.memory_space<hbm>>, %arg3: memref<2x320000xi32, #tpu.memory_space<hbm>>, %arg4: memref<2x10000x128xf32, #tpu.memory_space<hbm>>, %arg5: memref<10000x128xf32, #tpu.memory_space<vmem_shared>>, %arg6: memref<2x128xi32, #tpu.memory_space<vmem>>, %arg7: memref<2x128xi32, #tpu.memory_space<vmem>>, %arg8: memref<128x128xf32, #tpu.memory_space<vmem>>, %arg9: memref<128x128xf32, #tpu.memory_space<vmem>>, %arg10: memref<128xi32, #tpu.memory_space<vmem>>, %arg11: memref<128xi32, #tpu.memory_space<vmem>>, %arg12: memref<!tpu.dma_semaphore, #tpu.memory_space<semaphore_mem>>, %arg13: memref<!tpu.dma_semaphore, #tpu.memory_space<semaphore_mem>>, %arg14: memref<!tpu.dma_semaphore, #tpu.memory_space<semaphore_mem>>, %arg15: memref<!tpu.dma_semaphore, #tpu.memory_space<semaphore_mem>>, %arg16: memref<!tpu.dma_semaphore, #tpu.memory_space<semaphore_mem>>, %arg17: memref<!tpu.dma_semaphore, #tpu.memory_space<semaphore_mem>>) attributes {dimension_semantics = [#tpu.dimension_semantics<core_parallel>, #tpu.dimension_semantics<subcore_parallel>], iteration_bounds = array<i64: 2, 16>, scalar_prefetch = 0 : i64, scratch_operands = 13 : i64, tpu.core_type = #tpu.core_type<sc_vector_subcore>, window_params = [{transform_indices = #map}, {transform_indices = #map}, {transform_indices = #map1}]} {
    %mul3A = arith.constant 2 : i32
    %mul3A_0 = arith.muli %arg1, %mul3A : i32
    %add3A = arith.addi %mul3A_0, %arg0 : i32
    %sub3A = arith.constant 2531 : i32
    %sub3A_1 = arith.subi %sub3A, %add3A : i32
    %jit3A = arith.constant 32 : i32
    %div3A = arith.divsi %sub3A_1, %jit3A : i32
    %sign3A = arith.constant 0 : i32
    %sign3A_2 = arith.cmpi sgt, %sub3A_1, %sign3A : i32
    %sign3A_3 = arith.extui %sign3A_2 : i1 to i32
    %sign3A_4 = arith.constant 0 : i32
    %sign3A_5 = arith.cmpi slt, %sub3A_1, %sign3A_4 : i32
    %sign3A_6 = arith.extui %sign3A_5 : i1 to i32
    %sign3A_7 = arith.subi %sign3A_3, %sign3A_6 : i32
    %sign3A_8 = arith.constant 0 : i32
    %sign3A_9 = arith.cmpi sgt, %jit3A, %sign3A_8 : i32
    %sign3A_10 = arith.extui %sign3A_9 : i1 to i32
    %sign3A_11 = arith.constant 0 : i32
    %sign3A_12 = arith.cmpi slt, %jit3A, %sign3A_11 : i32
    %sign3A_13 = arith.extui %sign3A_12 : i1 to i32
    %sign3A_14 = arith.subi %sign3A_10, %sign3A_13 : i32
    %ne3A = arith.cmpi ne, %sign3A_7, %sign3A_14 : i32
    %rem3A = arith.remsi %sub3A_1, %jit3A : i32
    %ne3A_15 = arith.constant 0 : i32
    %ne3A_16 = arith.cmpi ne, %rem3A, %ne3A_15 : i32
    %and3A = arith.andi %ne3A, %ne3A_16 : i1
    %sub3A_17 = arith.constant 1 : i32
    %sub3A_18 = arith.subi %div3A, %sub3A_17 : i32
    %select_n3A = arith.select %and3A, %sub3A_18, %div3A : i32
    %scan3A = arith.constant 0 : i32
    %scan3A_19 = arith.constant 0 : i32
    %scan3A_20 = arith.constant 80 : i32
    %scan3A_21 = arith.addi %scan3A_19, %scan3A_20 : i32
    %scan3A_22 = arith.constant 1 : i32
    %scan3A_23 = scf.for %scan3A_78 = %scan3A_19 to %scan3A_21 step %scan3A_22 iter_args(%scan3A_79 = %scan3A) -> (i32)  : i32 {
      %broadcast_in_dim3A = arith.constant 0.000000e+00 : f32
      %broadcast_in_dim3A_80 = vector.broadcast %broadcast_in_dim3A : f32 to vector<16xf32>
      %swap3A = arith.index_cast %scan3A_78 : i32 to index
      %swap3A_81 = arith.constant 0 : index
      %swap3A_82 = tpu.vector_load %arg8[%swap3A, %swap3A_81] {strides = array<i32>} : memref<128x128xf32, #tpu.memory_space<vmem>>, vector<1x16xf32>,
      %swap3A_83 = vector.shape_cast %swap3A_82 : vector<1x16xf32> to vector<16xf32>
      %swap3A_84 = vector.shape_cast %broadcast_in_dim3A_80 : vector<16xf32> to vector<1x16xf32>
      tpu.vector_store %arg8[%swap3A, %swap3A_81], %swap3A_84 {strides = array<i32>} : memref<128x128xf32, #tpu.memory_space<vmem>>, vector<1x16xf32>,
      %broadcast_in_dim3A_85 = arith.constant 0.000000e+00 : f32
      %broadcast_in_dim3A_86 = vector.broadcast %broadcast_in_dim3A_85 : f32 to vector<16xf32>
      %swap3A_87 = arith.index_cast %scan3A_78 : i32 to index
      %swap3A_88 = arith.constant 16 : index
      %swap3A_89 = tpu.vector_load %arg8[%swap3A_87, %swap3A_88] {strides = array<i32>} : memref<128x128xf32, #tpu.memory_space<vmem>>, vector<1x16xf32>,
      %swap3A_90 = vector.shape_cast %swap3A_89 : vector<1x16xf32> to vector<16xf32>
      %swap3A_91 = vector.shape_cast %broadcast_in_dim3A_86 : vector<16xf32> to vector<1x16xf32>
      tpu.vector_store %arg8[%swap3A_87, %swap3A_88], %swap3A_91 {strides = array<i32>} : memref<128x128xf32, #tpu.memory_space<vmem>>, vector<1x16xf32>,
      %broadcast_in_dim3A_92 = arith.constant 0.000000e+00 : f32
      %broadcast_in_dim3A_93 = vector.broadcast %broadcast_in_dim3A_92 : f32 to vector<16xf32>
      %swap3A_94 = arith.index_cast %scan3A_78 : i32 to index
      %swap3A_95 = arith.constant 32 : index
      %swap3A_96 = tpu.vector_load %arg8[%swap3A_94, %swap3A_95] {strides = array<i32>} : memref<128x128xf32, #tpu.memory_space<vmem>>, vector<1x16xf32>,
      %swap3A_97 = vector.shape_cast %swap3A_96 : vector<1x16xf32> to vector<16xf32>
      %swap3A_98 = vector.shape_cast %broadcast_in_dim3A_93 : vector<16xf32> to vector<1x16xf32>
      tpu.vector_store %arg8[%swap3A_94, %swap3A_95], %swap3A_98 {strides = array<i32>} : memref<128x128xf32, #tpu.memory_space<vmem>>, vector<1x16xf32>,
      %broadcast_in_dim3A_99 = arith.constant 0.000000e+00 : f32
      %broadcast_in_dim3A_100 = vector.broadcast %broadcast_in_dim3A_99 : f32 to vector<16xf32>
      %swap3A_101 = arith.index_cast %scan3A_78 : i32 to index
      %swap3A_102 = arith.constant 48 : index
      %swap3A_103 = tpu.vector_load %arg8[%swap3A_101, %swap3A_102] {strides = array<i32>} : memref<128x128xf32, #tpu.memory_space<vmem>>, vector<1x16xf32>,
      %swap3A_104 = vector.shape_cast %swap3A_103 : vector<1x16xf32> to vector<16xf32>
      %swap3A_105 = vector.shape_cast %broadcast_in_dim3A_100 : vector<16xf32> to vector<1x16xf32>
      tpu.vector_store %arg8[%swap3A_101, %swap3A_102], %swap3A_105 {strides = array<i32>} : memref<128x128xf32, #tpu.memory_space<vmem>>, vector<1x16xf32>,
      %broadcast_in_dim3A_106 = arith.constant 0.000000e+00 : f32
      %broadcast_in_dim3A_107 = vector.broadcast %broadcast_in_dim3A_106 : f32 to vector<16xf32>
      %swap3A_108 = arith.index_cast %scan3A_78 : i32 to index
      %swap3A_109 = arith.constant 64 : index
      %swap3A_110 = tpu.vector_load %arg8[%swap3A_108, %swap3A_109] {strides = array<i32>} : memref<128x128xf32, #tpu.memory_space<vmem>>, vector<1x16xf32>,
      %swap3A_111 = vector.shape_cast %swap3A_110 : vector<1x16xf32> to vector<16xf32>
      %swap3A_112 = vector.shape_cast %broadcast_in_dim3A_107 : vector<16xf32> to vector<1x16xf32>
      tpu.vector_store %arg8[%swap3A_108, %swap3A_109], %swap3A_112 {strides = array<i32>} : memref<128x128xf32, #tpu.memory_space<vmem>>, vector<1x16xf32>,
      %broadcast_in_dim3A_113 = arith.constant 0.000000e+00 : f32
      %broadcast_in_dim3A_114 = vector.broadcast %broadcast_in_dim3A_113 : f32 to vector<16xf32>
      %swap3A_115 = arith.index_cast %scan3A_78 : i32 to index
      %swap3A_116 = arith.constant 80 : index
      %swap3A_117 = tpu.vector_load %arg8[%swap3A_115, %swap3A_116] {strides = array<i32>} : memref<128x128xf32, #tpu.memory_space<vmem>>, vector<1x16xf32>,
      %swap3A_118 = vector.shape_cast %swap3A_117 : vector<1x16xf32> to vector<16xf32>
      %swap3A_119 = vector.shape_cast %broadcast_in_dim3A_114 : vector<16xf32> to vector<1x16xf32>
      tpu.vector_store %arg8[%swap3A_115, %swap3A_116], %swap3A_119 {strides = array<i32>} : memref<128x128xf32, #tpu.memory_space<vmem>>, vector<1x16xf32>,
      %broadcast_in_dim3A_120 = arith.constant 0.000000e+00 : f32
      %broadcast_in_dim3A_121 = vector.broadcast %broadcast_in_dim3A_120 : f32 to vector<16xf32>
      %swap3A_122 = arith.index_cast %scan3A_78 : i32 to index
      %swap3A_123 = arith.constant 96 : index
      %swap3A_124 = tpu.vector_load %arg8[%swap3A_122, %swap3A_123] {strides = array<i32>} : memref<128x128xf32, #tpu.memory_space<vmem>>, vector<1x16xf32>,
      %swap3A_125 = vector.shape_cast %swap3A_124 : vector<1x16xf32> to vector<16xf32>
      %swap3A_126 = vector.shape_cast %broadcast_in_dim3A_121 : vector<16xf32> to vector<1x16xf32>
      tpu.vector_store %arg8[%swap3A_122, %swap3A_123], %swap3A_126 {strides = array<i32>} : memref<128x128xf32, #tpu.memory_space<vmem>>, vector<1x16xf32>,
      %broadcast_in_dim3A_127 = arith.constant 0.000000e+00 : f32
      %broadcast_in_dim3A_128 = vector.broadcast %broadcast_in_dim3A_127 : f32 to vector<16xf32>
      %swap3A_129 = arith.index_cast %scan3A_78 : i32 to index
      %swap3A_130 = arith.constant 112 : index
      %swap3A_131 = tpu.vector_load %arg8[%swap3A_129, %swap3A_130] {strides = array<i32>} : memref<128x128xf32, #tpu.memory_space<vmem>>, vector<1x16xf32>,
      %swap3A_132 = vector.shape_cast %swap3A_131 : vector<1x16xf32> to vector<16xf32>
      %swap3A_133 = vector.shape_cast %broadcast_in_dim3A_128 : vector<16xf32> to vector<1x16xf32>
      tpu.vector_store %arg8[%swap3A_129, %swap3A_130], %swap3A_133 {strides = array<i32>} : memref<128x128xf32, #tpu.memory_space<vmem>>, vector<1x16xf32>,
      %scan3A_134 = arith.constant 0 : i32
      scf.yield %scan3A_134 : i32
    }
    %scan3A_24 = arith.constant 80 : i32
    %scan3A_25 = arith.constant 0 : i32
    %scan3A_26 = arith.constant 0 : i32
    %scan3A_27 = arith.constant 8 : i32
    %scan3A_28 = arith.addi %scan3A_26, %scan3A_27 : i32
    %scan3A_29 = arith.constant 1 : i32
    %scan3A_30 = scf.for %scan3A_78 = %scan3A_26 to %scan3A_28 step %scan3A_29 iter_args(%scan3A_79 = %scan3A_25) -> (i32)  : i32 {
      %mul3A_80 = arith.constant 16 : i32
      %mul3A_81 = arith.muli %scan3A_78, %mul3A_80 : i32
      %add3A_82 = arith.addi %arg1, %mul3A_81 : i32
      %lt3A = arith.constant 125 : i32
      %lt3A_83 = arith.cmpi slt, %add3A_82, %lt3A : i32
      %convert_element_type3A = arith.extui %lt3A_83 : i1 to i32
      %cond3A = arith.constant 0 : i32
      %cond3A_84 = arith.cmpi ne, %convert_element_type3A, %cond3A : i32
      scf.if %cond3A_84 {
        %mul3A_86 = arith.constant 80 : i32
        %mul3A_87 = arith.muli %add3A_82, %mul3A_86 : i32
        "tpu.region"() ({
          %run_scoped3A = tpu.sem_alloc : memref<!tpu.dma_semaphore, #tpu.memory_space<semaphore_mem>>
          %dma_start3A_88 = arith.constant 0 : i32
          %dma_start3A_89 = arith.constant 0 : i32
          %dma_start3A_90 = tpu.memref_slice %arg8[%dma_start3A_88, %dma_start3A_89] : memref<128x128xf32, #tpu.memory_space<vmem>> -> memref<80x128xf32, #tpu.memory_space<vmem>>
          %dma_start3A_91 = arith.constant 0 : i32
          %dma_start3A_92 = tpu.memref_slice %arg5[%mul3A_87, %dma_start3A_91] : memref<10000x128xf32, #tpu.memory_space<vmem_shared>> -> memref<80x128xf32, #tpu.memory_space<vmem_shared>>
          %dma_start3A_93 = arith.constant 0 : i32
          %dma_start3A_94 = tpu.memref_slice %arg5[%mul3A_87, %dma_start3A_93] : memref<10000x128xf32, #tpu.memory_space<vmem_shared>> -> memref<80x128xf32, #tpu.memory_space<vmem_shared>>
          %dma_start3A_95 = arith.constant 0 : i32
          %dma_start3A_96 = arith.constant 0 : i32
          %dma_start3A_97 = tpu.memref_slice %arg8[%dma_start3A_95, %dma_start3A_96] : memref<128x128xf32, #tpu.memory_space<vmem>> -> memref<80x128xf32, #tpu.memory_space<vmem>>
          tpu.enqueue_dma source(%dma_start3A_97 : memref<80x128xf32, #tpu.memory_space<vmem>>) target(%dma_start3A_94 : memref<80x128xf32, #tpu.memory_space<vmem_shared>>) target_semaphore(%run_scoped3A : memref<!tpu.dma_semaphore, #tpu.memory_space<semaphore_mem>>)
          %dma_wait3A_98 = arith.constant 0 : i32
          %dma_wait3A_99 = arith.constant 0 : i32
          %dma_wait3A_100 = tpu.memref_slice %arg8[%dma_wait3A_98, %dma_wait3A_99] : memref<128x128xf32, #tpu.memory_space<vmem>> -> memref<80x128xf32, #tpu.memory_space<vmem>>
          %dma_wait3A_101 = arith.constant 0 : i32
          %dma_wait3A_102 = tpu.memref_slice %arg5[%mul3A_87, %dma_wait3A_101] : memref<10000x128xf32, #tpu.memory_space<vmem_shared>> -> memref<80x128xf32, #tpu.memory_space<vmem_shared>>
          %dma_wait3A_103 = arith.constant 0 : i32
          %dma_wait3A_104 = tpu.memref_slice %arg5[%mul3A_87, %dma_wait3A_103] : memref<10000x128xf32, #tpu.memory_space<vmem_shared>> -> memref<80x128xf32, #tpu.memory_space<vmem_shared>>
          %dma_wait3A_105 = arith.constant 0 : i32
          %dma_wait3A_106 = arith.constant 0 : i32
          %dma_wait3A_107 = tpu.memref_slice %arg8[%dma_wait3A_105, %dma_wait3A_106] : memref<128x128xf32, #tpu.memory_space<vmem>> -> memref<80x128xf32, #tpu.memory_space<vmem>>
          tpu.wait_dma2 semaphore(%run_scoped3A : memref<!tpu.dma_semaphore, #tpu.memory_space<semaphore_mem>>) src(%dma_wait3A_107 : memref<80x128xf32, #tpu.memory_space<vmem>>) dst(%dma_wait3A_104 : memref<80x128xf32, #tpu.memory_space<vmem_shared>>)
          tpu.yield
        }) : () -> ()
      } else {
      }
      %scan3A_85 = arith.constant 0 : i32
      scf.yield %scan3A_85 : i32
    }
    %scan3A_31 = arith.constant 8 : i32
    %barrier3A = arith.constant 0 : index
    tpu.barrier barrier_id(%barrier3A)
    %add3A_32 = arith.constant 0 : i32
    %add3A_33 = arith.addi %add3A, %add3A_32 : i32
    %mul3A_34 = arith.constant 128 : i32
    %mul3A_35 = arith.muli %add3A_33, %mul3A_34 : i32
    %dma_start3A = arith.constant 0 : i32
    %dma_start3A_36 = tpu.memref_slice %arg3[%dma_start3A, %mul3A_35] : memref<2x320000xi32, #tpu.memory_space<hbm>> -> memref<2x128xi32, #tpu.memory_space<hbm>>
    %dma_start3A_37 = arith.constant 0 : i32
    %dma_start3A_38 = tpu.memref_slice %arg3[%dma_start3A_37, %mul3A_35] : memref<2x320000xi32, #tpu.memory_space<hbm>> -> memref<2x128xi32, #tpu.memory_space<hbm>>
    tpu.enqueue_dma source(%dma_start3A_38 : memref<2x128xi32, #tpu.memory_space<hbm>>) target(%arg6 : memref<2x128xi32, #tpu.memory_space<vmem>>) target_semaphore(%arg12 : memref<!tpu.dma_semaphore, #tpu.memory_space<semaphore_mem>>)
    %dma_wait3A = arith.constant 0 : i32
    %dma_wait3A_39 = tpu.memref_slice %arg3[%dma_wait3A, %mul3A_35] : memref<2x320000xi32, #tpu.memory_space<hbm>> -> memref<2x128xi32, #tpu.memory_space<hbm>>
    %dma_wait3A_40 = arith.constant 0 : i32
    %dma_wait3A_41 = tpu.memref_slice %arg3[%dma_wait3A_40, %mul3A_35] : memref<2x320000xi32, #tpu.memory_space<hbm>> -> memref<2x128xi32, #tpu.memory_space<hbm>>
    tpu.wait_dma2 semaphore(%arg12 : memref<!tpu.dma_semaphore, #tpu.memory_space<semaphore_mem>>) src(%dma_wait3A_41 : memref<2x128xi32, #tpu.memory_space<hbm>>) dst(%arg6 : memref<2x128xi32, #tpu.memory_space<vmem>>)
    %dma_start3A_42 = arith.constant 0 : i32
    %dma_start3A_43 = arith.constant 0 : i32
    %dma_start3A_44 = tpu.memref_slice %arg6[%dma_start3A_42, %dma_start3A_43] : memref<2x128xi32, #tpu.memory_space<vmem>> -> memref<1x128xi32, #tpu.memory_space<vmem>>
    %dma_start3A_45 = tpu.memref_squeeze %dma_start3A_44 : memref<1x128xi32, #tpu.memory_space<vmem>> -> memref<128xi32, #tpu.memory_space<vmem>>
    %dma_start3A_46 = arith.constant 0 : i32
    %dma_start3A_47 = arith.constant 0 : i32
    %dma_start3A_48 = tpu.memref_slice %arg2[%dma_start3A_46, %dma_start3A_47] : memref<10000x128xf32, #tpu.memory_space<hbm>> -> memref<10000x128xf32, #tpu.memory_space<hbm>>
    tpu.enqueue_indirect_dma source(%dma_start3A_48 : memref<10000x128xf32, #tpu.memory_space<hbm>>) target(%arg8 : memref<128x128xf32, #tpu.memory_space<vmem>>) offsets(%dma_start3A_45 : memref<128xi32, #tpu.memory_space<vmem>>) semaphore(%arg14 : memref<!tpu.dma_semaphore, #tpu.memory_space<semaphore_mem>>)
    %add3A_49 = arith.constant 32 : i32
    %add3A_50 = arith.addi %add3A, %add3A_49 : i32
    %mul3A_51 = arith.constant 128 : i32
    %mul3A_52 = arith.muli %add3A_50, %mul3A_51 : i32
    %dma_start3A_53 = arith.constant 0 : i32
    %dma_start3A_54 = tpu.memref_slice %arg3[%dma_start3A_53, %mul3A_52] : memref<2x320000xi32, #tpu.memory_space<hbm>> -> memref<2x128xi32, #tpu.memory_space<hbm>>
    %dma_start3A_55 = arith.constant 0 : i32
    %dma_start3A_56 = tpu.memref_slice %arg3[%dma_start3A_55, %mul3A_52] : memref<2x320000xi32, #tpu.memory_space<hbm>> -> memref<2x128xi32, #tpu.memory_space<hbm>>
    tpu.enqueue_dma source(%dma_start3A_56 : memref<2x128xi32, #tpu.memory_space<hbm>>) target(%arg7 : memref<2x128xi32, #tpu.memory_space<vmem>>) target_semaphore(%arg13 : memref<!tpu.dma_semaphore, #tpu.memory_space<semaphore_mem>>)
    %scan3A_57 = arith.constant 0 : i32
    %scan3A_58 = arith.constant 0 : i32
    %scan3A_59 = arith.constant 40 : i32
    %scan3A_60 = arith.addi %scan3A_58, %scan3A_59 : i32
    %scan3A_61 = arith.constant 1 : i32
    %scan3A_62 = scf.for %scan3A_78 = %scan3A_58 to %scan3A_60 step %scan3A_61 iter_args(%scan3A_79 = %scan3A_57) -> (i32)  : i32 {
      %mul3A_80 = arith.constant 2 : i32
      %mul3A_81 = arith.muli %scan3A_78, %mul3A_80 : i32
      %add3A_82 = arith.constant 0 : i32
      %add3A_83 = arith.addi %mul3A_81, %add3A_82 : i32
      %add3A_84 = arith.constant 1 : i32
      %add3A_85 = arith.addi %add3A_83, %add3A_84 : i32
      %lt3A = arith.cmpi slt, %add3A_85, %select_n3A : i32
      %convert_element_type3A = arith.extui %lt3A : i1 to i32
      %cond3A = arith.constant 0 : i32
      %cond3A_86 = arith.cmpi ne, %convert_element_type3A, %cond3A : i32
      scf.if %cond3A_86 {
        %add3A_126 = arith.constant 1 : i32
        %add3A_127 = arith.addi %add3A_83, %add3A_126 : i32
        %mul3A_128 = arith.constant 32 : i32
        %mul3A_129 = arith.muli %add3A_127, %mul3A_128 : i32
        %add3A_130 = arith.addi %add3A, %mul3A_129 : i32
        %mul3A_131 = arith.constant 128 : i32
        %mul3A_132 = arith.muli %add3A_130, %mul3A_131 : i32
        %dma_wait3A_133 = arith.constant 0 : i32
        %dma_wait3A_134 = tpu.memref_slice %arg3[%dma_wait3A_133, %mul3A_132] : memref<2x320000xi32, #tpu.memory_space<hbm>> -> memref<2x128xi32, #tpu.memory_space<hbm>>
        %dma_wait3A_135 = arith.constant 0 : i32
        %dma_wait3A_136 = tpu.memref_slice %arg3[%dma_wait3A_135, %mul3A_132] : memref<2x320000xi32, #tpu.memory_space<hbm>> -> memref<2x128xi32, #tpu.memory_space<hbm>>
        tpu.wait_dma2 semaphore(%arg13 : memref<!tpu.dma_semaphore, #tpu.memory_space<semaphore_mem>>) src(%dma_wait3A_136 : memref<2x128xi32, #tpu.memory_space<hbm>>) dst(%arg7 : memref<2x128xi32, #tpu.memory_space<vmem>>)
        %ge3A = arith.constant 1 : i32
        %ge3A_137 = arith.cmpi sge, %add3A_83, %ge3A : i32
        %convert_element_type3A_138 = arith.extui %ge3A_137 : i1 to i32
        %cond3A_139 = arith.constant 0 : i32
        %cond3A_140 = arith.cmpi ne, %convert_element_type3A_138, %cond3A_139 : i32
        scf.if %cond3A_140 {
          %dma_wait3A_148 = arith.constant 0 : i32
          %dma_wait3A_149 = arith.constant 0 : i32
          %dma_wait3A_150 = tpu.memref_slice %arg5[%dma_wait3A_148, %dma_wait3A_149] : memref<10000x128xf32, #tpu.memory_space<vmem_shared>> -> memref<10000x128xf32, #tpu.memory_space<vmem_shared>>
          tpu.wait_indirect_dma semaphore(%arg17 : memref<!tpu.dma_semaphore, #tpu.memory_space<semaphore_mem>>) src(%arg9 : memref<128x128xf32, #tpu.memory_space<vmem>>) dst(%dma_wait3A_150 : memref<10000x128xf32, #tpu.memory_space<vmem_shared>>)
        } else {
        }
        %dma_start3A_141 = arith.constant 0 : i32
        %dma_start3A_142 = arith.constant 0 : i32
        %dma_start3A_143 = tpu.memref_slice %arg7[%dma_start3A_141, %dma_start3A_142] : memref<2x128xi32, #tpu.memory_space<vmem>> -> memref<1x128xi32, #tpu.memory_space<vmem>>
        %dma_start3A_144 = tpu.memref_squeeze %dma_start3A_143 : memref<1x128xi32, #tpu.memory_space<vmem>> -> memref<128xi32, #tpu.memory_space<vmem>>
        %dma_start3A_145 = arith.constant 0 : i32
        %dma_start3A_146 = arith.constant 0 : i32
        %dma_start3A_147 = tpu.memref_slice %arg2[%dma_start3A_145, %dma_start3A_146] : memref<10000x128xf32, #tpu.memory_space<hbm>> -> memref<10000x128xf32, #tpu.memory_space<hbm>>
        tpu.enqueue_indirect_dma source(%dma_start3A_147 : memref<10000x128xf32, #tpu.memory_space<hbm>>) target(%arg9 : memref<128x128xf32, #tpu.memory_space<vmem>>) offsets(%dma_start3A_144 : memref<128xi32, #tpu.memory_space<vmem>>) semaphore(%arg15 : memref<!tpu.dma_semaphore, #tpu.memory_space<semaphore_mem>>)
      } else {
      }
      %lt3A_87 = arith.cmpi slt, %add3A_83, %select_n3A : i32
      %convert_element_type3A_88 = arith.extui %lt3A_87 : i1 to i32
      %cond3A_89 = arith.constant 0 : i32
      %cond3A_90 = arith.cmpi ne, %convert_element_type3A_88, %cond3A_89 : i32
      scf.if %cond3A_90 {
        %dma_wait3A_126 = arith.constant 0 : i32
        %dma_wait3A_127 = arith.constant 0 : i32
        %dma_wait3A_128 = tpu.memref_slice %arg6[%dma_wait3A_126, %dma_wait3A_127] : memref<2x128xi32, #tpu.memory_space<vmem>> -> memref<1x128xi32, #tpu.memory_space<vmem>>
        %dma_wait3A_129 = tpu.memref_squeeze %dma_wait3A_128 : memref<1x128xi32, #tpu.memory_space<vmem>> -> memref<128xi32, #tpu.memory_space<vmem>>
        %dma_wait3A_130 = arith.constant 0 : i32
        %dma_wait3A_131 = arith.constant 0 : i32
        %dma_wait3A_132 = tpu.memref_slice %arg2[%dma_wait3A_130, %dma_wait3A_131] : memref<10000x128xf32, #tpu.memory_space<hbm>> -> memref<10000x128xf32, #tpu.memory_space<hbm>>
        tpu.wait_indirect_dma semaphore(%arg14 : memref<!tpu.dma_semaphore, #tpu.memory_space<semaphore_mem>>) src(%dma_wait3A_132 : memref<10000x128xf32, #tpu.memory_space<hbm>>) dst(%arg8 : memref<128x128xf32, #tpu.memory_space<vmem>>)
        %get3A = arith.constant 1 : i32
        %get3A_133 = arith.index_cast %get3A : i32 to index
        %get3A_134 = arith.constant 0 : index
        %get3A_135 = tpu.vector_load %arg6[%get3A_133, %get3A_134] {strides = array<i32>} : memref<2x128xi32, #tpu.memory_space<vmem>>, vector<1x16xi32>,
        %get3A_136 = vector.shape_cast %get3A_135 : vector<1x16xi32> to vector<16xi32>
        %swap3A = arith.constant 0 : index
        %swap3A_137 = tpu.vector_load %arg10[%swap3A] {strides = array<i32>} : memref<128xi32, #tpu.memory_space<vmem>>, vector<16xi32>,
        %swap3A_138 = vector.shape_cast %swap3A_137 : vector<16xi32> to vector<16xi32>
        %swap3A_139 = vector.shape_cast %get3A_136 : vector<16xi32> to vector<16xi32>
        tpu.vector_store %arg10[%swap3A], %swap3A_139 {strides = array<i32>} : memref<128xi32, #tpu.memory_space<vmem>>, vector<16xi32>,
        %get3A_140 = arith.constant 1 : i32
        %get3A_141 = arith.index_cast %get3A_140 : i32 to index
        %get3A_142 = arith.constant 16 : index
        %get3A_143 = tpu.vector_load %arg6[%get3A_141, %get3A_142] {strides = array<i32>} : memref<2x128xi32, #tpu.memory_space<vmem>>, vector<1x16xi32>,
        %get3A_144 = vector.shape_cast %get3A_143 : vector<1x16xi32> to vector<16xi32>
        %swap3A_145 = arith.constant 16 : index
        %swap3A_146 = tpu.vector_load %arg10[%swap3A_145] {strides = array<i32>} : memref<128xi32, #tpu.memory_space<vmem>>, vector<16xi32>,
        %swap3A_147 = vector.shape_cast %swap3A_146 : vector<16xi32> to vector<16xi32>
        %swap3A_148 = vector.shape_cast %get3A_144 : vector<16xi32> to vector<16xi32>
        tpu.vector_store %arg10[%swap3A_145], %swap3A_148 {strides = array<i32>} : memref<128xi32, #tpu.memory_space<vmem>>, vector<16xi32>,
        %get3A_149 = arith.constant 1 : i32
        %get3A_150 = arith.index_cast %get3A_149 : i32 to index
        %get3A_151 = arith.constant 32 : index
        %get3A_152 = tpu.vector_load %arg6[%get3A_150, %get3A_151] {strides = array<i32>} : memref<2x128xi32, #tpu.memory_space<vmem>>, vector<1x16xi32>,
        %get3A_153 = vector.shape_cast %get3A_152 : vector<1x16xi32> to vector<16xi32>
        %swap3A_154 = arith.constant 32 : index
        %swap3A_155 = tpu.vector_load %arg10[%swap3A_154] {strides = array<i32>} : memref<128xi32, #tpu.memory_space<vmem>>, vector<16xi32>,
        %swap3A_156 = vector.shape_cast %swap3A_155 : vector<16xi32> to vector<16xi32>
        %swap3A_157 = vector.shape_cast %get3A_153 : vector<16xi32> to vector<16xi32>
        tpu.vector_store %arg10[%swap3A_154], %swap3A_157 {strides = array<i32>} : memref<128xi32, #tpu.memory_space<vmem>>, vector<16xi32>,
        %get3A_158 = arith.constant 1 : i32
        %get3A_159 = arith.index_cast %get3A_158 : i32 to index
        %get3A_160 = arith.constant 48 : index
        %get3A_161 = tpu.vector_load %arg6[%get3A_159, %get3A_160] {strides = array<i32>} : memref<2x128xi32, #tpu.memory_space<vmem>>, vector<1x16xi32>,
        %get3A_162 = vector.shape_cast %get3A_161 : vector<1x16xi32> to vector<16xi32>
        %swap3A_163 = arith.constant 48 : index
        %swap3A_164 = tpu.vector_load %arg10[%swap3A_163] {strides = array<i32>} : memref<128xi32, #tpu.memory_space<vmem>>, vector<16xi32>,
        %swap3A_165 = vector.shape_cast %swap3A_164 : vector<16xi32> to vector<16xi32>
        %swap3A_166 = vector.shape_cast %get3A_162 : vector<16xi32> to vector<16xi32>
        tpu.vector_store %arg10[%swap3A_163], %swap3A_166 {strides = array<i32>} : memref<128xi32, #tpu.memory_space<vmem>>, vector<16xi32>,
        %get3A_167 = arith.constant 1 : i32
        %get3A_168 = arith.index_cast %get3A_167 : i32 to index
        %get3A_169 = arith.constant 64 : index
        %get3A_170 = tpu.vector_load %arg6[%get3A_168, %get3A_169] {strides = array<i32>} : memref<2x128xi32, #tpu.memory_space<vmem>>, vector<1x16xi32>,
        %get3A_171 = vector.shape_cast %get3A_170 : vector<1x16xi32> to vector<16xi32>
        %swap3A_172 = arith.constant 64 : index
        %swap3A_173 = tpu.vector_load %arg10[%swap3A_172] {strides = array<i32>} : memref<128xi32, #tpu.memory_space<vmem>>, vector<16xi32>,
        %swap3A_174 = vector.shape_cast %swap3A_173 : vector<16xi32> to vector<16xi32>
        %swap3A_175 = vector.shape_cast %get3A_171 : vector<16xi32> to vector<16xi32>
        tpu.vector_store %arg10[%swap3A_172], %swap3A_175 {strides = array<i32>} : memref<128xi32, #tpu.memory_space<vmem>>, vector<16xi32>,
        %get3A_176 = arith.constant 1 : i32
        %get3A_177 = arith.index_cast %get3A_176 : i32 to index
        %get3A_178 = arith.constant 80 : index
        %get3A_179 = tpu.vector_load %arg6[%get3A_177, %get3A_178] {strides = array<i32>} : memref<2x128xi32, #tpu.memory_space<vmem>>, vector<1x16xi32>,
        %get3A_180 = vector.shape_cast %get3A_179 : vector<1x16xi32> to vector<16xi32>
        %swap3A_181 = arith.constant 80 : index
        %swap3A_182 = tpu.vector_load %arg10[%swap3A_181] {strides = array<i32>} : memref<128xi32, #tpu.memory_space<vmem>>, vector<16xi32>,
        %swap3A_183 = vector.shape_cast %swap3A_182 : vector<16xi32> to vector<16xi32>
        %swap3A_184 = vector.shape_cast %get3A_180 : vector<16xi32> to vector<16xi32>
        tpu.vector_store %arg10[%swap3A_181], %swap3A_184 {strides = array<i32>} : memref<128xi32, #tpu.memory_space<vmem>>, vector<16xi32>,
        %get3A_185 = arith.constant 1 : i32
        %get3A_186 = arith.index_cast %get3A_185 : i32 to index
        %get3A_187 = arith.constant 96 : index
        %get3A_188 = tpu.vector_load %arg6[%get3A_186, %get3A_187] {strides = array<i32>} : memref<2x128xi32, #tpu.memory_space<vmem>>, vector<1x16xi32>,
        %get3A_189 = vector.shape_cast %get3A_188 : vector<1x16xi32> to vector<16xi32>
        %swap3A_190 = arith.constant 96 : index
        %swap3A_191 = tpu.vector_load %arg10[%swap3A_190] {strides = array<i32>} : memref<128xi32, #tpu.memory_space<vmem>>, vector<16xi32>,
        %swap3A_192 = vector.shape_cast %swap3A_191 : vector<16xi32> to vector<16xi32>
        %swap3A_193 = vector.shape_cast %get3A_189 : vector<16xi32> to vector<16xi32>
        tpu.vector_store %arg10[%swap3A_190], %swap3A_193 {strides = array<i32>} : memref<128xi32, #tpu.memory_space<vmem>>, vector<16xi32>,
        %get3A_194 = arith.constant 1 : i32
        %get3A_195 = arith.index_cast %get3A_194 : i32 to index
        %get3A_196 = arith.constant 112 : index
        %get3A_197 = tpu.vector_load %arg6[%get3A_195, %get3A_196] {strides = array<i32>} : memref<2x128xi32, #tpu.memory_space<vmem>>, vector<1x16xi32>,
        %get3A_198 = vector.shape_cast %get3A_197 : vector<1x16xi32> to vector<16xi32>
        %swap3A_199 = arith.constant 112 : index
        %swap3A_200 = tpu.vector_load %arg10[%swap3A_199] {strides = array<i32>} : memref<128xi32, #tpu.memory_space<vmem>>, vector<16xi32>,
        %swap3A_201 = vector.shape_cast %swap3A_200 : vector<16xi32> to vector<16xi32>
        %swap3A_202 = vector.shape_cast %get3A_198 : vector<16xi32> to vector<16xi32>
        tpu.vector_store %arg10[%swap3A_199], %swap3A_202 {strides = array<i32>} : memref<128xi32, #tpu.memory_space<vmem>>, vector<16xi32>,
      } else {
      }
      %add3A_91 = arith.constant 2 : i32
      %add3A_92 = arith.addi %add3A_83, %add3A_91 : i32
      %lt3A_93 = arith.cmpi slt, %add3A_92, %select_n3A : i32
      %convert_element_type3A_94 = arith.extui %lt3A_93 : i1 to i32
      %cond3A_95 = arith.constant 0 : i32
      %cond3A_96 = arith.cmpi ne, %convert_element_type3A_94, %cond3A_95 : i32
      scf.if %cond3A_96 {
        %add3A_126 = arith.constant 2 : i32
        %add3A_127 = arith.addi %add3A_83, %add3A_126 : i32
        %mul3A_128 = arith.constant 32 : i32
        %mul3A_129 = arith.muli %add3A_127, %mul3A_128 : i32
        %add3A_130 = arith.addi %add3A, %mul3A_129 : i32
        %mul3A_131 = arith.constant 128 : i32
        %mul3A_132 = arith.muli %add3A_130, %mul3A_131 : i32
        %dma_start3A_133 = arith.constant 0 : i32
        %dma_start3A_134 = tpu.memref_slice %arg3[%dma_start3A_133, %mul3A_132] : memref<2x320000xi32, #tpu.memory_space<hbm>> -> memref<2x128xi32, #tpu.memory_space<hbm>>
        %dma_start3A_135 = arith.constant 0 : i32
        %dma_start3A_136 = tpu.memref_slice %arg3[%dma_start3A_135, %mul3A_132] : memref<2x320000xi32, #tpu.memory_space<hbm>> -> memref<2x128xi32, #tpu.memory_space<hbm>>
        tpu.enqueue_dma source(%dma_start3A_136 : memref<2x128xi32, #tpu.memory_space<hbm>>) target(%arg6 : memref<2x128xi32, #tpu.memory_space<vmem>>) target_semaphore(%arg12 : memref<!tpu.dma_semaphore, #tpu.memory_space<semaphore_mem>>)
      } else {
      }
      %lt3A_97 = arith.cmpi slt, %add3A_83, %select_n3A : i32
      %convert_element_type3A_98 = arith.extui %lt3A_97 : i1 to i32
      %cond3A_99 = arith.constant 0 : i32
      %cond3A_100 = arith.cmpi ne, %convert_element_type3A_98, %cond3A_99 : i32
      scf.if %cond3A_100 {
        %dma_start3A_126 = arith.constant 0 : i32
        %dma_start3A_127 = arith.constant 0 : i32
        %dma_start3A_128 = tpu.memref_slice %arg5[%dma_start3A_126, %dma_start3A_127] : memref<10000x128xf32, #tpu.memory_space<vmem_shared>> -> memref<10000x128xf32, #tpu.memory_space<vmem_shared>>
        tpu.enqueue_indirect_dma source(%arg8 : memref<128x128xf32, #tpu.memory_space<vmem>>) target(%dma_start3A_128 : memref<10000x128xf32, #tpu.memory_space<vmem_shared>>) offsets(%arg10 : memref<128xi32, #tpu.memory_space<vmem>>) semaphore(%arg16 : memref<!tpu.dma_semaphore, #tpu.memory_space<semaphore_mem>>) {add = true}
      } else {
      }
      %mul3A_101 = arith.constant 2 : i32
      %mul3A_102 = arith.muli %scan3A_78, %mul3A_101 : i32
      %add3A_103 = arith.constant 1 : i32
      %add3A_104 = arith.addi %mul3A_102, %add3A_103 : i32
      %add3A_105 = arith.constant 1 : i32
      %add3A_106 = arith.addi %add3A_104, %add3A_105 : i32
      %lt3A_107 = arith.cmpi slt, %add3A_106, %select_n3A : i32
      %convert_element_type3A_108 = arith.extui %lt3A_107 : i1 to i32
      %cond3A_109 = arith.constant 0 : i32
      %cond3A_110 = arith.cmpi ne, %convert_element_type3A_108, %cond3A_109 : i32
      scf.if %cond3A_110 {
        %add3A_126 = arith.constant 1 : i32
        %add3A_127 = arith.addi %add3A_104, %add3A_126 : i32
        %mul3A_128 = arith.constant 32 : i32
        %mul3A_129 = arith.muli %add3A_127, %mul3A_128 : i32
        %add3A_130 = arith.addi %add3A, %mul3A_129 : i32
        %mul3A_131 = arith.constant 128 : i32
        %mul3A_132 = arith.muli %add3A_130, %mul3A_131 : i32
        %dma_wait3A_133 = arith.constant 0 : i32
        %dma_wait3A_134 = tpu.memref_slice %arg3[%dma_wait3A_133, %mul3A_132] : memref<2x320000xi32, #tpu.memory_space<hbm>> -> memref<2x128xi32, #tpu.memory_space<hbm>>
        %dma_wait3A_135 = arith.constant 0 : i32
        %dma_wait3A_136 = tpu.memref_slice %arg3[%dma_wait3A_135, %mul3A_132] : memref<2x320000xi32, #tpu.memory_space<hbm>> -> memref<2x128xi32, #tpu.memory_space<hbm>>
        tpu.wait_dma2 semaphore(%arg12 : memref<!tpu.dma_semaphore, #tpu.memory_space<semaphore_mem>>) src(%dma_wait3A_136 : memref<2x128xi32, #tpu.memory_space<hbm>>) dst(%arg6 : memref<2x128xi32, #tpu.memory_space<vmem>>)
        %ge3A = arith.constant 1 : i32
        %ge3A_137 = arith.cmpi sge, %add3A_104, %ge3A : i32
        %convert_element_type3A_138 = arith.extui %ge3A_137 : i1 to i32
        %cond3A_139 = arith.constant 0 : i32
        %cond3A_140 = arith.cmpi ne, %convert_element_type3A_138, %cond3A_139 : i32
        scf.if %cond3A_140 {
          %dma_wait3A_148 = arith.constant 0 : i32
          %dma_wait3A_149 = arith.constant 0 : i32
          %dma_wait3A_150 = tpu.memref_slice %arg5[%dma_wait3A_148, %dma_wait3A_149] : memref<10000x128xf32, #tpu.memory_space<vmem_shared>> -> memref<10000x128xf32, #tpu.memory_space<vmem_shared>>
          tpu.wait_indirect_dma semaphore(%arg16 : memref<!tpu.dma_semaphore, #tpu.memory_space<semaphore_mem>>) src(%arg8 : memref<128x128xf32, #tpu.memory_space<vmem>>) dst(%dma_wait3A_150 : memref<10000x128xf32, #tpu.memory_space<vmem_shared>>)
        } else {
        }
        %dma_start3A_141 = arith.constant 0 : i32
        %dma_start3A_142 = arith.constant 0 : i32
        %dma_start3A_143 = tpu.memref_slice %arg6[%dma_start3A_141, %dma_start3A_142] : memref<2x128xi32, #tpu.memory_space<vmem>> -> memref<1x128xi32, #tpu.memory_space<vmem>>
        %dma_start3A_144 = tpu.memref_squeeze %dma_start3A_143 : memref<1x128xi32, #tpu.memory_space<vmem>> -> memref<128xi32, #tpu.memory_space<vmem>>
        %dma_start3A_145 = arith.constant 0 : i32
        %dma_start3A_146 = arith.constant 0 : i32
        %dma_start3A_147 = tpu.memref_slice %arg2[%dma_start3A_145, %dma_start3A_146] : memref<10000x128xf32, #tpu.memory_space<hbm>> -> memref<10000x128xf32, #tpu.memory_space<hbm>>
        tpu.enqueue_indirect_dma source(%dma_start3A_147 : memref<10000x128xf32, #tpu.memory_space<hbm>>) target(%arg8 : memref<128x128xf32, #tpu.memory_space<vmem>>) offsets(%dma_start3A_144 : memref<128xi32, #tpu.memory_space<vmem>>) semaphore(%arg14 : memref<!tpu.dma_semaphore, #tpu.memory_space<semaphore_mem>>)
      } else {
      }
      %lt3A_111 = arith.cmpi slt, %add3A_104, %select_n3A : i32
      %convert_element_type3A_112 = arith.extui %lt3A_111 : i1 to i32
      %cond3A_113 = arith.constant 0 : i32
      %cond3A_114 = arith.cmpi ne, %convert_element_type3A_112, %cond3A_113 : i32
      scf.if %cond3A_114 {
        %dma_wait3A_126 = arith.constant 0 : i32
        %dma_wait3A_127 = arith.constant 0 : i32
        %dma_wait3A_128 = tpu.memref_slice %arg7[%dma_wait3A_126, %dma_wait3A_127] : memref<2x128xi32, #tpu.memory_space<vmem>> -> memref<1x128xi32, #tpu.memory_space<vmem>>
        %dma_wait3A_129 = tpu.memref_squeeze %dma_wait3A_128 : memref<1x128xi32, #tpu.memory_space<vmem>> -> memref<128xi32, #tpu.memory_space<vmem>>
        %dma_wait3A_130 = arith.constant 0 : i32
        %dma_wait3A_131 = arith.constant 0 : i32
        %dma_wait3A_132 = tpu.memref_slice %arg2[%dma_wait3A_130, %dma_wait3A_131] : memref<10000x128xf32, #tpu.memory_space<hbm>> -> memref<10000x128xf32, #tpu.memory_space<hbm>>
        tpu.wait_indirect_dma semaphore(%arg15 : memref<!tpu.dma_semaphore, #tpu.memory_space<semaphore_mem>>) src(%dma_wait3A_132 : memref<10000x128xf32, #tpu.memory_space<hbm>>) dst(%arg9 : memref<128x128xf32, #tpu.memory_space<vmem>>)
        %get3A = arith.constant 1 : i32
        %get3A_133 = arith.index_cast %get3A : i32 to index
        %get3A_134 = arith.constant 0 : index
        %get3A_135 = tpu.vector_load %arg7[%get3A_133, %get3A_134] {strides = array<i32>} : memref<2x128xi32, #tpu.memory_space<vmem>>, vector<1x16xi32>,
        %get3A_136 = vector.shape_cast %get3A_135 : vector<1x16xi32> to vector<16xi32>
        %swap3A = arith.constant 0 : index
        %swap3A_137 = tpu.vector_load %arg11[%swap3A] {strides = array<i32>} : memref<128xi32, #tpu.memory_space<vmem>>, vector<16xi32>,
        %swap3A_138 = vector.shape_cast %swap3A_137 : vector<16xi32> to vector<16xi32>
        %swap3A_139 = vector.shape_cast %get3A_136 : vector<16xi32> to vector<16xi32>
        tpu.vector_store %arg11[%swap3A], %swap3A_139 {strides = array<i32>} : memref<128xi32, #tpu.memory_space<vmem>>, vector<16xi32>,
        %get3A_140 = arith.constant 1 : i32
        %get3A_141 = arith.index_cast %get3A_140 : i32 to index
        %get3A_142 = arith.constant 16 : index
        %get3A_143 = tpu.vector_load %arg7[%get3A_141, %get3A_142] {strides = array<i32>} : memref<2x128xi32, #tpu.memory_space<vmem>>, vector<1x16xi32>,
        %get3A_144 = vector.shape_cast %get3A_143 : vector<1x16xi32> to vector<16xi32>
        %swap3A_145 = arith.constant 16 : index
        %swap3A_146 = tpu.vector_load %arg11[%swap3A_145] {strides = array<i32>} : memref<128xi32, #tpu.memory_space<vmem>>, vector<16xi32>,
        %swap3A_147 = vector.shape_cast %swap3A_146 : vector<16xi32> to vector<16xi32>
        %swap3A_148 = vector.shape_cast %get3A_144 : vector<16xi32> to vector<16xi32>
        tpu.vector_store %arg11[%swap3A_145], %swap3A_148 {strides = array<i32>} : memref<128xi32, #tpu.memory_space<vmem>>, vector<16xi32>,
        %get3A_149 = arith.constant 1 : i32
        %get3A_150 = arith.index_cast %get3A_149 : i32 to index
        %get3A_151 = arith.constant 32 : index
        %get3A_152 = tpu.vector_load %arg7[%get3A_150, %get3A_151] {strides = array<i32>} : memref<2x128xi32, #tpu.memory_space<vmem>>, vector<1x16xi32>,
        %get3A_153 = vector.shape_cast %get3A_152 : vector<1x16xi32> to vector<16xi32>
        %swap3A_154 = arith.constant 32 : index
        %swap3A_155 = tpu.vector_load %arg11[%swap3A_154] {strides = array<i32>} : memref<128xi32, #tpu.memory_space<vmem>>, vector<16xi32>,
        %swap3A_156 = vector.shape_cast %swap3A_155 : vector<16xi32> to vector<16xi32>
        %swap3A_157 = vector.shape_cast %get3A_153 : vector<16xi32> to vector<16xi32>
        tpu.vector_store %arg11[%swap3A_154], %swap3A_157 {strides = array<i32>} : memref<128xi32, #tpu.memory_space<vmem>>, vector<16xi32>,
        %get3A_158 = arith.constant 1 : i32
        %get3A_159 = arith.index_cast %get3A_158 : i32 to index
        %get3A_160 = arith.constant 48 : index
        %get3A_161 = tpu.vector_load %arg7[%get3A_159, %get3A_160] {strides = array<i32>} : memref<2x128xi32, #tpu.memory_space<vmem>>, vector<1x16xi32>,
        %get3A_162 = vector.shape_cast %get3A_161 : vector<1x16xi32> to vector<16xi32>
        %swap3A_163 = arith.constant 48 : index
        %swap3A_164 = tpu.vector_load %arg11[%swap3A_163] {strides = array<i32>} : memref<128xi32, #tpu.memory_space<vmem>>, vector<16xi32>,
        %swap3A_165 = vector.shape_cast %swap3A_164 : vector<16xi32> to vector<16xi32>
        %swap3A_166 = vector.shape_cast %get3A_162 : vector<16xi32> to vector<16xi32>
        tpu.vector_store %arg11[%swap3A_163], %swap3A_166 {strides = array<i32>} : memref<128xi32, #tpu.memory_space<vmem>>, vector<16xi32>,
        %get3A_167 = arith.constant 1 : i32
        %get3A_168 = arith.index_cast %get3A_167 : i32 to index
        %get3A_169 = arith.constant 64 : index
        %get3A_170 = tpu.vector_load %arg7[%get3A_168, %get3A_169] {strides = array<i32>} : memref<2x128xi32, #tpu.memory_space<vmem>>, vector<1x16xi32>,
        %get3A_171 = vector.shape_cast %get3A_170 : vector<1x16xi32> to vector<16xi32>
        %swap3A_172 = arith.constant 64 : index
        %swap3A_173 = tpu.vector_load %arg11[%swap3A_172] {strides = array<i32>} : memref<128xi32, #tpu.memory_space<vmem>>, vector<16xi32>,
        %swap3A_174 = vector.shape_cast %swap3A_173 : vector<16xi32> to vector<16xi32>
        %swap3A_175 = vector.shape_cast %get3A_171 : vector<16xi32> to vector<16xi32>
        tpu.vector_store %arg11[%swap3A_172], %swap3A_175 {strides = array<i32>} : memref<128xi32, #tpu.memory_space<vmem>>, vector<16xi32>,
        %get3A_176 = arith.constant 1 : i32
        %get3A_177 = arith.index_cast %get3A_176 : i32 to index
        %get3A_178 = arith.constant 80 : index
        %get3A_179 = tpu.vector_load %arg7[%get3A_177, %get3A_178] {strides = array<i32>} : memref<2x128xi32, #tpu.memory_space<vmem>>, vector<1x16xi32>,
        %get3A_180 = vector.shape_cast %get3A_179 : vector<1x16xi32> to vector<16xi32>
        %swap3A_181 = arith.constant 80 : index
        %swap3A_182 = tpu.vector_load %arg11[%swap3A_181] {strides = array<i32>} : memref<128xi32, #tpu.memory_space<vmem>>, vector<16xi32>,
        %swap3A_183 = vector.shape_cast %swap3A_182 : vector<16xi32> to vector<16xi32>
        %swap3A_184 = vector.shape_cast %get3A_180 : vector<16xi32> to vector<16xi32>
        tpu.vector_store %arg11[%swap3A_181], %swap3A_184 {strides = array<i32>} : memref<128xi32, #tpu.memory_space<vmem>>, vector<16xi32>,
        %get3A_185 = arith.constant 1 : i32
        %get3A_186 = arith.index_cast %get3A_185 : i32 to index
        %get3A_187 = arith.constant 96 : index
        %get3A_188 = tpu.vector_load %arg7[%get3A_186, %get3A_187] {strides = array<i32>} : memref<2x128xi32, #tpu.memory_space<vmem>>, vector<1x16xi32>,
        %get3A_189 = vector.shape_cast %get3A_188 : vector<1x16xi32> to vector<16xi32>
        %swap3A_190 = arith.constant 96 : index
        %swap3A_191 = tpu.vector_load %arg11[%swap3A_190] {strides = array<i32>} : memref<128xi32, #tpu.memory_space<vmem>>, vector<16xi32>,
        %swap3A_192 = vector.shape_cast %swap3A_191 : vector<16xi32> to vector<16xi32>
        %swap3A_193 = vector.shape_cast %get3A_189 : vector<16xi32> to vector<16xi32>
        tpu.vector_store %arg11[%swap3A_190], %swap3A_193 {strides = array<i32>} : memref<128xi32, #tpu.memory_space<vmem>>, vector<16xi32>,
        %get3A_194 = arith.constant 1 : i32
        %get3A_195 = arith.index_cast %get3A_194 : i32 to index
        %get3A_196 = arith.constant 112 : index
        %get3A_197 = tpu.vector_load %arg7[%get3A_195, %get3A_196] {strides = array<i32>} : memref<2x128xi32, #tpu.memory_space<vmem>>, vector<1x16xi32>,
        %get3A_198 = vector.shape_cast %get3A_197 : vector<1x16xi32> to vector<16xi32>
        %swap3A_199 = arith.constant 112 : index
        %swap3A_200 = tpu.vector_load %arg11[%swap3A_199] {strides = array<i32>} : memref<128xi32, #tpu.memory_space<vmem>>, vector<16xi32>,
        %swap3A_201 = vector.shape_cast %swap3A_200 : vector<16xi32> to vector<16xi32>
        %swap3A_202 = vector.shape_cast %get3A_198 : vector<16xi32> to vector<16xi32>
        tpu.vector_store %arg11[%swap3A_199], %swap3A_202 {strides = array<i32>} : memref<128xi32, #tpu.memory_space<vmem>>, vector<16xi32>,
      } else {
      }
      %add3A_115 = arith.constant 2 : i32
      %add3A_116 = arith.addi %add3A_104, %add3A_115 : i32
      %lt3A_117 = arith.cmpi slt, %add3A_116, %select_n3A : i32
      %convert_element_type3A_118 = arith.extui %lt3A_117 : i1 to i32
      %cond3A_119 = arith.constant 0 : i32
      %cond3A_120 = arith.cmpi ne, %convert_element_type3A_118, %cond3A_119 : i32
      scf.if %cond3A_120 {
        %add3A_126 = arith.constant 2 : i32
        %add3A_127 = arith.addi %add3A_104, %add3A_126 : i32
        %mul3A_128 = arith.constant 32 : i32
        %mul3A_129 = arith.muli %add3A_127, %mul3A_128 : i32
        %add3A_130 = arith.addi %add3A, %mul3A_129 : i32
        %mul3A_131 = arith.constant 128 : i32
        %mul3A_132 = arith.muli %add3A_130, %mul3A_131 : i32
        %dma_start3A_133 = arith.constant 0 : i32
        %dma_start3A_134 = tpu.memref_slice %arg3[%dma_start3A_133, %mul3A_132] : memref<2x320000xi32, #tpu.memory_space<hbm>> -> memref<2x128xi32, #tpu.memory_space<hbm>>
        %dma_start3A_135 = arith.constant 0 : i32
        %dma_start3A_136 = tpu.memref_slice %arg3[%dma_start3A_135, %mul3A_132] : memref<2x320000xi32, #tpu.memory_space<hbm>> -> memref<2x128xi32, #tpu.memory_space<hbm>>
        tpu.enqueue_dma source(%dma_start3A_136 : memref<2x128xi32, #tpu.memory_space<hbm>>) target(%arg7 : memref<2x128xi32, #tpu.memory_space<vmem>>) target_semaphore(%arg13 : memref<!tpu.dma_semaphore, #tpu.memory_space<semaphore_mem>>)
      } else {
      }
      %lt3A_121 = arith.cmpi slt, %add3A_104, %select_n3A : i32
      %convert_element_type3A_122 = arith.extui %lt3A_121 : i1 to i32
      %cond3A_123 = arith.constant 0 : i32
      %cond3A_124 = arith.cmpi ne, %convert_element_type3A_122, %cond3A_123 : i32
      scf.if %cond3A_124 {
        %dma_start3A_126 = arith.constant 0 : i32
        %dma_start3A_127 = arith.constant 0 : i32
        %dma_start3A_128 = tpu.memref_slice %arg5[%dma_start3A_126, %dma_start3A_127] : memref<10000x128xf32, #tpu.memory_space<vmem_shared>> -> memref<10000x128xf32, #tpu.memory_space<vmem_shared>>
        tpu.enqueue_indirect_dma source(%arg9 : memref<128x128xf32, #tpu.memory_space<vmem>>) target(%dma_start3A_128 : memref<10000x128xf32, #tpu.memory_space<vmem_shared>>) offsets(%arg11 : memref<128xi32, #tpu.memory_space<vmem>>) semaphore(%arg17 : memref<!tpu.dma_semaphore, #tpu.memory_space<semaphore_mem>>) {add = true}
      } else {
      }
      %scan3A_125 = arith.constant 0 : i32
      scf.yield %scan3A_125 : i32
    }
    %scan3A_63 = arith.constant 40 : i32
    %dma_wait3A_64 = arith.constant 0 : i32
    %dma_wait3A_65 = arith.constant 0 : i32
    %dma_wait3A_66 = tpu.memref_slice %arg5[%dma_wait3A_64, %dma_wait3A_65] : memref<10000x128xf32, #tpu.memory_space<vmem_shared>> -> memref<10000x128xf32, #tpu.memory_space<vmem_shared>>
    tpu.wait_indirect_dma semaphore(%arg16 : memref<!tpu.dma_semaphore, #tpu.memory_space<semaphore_mem>>) src(%arg8 : memref<128x128xf32, #tpu.memory_space<vmem>>) dst(%dma_wait3A_66 : memref<10000x128xf32, #tpu.memory_space<vmem_shared>>)
    %dma_wait3A_67 = arith.constant 0 : i32
    %dma_wait3A_68 = arith.constant 0 : i32
    %dma_wait3A_69 = tpu.memref_slice %arg5[%dma_wait3A_67, %dma_wait3A_68] : memref<10000x128xf32, #tpu.memory_space<vmem_shared>> -> memref<10000x128xf32, #tpu.memory_space<vmem_shared>>
    tpu.wait_indirect_dma semaphore(%arg17 : memref<!tpu.dma_semaphore, #tpu.memory_space<semaphore_mem>>) src(%arg9 : memref<128x128xf32, #tpu.memory_space<vmem>>) dst(%dma_wait3A_69 : memref<10000x128xf32, #tpu.memory_space<vmem_shared>>)
    %barrier3A_70 = arith.constant 0 : index
    tpu.barrier barrier_id(%barrier3A_70)
    %scan3A_71 = arith.constant 0 : i32
    %scan3A_72 = arith.constant 0 : i32
    %scan3A_73 = arith.constant 8 : i32
    %scan3A_74 = arith.addi %scan3A_72, %scan3A_73 : i32
    %scan3A_75 = arith.constant 1 : i32
    %scan3A_76 = scf.for %scan3A_78 = %scan3A_72 to %scan3A_74 step %scan3A_75 iter_args(%scan3A_79 = %scan3A_71) -> (i32)  : i32 {
      %mul3A_80 = arith.constant 16 : i32
      %mul3A_81 = arith.muli %scan3A_78, %mul3A_80 : i32
      %add3A_82 = arith.addi %arg1, %mul3A_81 : i32
      %lt3A = arith.constant 125 : i32
      %lt3A_83 = arith.cmpi slt, %add3A_82, %lt3A : i32
      %convert_element_type3A = arith.extui %lt3A_83 : i1 to i32
      %cond3A = arith.constant 0 : i32
      %cond3A_84 = arith.cmpi ne, %convert_element_type3A, %cond3A : i32
      scf.if %cond3A_84 {
        %mul3A_86 = arith.constant 80 : i32
        %mul3A_87 = arith.muli %add3A_82, %mul3A_86 : i32
        %mul3A_88 = arith.constant 80 : i32
        %mul3A_89 = arith.muli %add3A_82, %mul3A_88 : i32
        "tpu.region"() ({
          %run_scoped3A = tpu.sem_alloc : memref<!tpu.dma_semaphore, #tpu.memory_space<semaphore_mem>>
          %dma_start3A_90 = arith.constant 0 : i32
          %dma_start3A_91 = tpu.memref_slice %arg4[%arg0, %mul3A_89, %dma_start3A_90] : memref<2x10000x128xf32, #tpu.memory_space<hbm>> -> memref<1x80x128xf32, #tpu.memory_space<hbm>>
          %dma_start3A_92 = tpu.memref_squeeze %dma_start3A_91 : memref<1x80x128xf32, #tpu.memory_space<hbm>> -> memref<80x128xf32, #tpu.memory_space<hbm>>
          %dma_start3A_93 = arith.constant 0 : i32
          %dma_start3A_94 = tpu.memref_slice %arg5[%mul3A_87, %dma_start3A_93] : memref<10000x128xf32, #tpu.memory_space<vmem_shared>> -> memref<80x128xf32, #tpu.memory_space<vmem_shared>>
          tpu.enqueue_dma source(%dma_start3A_94 : memref<80x128xf32, #tpu.memory_space<vmem_shared>>) target(%dma_start3A_92 : memref<80x128xf32, #tpu.memory_space<hbm>>) target_semaphore(%run_scoped3A : memref<!tpu.dma_semaphore, #tpu.memory_space<semaphore_mem>>)
          %dma_wait3A_95 = arith.constant 0 : i32
          %dma_wait3A_96 = tpu.memref_slice %arg4[%arg0, %mul3A_89, %dma_wait3A_95] : memref<2x10000x128xf32, #tpu.memory_space<hbm>> -> memref<1x80x128xf32, #tpu.memory_space<hbm>>
          %dma_wait3A_97 = tpu.memref_squeeze %dma_wait3A_96 : memref<1x80x128xf32, #tpu.memory_space<hbm>> -> memref<80x128xf32, #tpu.memory_space<hbm>>
          %dma_wait3A_98 = arith.constant 0 : i32
          %dma_wait3A_99 = tpu.memref_slice %arg5[%mul3A_87, %dma_wait3A_98] : memref<10000x128xf32, #tpu.memory_space<vmem_shared>> -> memref<80x128xf32, #tpu.memory_space<vmem_shared>>
          tpu.wait_dma2 semaphore(%run_scoped3A : memref<!tpu.dma_semaphore, #tpu.memory_space<semaphore_mem>>) src(%dma_wait3A_99 : memref<80x128xf32, #tpu.memory_space<vmem_shared>>) dst(%dma_wait3A_97 : memref<80x128xf32, #tpu.memory_space<hbm>>)
          tpu.yield
        }) : () -> ()
      } else {
      }
      %scan3A_85 = arith.constant 0 : i32
      scf.yield %scan3A_85 : i32
    }
    %scan3A_77 = arith.constant 8 : i32
    return
  }
}

module attributes {stable_mosaic.version = 14 : i64} {
  func.func @_tc1_body(%arg0: i32, %arg1: memref<1000x65xf32, #tpu.memory_space<vmem>>, %arg2: memref<1000x128xf32, #tpu.memory_space<vmem>>, %arg3: memref<65x128xf32, #tpu.memory_space<vmem>>, %arg4: memref<1x128xf32, #tpu.memory_space<vmem>>, %arg5: memref<128x128xf32, #tpu.memory_space<vmem>>, %arg6: memref<1x128xf32, #tpu.memory_space<vmem>>, %arg7: memref<128x128xf32, #tpu.memory_space<vmem>>, %arg8: memref<128x8xf32, #tpu.memory_space<vmem>>, %arg9: memref<128x8xf32, #tpu.memory_space<vmem>>, %arg10: memref<1000x128xf32, #tpu.memory_space<vmem>>, %arg11: memref<1000x144xf32, #tpu.memory_space<vmem>>, %arg12: memref<1000x16xf32, #tpu.memory_space<vmem>>) attributes {dimension_semantics = [#tpu.dimension_semantics<arbitrary>], iteration_bounds = array<i64: 10>, scalar_prefetch = 0 : i64, scratch_operands = 0 : i64, tpu.core_type = #tpu.core_type<tc>, window_params = [{transform_indices = @transform_0, window_bounds = array<i64: 1000, 65>}, {transform_indices = @transform_1, window_bounds = array<i64: 1000, 128>}, {pipeline_mode = #tpu.pipeline_mode<synchronous>, transform_indices = @transform_2, window_bounds = array<i64: 65, 128>}, {pipeline_mode = #tpu.pipeline_mode<synchronous>, transform_indices = @transform_3, window_bounds = array<i64: 1, 128>}, {pipeline_mode = #tpu.pipeline_mode<synchronous>, transform_indices = @transform_4, window_bounds = array<i64: 128, 128>}, {pipeline_mode = #tpu.pipeline_mode<synchronous>, transform_indices = @transform_5, window_bounds = array<i64: 1, 128>}, {pipeline_mode = #tpu.pipeline_mode<synchronous>, transform_indices = @transform_6, window_bounds = array<i64: 128, 128>}, {pipeline_mode = #tpu.pipeline_mode<synchronous>, transform_indices = @transform_7, window_bounds = array<i64: 128, 8>}, {pipeline_mode = #tpu.pipeline_mode<synchronous>, transform_indices = @transform_8, window_bounds = array<i64: 128, 8>}, {transform_indices = @transform_9, window_bounds = array<i64: 1000, 128>}, {transform_indices = @transform_10, window_bounds = array<i64: 1000, 144>}, {transform_indices = @transform_11, window_bounds = array<i64: 1000, 16>}]} {
    %get3A = arith.constant 0 : index
    %get3A_0 = arith.constant 0 : index
    %get3A_1 = vector.load %arg1[%get3A, %get3A_0] : memref<1000x65xf32, #tpu.memory_space<vmem>>, vector<1000x65xf32>
    %get3A_2 = arith.constant 0 : index
    %get3A_3 = arith.constant 0 : index
    %get3A_4 = vector.load %arg3[%get3A_2, %get3A_3] : memref<65x128xf32, #tpu.memory_space<vmem>>, vector<65x128xf32>
    %dot_general3A = arith.constant dense<0.000000e+00> : vector<1000x128xf32>
    %dot_general3A_5 = tpu.matmul %get3A_1, %get3A_4, %dot_general3A {dimension_numbers = #tpu.dot_dimension_numbers<[1], [0], [0], [1], [0, 0, 1, 1], [], []>, transpose_lhs_hint = false} : vector<1000x65xf32>, vector<65x128xf32>, vector<1000x128xf32> -> vector<1000x128xf32>
    %get3A_6 = arith.constant 0 : index
    %get3A_7 = arith.constant 0 : index
    %get3A_8 = vector.load %arg4[%get3A_6, %get3A_7] : memref<1x128xf32, #tpu.memory_space<vmem>>, vector<1x128xf32>
    %add3A = vector.broadcast %get3A_8 : vector<1x128xf32> to vector<1000x128xf32>
    %add3A_9 = arith.addf %dot_general3A_5, %add3A : vector<1000x128xf32>
    %max3A = arith.constant 0.000000e+00 : f32
    %max3A_10 = vector.broadcast %max3A : f32 to vector<1000x128xf32>
    %max3A_11 = arith.maximumf %add3A_9, %max3A_10 : vector<1000x128xf32>
    %get3A_12 = arith.constant 0 : index
    %get3A_13 = arith.constant 0 : index
    %get3A_14 = vector.load %arg5[%get3A_12, %get3A_13] : memref<128x128xf32, #tpu.memory_space<vmem>>, vector<128x128xf32>
    %dot_general3A_15 = arith.constant dense<0.000000e+00> : vector<1000x128xf32>
    %dot_general3A_16 = tpu.matmul %max3A_11, %get3A_14, %dot_general3A_15 {dimension_numbers = #tpu.dot_dimension_numbers<[1], [0], [0], [1], [0, 0, 1, 1], [], []>, transpose_lhs_hint = false} : vector<1000x128xf32>, vector<128x128xf32>, vector<1000x128xf32> -> vector<1000x128xf32>
    %get3A_17 = arith.constant 0 : index
    %get3A_18 = arith.constant 0 : index
    %get3A_19 = vector.load %arg6[%get3A_17, %get3A_18] : memref<1x128xf32, #tpu.memory_space<vmem>>, vector<1x128xf32>
    %add3A_20 = vector.broadcast %get3A_19 : vector<1x128xf32> to vector<1000x128xf32>
    %add3A_21 = arith.addf %dot_general3A_16, %add3A_20 : vector<1000x128xf32>
    %max3A_22 = arith.constant 0.000000e+00 : f32
    %max3A_23 = vector.broadcast %max3A_22 : f32 to vector<1000x128xf32>
    %max3A_24 = arith.maximumf %add3A_21, %max3A_23 : vector<1000x128xf32>
    %swap3A = arith.constant 0 : index
    %swap3A_25 = arith.constant 0 : index
    %swap3A_26 = vector.load %arg10[%swap3A, %swap3A_25] : memref<1000x128xf32, #tpu.memory_space<vmem>>, vector<1000x128xf32>
    tpu.vector_store %arg10[%swap3A, %swap3A_25], %max3A_24 {strides = array<i32>} : memref<1000x128xf32, #tpu.memory_space<vmem>>, vector<1000x128xf32>,
    %get3A_27 = arith.constant 0 : index
    %get3A_28 = arith.constant 0 : index
    %get3A_29 = vector.load %arg2[%get3A_27, %get3A_28] : memref<1000x128xf32, #tpu.memory_space<vmem>>, vector<1000x128xf32>
    %get3A_30 = arith.constant 0 : index
    %get3A_31 = arith.constant 0 : index
    %get3A_32 = vector.load %arg7[%get3A_30, %get3A_31] : memref<128x128xf32, #tpu.memory_space<vmem>>, vector<128x128xf32>
    %dot_general3A_33 = arith.constant dense<0.000000e+00> : vector<1000x128xf32>
    %dot_general3A_34 = tpu.matmul %get3A_29, %get3A_32, %dot_general3A_33 {dimension_numbers = #tpu.dot_dimension_numbers<[1], [0], [0], [1], [0, 0, 1, 1], [], []>, transpose_lhs_hint = false} : vector<1000x128xf32>, vector<128x128xf32>, vector<1000x128xf32> -> vector<1000x128xf32>
    %swap3A_35 = arith.constant 0 : index
    %swap3A_36 = arith.constant 0 : index
    %swap3A_37 = vector.load %arg11[%swap3A_35, %swap3A_36] : memref<1000x144xf32, #tpu.memory_space<vmem>>, vector<1000x128xf32>
    tpu.vector_store %arg11[%swap3A_35, %swap3A_36], %dot_general3A_34 {strides = array<i32>} : memref<1000x144xf32, #tpu.memory_space<vmem>>, vector<1000x128xf32>,
    %get3A_38 = arith.constant 0 : index
    %get3A_39 = arith.constant 0 : index
    %get3A_40 = vector.load %arg8[%get3A_38, %get3A_39] : memref<128x8xf32, #tpu.memory_space<vmem>>, vector<128x8xf32>
    %dot_general3A_41 = arith.constant dense<0.000000e+00> : vector<1000x8xf32>
    %dot_general3A_42 = tpu.matmul %dot_general3A_34, %get3A_40, %dot_general3A_41 {dimension_numbers = #tpu.dot_dimension_numbers<[1], [0], [0], [1], [0, 0, 1, 1], [], []>, transpose_lhs_hint = false} : vector<1000x128xf32>, vector<128x8xf32>, vector<1000x8xf32> -> vector<1000x8xf32>
    %swap3A_43 = arith.constant 0 : index
    %swap3A_44 = arith.constant 128 : index
    %swap3A_45 = vector.load %arg11[%swap3A_43, %swap3A_44] : memref<1000x144xf32, #tpu.memory_space<vmem>>, vector<1000x8xf32>
    tpu.vector_store %arg11[%swap3A_43, %swap3A_44], %dot_general3A_42 {strides = array<i32>} : memref<1000x144xf32, #tpu.memory_space<vmem>>, vector<1000x8xf32>,
    %broadcast_in_dim3A = arith.constant 0.000000e+00 : f32
    %broadcast_in_dim3A_46 = vector.broadcast %broadcast_in_dim3A : f32 to vector<1000x8xf32>
    %swap3A_47 = arith.constant 0 : index
    %swap3A_48 = arith.constant 136 : index
    %swap3A_49 = vector.load %arg11[%swap3A_47, %swap3A_48] : memref<1000x144xf32, #tpu.memory_space<vmem>>, vector<1000x8xf32>
    tpu.vector_store %arg11[%swap3A_47, %swap3A_48], %broadcast_in_dim3A_46 {strides = array<i32>} : memref<1000x144xf32, #tpu.memory_space<vmem>>, vector<1000x8xf32>,
    %get3A_50 = arith.constant 0 : index
    %get3A_51 = arith.constant 0 : index
    %get3A_52 = vector.load %arg9[%get3A_50, %get3A_51] : memref<128x8xf32, #tpu.memory_space<vmem>>, vector<128x8xf32>
    %dot_general3A_53 = arith.constant dense<0.000000e+00> : vector<1000x8xf32>
    %dot_general3A_54 = tpu.matmul %dot_general3A_34, %get3A_52, %dot_general3A_53 {dimension_numbers = #tpu.dot_dimension_numbers<[1], [0], [0], [1], [0, 0, 1, 1], [], []>, transpose_lhs_hint = false} : vector<1000x128xf32>, vector<128x8xf32>, vector<1000x8xf32> -> vector<1000x8xf32>
    %swap3A_55 = arith.constant 0 : index
    %swap3A_56 = arith.constant 0 : index
    %swap3A_57 = vector.load %arg12[%swap3A_55, %swap3A_56] : memref<1000x16xf32, #tpu.memory_space<vmem>>, vector<1000x8xf32>
    tpu.vector_store %arg12[%swap3A_55, %swap3A_56], %dot_general3A_54 {strides = array<i32>} : memref<1000x16xf32, #tpu.memory_space<vmem>>, vector<1000x8xf32>,
    %broadcast_in_dim3A_58 = arith.constant 0.000000e+00 : f32
    %broadcast_in_dim3A_59 = vector.broadcast %broadcast_in_dim3A_58 : f32 to vector<1000x8xf32>
    %swap3A_60 = arith.constant 0 : index
    %swap3A_61 = arith.constant 8 : index
    %swap3A_62 = vector.load %arg12[%swap3A_60, %swap3A_61] : memref<1000x16xf32, #tpu.memory_space<vmem>>, vector<1000x8xf32>
    tpu.vector_store %arg12[%swap3A_60, %swap3A_61], %broadcast_in_dim3A_59 {strides = array<i32>} : memref<1000x16xf32, #tpu.memory_space<vmem>>, vector<1000x8xf32>,
    return
  }
  func.func @transform_0(%arg0: i32) -> (i32, i32) {
    %c0_i32 = arith.constant 0 : i32
    %c0_i32_0 = arith.constant 0 : i32
    return %arg0, %c0_i32 : i32, i32
  }
  func.func @transform_1(%arg0: i32) -> (i32, i32) {
    %c0_i32 = arith.constant 0 : i32
    %c0_i32_0 = arith.constant 0 : i32
    return %arg0, %c0_i32 : i32, i32
  }
  func.func @transform_2(%arg0: i32) -> (i32, i32) {
    %c0_i32 = arith.constant 0 : i32
    %c0_i32_0 = arith.constant 0 : i32
    %c0_i32_1 = arith.constant 0 : i32
    return %c0_i32, %c0_i32_0 : i32, i32
  }
  func.func @transform_3(%arg0: i32) -> (i32, i32) {
    %c0_i32 = arith.constant 0 : i32
    %c0_i32_0 = arith.constant 0 : i32
    %c0_i32_1 = arith.constant 0 : i32
    return %c0_i32, %c0_i32_0 : i32, i32
  }
  func.func @transform_4(%arg0: i32) -> (i32, i32) {
    %c0_i32 = arith.constant 0 : i32
    %c0_i32_0 = arith.constant 0 : i32
    %c0_i32_1 = arith.constant 0 : i32
    return %c0_i32, %c0_i32_0 : i32, i32
  }
  func.func @transform_5(%arg0: i32) -> (i32, i32) {
    %c0_i32 = arith.constant 0 : i32
    %c0_i32_0 = arith.constant 0 : i32
    %c0_i32_1 = arith.constant 0 : i32
    return %c0_i32, %c0_i32_0 : i32, i32
  }
  func.func @transform_6(%arg0: i32) -> (i32, i32) {
    %c0_i32 = arith.constant 0 : i32
    %c0_i32_0 = arith.constant 0 : i32
    %c0_i32_1 = arith.constant 0 : i32
    return %c0_i32, %c0_i32_0 : i32, i32
  }
  func.func @transform_7(%arg0: i32) -> (i32, i32) {
    %c0_i32 = arith.constant 0 : i32
    %c0_i32_0 = arith.constant 0 : i32
    %c0_i32_1 = arith.constant 0 : i32
    return %c0_i32, %c0_i32_0 : i32, i32
  }
  func.func @transform_8(%arg0: i32) -> (i32, i32) {
    %c0_i32 = arith.constant 0 : i32
    %c0_i32_0 = arith.constant 0 : i32
    %c0_i32_1 = arith.constant 0 : i32
    return %c0_i32, %c0_i32_0 : i32, i32
  }
  func.func @transform_9(%arg0: i32) -> (i32, i32) {
    %c0_i32 = arith.constant 0 : i32
    %c0_i32_0 = arith.constant 0 : i32
    return %arg0, %c0_i32 : i32, i32
  }
  func.func @transform_10(%arg0: i32) -> (i32, i32) {
    %c0_i32 = arith.constant 0 : i32
    %c0_i32_0 = arith.constant 0 : i32
    return %arg0, %c0_i32 : i32, i32
  }
  func.func @transform_11(%arg0: i32) -> (i32, i32) {
    %c0_i32 = arith.constant 0 : i32
    %c0_i32_0 = arith.constant 0 : i32
    return %arg0, %c0_i32 : i32, i32
  }
}

module attributes {stable_mosaic.version = 14 : i64} {
  func.func @_tc2_body(%arg0: i32, %arg1: memref<1x1000x128xf32, #tpu.memory_space<vmem>>, %arg2: memref<1x1000x128xf32, #tpu.memory_space<vmem>>, %arg3: memref<1x1000x16xf32, #tpu.memory_space<vmem>>, %arg4: memref<1x1000x16xf32, #tpu.memory_space<vmem>>, %arg5: memref<1000x144xf32, #tpu.memory_space<vmem>>, %arg6: memref<1000x16xf32, #tpu.memory_space<vmem>>, %arg7: memref<1x128xf32, #tpu.memory_space<vmem>>, %arg8: memref<8x128xf32, #tpu.memory_space<vmem>>, %arg9: memref<128x128xf32, #tpu.memory_space<vmem>>, %arg10: memref<1000x128xf32, #tpu.memory_space<vmem>>, %arg11: memref<1000x128xf32, #tpu.memory_space<vmem>>, %arg12: memref<1000x1xf32, #tpu.memory_space<vmem>>) attributes {dimension_semantics = [#tpu.dimension_semantics<arbitrary>], iteration_bounds = array<i64: 10>, scalar_prefetch = 0 : i64, scratch_operands = 0 : i64, tpu.core_type = #tpu.core_type<tc>, window_params = [{transform_indices = @transform_0, window_bounds = array<i64: 1, 1000, 128>}, {transform_indices = @transform_1, window_bounds = array<i64: 1, 1000, 128>}, {transform_indices = @transform_2, window_bounds = array<i64: 1, 1000, 16>}, {transform_indices = @transform_3, window_bounds = array<i64: 1, 1000, 16>}, {transform_indices = @transform_4, window_bounds = array<i64: 1000, 144>}, {transform_indices = @transform_5, window_bounds = array<i64: 1000, 16>}, {pipeline_mode = #tpu.pipeline_mode<synchronous>, transform_indices = @transform_6, window_bounds = array<i64: 1, 128>}, {pipeline_mode = #tpu.pipeline_mode<synchronous>, transform_indices = @transform_7, window_bounds = array<i64: 8, 128>}, {pipeline_mode = #tpu.pipeline_mode<synchronous>, transform_indices = @transform_8, window_bounds = array<i64: 128, 128>}, {transform_indices = @transform_9, window_bounds = array<i64: 1000, 128>}, {transform_indices = @transform_10, window_bounds = array<i64: 1000, 128>}, {transform_indices = @transform_11, window_bounds = array<i64: 1000, 1>}]} {
    %get3A = arith.constant 0 : index
    %get3A_0 = arith.constant 0 : index
    %get3A_1 = arith.constant 0 : index
    %get3A_2 = vector.load %arg1[%get3A, %get3A_0, %get3A_1] : memref<1x1000x128xf32, #tpu.memory_space<vmem>>, vector<1x1000x128xf32>
    %get3A_3 = vector.shape_cast %get3A_2 : vector<1x1000x128xf32> to vector<1000x128xf32>
    %get3A_4 = arith.constant 0 : index
    %get3A_5 = arith.constant 0 : index
    %get3A_6 = arith.constant 0 : index
    %get3A_7 = vector.load %arg2[%get3A_4, %get3A_5, %get3A_6] : memref<1x1000x128xf32, #tpu.memory_space<vmem>>, vector<1x1000x128xf32>
    %get3A_8 = vector.shape_cast %get3A_7 : vector<1x1000x128xf32> to vector<1000x128xf32>
    %get3A_9 = arith.constant 0 : index
    %get3A_10 = arith.constant 0 : index
    %get3A_11 = arith.constant 0 : index
    %get3A_12 = vector.load %arg3[%get3A_9, %get3A_10, %get3A_11] : memref<1x1000x16xf32, #tpu.memory_space<vmem>>, vector<1x1000x16xf32>
    %get3A_13 = vector.shape_cast %get3A_12 : vector<1x1000x16xf32> to vector<1000x16xf32>
    %get3A_14 = arith.constant 0 : index
    %get3A_15 = arith.constant 0 : index
    %get3A_16 = arith.constant 0 : index
    %get3A_17 = vector.load %arg4[%get3A_14, %get3A_15, %get3A_16] : memref<1x1000x16xf32, #tpu.memory_space<vmem>>, vector<1x1000x16xf32>
    %get3A_18 = vector.shape_cast %get3A_17 : vector<1x1000x16xf32> to vector<1000x16xf32>
    %get3A_19 = arith.constant 0 : index
    %get3A_20 = arith.constant 128 : index
    %get3A_21 = vector.load %arg5[%get3A_19, %get3A_20] : memref<1000x144xf32, #tpu.memory_space<vmem>>, vector<1000x8xf32>
    %get3A_22 = arith.constant 0 : index
    %get3A_23 = arith.constant 0 : index
    %get3A_24 = vector.load %arg6[%get3A_22, %get3A_23] : memref<1000x16xf32, #tpu.memory_space<vmem>>, vector<1000x8xf32>
    %add3A = arith.addf %get3A_21, %get3A_24 : vector<1000x8xf32>
    %gt3A = arith.constant 0.000000e+00 : f32
    %gt3A_25 = vector.broadcast %gt3A : f32 to vector<1000x8xf32>
    %gt3A_26 = arith.cmpf ogt, %add3A, %gt3A_25 : vector<1000x8xf32>
    %mul3A = arith.constant 2.000000e-01 : f32
    %mul3A_27 = vector.broadcast %mul3A : f32 to vector<1000x8xf32>
    %mul3A_28 = arith.mulf %add3A, %mul3A_27 : vector<1000x8xf32>
    %select_n3A = arith.select %gt3A_26, %add3A, %mul3A_28 : vector<1000x8xi1>, vector<1000x8xf32>
    %exp3A = math.exp %select_n3A : vector<1000x8xf32>
    %slice3A = vector.extract_strided_slice %get3A_13 {offsets = [0, 0], sizes = [1000, 8], strides = [1, 1]} : vector<1000x16xf32> to vector<1000x8xf32>
    %slice3A_29 = vector.extract_strided_slice %get3A_18 {offsets = [0, 0], sizes = [1000, 8], strides = [1, 1]} : vector<1000x16xf32> to vector<1000x8xf32>
    %add3A_30 = arith.addf %slice3A, %slice3A_29 : vector<1000x8xf32>
    %add3A_31 = arith.addf %add3A_30, %exp3A : vector<1000x8xf32>
    %get3A_32 = arith.constant 0 : index
    %get3A_33 = arith.constant 0 : index
    %get3A_34 = vector.load %arg8[%get3A_32, %get3A_33] : memref<8x128xf32, #tpu.memory_space<vmem>>, vector<8x128xf32>
    %dot_general3A = arith.constant dense<0.000000e+00> : vector<1000x128xf32>
    %dot_general3A_35 = tpu.matmul %exp3A, %get3A_34, %dot_general3A {dimension_numbers = #tpu.dot_dimension_numbers<[1], [0], [0], [1], [0, 0, 1, 1], [], []>, transpose_lhs_hint = false} : vector<1000x8xf32>, vector<8x128xf32>, vector<1000x128xf32> -> vector<1000x128xf32>
    %get3A_36 = arith.constant 0 : index
    %get3A_37 = arith.constant 0 : index
    %get3A_38 = vector.load %arg8[%get3A_36, %get3A_37] : memref<8x128xf32, #tpu.memory_space<vmem>>, vector<8x128xf32>
    %dot_general3A_39 = arith.constant dense<0.000000e+00> : vector<1000x128xf32>
    %dot_general3A_40 = tpu.matmul %add3A_31, %get3A_38, %dot_general3A_39 {dimension_numbers = #tpu.dot_dimension_numbers<[1], [0], [0], [1], [0, 0, 1, 1], [], []>, transpose_lhs_hint = false} : vector<1000x8xf32>, vector<8x128xf32>, vector<1000x128xf32> -> vector<1000x128xf32>
    %add3A_41 = arith.addf %get3A_3, %get3A_8 : vector<1000x128xf32>
    %get3A_42 = arith.constant 0 : index
    %get3A_43 = arith.constant 0 : index
    %get3A_44 = vector.load %arg5[%get3A_42, %get3A_43] : memref<1000x144xf32, #tpu.memory_space<vmem>>, vector<1000x128xf32>
    %mul3A_45 = arith.mulf %get3A_44, %dot_general3A_35 : vector<1000x128xf32>
    %add3A_46 = arith.addf %add3A_41, %mul3A_45 : vector<1000x128xf32>
    %add3A_47 = arith.constant 1.000000e-16 : f32
    %add3A_48 = vector.broadcast %add3A_47 : f32 to vector<1000x128xf32>
    %add3A_49 = arith.addf %dot_general3A_40, %add3A_48 : vector<1000x128xf32>
    %div3A = arith.divf %add3A_46, %add3A_49 : vector<1000x128xf32>
    %get3A_50 = arith.constant 0 : index
    %get3A_51 = arith.constant 0 : index
    %get3A_52 = vector.load %arg7[%get3A_50, %get3A_51] : memref<1x128xf32, #tpu.memory_space<vmem>>, vector<1x128xf32>
    %add3A_53 = vector.broadcast %get3A_52 : vector<1x128xf32> to vector<1000x128xf32>
    %add3A_54 = arith.addf %div3A, %add3A_53 : vector<1000x128xf32>
    %gt3A_55 = arith.constant 0.000000e+00 : f32
    %gt3A_56 = vector.broadcast %gt3A_55 : f32 to vector<1000x128xf32>
    %gt3A_57 = arith.cmpf ogt, %add3A_54, %gt3A_56 : vector<1000x128xf32>
    %mul3A_58 = arith.constant 2.000000e-01 : f32
    %mul3A_59 = vector.broadcast %mul3A_58 : f32 to vector<1000x128xf32>
    %mul3A_60 = arith.mulf %add3A_54, %mul3A_59 : vector<1000x128xf32>
    %select_n3A_61 = arith.select %gt3A_57, %add3A_54, %mul3A_60 : vector<1000x128xi1>, vector<1000x128xf32>
    %swap3A = arith.constant 0 : index
    %swap3A_62 = arith.constant 0 : index
    %swap3A_63 = vector.load %arg10[%swap3A, %swap3A_62] : memref<1000x128xf32, #tpu.memory_space<vmem>>, vector<1000x128xf32>
    tpu.vector_store %arg10[%swap3A, %swap3A_62], %select_n3A_61 {strides = array<i32>} : memref<1000x128xf32, #tpu.memory_space<vmem>>, vector<1000x128xf32>,
    %get3A_64 = arith.constant 0 : index
    %get3A_65 = arith.constant 0 : index
    %get3A_66 = vector.load %arg9[%get3A_64, %get3A_65] : memref<128x128xf32, #tpu.memory_space<vmem>>, vector<128x128xf32>
    %dot_general3A_67 = arith.constant dense<0.000000e+00> : vector<1000x128xf32>
    %dot_general3A_68 = tpu.matmul %select_n3A_61, %get3A_66, %dot_general3A_67 {dimension_numbers = #tpu.dot_dimension_numbers<[1], [0], [0], [1], [0, 0, 1, 1], [], []>, transpose_lhs_hint = false} : vector<1000x128xf32>, vector<128x128xf32>, vector<1000x128xf32> -> vector<1000x128xf32>
    %swap3A_69 = arith.constant 0 : index
    %swap3A_70 = arith.constant 0 : index
    %swap3A_71 = vector.load %arg11[%swap3A_69, %swap3A_70] : memref<1000x128xf32, #tpu.memory_space<vmem>>, vector<1000x128xf32>
    tpu.vector_store %arg11[%swap3A_69, %swap3A_70], %dot_general3A_68 {strides = array<i32>} : memref<1000x128xf32, #tpu.memory_space<vmem>>, vector<1000x128xf32>,
    %slice3A_72 = vector.extract_strided_slice %get3A_13 {offsets = [0, 8], sizes = [1000, 1], strides = [1, 1]} : vector<1000x16xf32> to vector<1000x1xf32>
    %slice3A_73 = vector.extract_strided_slice %get3A_18 {offsets = [0, 8], sizes = [1000, 1], strides = [1, 1]} : vector<1000x16xf32> to vector<1000x1xf32>
    %add3A_74 = arith.addf %slice3A_72, %slice3A_73 : vector<1000x1xf32>
    %swap3A_75 = arith.constant 0 : index
    %swap3A_76 = arith.constant 0 : index
    %swap3A_77 = vector.load %arg12[%swap3A_75, %swap3A_76] : memref<1000x1xf32, #tpu.memory_space<vmem>>, vector<1000x1xf32>
    tpu.vector_store %arg12[%swap3A_75, %swap3A_76], %add3A_74 {strides = array<i32>} : memref<1000x1xf32, #tpu.memory_space<vmem>>, vector<1000x1xf32>,
    return
  }
  func.func @transform_0(%arg0: i32) -> (i32, i32, i32) {
    %c0_i32 = arith.constant 0 : i32
    %c0_i32_0 = arith.constant 0 : i32
    %c0_i32_1 = arith.constant 0 : i32
    return %c0_i32, %arg0, %c0_i32_0 : i32, i32, i32
  }
  func.func @transform_1(%arg0: i32) -> (i32, i32, i32) {
    %c1_i32 = arith.constant 1 : i32
    %c0_i32 = arith.constant 0 : i32
    %c0_i32_0 = arith.constant 0 : i32
    return %c1_i32, %arg0, %c0_i32 : i32, i32, i32
  }
  func.func @transform_2(%arg0: i32) -> (i32, i32, i32) {
    %c0_i32 = arith.constant 0 : i32
    %c0_i32_0 = arith.constant 0 : i32
    %c0_i32_1 = arith.constant 0 : i32
    return %c0_i32, %arg0, %c0_i32_0 : i32, i32, i32
  }
  func.func @transform_3(%arg0: i32) -> (i32, i32, i32) {
    %c1_i32 = arith.constant 1 : i32
    %c0_i32 = arith.constant 0 : i32
    %c0_i32_0 = arith.constant 0 : i32
    return %c1_i32, %arg0, %c0_i32 : i32, i32, i32
  }
  func.func @transform_4(%arg0: i32) -> (i32, i32) {
    %c0_i32 = arith.constant 0 : i32
    %c0_i32_0 = arith.constant 0 : i32
    return %arg0, %c0_i32 : i32, i32
  }
  func.func @transform_5(%arg0: i32) -> (i32, i32) {
    %c0_i32 = arith.constant 0 : i32
    %c0_i32_0 = arith.constant 0 : i32
    return %arg0, %c0_i32 : i32, i32
  }
  func.func @transform_6(%arg0: i32) -> (i32, i32) {
    %c0_i32 = arith.constant 0 : i32
    %c0_i32_0 = arith.constant 0 : i32
    %c0_i32_1 = arith.constant 0 : i32
    return %c0_i32, %c0_i32_0 : i32, i32
  }
  func.func @transform_7(%arg0: i32) -> (i32, i32) {
    %c0_i32 = arith.constant 0 : i32
    %c0_i32_0 = arith.constant 0 : i32
    %c0_i32_1 = arith.constant 0 : i32
    return %c0_i32, %c0_i32_0 : i32, i32
  }
  func.func @transform_8(%arg0: i32) -> (i32, i32) {
    %c0_i32 = arith.constant 0 : i32
    %c0_i32_0 = arith.constant 0 : i32
    %c0_i32_1 = arith.constant 0 : i32
    return %c0_i32, %c0_i32_0 : i32, i32
  }
  func.func @transform_9(%arg0: i32) -> (i32, i32) {
    %c0_i32 = arith.constant 0 : i32
    %c0_i32_0 = arith.constant 0 : i32
    return %arg0, %c0_i32 : i32, i32
  }
  func.func @transform_10(%arg0: i32) -> (i32, i32) {
    %c0_i32 = arith.constant 0 : i32
    %c0_i32_0 = arith.constant 0 : i32
    return %arg0, %c0_i32 : i32, i32
  }
  func.func @transform_11(%arg0: i32) -> (i32, i32) {
    %c0_i32 = arith.constant 0 : i32
    %c0_i32_0 = arith.constant 0 : i32
    return %arg0, %c0_i32 : i32, i32
  }
}

module attributes {stable_mosaic.version = 14 : i64} {
  func.func @_tc3_body(%arg0: i32, %arg1: memref<1x1000x128xf32, #tpu.memory_space<vmem>>, %arg2: memref<1x1000x128xf32, #tpu.memory_space<vmem>>, %arg3: memref<1000x1xf32, #tpu.memory_space<vmem>>, %arg4: memref<1000x128xf32, #tpu.memory_space<vmem>>, %arg5: memref<128x128xf32, #tpu.memory_space<vmem>>, %arg6: memref<1x128xf32, #tpu.memory_space<vmem>>, %arg7: memref<1x128xf32, #tpu.memory_space<vmem>>) attributes {dimension_semantics = [#tpu.dimension_semantics<arbitrary>], iteration_bounds = array<i64: 10>, scalar_prefetch = 0 : i64, scratch_operands = 0 : i64, tpu.core_type = #tpu.core_type<tc>, window_params = [{transform_indices = @transform_0, window_bounds = array<i64: 1, 1000, 128>}, {transform_indices = @transform_1, window_bounds = array<i64: 1, 1000, 128>}, {transform_indices = @transform_2, window_bounds = array<i64: 1000, 1>}, {transform_indices = @transform_3, window_bounds = array<i64: 1000, 128>}, {pipeline_mode = #tpu.pipeline_mode<synchronous>, transform_indices = @transform_4, window_bounds = array<i64: 128, 128>}, {pipeline_mode = #tpu.pipeline_mode<synchronous>, transform_indices = @transform_5, window_bounds = array<i64: 1, 128>}, {pipeline_mode = #tpu.pipeline_mode<synchronous>, transform_indices = @transform_6, window_bounds = array<i64: 1, 128>}]} {
    %get3A = arith.constant 0 : index
    %get3A_0 = arith.constant 0 : index
    %get3A_1 = arith.constant 0 : index
    %get3A_2 = vector.load %arg1[%get3A, %get3A_0, %get3A_1] : memref<1x1000x128xf32, #tpu.memory_space<vmem>>, vector<1x1000x128xf32>
    %get3A_3 = vector.shape_cast %get3A_2 : vector<1x1000x128xf32> to vector<1000x128xf32>
    %get3A_4 = arith.constant 0 : index
    %get3A_5 = arith.constant 0 : index
    %get3A_6 = arith.constant 0 : index
    %get3A_7 = vector.load %arg2[%get3A_4, %get3A_5, %get3A_6] : memref<1x1000x128xf32, #tpu.memory_space<vmem>>, vector<1x1000x128xf32>
    %get3A_8 = vector.shape_cast %get3A_7 : vector<1x1000x128xf32> to vector<1000x128xf32>
    %add3A = arith.addf %get3A_3, %get3A_8 : vector<1000x128xf32>
    %get3A_9 = arith.constant 0 : index
    %get3A_10 = arith.constant 0 : index
    %get3A_11 = vector.load %arg3[%get3A_9, %get3A_10] : memref<1000x1xf32, #tpu.memory_space<vmem>>, vector<1000x1xf32>
    %max3A = arith.constant 1.000000e+00 : f32
    %max3A_12 = vector.broadcast %max3A : f32 to vector<1000x1xf32>
    %max3A_13 = arith.maximumf %get3A_11, %max3A_12 : vector<1000x1xf32>
    %div3A = vector.broadcast %max3A_13 : vector<1000x1xf32> to vector<1000x128xf32>
    %div3A_14 = arith.divf %add3A, %div3A : vector<1000x128xf32>
    %get3A_15 = arith.constant 0 : index
    %get3A_16 = arith.constant 0 : index
    %get3A_17 = vector.load %arg5[%get3A_15, %get3A_16] : memref<128x128xf32, #tpu.memory_space<vmem>>, vector<128x128xf32>
    %dot_general3A = arith.constant dense<0.000000e+00> : vector<1000x128xf32>
    %dot_general3A_18 = tpu.matmul %div3A_14, %get3A_17, %dot_general3A {dimension_numbers = #tpu.dot_dimension_numbers<[1], [0], [0], [1], [0, 0, 1, 1], [], []>, transpose_lhs_hint = false} : vector<1000x128xf32>, vector<128x128xf32>, vector<1000x128xf32> -> vector<1000x128xf32>
    %get3A_19 = arith.constant 0 : index
    %get3A_20 = arith.constant 0 : index
    %get3A_21 = vector.load %arg6[%get3A_19, %get3A_20] : memref<1x128xf32, #tpu.memory_space<vmem>>, vector<1x128xf32>
    %add3A_22 = vector.broadcast %get3A_21 : vector<1x128xf32> to vector<1000x128xf32>
    %add3A_23 = arith.addf %dot_general3A_18, %add3A_22 : vector<1000x128xf32>
    %get3A_24 = arith.constant 0 : index
    %get3A_25 = arith.constant 0 : index
    %get3A_26 = vector.load %arg4[%get3A_24, %get3A_25] : memref<1000x128xf32, #tpu.memory_space<vmem>>, vector<1000x128xf32>
    %add3A_27 = arith.addf %add3A_23, %get3A_26 : vector<1000x128xf32>
    %max3A_28 = arith.constant 0.000000e+00 : f32
    %max3A_29 = vector.broadcast %max3A_28 : f32 to vector<1000x128xf32>
    %max3A_30 = arith.maximumf %add3A_27, %max3A_29 : vector<1000x128xf32>
    %eq3A = arith.constant 0 : i32
    %eq3A_31 = arith.cmpi eq, %arg0, %eq3A : i32
    %convert_element_type3A = arith.extui %eq3A_31 : i1 to i32
    %cond3A = arith.constant 0 : i32
    %cond3A_32 = arith.cmpi ne, %convert_element_type3A, %cond3A : i32
    scf.if %cond3A_32 {
      %broadcast_in_dim3A_40 = arith.constant 0.000000e+00 : f32
      %broadcast_in_dim3A_41 = vector.broadcast %broadcast_in_dim3A_40 : f32 to vector<1x128xf32>
      %swap3A_42 = arith.constant 0 : index
      %swap3A_43 = arith.constant 0 : index
      %swap3A_44 = vector.load %arg7[%swap3A_42, %swap3A_43] : memref<1x128xf32, #tpu.memory_space<vmem>>, vector<1x128xf32>
      tpu.vector_store %arg7[%swap3A_42, %swap3A_43], %broadcast_in_dim3A_41 {strides = array<i32>} : memref<1x128xf32, #tpu.memory_space<vmem>>, vector<1x128xf32>,
    } else {
    }
    %get3A_33 = arith.constant 0 : index
    %get3A_34 = arith.constant 0 : index
    %get3A_35 = vector.load %arg7[%get3A_33, %get3A_34] : memref<1x128xf32, #tpu.memory_space<vmem>>, vector<1x128xf32>
    %reduce_sum3A = arith.constant dense<0.000000e+00> : vector<128xf32>
    %reduce_sum3A_36 = vector.multi_reduction <add>, %max3A_30, %reduce_sum3A [0] : vector<1000x128xf32> to vector<128xf32>
    %broadcast_in_dim3A = vector.shape_cast %reduce_sum3A_36 : vector<128xf32> to vector<1x128xf32>
    %add3A_37 = arith.addf %get3A_35, %broadcast_in_dim3A : vector<1x128xf32>
    %swap3A = arith.constant 0 : index
    %swap3A_38 = arith.constant 0 : index
    %swap3A_39 = vector.load %arg7[%swap3A, %swap3A_38] : memref<1x128xf32, #tpu.memory_space<vmem>>, vector<1x128xf32>
    tpu.vector_store %arg7[%swap3A, %swap3A_38], %add3A_37 {strides = array<i32>} : memref<1x128xf32, #tpu.memory_space<vmem>>, vector<1x128xf32>,
    return
  }
  func.func @transform_0(%arg0: i32) -> (i32, i32, i32) {
    %c0_i32 = arith.constant 0 : i32
    %c0_i32_0 = arith.constant 0 : i32
    %c0_i32_1 = arith.constant 0 : i32
    return %c0_i32, %arg0, %c0_i32_0 : i32, i32, i32
  }
  func.func @transform_1(%arg0: i32) -> (i32, i32, i32) {
    %c1_i32 = arith.constant 1 : i32
    %c0_i32 = arith.constant 0 : i32
    %c0_i32_0 = arith.constant 0 : i32
    return %c1_i32, %arg0, %c0_i32 : i32, i32, i32
  }
  func.func @transform_2(%arg0: i32) -> (i32, i32) {
    %c0_i32 = arith.constant 0 : i32
    %c0_i32_0 = arith.constant 0 : i32
    return %arg0, %c0_i32 : i32, i32
  }
  func.func @transform_3(%arg0: i32) -> (i32, i32) {
    %c0_i32 = arith.constant 0 : i32
    %c0_i32_0 = arith.constant 0 : i32
    return %arg0, %c0_i32 : i32, i32
  }
  func.func @transform_4(%arg0: i32) -> (i32, i32) {
    %c0_i32 = arith.constant 0 : i32
    %c0_i32_0 = arith.constant 0 : i32
    %c0_i32_1 = arith.constant 0 : i32
    return %c0_i32, %c0_i32_0 : i32, i32
  }
  func.func @transform_5(%arg0: i32) -> (i32, i32) {
    %c0_i32 = arith.constant 0 : i32
    %c0_i32_0 = arith.constant 0 : i32
    %c0_i32_1 = arith.constant 0 : i32
    return %c0_i32, %c0_i32_0 : i32, i32
  }
  func.func @transform_6(%arg0: i32) -> (i32, i32) {
    %c0_i32 = arith.constant 0 : i32
    %c0_i32_0 = arith.constant 0 : i32
    %c0_i32_1 = arith.constant 0 : i32
    return %c0_i32, %c0_i32_0 : i32, i32
  }
}

module attributes {stable_mosaic.version = 14 : i64} {
  func.func @_tc4_body(%arg0: i32, %arg1: memref<1000x128xf32, #tpu.memory_space<vmem>>, %arg2: memref<1x128xf32, #tpu.memory_space<vmem>>, %arg3: memref<1000x128xf32, #tpu.memory_space<vmem>>) attributes {dimension_semantics = [#tpu.dimension_semantics<arbitrary>], iteration_bounds = array<i64: 10>, scalar_prefetch = 0 : i64, scratch_operands = 0 : i64, tpu.core_type = #tpu.core_type<tc>, window_params = [{transform_indices = @transform_0, window_bounds = array<i64: 1000, 128>}, {pipeline_mode = #tpu.pipeline_mode<synchronous>, transform_indices = @transform_1, window_bounds = array<i64: 1, 128>}, {transform_indices = @transform_2, window_bounds = array<i64: 1000, 128>}]} {
    %get3A = arith.constant 0 : index
    %get3A_0 = arith.constant 0 : index
    %get3A_1 = vector.load %arg1[%get3A, %get3A_0] : memref<1000x128xf32, #tpu.memory_space<vmem>>, vector<1000x128xf32>
    %get3A_2 = arith.constant 0 : index
    %get3A_3 = arith.constant 0 : index
    %get3A_4 = vector.load %arg2[%get3A_2, %get3A_3] : memref<1x128xf32, #tpu.memory_space<vmem>>, vector<1x128xf32>
    %mul3A = arith.constant 9.99999974E-5 : f32
    %mul3A_5 = vector.broadcast %mul3A : f32 to vector<1x128xf32>
    %mul3A_6 = arith.mulf %get3A_4, %mul3A_5 : vector<1x128xf32>
    %add3A = vector.broadcast %mul3A_6 : vector<1x128xf32> to vector<1000x128xf32>
    %add3A_7 = arith.addf %get3A_1, %add3A : vector<1000x128xf32>
    %swap3A = arith.constant 0 : index
    %swap3A_8 = arith.constant 0 : index
    %swap3A_9 = vector.load %arg3[%swap3A, %swap3A_8] : memref<1000x128xf32, #tpu.memory_space<vmem>>, vector<1000x128xf32>
    tpu.vector_store %arg3[%swap3A, %swap3A_8], %add3A_7 {strides = array<i32>} : memref<1000x128xf32, #tpu.memory_space<vmem>>, vector<1000x128xf32>,
    return
  }
  func.func @transform_0(%arg0: i32) -> (i32, i32) {
    %c0_i32 = arith.constant 0 : i32
    %c0_i32_0 = arith.constant 0 : i32
    return %arg0, %c0_i32 : i32, i32
  }
  func.func @transform_1(%arg0: i32) -> (i32, i32) {
    %c0_i32 = arith.constant 0 : i32
    %c0_i32_0 = arith.constant 0 : i32
    %c0_i32_1 = arith.constant 0 : i32
    return %c0_i32, %c0_i32_0 : i32, i32
  }
  func.func @transform_2(%arg0: i32) -> (i32, i32) {
    %c0_i32 = arith.constant 0 : i32
    %c0_i32_0 = arith.constant 0 : i32
    return %arg0, %c0_i32 : i32, i32
  }
}

</mosaic_0001>

<sc_bundles>
// kernel: kernel.11.cloned.1.call-start
scs
__scs_entry_jumppad:
0x0: {  	(pc) =	sbr.rel $0x88, $3  }
0x1: {  	(tag) =	ssettag $0x0;
	lr =	simm.s32 $0x1  }
0x2: {  	[smem:$0x3F93] =	sst lr;
	_ =	strace $0xD0000000  }
0x3: {  	_ = 	snop  }
0x4: {  	_ = 	snop  }
0x5: {  	_ = 	snop  }
0x6: {  	_ = 	snop  }
0x7: {  	_ = 	snop  }
__scs_overlays_trampoline_lowered:
0x8: {  	[smem:$0x3FA2] =	sst s0  }
0x9: {  	[smem:$0x3FA3] =	sst s1  }
0xa: {  	[smem:$0x3FA4] =	sst s2  }
0xb: {  	[smem:$0x3FA5] =	sst s3  }
0xc: {  	[smem:$0x3FA6] =	sst s4  }
0xd: {  	[smem:$0x3FA7] =	sst s5  }
0xe: {  	[smem:$0x3FA8] =	sst s6  }
0xf: {  	[smem:$0x3FA9] =	sst s7  }
0x10: {  	[smem:$0x3FAA] =	sst s8  }
0x11: {  	[smem:$0x3FAB] =	sst s9;
	s0 =	simm.s32 @!p0 $0x0  }
0x12: {  	s1 =	sld [smem:$0x3F91];
	s0 =	simm.s32 @p0 $0x1  }
0x13: {  	[smem:$0x3FAC] =	sst s0;
	s0 =	simm.s32 @!p1 $0x0  }
0x14: {  	s2 =	sld [smem:$0x3F90];
	s0 =	simm.s32 @p1 $0x1  }
0x15: {  	[smem:$0x3FAD] =	sst s0;
	s0 =	simm.s32 @!p2 $0x0  }
0x16: {  	s3 =	sld [smem:$0x3FDB];
	s0 =	simm.s32 @p2 $0x1  }
0x17: {  	s4 =	simm.s32 $0x1BF5;
	[smem:$0x3FAF] =	sst s0  }
0x18: {  	s0 =	sld [smem:$0x3F92];
	_ =	swait.ge [sflag:s4], $0x0  }
0x19: {  	s7 =	sld [smem:$0x3F93]  }
0x1a: {  	s8 =	sadd.s32 $0xFFFFE003, lr  }
0x1b: {  	s9 =	sadd.s32 $0xFFFFFEF7, lr;
	s5 =	simm.s32 $0xFFFFFFFF;
	p2 =	slt.u32 s8, $0xFFFFF086  }
0x1c: {  	p1 =	slt.u32 s9, $0xF7A;
	s5 =	simm.s32 @!p2 $0x0  }
0x1d: {  	s5 =	simm.s32 @p1 $0x1;
	p0 =	seq.s32 s7, s2  }
0x1e: {  	s7 =	smul.u32 @!p0 $0xF7A, s2;
	p2 =	seq.s32 @!p0 s5, $0x0  }
0x1f: {  	s9 =	smul.u32 $0xF7A, s1;
	s8 =	simm.s32 @!p0 $0x1BF5;
	p2 =	por !p2, p0  }
0x20: {  	[sflag:s8] =	ssyncset.s32 @!p0 $0xFFFFF086;
	s6 =	sadd.s32 @!p0 s3, s7;
	s7 =	simm.s32 @!p0 $0x108  }
0x21: {  	s3 =	sadd.s32 s3, s9;
	s6 =	sadd.s32 @!p0 $0x88, s6;
	s7 =	simm.s32 @p2 $0x1082  }
0x22: {  	[simem:s7], [sflag:s8] =	dma.local @!p0 [hbm:s6], $0xF7A  }
0x23: {  	s9 =	sor.u32 $0xD0000000, s2;
	s6 =	simm.s32 $0x108;
	_ =	swait.ge @!p0 [sflag:s8], $0x0  }
0x24: {  	s3 =	sadd.s32 $0x88, s3;
	s6 =	simm.s32 @!p1 $0x1082;
	[sflag:s4] =	ssyncset.s32 $0xFFFFF086  }
0x25: {  	[simem:s6], [sflag:s4] =	dma.local [hbm:s3], $0xF7A  }
0x26: {  	[smem:$0x3F93] =	sst s1;
	(tag) =	ssettag s2;
	_ =	strace s9  }
0x27: {  	s1 =	sld [smem:$0x3FA3]  }
0x28: {  	s2 =	sld [smem:$0x3FA4]  }
0x29: {  	s4 =	sld [smem:$0x3FA6]  }
0x2a: {  	p0 =	seq.s32 s5, $0x0;
	s5 =	sld [smem:$0x3FA7]  }
0x2b: {  	s6 =	sld [smem:$0x3FA8]  }
0x2c: {  	s7 =	sld [smem:$0x3FA9]  }
0x2d: {  	s3 =	simm.s32 $0x108;
	s8 =	sld [smem:$0x3FAA]  }
0x2e: {  	s3 =	simm.s32 @!p0 $0x1082;
	s9 =	sld [smem:$0x3FAB]  }
0x2f: {  	lr =	sadd.s32 s0, s3;
	s0 =	sld [smem:$0x3FA2]  }
0x30: {  	s3 =	sld [smem:$0x3FA5]  }
0x31: {  	[smem:$0x3FAE] =	sst s10  }
0x32: {  	s10 =	sld [smem:$0x3FAC];
	_ =	sdelay $0x3  }
0x33: {  	p0 =	seq.s32 s10, $0x1;
	s10 =	sld [smem:$0x3FAE];
	_ =	sdelay $0x3  }
0x34: {  	[smem:$0x3FAE] =	sst s10  }
0x35: {  	s10 =	sld [smem:$0x3FAD];
	_ =	sdelay $0x3  }
0x36: {  	p1 =	seq.s32 s10, $0x1;
	s10 =	sld [smem:$0x3FAE];
	_ =	sdelay $0x3  }
0x37: {  	[smem:$0x3FAE] =	sst s10  }
0x38: {  	s10 =	sld [smem:$0x3FAF]  }
0x39: {  	_ = 	snop;
	(pc) =	sbr.ind lr, $3  }
0x3a: {  	_ = 	snop  }
0x3b: {  	_ = 	snop  }
0x3c: {  	p2 =	seq.s32 s10, $0x1;
	s10 =	sld [smem:$0x3FAE]  }
0x3d: {  	_ =	shalt  }
0x3e: {  	_ =	shalt  }
0x3f: {  	_ =	shalt  }
0x40: {  	_ =	shalt  }
0x41: {  	_ =	shalt  }
0x42: {  	_ =	shalt  }
0x43: {  	_ =	shalt  }
0x44: {  	_ =	shalt  }
0x45: {  	_ =	shalt  }
0x46: {  	_ =	shalt  }
0x47: {  	_ =	shalt  }
0x48: {  	_ =	shalt  }
0x49: {  	_ =	shalt  }
0x4a: {  	_ =	shalt  }
0x4b: {  	_ =	shalt  }
0x4c: {  	_ =	shalt  }
0x4d: {  	_ =	shalt  }
0x4e: {  	_ =	shalt  }
0x4f: {  	_ =	shalt  }
0x50: {  	_ =	shalt  }
0x51: {  	_ =	shalt  }
0x52: {  	_ =	shalt  }
0x53: {  	_ =	shalt  }
0x54: {  	_ =	shalt  }
0x55: {  	_ =	shalt  }
0x56: {  	_ =	shalt  }
0x57: {  	_ =	shalt  }
0x58: {  	_ =	shalt  }
0x59: {  	_ =	shalt  }
0x5a: {  	_ =	shalt  }
0x5b: {  	_ =	shalt  }
0x5c: {  	_ =	shalt  }
0x5d: {  	_ =	shalt  }
0x5e: {  	_ =	shalt  }
0x5f: {  	_ =	shalt  }
0x60: {  	_ =	shalt  }
0x61: {  	_ =	shalt  }
0x62: {  	_ =	shalt  }
0x63: {  	_ =	shalt  }
0x64: {  	_ =	shalt  }
0x65: {  	_ =	shalt  }
0x66: {  	_ =	shalt  }
0x67: {  	_ =	shalt  }
0x68: {  	_ =	shalt  }
0x69: {  	_ =	shalt  }
0x6a: {  	_ =	shalt  }
0x6b: {  	_ =	shalt  }
0x6c: {  	_ =	shalt  }
0x6d: {  	_ =	shalt  }
0x6e: {  	_ =	shalt  }
0x6f: {  	_ =	shalt  }
0x70: {  	_ =	shalt  }
0x71: {  	_ =	shalt  }
0x72: {  	_ =	shalt  }
0x73: {  	_ =	shalt  }
0x74: {  	_ =	shalt  }
0x75: {  	_ =	shalt  }
0x76: {  	_ =	shalt  }
0x77: {  	_ =	shalt  }
0x78: {  	_ =	shalt  }
0x79: {  	_ =	shalt  }
0x7a: {  	_ =	shalt  }
0x7b: {  	_ =	shalt  }
0x7c: {  	_ =	shalt  }
0x7d: {  	_ =	shalt  }
0x7e: {  	_ =	shalt  }
0x7f: {  	_ =	shalt  }
0x80: {  	_ =	shalt  }
0x81: {  	_ =	shalt  }
0x82: {  	_ =	shalt  }
0x83: {  	_ =	shalt  }
0x84: {  	_ =	shalt  }
0x85: {  	_ =	shalt  }
0x86: {  	_ =	shalt  }
0x87: {  	_ =	shalt  }
.Lfunc_end0:
.L_simem_size_0:
called_computation.1_lowered:
.L_overlay_start_0:
0x88: {  	s2 =	sld [smem:$0x3FD9]  }
0x89: {  	s3 =	sld [smem:$0x3FFE];
	_ =	sdelay $0x1  }
0x8a: {  	s1 =	srdreg.scid  }
0x8b: {  	s0 =	sand.u32 $0x1, s1  }
0x8c: {  	s17 =	sshll.u32 s0, $0xA;
	s2 =	sadd.s32 s3, s2  }
0x8d: {  	s2 =	sadd.s32 s2, s17  }
0x8e: {  	[smem:$0x3FBA] =	sst s2  }
0x8f: {  	_ = 	snop  }
0x90: {  	s2 =	sld [smem:$0x3FD0];
	(tm) =	ssettm $0x1  }
0x91: {  	s18 =	sld [smem:$0x3FFB];
	_ =	sdelay $0x3  }
0x92: {  	_ =	strace s18  }
0x93: {  	s3 =	sld [smem:$0x3FFC];
	_ =	sdelay $0x3  }
0x94: {  	_ =	strace s3  }
0x95: {  	s3 =	sld [smem:$0x3FFD];
	_ =	sdelay $0x3  }
0x96: {  	_ =	strace s3  }
0x97: {  	_ =	strace $0x8FFFFFFF  }
0x98: {  	s19 =	sld [smem:$0x3FDB];
	_ =	sdelay $0x1  }
0x99: {  	s4 =	simm.s32 $_scs_section_size  }
0x9a: {  	s5 =	simm.s32 $_size__tile_overlayer_lowered;
	s6 =	simm.s32 $_tile_overlayer_lowered  }
0x9b: {  	s22 =	simm.s32 $0x1BFF;
	s21 =	sshll.u32 s6, $0x1;
	s3 =	sadd.s32 s4, s19  }
0x9c: {  	s7 =	simm.s32 $0x0;
	s20 =	sshll.u32 s5, $0x1;
	s5 =	sadd.s32 s21, s3  }
0x9d: {  	[timem:s7], [sflag:s22] =	dma.local [hbm:s5], s20  }
0x9e: {  	_ =	swait.ge [sflag:s22], s20  }
0x9f: {  	s4 =	ssub.s32 $0x0, s20;
	[sflag:s22] =	ssyncset.done $0x0  }
0xa0: {  	[sflag:s22] =	ssyncadd.s32 s4;
	_ =	sdelay $0x1  }
0xa1: {  	s23 =	simm.s32 $0x1B8B  }
0xa2: {  	_ =	swait.ge [sflag:s23], $0x1  }
0xa3: {  	[sflag:s23] =	ssyncset.done $0x0  }
0xa4: {  	s25 =	simm.s32 $0x1B8E;
	s24 =	sld [smem:$0x3FFE];
	[sflag:s23] =	ssyncadd.s32 $0xFFFFFFFF  }
0xa5: {  	s26 =	simm.s32 $execute0_lowered;
	[smem:$0x3FD2] =	sst s25  }
0xa6: {  	s5 =	sshll.u32 s26, $0x1;
	_ =	strace $0x80000049;
	[dreg:$0x1] =	wrdreg $0xFFFFFFFF  }
0xa7: {  	s28 =	simm.s32 $_size_execute0_lowered;
	s3 =	sadd.s32 s3, s5;
	[dreg:$0x0] =	wrdreg $0x0  }
0xa8: {  	s5 =	sshll.u32 s28, $0x1;
	[dreg:$0x2] =	wrdreg s3  }
0xa9: {  	[dreg:$0x3] =	wrdreg s5  }
0xaa: {  	[dreg:$0x4] =	wrdreg $0xC0  }
0xab: {  	_ =	task [dreg:s7], $0x5FFFF  }
0xac: {  	[dreg:$0x1] =	wrdreg $0xFFFFFFFF  }
0xad: {  	[dreg:$0x0] =	wrdreg $0x60  }
0xae: {  	[dreg:$0x2] =	wrdreg s2  }
0xaf: {  	[dreg:$0x3] =	wrdreg s24  }
0xb0: {  	[dreg:$0x4] =	wrdreg $0x0  }
0xb1: {  	[dreg:$0x5] =	wrdreg $0x9  }
0xb2: {  	_ =	task.clear_ibuf [dreg:s7], $0x6FFFF;
	_ =	strace $0x90000049  }
0xb3: {  	s29 =	simm.s32 $0x9;
	_ =	strace $0x8000004B  }
0xb4: {  	_ =	swait.ge [sflag:s29], $0x1  }
0xb5: {  	[sflag:s29] =	ssyncadd.s32 $0xFFFFFFFF  }
0xb6: {  	_ =	strace $0x9000004B  }
0xb7: {  	_ =	sfence  }
0xb8: {  	s30 =	sld [smem:$0x0];
	_ =	sdelay $0x2  }
0xb9: {  	s31 =	sshll.u32 s1, $0xD;
	s1 =	sshrl.u32 s1, $0x2  }
0xba: {  	s3 =	sand.u32 $0x4000, s31;
	s1 =	sadd.s32 s1, s30  }
0xbb: {  	s0 =	sor.u32 s3, s0;
	s1 =	sshll.u32 s1, $0x11  }
0xbc: {  	s0 =	sor.u32 s1, s0  }
0xbd: {  	s0 =	sadd.s32 $0x8F2B, s0  }
0xbe: {  	[sflag:s0] =	ssyncadd.remote.s32 $0x1  }
0xbf: {  	_ =	sfence.sel $0xFFFF  }
0xc0: {  	[dreg:$0x0] =	wrdreg $0xFFFFFFFF;
	(pc) =	sbr.abs _section_cstart, $3  }
0xc1: {  	[dreg:$0x1] =	wrdreg $0xFFFFFFFF  }
0xc2: {  	_ =	task.clear_ibuf [dreg:s7], $0x2FFFF;
	_ =	strace $0x9FFFFFFF  }
0xc3: {  	(tm) =	ssettm $0x7FFFFFFF  }
tec
execute0_lowered:
.L_overlay_start_1:
0x0: {  	(tag) =	ssettag $0x1  }
0x1: {  	s0 =	srdreg.scid  }
0x2: {  	s7 =	rddreg [dreg:$0x1];
	s23 =	stileid.u32  }
0x3: {  	s8 =	sand.u32 $0x1, s0;
	s9 =	sadd.s32 $0x3E200, s7;
	s13 =	sor.u32 $0x10, s23  }
0x4: {  	s15 =	sor.u32 $0x20, s23;
	s16 =	sor.u32 $0x30, s23;
	s17 =	sor.u32 $0x40, s23  }
0x5: {  	s18 =	sor.u32 $0x50, s23;
	s19 =	sor.u32 $0x60, s23;
	s31 =	smul.u32 $0xA000, s23  }
0x6: {  	s20 =	sor.u32 $0x70, s23;
	s25 =	sshll.u32 s23, $0x1;
	s10 =	smul.u32 $0x138800, s8  }
0x7: {  	s7 =	sadd.s32 $0x3600, s7;
	s29 =	sshll.u32 s23, $0x5;
	s22 =	smul.u32 $0x2800, s20  }
0x8: {  	s0 =	ssub.s32 $0x2, s8;
	s26 =	sor.u32 s8, s25;
	s30 =	smul.u32 $0xA000, s13  }
0x9: {  	s8 =	sshll.u32 s8, $0x4;
	s25 =	smul.u32 $0xA000, s17;
	s1 =	sshrl.u32 s0, $0x1  }
0xa: {  	p0 =	sgt.u32 s20, $0x7C;
	s11 =	ssub.s32 s0, s1;
	s0 =	smul.u32 $0x2800, s23  }
0xb: {  	s28 =	sshll.u32 s26, $0x4;
	s1 =	smul.u32 $0x2800, s13;
	s13 =	rddreg [dreg:$0x2]  }
0xc: {  	s23 =	smul.u32 $0xA000, s16;
	s11 =	smax.u32 s11, $0x1;
	s2 =	sadd.s32 s10, s0  }
0xd: {  	s12 =	sadd.s32 s10, s1;
	s0 =	sadd.s32 s0, s13;
	s1 =	sadd.s32 s1, s13  }
0xe: {  	s3 =	sshrl.u32 s2, $0x3;
	s2 =	smul.u32 $0x2800, s15;
	s4 =	sshrl.u32 s12, $0x3  }
0xf: {  	s15 =	smul.u32 $0xA000, s15;
	s3 =	sadd.s32 s9, s3;
	s4 =	sadd.s32 s9, s4  }
0x10: {  	[dreg:$0x4] =	wrdreg s3;
	s5 =	sadd.s32 s10, s2;
	s3 =	smul.u32 $0x2800, s16  }
0x11: {  	[dreg:$0x5] =	wrdreg s4;
	s4 =	smul.u32 $0x2800, s17;
	s5 =	sshrl.u32 s5, $0x3  }
0x12: {  	s0 =	sshrl.u32 s0, $0x3;
	s2 =	sadd.s32 s2, s13;
	s5 =	sadd.s32 s9, s5  }
0x13: {  	s6 =	sadd.s32 s10, s3;
	s14 =	sadd.s32 s10, s4;
	s3 =	sadd.s32 s3, s13  }
0x14: {  	[dreg:$0x6] =	wrdreg s5;
	s5 =	smul.u32 $0x2800, s18;
	s12 =	sshrl.u32 s6, $0x3  }
0x15: {  	s6 =	smul.u32 $0x2800, s19;
	s14 =	sshrl.u32 s14, $0x3;
	s12 =	sadd.s32 s9, s12  }
0x16: {  	s4 =	sadd.s32 s4, s13;
	s14 =	sadd.s32 s9, s14;
	[dreg:$0x7] =	wrdreg s12  }
0x17: {  	s21 =	sadd.s32 s10, s5;
	[dreg:$0x8] =	wrdreg s14;
	s24 =	sadd.s32 s10, s6  }
0x18: {  	s10 =	sadd.s32 s10, s22;
	s5 =	sadd.s32 s5, s13;
	s21 =	sshrl.u32 s21, $0x3  }
0x19: {  	s6 =	sadd.s32 s6, s13;
	s10 =	sshrl.u32 s10, $0x3;
	s12 =	sadd.s32 s9, s21  }
0x1a: {  	s21 =	sshrl.u32 s31, $0x2;
	s31 =	smul.u32 $0xA000, s20;
	[dreg:$0x9] =	wrdreg s12  }
0x1b: {  	s12 =	sshrl.u32 s24, $0x3;
	s24 =	sadd.s32 s7, s28;
	s7 =	sadd.s32 s29, s7  }
0x1c: {  	s28 =	smul.u32 $0xA000, s18;
	s29 =	sshrl.u32 s23, $0x2;
	s12 =	sadd.s32 s9, s12  }
0x1d: {  	s23 =	sshrl.u32 s1, $0x3;
	s9 =	sadd.s32 s9, s10;
	[dreg:$0xa] =	wrdreg s12  }
0x1e: {  	s7 =	sadd.s32 s8, s7;
	s10 =	ssub.s32 $0x9E3, s26;
	[dreg:$0xb] =	wrdreg s9  }
0x1f: {  	s8 =	sshrl.u32 s30, $0x2;
	s9 =	simm.s32 $0x0;
	s12 =	rddreg [dreg:$0x0]  }
0x20: {  	s26 =	sshrl.u32 s15, $0x2;
	s30 =	smul.u32 $0xA000, s19;
	[smem:$0x7FF] =	sst s9  }
0x21: {  	s8 =	sadd.s32 s8, s13;
	_ =	strace $0x8000004A;
	[dreg:$0xc] =	wrdreg s11  }
0x22: {  	s20 =	sshrl.u32 s31, $0x2;
	s31 =	sshrl.u32 s6, $0x3;
	[dreg:$0xe] =	wrdreg s8  }
0x23: {  	s1 =	sadd.s32 $0x200, s24;
	s15 =	simm.s32 $0x5;
	[dreg:$0x15] =	wrdreg s0  }
0x24: {  	s18 =	sshrl.u32 s28, $0x2;
	s28 =	sshrl.u32 s3, $0x3;
	[dreg:$0x16] =	wrdreg s23  }
0x25: {  	s19 =	sshrl.u32 s30, $0x2;
	s30 =	sshrl.u32 s5, $0x3;
	[dreg:$0x18] =	wrdreg s28  }
0x26: {  	s14 =	sshrl.u32 s10, $0x5;
	s3 =	simm.s32 $0x13A80;
	[dreg:$0x1a] =	wrdreg s30  }
0x27: {  	s10 =	simm.s32 $0x6;
	s11 =	sadd.s32 s21, s13;
	[dreg:$0x1b] =	wrdreg s31  }
0x28: {  	s5 =	simm.s32 $0x80;
	s8 =	sadd.s32 s26, s13;
	[dreg:$0xd] =	wrdreg s11  }
0x29: {  	s21 =	sadd.s32 s20, s13;
	s26 =	sshrl.u32 s2, $0x3;
	[dreg:$0xf] =	wrdreg s8  }
0x2a: {  	s2 =	sadd.s32 $0xFFFFFFFF, s14;
	s11 =	sshrl.u32 s25, $0x2;
	[dreg:$0x14] =	wrdreg s21  }
0x2b: {  	s8 =	sadd.s32 s29, s13;
	s25 =	sadd.s32 $0x400, s7;
	[dreg:$0x17] =	wrdreg s26  }
0x2c: {  	s29 =	sshrl.u32 s4, $0x3;
	s4 =	simm.s32 $0x7;
	[dreg:$0x10] =	wrdreg s8  }
0x2d: {  	s7 =	simm.s32 $0x13880;
	s8 =	sadd.s32 s18, s13;
	[dreg:$0x19] =	wrdreg s29  }
0x2e: {  	s17 =	sadd.s32 s11, s13;
	[dreg:$0x12] =	wrdreg s8;
	s8 =	sadd.s32 s19, s13  }
0x2f: {  	s11 =	smov.u32 s24;
	[dreg:$0x13] =	wrdreg s8;
	s8 =	sadd.s32 s22, s13  }
0x30: {  	v0 =	vimm.f32 $0.0e+00;
	[dreg:$0x11] =	wrdreg s17;
	s0 =	sshrl.u32 @!p0 s8, $0x3;
	s8 =	simm.s32 $0x1  }
.LBB2_1:
0x31: {  	s16 =	simm.s32 $0x0;
	s17 =	simm.s32 $0x200  }
.LBB2_2:
0x32: {  	p1 =	sne.s32 s17, $0x9E00;
	[tilespmem:s16+$0x13AF0] =	vst v0  }
0x33: {  	[tilespmem:s16+$0x13A80] =	vst v0  }
0x34: {  	[tilespmem:s16+$0x13A90] =	vst v0  }
.Ltmp0:
0x35: {  	[tilespmem:s16+$0x13AA0] =	vst v0;
	(pc) =	sbr.rel @p1 .LBB2_2-.Ltmp0, $4  }
0x36: {  	[tilespmem:s16+$0x13AB0] =	vst v0  }
0x37: {  	[tilespmem:s16+$0x13AC0] =	vst v0  }
0x38: {  	[tilespmem:s16+$0x13AD0] =	vst v0  }
0x39: {  	[tilespmem:s16+$0x13AE0] =	vst v0;
	s16 =	sshra.s32 s17, $0x2;
	s17 =	sadd.s32 $0x200, s17  }
0x3a: {  	[tilespmem:s16+$0x13AF0] =	vst v0  }
0x3b: {  	[tilespmem:s16+$0x13A80] =	vst v0  }
0x3c: {  	[tilespmem:s16+$0x13A90] =	vst v0  }
0x3d: {  	[tilespmem:s16+$0x13AA0] =	vst v0  }
0x3e: {  	[tilespmem:s16+$0x13AB0] =	vst v0  }
0x3f: {  	[tilespmem:s16+$0x13AC0] =	vst v0  }
0x40: {  	[tilespmem:s16+$0x13AD0] =	vst v0  }
0x41: {  	[tilespmem:s16+$0x13AE0] =	vst v0;
	s6 =	rddreg [dreg:$0xd]  }
0x42: {  	[spmem:s6] =	stream.linear.scatter [tilespmem:s3], [sflag:$0x7], $0x2800, $0x38;
	[tilespmem:$0x1BB80] =	vst v63  }
0x43: {  	_ =	swait.ge [sflag:s4], $0x2800  }
0x44: {  	[sflag:s4] =	ssyncset.done $0x0  }
0x45: {  	s22 =	rddreg [dreg:$0xe];
	[sflag:s4] =	ssyncadd.s32 $0xFFFFD800  }
0x46: {  	[spmem:s22] =	stream.linear.scatter [tilespmem:s3], [sflag:$0x7], $0x2800, $0x38;
	[tilespmem:$0x1BB80] =	vst v63  }
0x47: {  	_ =	swait.ge [sflag:s4], $0x2800  }
0x48: {  	[sflag:s4] =	ssyncset.done $0x0  }
0x49: {  	s23 =	rddreg [dreg:$0xf];
	[sflag:s4] =	ssyncadd.s32 $0xFFFFD800  }
0x4a: {  	[spmem:s23] =	stream.linear.scatter [tilespmem:s3], [sflag:$0x7], $0x2800, $0x38;
	[tilespmem:$0x1BB80] =	vst v63  }
0x4b: {  	_ =	swait.ge [sflag:s4], $0x2800  }
0x4c: {  	[sflag:s4] =	ssyncset.done $0x0  }
0x4d: {  	s24 =	rddreg [dreg:$0x10];
	[sflag:s4] =	ssyncadd.s32 $0xFFFFD800  }
0x4e: {  	[spmem:s24] =	stream.linear.scatter [tilespmem:s3], [sflag:$0x7], $0x2800, $0x38;
	[tilespmem:$0x1BB80] =	vst v63  }
0x4f: {  	_ =	swait.ge [sflag:s4], $0x2800  }
0x50: {  	[sflag:s4] =	ssyncset.done $0x0  }
0x51: {  	s26 =	rddreg [dreg:$0x11];
	[sflag:s4] =	ssyncadd.s32 $0xFFFFD800  }
0x52: {  	[spmem:s26] =	stream.linear.scatter [tilespmem:s3], [sflag:$0x7], $0x2800, $0x38;
	[tilespmem:$0x1BB80] =	vst v63  }
0x53: {  	_ =	swait.ge [sflag:s4], $0x2800  }
0x54: {  	[sflag:s4] =	ssyncset.done $0x0  }
0x55: {  	s28 =	rddreg [dreg:$0x12];
	[sflag:s4] =	ssyncadd.s32 $0xFFFFD800  }
0x56: {  	[spmem:s28] =	stream.linear.scatter [tilespmem:s3], [sflag:$0x7], $0x2800, $0x38;
	[tilespmem:$0x1BB80] =	vst v63  }
0x57: {  	_ =	swait.ge [sflag:s4], $0x2800  }
0x58: {  	[sflag:s4] =	ssyncset.done $0x0  }
0x59: {  	s29 =	rddreg [dreg:$0x13];
	[sflag:s4] =	ssyncadd.s32 $0xFFFFD800  }
0x5a: {  	[spmem:s29] =	stream.linear.scatter [tilespmem:s3], [sflag:$0x7], $0x2800, $0x38;
	[tilespmem:$0x1BB80] =	vst v63  }
0x5b: {  	_ =	swait.ge [sflag:s4], $0x2800  }
0x5c: {  	[sflag:s4] =	ssyncset.done $0x0  }
0x5d: {  	s16 =	simm.s32 @!p0 $0x13A80;
	s6 =	rddreg [dreg:$0x14];
	[sflag:s4] =	ssyncadd.s32 $0xFFFFD800  }
0x5e: {  	[spmem:s6] =	stream.linear.scatter @!p0 [tilespmem:s16], [sflag:$0x7], $0x2800, $0x38;
	[tilespmem:$0x1BB80] =	vst v63  }
0x5f: {  	s16 =	simm.s32 @!p0 $0x7  }
0x60: {  	_ =	swait.ge @!p0 [sflag:s16], $0x2800  }
0x61: {  	[sflag:s16] =	ssyncset.done @!p0 $0x0  }
0x62: {  	[sflag:s16] =	ssyncadd.s32 @!p0 $0xFFFFD800  }
0x63: {  	s30 =	simm.s32 $0x4E200;
	[bflag:$0x0] =	sbarrier.arrive $0xFFFF  }
0x64: {  	[tilespmem:s7], [sflag:$0x1] =	stream.strided.gather [hbm4b:s11+s5], $0x100, s30, s5, $0x38;
	[tilespmem:$0x1BB80] =	vst v63  }
0x65: {  	_ =	swait.ge [sflag:s8], $0x100  }
0x66: {  	[sflag:s8] =	ssyncset.done $0x0  }
0x67: {  	p1 =	sle.u32 s2, $0x0;
	[sflag:s8] =	ssyncadd.s32 $0xFFFFFF00  }
0x68: {  	[tilespmem:s3], [sflag:$0x3] =	stream.indirect.gather [hbm4b:s12+s5], $0x80, s7, s5, $0xb8;
	[tilespmem:$0x1BB80] =	vst v63  }
0x69: {  	s31 =	simm.s32 $0x13980;
	s16 =	simm.s32 @!p1 $0x2  }
0x6a: {  	[tilespmem:s31], [sflag:$0x2] =	stream.strided.gather [hbm4b:s1+s5], $0x100, s30, s5, $0x38;
	[tilespmem:$0x1BB80] =	vst v63  }
0x6b: {  	p2 =	por @!p1 $0x1, $0x1;
	_ =	swait.ge @!p1 [sflag:s16], $0x100;
	p1 =	por p1, p1  }
0x6c: {  	[sflag:s16] =	ssyncset.done @!p1 $0x0;
	p3 =	por p2, p1  }
0x6d: {  	[sflag:s16] =	ssyncadd.s32 @!p1 $0xFFFFFF00;
	s16 =	simm.s32 @!p3 $0x6  }
0x6e: {  	s17 =	simm.s32 @!p1 $0x13980;
	_ =	swait.ge @!p3 [sflag:s16], $0x4000  }
0x6f: {  	s18 =	simm.s32 @!p1 $0x17A80;
	p2 =	sle.u32 s14, $0x0;
	[sflag:s16] =	ssyncset.done @!p3 $0x0  }
0x70: {  	s19 =	simm.s32 @!p1 $0x80;
	[sflag:s16] =	ssyncadd.s32 @!p3 $0xFFFFC000;
	s16 =	simm.s32 @!p2 $0x3  }
0x71: {  	[tilespmem:s18], [sflag:$0x4] =	stream.indirect.gather @!p1 [hbm4b:s12+s19], $0x80, s17, s19, $0xb8;
	[tilespmem:$0x1BB80] =	vst v63  }
0x72: {  	_ =	swait.ge @!p2 [sflag:s16], $0x4000  }
0x73: {  	[sflag:s16] =	ssyncset.done @!p2 $0x0  }
0x74: {  	[sflag:s16] =	ssyncadd.s32 @!p2 $0xFFFFC000  }
0x75: {  	v1 =	vld @!p2 [tilespmem:$0x13970]  }
0x76: {  	v2 =	vld @!p2 [tilespmem:$0x13950]  }
0x77: {  	v3 =	vld @!p2 [tilespmem:$0x13960]  }
0x78: {  	v4 =	vld @!p2 [tilespmem:$0x13930]  }
0x79: {  	v5 =	vld @!p2 [tilespmem:$0x13940]  }
0x7a: {  	v6 =	vld @!p2 [tilespmem:$0x13900];
	[tilespmem:$0x1BAF0] =	vst @!p2 v1  }
0x7b: {  	v1 =	vld @!p2 [tilespmem:$0x13920];
	[tilespmem:$0x1BAD0] =	vst @!p2 v2  }
0x7c: {  	v2 =	vld @!p2 [tilespmem:$0x13910];
	[tilespmem:$0x1BAE0] =	vst @!p2 v3  }
0x7d: {  	[tilespmem:$0x1BAB0] =	vst @!p2 v4  }
0x7e: {  	[tilespmem:$0x1BAC0] =	vst @!p2 v5  }
0x7f: {  	[tilespmem:$0x1BA80] =	vst @!p2 v6  }
0x80: {  	s22 =	simm.s32 @!p2 $0x1BA80;
	p3 =	sle.u32 s14, $0x2;
	[tilespmem:$0x1BAA0] =	vst @!p2 v1  }
0x81: {  	s17 =	simm.s32 @!p3 $0x80;
	s20 =	simm.s32 @!p3 $0x4E200;
	s21 =	simm.s32 @!p3 $0x13880;
	[tilespmem:$0x1BA90] =	vst @!p2 v2  }
0x82: {  	[tilespmem:s21], [sflag:$0x1] =	stream.strided.gather @!p3 [hbm4b:s25+s17], $0x100, s20, s17, $0x38;
	[tilespmem:$0x1BB80] =	vst v63  }
0x83: {  	s23 =	simm.s32 @!p3 $0x1;
	s16 =	simm.s32 @!p2 $0x13A80;
	s20 =	simm.s32 @!p2 $0x80  }
0x84: {  	[spmem:s13] =	stream.indirect.scatter.add.f32 @!p2 [tilespmem:s16], [sflag:$0x5], $0x80, s22, s20, $0xb8;
	[tilespmem:$0x1BB80] =	vst v63  }
0x85: {  	_ =	swait.ge @!p3 [sflag:s23], $0x100  }
0x86: {  	[sflag:s23] =	ssyncset.done @!p3 $0x0  }
0x87: {  	s16 =	simm.s32 @!p3 $0x5;
	[sflag:s23] =	ssyncadd.s32 @!p3 $0xFFFFFF00  }
0x88: {  	_ =	swait.ge @!p3 [sflag:s16], $0x4000  }
0x89: {  	[sflag:s16] =	ssyncset.done @!p3 $0x0  }
0x8a: {  	s20 =	simm.s32 @!p1 $0x4;
	[sflag:s16] =	ssyncadd.s32 @!p3 $0xFFFFC000;
	s16 =	simm.s32 @!p3 $0x13A80  }
0x8b: {  	[tilespmem:s16], [sflag:$0x3] =	stream.indirect.gather @!p3 [hbm4b:s12+s17], $0x80, s21, s17, $0xb8;
	[tilespmem:$0x1BB80] =	vst v63  }
0x8c: {  	_ =	swait.ge @!p1 [sflag:s20], $0x4000  }
0x8d: {  	[sflag:s20] =	ssyncset.done @!p1 $0x0  }
0x8e: {  	[sflag:s20] =	ssyncadd.s32 @!p1 $0xFFFFC000  }
0x8f: {  	v1 =	vld @!p1 [tilespmem:$0x13A00]  }
0x90: {  	v6 =	vld @!p1 [tilespmem:$0x13A50]  }
0x91: {  	v7 =	vld @!p1 [tilespmem:$0x13A70]  }
0x92: {  	v5 =	vld @!p1 [tilespmem:$0x13A60]  }
0x93: {  	v2 =	vld @!p1 [tilespmem:$0x13A40]  }
0x94: {  	s24 =	smov.u32 s25;
	s23 =	simm.s32 $0x4;
	s21 =	simm.s32 $0x0;
	v3 =	vld @!p1 [tilespmem:$0x13A10];
	[tilespmem:$0x1BB00] =	vst @!p1 v1  }
0x95: {  	s16 =	simm.s32 $0x2;
	s17 =	sadd.s32 $0x400, s25;
	p3 =	sle.u32 s2, $0x2;
	v4 =	vld @!p1 [tilespmem:$0x13A20];
	[tilespmem:$0x1BB50] =	vst @!p1 v6  }
0x96: {  	p4 =	por @!p3 $0x0, $0x0;
	s22 =	smov.u32 s17;
	s20 =	simm.s32 $0x4;
	v1 =	vld @!p1 [tilespmem:$0x13A30];
	[tilespmem:$0x1BB70] =	vst @!p1 v7  }
.LBB2_4:
0x97: {  	s17 =	sadd.s32 $0x400, s17;
	[tilespmem:$0x1BB60] =	vst @!p1 v5;
	s26 =	smov.u32 s23;
	s23 =	sadd.s32 $0x2, s23  }
0x98: {  	s28 =	sadd.s32 $0x3, s21;
	s21 =	smov.u32 s16;
	p2 =	sne.s32 s23, $0x50;
	[tilespmem:$0x1BB40] =	vst @!p1 v2  }
0x99: {  	p5 =	sge.u32 s28, s14;
	s16 =	smov.u32 s26;
	[tilespmem:$0x1BB10] =	vst @!p1 v3  }
0x9a: {  	s26 =	sadd.s32 @!p5 $0x200, s24;
	s28 =	simm.s32 @!p5 $0x80;
	s29 =	simm.s32 @!p5 $0x13980;
	[tilespmem:$0x1BB20] =	vst @!p1 v4  }
0x9b: {  	s31 =	simm.s32 @!p1 $0x1BB00;
	s30 =	simm.s32 @!p5 $0x4E200;
	s24 =	smov.u32 s22;
	[tilespmem:$0x1BB30] =	vst @!p1 v1  }
0x9c: {  	[tilespmem:s29], [sflag:$0x2] =	stream.strided.gather @!p5 [hbm4b:s26+s28], $0x100, s30, s28, $0x38;
	[tilespmem:$0x1BB80] =	vst v63  }
0x9d: {  	s22 =	smov.u32 s17;
	s26 =	simm.s32 @!p3 $0x2  }
0x9e: {  	[spmem:s13] =	stream.indirect.scatter.add.f32 @!p1 [tilespmem:s18], [sflag:$0x6], $0x80, s31, s19, $0xb8;
	[tilespmem:$0x1BB80] =	vst v63  }
0x9f: {  	p1 =	por p3, p3;
	_ =	swait.ge @!p3 [sflag:s26], $0x100  }
0xa0: {  	p4 =	por p4, p1;
	[sflag:s26] =	ssyncset.done @!p1 $0x0  }
0xa1: {  	s19 =	simm.s32 @!p4 $0x6;
	[sflag:s26] =	ssyncadd.s32 @!p1 $0xFFFFFF00  }
0xa2: {  	s26 =	simm.s32 @!p1 $0x13980;
	_ =	swait.ge @!p4 [sflag:s19], $0x4000  }
0xa3: {  	s18 =	simm.s32 @!p1 $0x17A80;
	p3 =	sge.u32 s21, s14;
	[sflag:s19] =	ssyncset.done @!p4 $0x0  }
0xa4: {  	s28 =	simm.s32 @!p3 $0x3;
	[sflag:s19] =	ssyncadd.s32 @!p4 $0xFFFFC000;
	s19 =	simm.s32 @!p1 $0x80  }
0xa5: {  	[tilespmem:s18], [sflag:$0x4] =	stream.indirect.gather @!p1 [hbm4b:s12+s19], $0x80, s26, s19, $0xb8;
	[tilespmem:$0x1BB80] =	vst v63  }
0xa6: {  	_ =	swait.ge @!p3 [sflag:s28], $0x4000  }
0xa7: {  	[sflag:s28] =	ssyncset.done @!p3 $0x0  }
0xa8: {  	[sflag:s28] =	ssyncadd.s32 @!p3 $0xFFFFC000  }
0xa9: {  	v1 =	vld @!p3 [tilespmem:$0x13970]  }
0xaa: {  	v2 =	vld @!p3 [tilespmem:$0x13950]  }
0xab: {  	v3 =	vld @!p3 [tilespmem:$0x13960]  }
0xac: {  	v4 =	vld @!p3 [tilespmem:$0x13930]  }
0xad: {  	v5 =	vld @!p3 [tilespmem:$0x13940]  }
0xae: {  	v6 =	vld @!p3 [tilespmem:$0x13900];
	[tilespmem:$0x1BAF0] =	vst @!p3 v1  }
0xaf: {  	v1 =	vld @!p3 [tilespmem:$0x13920];
	[tilespmem:$0x1BAD0] =	vst @!p3 v2  }
0xb0: {  	v2 =	vld @!p3 [tilespmem:$0x13910];
	[tilespmem:$0x1BAE0] =	vst @!p3 v3  }
0xb1: {  	[tilespmem:$0x1BAB0] =	vst @!p3 v4  }
0xb2: {  	[tilespmem:$0x1BAC0] =	vst @!p3 v5  }
0xb3: {  	[tilespmem:$0x1BA80] =	vst @!p3 v6  }
0xb4: {  	p4 =	sge.u32 s20, s14;
	s20 =	smov.u32 s23;
	s26 =	simm.s32 @!p3 $0x13A80;
	[tilespmem:$0x1BAA0] =	vst @!p3 v1  }
0xb5: {  	s29 =	simm.s32 @!p4 $0x4E200;
	s30 =	simm.s32 @!p4 $0x13880;
	s28 =	simm.s32 @!p4 $0x80;
	[tilespmem:$0x1BA90] =	vst @!p3 v2  }
0xb6: {  	[tilespmem:s30], [sflag:$0x1] =	stream.strided.gather @!p4 [hbm4b:s24+s28], $0x100, s29, s28, $0x38;
	[tilespmem:$0x1BB80] =	vst v63  }
0xb7: {  	s31 =	simm.s32 @!p3 $0x1BA80;
	s6 =	simm.s32 @!p4 $0x1;
	s29 =	simm.s32 @!p3 $0x80  }
0xb8: {  	[spmem:s13] =	stream.indirect.scatter.add.f32 @!p3 [tilespmem:s26], [sflag:$0x5], $0x80, s31, s29, $0xb8;
	[tilespmem:$0x1BB80] =	vst v63  }
0xb9: {  	_ =	swait.ge @!p4 [sflag:s6], $0x100  }
0xba: {  	[sflag:s6] =	ssyncset.done @!p4 $0x0  }
0xbb: {  	[sflag:s6] =	ssyncadd.s32 @!p4 $0xFFFFFF00;
	s6 =	simm.s32 @!p4 $0x5  }
0xbc: {  	_ =	swait.ge @!p4 [sflag:s6], $0x4000  }
0xbd: {  	[sflag:s6] =	ssyncset.done @!p4 $0x0  }
0xbe: {  	s26 =	simm.s32 @!p1 $0x4;
	[sflag:s6] =	ssyncadd.s32 @!p4 $0xFFFFC000;
	s6 =	simm.s32 @!p4 $0x13A80  }
0xbf: {  	[tilespmem:s6], [sflag:$0x3] =	stream.indirect.gather @!p4 [hbm4b:s12+s28], $0x80, s30, s28, $0xb8;
	[tilespmem:$0x1BB80] =	vst v63  }
0xc0: {  	_ =	swait.ge @!p1 [sflag:s26], $0x4000  }
0xc1: {  	[sflag:s26] =	ssyncset.done @!p1 $0x0  }
0xc2: {  	[sflag:s26] =	ssyncadd.s32 @!p1 $0xFFFFC000  }
0xc3: {  	p3 =	sge.u32 s16, s2;
	v1 =	vld @!p1 [tilespmem:$0x13A00]  }
0xc4: {  	p4 =	seq.s32 @!p3 s16, $0x0;
	v6 =	vld @!p1 [tilespmem:$0x13A50]  }
0xc5: {  	v7 =	vld @!p1 [tilespmem:$0x13A70]  }
.Ltmp1:
0xc6: {  	v5 =	vld @!p1 [tilespmem:$0x13A60];
	(pc) =	sbr.rel @p2 .LBB2_4-.Ltmp1, $4  }
0xc7: {  	v2 =	vld @!p1 [tilespmem:$0x13A40]  }
0xc8: {  	[tilespmem:$0x1BB00] =	vst @!p1 v1;
	v3 =	vld @!p1 [tilespmem:$0x13A10]  }
0xc9: {  	v4 =	vld @!p1 [tilespmem:$0x13A20];
	[tilespmem:$0x1BB50] =	vst @!p1 v6  }
0xca: {  	v1 =	vld @!p1 [tilespmem:$0x13A30];
	[tilespmem:$0x1BB70] =	vst @!p1 v7  }
0xcb: {  	[tilespmem:$0x1BB60] =	vst @!p1 v5  }
0xcc: {  	s6 =	sadd.s32 $0x3, s21;
	[tilespmem:$0x1BB40] =	vst @!p1 v2  }
0xcd: {  	p2 =	sge.u32 s6, s14;
	[tilespmem:$0x1BB10] =	vst @!p1 v3  }
0xce: {  	s6 =	sadd.s32 @!p2 $0x200, s24;
	[tilespmem:$0x1BB20] =	vst @!p1 v4  }
0xcf: {  	s17 =	simm.s32 @!p2 $0x80;
	s21 =	simm.s32 @!p2 $0x13980;
	s23 =	simm.s32 @!p2 $0x4E200;
	[tilespmem:$0x1BB30] =	vst @!p1 v1  }
0xd0: {  	[tilespmem:s21], [sflag:$0x2] =	stream.strided.gather @!p2 [hbm4b:s6+s17], $0x100, s23, s17, $0x38;
	[tilespmem:$0x1BB80] =	vst v63  }
0xd1: {  	s6 =	simm.s32 @!p1 $0x1BB00;
	s17 =	simm.s32 @!p3 $0x2  }
0xd2: {  	[spmem:s13] =	stream.indirect.scatter.add.f32 @!p1 [tilespmem:s18], [sflag:$0x6], $0x80, s6, s19, $0xb8;
	[tilespmem:$0x1BB80] =	vst v63  }
0xd3: {  	p1 =	por p3, p3;
	_ =	swait.ge @!p3 [sflag:s17], $0x100  }
0xd4: {  	p3 =	por p4, p1;
	[sflag:s17] =	ssyncset.done @!p1 $0x0  }
0xd5: {  	s6 =	simm.s32 @!p3 $0x6;
	[sflag:s17] =	ssyncadd.s32 @!p1 $0xFFFFFF00  }
0xd6: {  	p2 =	sge.u32 s16, s14;
	_ =	swait.ge @!p3 [sflag:s6], $0x4000  }
0xd7: {  	s19 =	simm.s32 @!p1 $0x13980;
	s18 =	simm.s32 @!p1 $0x80;
	[sflag:s6] =	ssyncset.done @!p3 $0x0  }
0xd8: {  	s17 =	simm.s32 @!p1 $0x17A80;
	[sflag:s6] =	ssyncadd.s32 @!p3 $0xFFFFC000;
	s6 =	simm.s32 @!p2 $0x3  }
0xd9: {  	[tilespmem:s17], [sflag:$0x4] =	stream.indirect.gather @!p1 [hbm4b:s12+s18], $0x80, s19, s18, $0xb8;
	[tilespmem:$0x1BB80] =	vst v63  }
0xda: {  	_ =	swait.ge @!p2 [sflag:s6], $0x4000  }
0xdb: {  	[sflag:s6] =	ssyncset.done @!p2 $0x0  }
0xdc: {  	[sflag:s6] =	ssyncadd.s32 @!p2 $0xFFFFC000  }
0xdd: {  	v1 =	vld @!p2 [tilespmem:$0x13970]  }
0xde: {  	v2 =	vld @!p2 [tilespmem:$0x13950]  }
0xdf: {  	v3 =	vld @!p2 [tilespmem:$0x13960]  }
0xe0: {  	v4 =	vld @!p2 [tilespmem:$0x13930]  }
0xe1: {  	v5 =	vld @!p2 [tilespmem:$0x13940]  }
0xe2: {  	v6 =	vld @!p2 [tilespmem:$0x13900];
	[tilespmem:$0x1BAF0] =	vst @!p2 v1  }
0xe3: {  	v1 =	vld @!p2 [tilespmem:$0x13920];
	[tilespmem:$0x1BAD0] =	vst @!p2 v2  }
0xe4: {  	v2 =	vld @!p2 [tilespmem:$0x13910];
	[tilespmem:$0x1BAE0] =	vst @!p2 v3  }
0xe5: {  	[tilespmem:$0x1BAB0] =	vst @!p2 v4  }
0xe6: {  	[tilespmem:$0x1BAC0] =	vst @!p2 v5  }
0xe7: {  	[tilespmem:$0x1BA80] =	vst @!p2 v6  }
0xe8: {  	p3 =	sge.u32 s20, s14;
	[tilespmem:$0x1BAA0] =	vst @!p2 v1  }
0xe9: {  	s19 =	simm.s32 @!p3 $0x4E200;
	s20 =	simm.s32 @!p3 $0x13880;
	s6 =	simm.s32 @!p3 $0x80;
	[tilespmem:$0x1BA90] =	vst @!p2 v2  }
0xea: {  	[tilespmem:s20], [sflag:$0x1] =	stream.strided.gather @!p3 [hbm4b:s22+s6], $0x100, s19, s6, $0x38;
	[tilespmem:$0x1BB80] =	vst v63  }
0xeb: {  	s21 =	simm.s32 @!p2 $0x80;
	s23 =	simm.s32 @!p2 $0x1BA80;
	s19 =	simm.s32 @!p2 $0x13A80  }
0xec: {  	[spmem:s13] =	stream.indirect.scatter.add.f32 @!p2 [tilespmem:s19], [sflag:$0x5], $0x80, s23, s21, $0xb8;
	[tilespmem:$0x1BB80] =	vst v63  }
0xed: {  	s19 =	simm.s32 @!p3 $0x1  }
0xee: {  	_ =	swait.ge @!p3 [sflag:s19], $0x100  }
0xef: {  	[sflag:s19] =	ssyncset.done @!p3 $0x0  }
0xf0: {  	[sflag:s19] =	ssyncadd.s32 @!p3 $0xFFFFFF00;
	s19 =	simm.s32 @!p3 $0x5  }
0xf1: {  	_ =	swait.ge @!p3 [sflag:s19], $0x4000  }
0xf2: {  	[sflag:s19] =	ssyncset.done @!p3 $0x0  }
0xf3: {  	[sflag:s19] =	ssyncadd.s32 @!p3 $0xFFFFC000;
	s19 =	simm.s32 @!p3 $0x13A80  }
0xf4: {  	[tilespmem:s19], [sflag:$0x3] =	stream.indirect.gather @!p3 [hbm4b:s12+s6], $0x80, s20, s6, $0xb8;
	[tilespmem:$0x1BB80] =	vst v63  }
0xf5: {  	s6 =	simm.s32 @!p1 $0x4  }
0xf6: {  	_ =	swait.ge @!p1 [sflag:s6], $0x4000  }
0xf7: {  	[sflag:s6] =	ssyncset.done @!p1 $0x0  }
0xf8: {  	[sflag:s6] =	ssyncadd.s32 @!p1 $0xFFFFC000  }
0xf9: {  	v1 =	vld @!p1 [tilespmem:$0x13A00]  }
0xfa: {  	v2 =	vld @!p1 [tilespmem:$0x13A50]  }
0xfb: {  	v3 =	vld @!p1 [tilespmem:$0x13A70]  }
0xfc: {  	v4 =	vld @!p1 [tilespmem:$0x13A60]  }
0xfd: {  	v5 =	vld @!p1 [tilespmem:$0x13A40]  }
0xfe: {  	v6 =	vld @!p1 [tilespmem:$0x13A20];
	[tilespmem:$0x1BB00] =	vst @!p1 v1  }
0xff: {  	v1 =	vld @!p1 [tilespmem:$0x13A10];
	[tilespmem:$0x1BB50] =	vst @!p1 v2  }
0x100: {  	v2 =	vld @!p1 [tilespmem:$0x13A30];
	[tilespmem:$0x1BB70] =	vst @!p1 v3  }
0x101: {  	[tilespmem:$0x1BB60] =	vst @!p1 v4  }
0x102: {  	s28 =	sadd.s32 $0x3, s16;
	[tilespmem:$0x1BB40] =	vst @!p1 v5  }
0x103: {  	p2 =	sge.u32 s28, s14;
	[tilespmem:$0x1BB20] =	vst @!p1 v6  }
0x104: {  	s16 =	simm.s32 @!p2 $0x80;
	[tilespmem:$0x1BB10] =	vst @!p1 v1  }
0x105: {  	s19 =	simm.s32 @!p2 $0x13980;
	s20 =	simm.s32 @!p2 $0x4E200;
	s6 =	sadd.s32 @!p2 $0x200, s22;
	[tilespmem:$0x1BB30] =	vst @!p1 v2  }
0x106: {  	[tilespmem:s19], [sflag:$0x2] =	stream.strided.gather @!p2 [hbm4b:s6+s16], $0x100, s20, s16, $0x38;
	[tilespmem:$0x1BB80] =	vst v63  }
0x107: {  	s6 =	simm.s32 @!p1 $0x1BB00  }
0x108: {  	[spmem:s13] =	stream.indirect.scatter.add.f32 @!p1 [tilespmem:s17], [sflag:$0x6], $0x80, s6, s18, $0xb8;
	[tilespmem:$0x1BB80] =	vst v63  }
0x109: {  	_ =	swait.ge [sflag:s15], $0x4000  }
0x10a: {  	[sflag:s15] =	ssyncset.done $0x0  }
0x10b: {  	[sflag:s15] =	ssyncadd.s32 $0xFFFFC000  }
0x10c: {  	_ =	swait.ge [sflag:s10], $0x4000  }
0x10d: {  	[sflag:s10] =	ssyncset.done $0x0  }
0x10e: {  	[sflag:s10] =	ssyncadd.s32 $0xFFFFC000  }
0x10f: {  	s29 =	stileid.u32;
	[bflag:$0x0] =	sbarrier.arrive $0xFFFF  }
0x110: {  	s6 =	sshll.u32 s29, $0x6;
	s30 =	rddreg [dreg:$0x4]  }
0x111: {  	s6 =	sor.u32 $0x1C07, s6;
	s31 =	rddreg [dreg:$0x15]  }
0x112: {  	[hbm:s30], [sflag:s6] =	dma.local [spmem:s31], $0x500  }
0x113: {  	_ =	swait.ge [sflag:s4], $0x500  }
0x114: {  	[sflag:s4] =	ssyncset.done $0x0;
	s17 =	rddreg [dreg:$0x5]  }
0x115: {  	s18 =	rddreg [dreg:$0x16];
	[sflag:s4] =	ssyncadd.s32 $0xFFFFFB00  }
0x116: {  	[hbm:s17], [sflag:s6] =	dma.local [spmem:s18], $0x500  }
0x117: {  	_ =	swait.ge [sflag:s4], $0x500  }
0x118: {  	[sflag:s4] =	ssyncset.done $0x0;
	s19 =	rddreg [dreg:$0x6]  }
0x119: {  	s20 =	rddreg [dreg:$0x17];
	[sflag:s4] =	ssyncadd.s32 $0xFFFFFB00  }
0x11a: {  	[hbm:s19], [sflag:s6] =	dma.local [spmem:s20], $0x500  }
0x11b: {  	_ =	swait.ge [sflag:s4], $0x500  }
0x11c: {  	[sflag:s4] =	ssyncset.done $0x0;
	s21 =	rddreg [dreg:$0x7]  }
0x11d: {  	s22 =	rddreg [dreg:$0x18];
	[sflag:s4] =	ssyncadd.s32 $0xFFFFFB00  }
0x11e: {  	[hbm:s21], [sflag:s6] =	dma.local [spmem:s22], $0x500  }
0x11f: {  	_ =	swait.ge [sflag:s4], $0x500  }
0x120: {  	[sflag:s4] =	ssyncset.done $0x0;
	s23 =	rddreg [dreg:$0x8]  }
0x121: {  	s24 =	rddreg [dreg:$0x19];
	[sflag:s4] =	ssyncadd.s32 $0xFFFFFB00  }
0x122: {  	[hbm:s23], [sflag:s6] =	dma.local [spmem:s24], $0x500  }
0x123: {  	_ =	swait.ge [sflag:s4], $0x500  }
0x124: {  	[sflag:s4] =	ssyncset.done $0x0;
	s26 =	rddreg [dreg:$0x9]  }
0x125: {  	s28 =	rddreg [dreg:$0x1a];
	[sflag:s4] =	ssyncadd.s32 $0xFFFFFB00  }
0x126: {  	[hbm:s26], [sflag:s6] =	dma.local [spmem:s28], $0x500  }
0x127: {  	_ =	swait.ge [sflag:s4], $0x500  }
0x128: {  	[sflag:s4] =	ssyncset.done $0x0;
	s29 =	rddreg [dreg:$0xa]  }
0x129: {  	s30 =	rddreg [dreg:$0x1b];
	[sflag:s4] =	ssyncadd.s32 $0xFFFFFB00  }
0x12a: {  	[hbm:s29], [sflag:s6] =	dma.local [spmem:s30], $0x500  }
0x12b: {  	_ =	swait.ge [sflag:s4], $0x500  }
0x12c: {  	[sflag:s4] =	ssyncset.done $0x0  }
0x12d: {  	s16 =	rddreg [dreg:$0xb];
	[sflag:s4] =	ssyncadd.s32 $0xFFFFFB00  }
0x12e: {  	[hbm:s16], [sflag:s6] =	dma.local @!p0 [spmem:s0], $0x500  }
0x12f: {  	s6 =	simm.s32 @!p0 $0x7  }
0x130: {  	_ =	swait.ge @!p0 [sflag:s6], $0x500  }
0x131: {  	s9 =	sadd.s32 $0x1, s9;
	s31 =	rddreg [dreg:$0xc]  }
0x132: {  	p1 =	sne.s32 s9, s31  }
.Ltmp2:
0x133: {  	_ = 	snop;
	(pc) =	sbr.rel @p1 .LBB2_1-.Ltmp2, $3  }
0x134: {  	_ =	sdelay $0x1  }
0x135: {  	[sflag:s6] =	ssyncset.done @!p0 $0x0  }
0x136: {  	[sflag:s6] =	ssyncadd.s32 @!p0 $0xFFFFFB00  }
0x137: {  	_ =	sfence.sel $0x180000  }
0x138: {  	[bflag:$0x0] =	sbarrier.arrive $0xFFFF  }
0x139: {  	_ =	strace $0x9000004A  }
0x13a: {  	s0 =	stileid.u32;
	[bflag:$0x2] =	sbarrier.arrive $0xFFFF  }
0x13b: {  	p0 =	sne.s32 s0, $0x0;
	s0 =	rddreg [dreg:$0x3]  }
0x13c: {  	s0 =	sadd.s32 @!p0 $0x100000, s0  }
0x13d: {  	[sflag:s0] =	ssyncadd.tile.s32 @!p0 $0x1;
	_ =	shalt  }
.Lfunc_end2:
_tile_overlayer_lowered:
.L_overlay_start_2:
0x13e: {  	(tag) =	ssettag $0x2  }
0x13f: {  	s0 =	rddreg [dreg:$0x0];
	s2 =	stileid.u32  }
0x140: {  	s1 =	rddreg [dreg:$0x1];
	p0 =	sne.s32 s2, $0x0  }
0x141: {  	s3 =	rddreg [dreg:$0x2];
	[bflag:$0x3] =	sbarrier.arrive $0xFFFF;
	s2 =	simm.s32 @!p0 $0x1C07  }
0x142: {  	[timem:s3], [sflag:s2] =	dma.local @!p0 [hbm:s0], s1  }
0x143: {  	s0 =	simm.s32 @!p0 $0x7  }
0x144: {  	_ =	swait.ge @!p0 [sflag:s0], s1  }
0x145: {  	s1 =	ssub.s32 @!p0 $0x0, s1;
	[sflag:s0] =	ssyncset.done @!p0 $0x0  }
0x146: {  	[sflag:s0] =	ssyncadd.s32 @!p0 s1  }
0x147: {  	[bflag:$0x3] =	sbarrier.arrive $0xFFFF  }
0x148: {  	_ =	shalt  }

// kernel: kernel.8.cloned.1.call-start
scs
__scs_entry_jumppad:
0x0: {  	(pc) =	sbr.rel $0x88, $3  }
0x1: {  	(tag) =	ssettag $0x0;
	lr =	simm.s32 $0x1  }
0x2: {  	[smem:$0x3F93] =	sst lr;
	_ =	strace $0xD0000000  }
0x3: {  	_ = 	snop  }
0x4: {  	_ = 	snop  }
0x5: {  	_ = 	snop  }
0x6: {  	_ = 	snop  }
0x7: {  	_ = 	snop  }
__scs_overlays_trampoline_lowered:
0x8: {  	[smem:$0x3FA2] =	sst s0  }
0x9: {  	[smem:$0x3FA3] =	sst s1  }
0xa: {  	[smem:$0x3FA4] =	sst s2  }
0xb: {  	[smem:$0x3FA5] =	sst s3  }
0xc: {  	[smem:$0x3FA6] =	sst s4  }
0xd: {  	[smem:$0x3FA7] =	sst s5  }
0xe: {  	[smem:$0x3FA8] =	sst s6  }
0xf: {  	[smem:$0x3FA9] =	sst s7  }
0x10: {  	[smem:$0x3FAA] =	sst s8  }
0x11: {  	[smem:$0x3FAB] =	sst s9;
	s0 =	simm.s32 @!p0 $0x0  }
0x12: {  	s1 =	sld [smem:$0x3F91];
	s0 =	simm.s32 @p0 $0x1  }
0x13: {  	[smem:$0x3FAC] =	sst s0;
	s0 =	simm.s32 @!p1 $0x0  }
0x14: {  	s2 =	sld [smem:$0x3F90];
	s0 =	simm.s32 @p1 $0x1  }
0x15: {  	[smem:$0x3FAD] =	sst s0;
	s0 =	simm.s32 @!p2 $0x0  }
0x16: {  	s3 =	sld [smem:$0x3FDB];
	s0 =	simm.s32 @p2 $0x1  }
0x17: {  	s4 =	simm.s32 $0x1BF5;
	[smem:$0x3FAF] =	sst s0  }
0x18: {  	s0 =	sld [smem:$0x3F92];
	_ =	swait.ge [sflag:s4], $0x0  }
0x19: {  	s7 =	sld [smem:$0x3F93]  }
0x1a: {  	s8 =	sadd.s32 $0xFFFFE003, lr  }
0x1b: {  	s9 =	sadd.s32 $0xFFFFFEF7, lr;
	s5 =	simm.s32 $0xFFFFFFFF;
	p2 =	slt.u32 s8, $0xFFFFF086  }
0x1c: {  	p1 =	slt.u32 s9, $0xF7A;
	s5 =	simm.s32 @!p2 $0x0  }
0x1d: {  	s5 =	simm.s32 @p1 $0x1;
	p0 =	seq.s32 s7, s2  }
0x1e: {  	s7 =	smul.u32 @!p0 $0xF7A, s2;
	p2 =	seq.s32 @!p0 s5, $0x0  }
0x1f: {  	s9 =	smul.u32 $0xF7A, s1;
	s8 =	simm.s32 @!p0 $0x1BF5;
	p2 =	por !p2, p0  }
0x20: {  	[sflag:s8] =	ssyncset.s32 @!p0 $0xFFFFF086;
	s6 =	sadd.s32 @!p0 s3, s7;
	s7 =	simm.s32 @!p0 $0x108  }
0x21: {  	s3 =	sadd.s32 s3, s9;
	s6 =	sadd.s32 @!p0 $0x88, s6;
	s7 =	simm.s32 @p2 $0x1082  }
0x22: {  	[simem:s7], [sflag:s8] =	dma.local @!p0 [hbm:s6], $0xF7A  }
0x23: {  	s9 =	sor.u32 $0xD0000000, s2;
	s6 =	simm.s32 $0x108;
	_ =	swait.ge @!p0 [sflag:s8], $0x0  }
0x24: {  	s3 =	sadd.s32 $0x88, s3;
	s6 =	simm.s32 @!p1 $0x1082;
	[sflag:s4] =	ssyncset.s32 $0xFFFFF086  }
0x25: {  	[simem:s6], [sflag:s4] =	dma.local [hbm:s3], $0xF7A  }
0x26: {  	[smem:$0x3F93] =	sst s1;
	(tag) =	ssettag s2;
	_ =	strace s9  }
0x27: {  	s1 =	sld [smem:$0x3FA3]  }
0x28: {  	s2 =	sld [smem:$0x3FA4]  }
0x29: {  	s4 =	sld [smem:$0x3FA6]  }
0x2a: {  	p0 =	seq.s32 s5, $0x0;
	s5 =	sld [smem:$0x3FA7]  }
0x2b: {  	s6 =	sld [smem:$0x3FA8]  }
0x2c: {  	s7 =	sld [smem:$0x3FA9]  }
0x2d: {  	s3 =	simm.s32 $0x108;
	s8 =	sld [smem:$0x3FAA]  }
0x2e: {  	s3 =	simm.s32 @!p0 $0x1082;
	s9 =	sld [smem:$0x3FAB]  }
0x2f: {  	lr =	sadd.s32 s0, s3;
	s0 =	sld [smem:$0x3FA2]  }
0x30: {  	s3 =	sld [smem:$0x3FA5]  }
0x31: {  	[smem:$0x3FAE] =	sst s10  }
0x32: {  	s10 =	sld [smem:$0x3FAC];
	_ =	sdelay $0x3  }
0x33: {  	p0 =	seq.s32 s10, $0x1;
	s10 =	sld [smem:$0x3FAE];
	_ =	sdelay $0x3  }
0x34: {  	[smem:$0x3FAE] =	sst s10  }
0x35: {  	s10 =	sld [smem:$0x3FAD];
	_ =	sdelay $0x3  }
0x36: {  	p1 =	seq.s32 s10, $0x1;
	s10 =	sld [smem:$0x3FAE];
	_ =	sdelay $0x3  }
0x37: {  	[smem:$0x3FAE] =	sst s10  }
0x38: {  	s10 =	sld [smem:$0x3FAF]  }
0x39: {  	_ = 	snop;
	(pc) =	sbr.ind lr, $3  }
0x3a: {  	_ = 	snop  }
0x3b: {  	_ = 	snop  }
0x3c: {  	p2 =	seq.s32 s10, $0x1;
	s10 =	sld [smem:$0x3FAE]  }
0x3d: {  	_ =	shalt  }
0x3e: {  	_ =	shalt  }
0x3f: {  	_ =	shalt  }
0x40: {  	_ =	shalt  }
0x41: {  	_ =	shalt  }
0x42: {  	_ =	shalt  }
0x43: {  	_ =	shalt  }
0x44: {  	_ =	shalt  }
0x45: {  	_ =	shalt  }
0x46: {  	_ =	shalt  }
0x47: {  	_ =	shalt  }
0x48: {  	_ =	shalt  }
0x49: {  	_ =	shalt  }
0x4a: {  	_ =	shalt  }
0x4b: {  	_ =	shalt  }
0x4c: {  	_ =	shalt  }
0x4d: {  	_ =	shalt  }
0x4e: {  	_ =	shalt  }
0x4f: {  	_ =	shalt  }
0x50: {  	_ =	shalt  }
0x51: {  	_ =	shalt  }
0x52: {  	_ =	shalt  }
0x53: {  	_ =	shalt  }
0x54: {  	_ =	shalt  }
0x55: {  	_ =	shalt  }
0x56: {  	_ =	shalt  }
0x57: {  	_ =	shalt  }
0x58: {  	_ =	shalt  }
0x59: {  	_ =	shalt  }
0x5a: {  	_ =	shalt  }
0x5b: {  	_ =	shalt  }
0x5c: {  	_ =	shalt  }
0x5d: {  	_ =	shalt  }
0x5e: {  	_ =	shalt  }
0x5f: {  	_ =	shalt  }
0x60: {  	_ =	shalt  }
0x61: {  	_ =	shalt  }
0x62: {  	_ =	shalt  }
0x63: {  	_ =	shalt  }
0x64: {  	_ =	shalt  }
0x65: {  	_ =	shalt  }
0x66: {  	_ =	shalt  }
0x67: {  	_ =	shalt  }
0x68: {  	_ =	shalt  }
0x69: {  	_ =	shalt  }
0x6a: {  	_ =	shalt  }
0x6b: {  	_ =	shalt  }
0x6c: {  	_ =	shalt  }
0x6d: {  	_ =	shalt  }
0x6e: {  	_ =	shalt  }
0x6f: {  	_ =	shalt  }
0x70: {  	_ =	shalt  }
0x71: {  	_ =	shalt  }
0x72: {  	_ =	shalt  }
0x73: {  	_ =	shalt  }
0x74: {  	_ =	shalt  }
0x75: {  	_ =	shalt  }
0x76: {  	_ =	shalt  }
0x77: {  	_ =	shalt  }
0x78: {  	_ =	shalt  }
0x79: {  	_ =	shalt  }
0x7a: {  	_ =	shalt  }
0x7b: {  	_ =	shalt  }
0x7c: {  	_ =	shalt  }
0x7d: {  	_ =	shalt  }
0x7e: {  	_ =	shalt  }
0x7f: {  	_ =	shalt  }
0x80: {  	_ =	shalt  }
0x81: {  	_ =	shalt  }
0x82: {  	_ =	shalt  }
0x83: {  	_ =	shalt  }
0x84: {  	_ =	shalt  }
0x85: {  	_ =	shalt  }
0x86: {  	_ =	shalt  }
0x87: {  	_ =	shalt  }
.Lfunc_end0:
.L_simem_size_0:
called_computation_lowered:
.L_overlay_start_0:
0x88: {  	s2 =	sld [smem:$0x3FD9]  }
0x89: {  	s3 =	sld [smem:$0x3FFE];
	_ =	sdelay $0x1  }
0x8a: {  	s1 =	srdreg.scid  }
0x8b: {  	s0 =	sand.u32 $0x1, s1  }
0x8c: {  	s17 =	sshll.u32 s0, $0xA;
	s2 =	sadd.s32 s3, s2  }
0x8d: {  	s2 =	sadd.s32 s2, s17  }
0x8e: {  	[smem:$0x3FBA] =	sst s2  }
0x8f: {  	_ = 	snop  }
0x90: {  	s2 =	sld [smem:$0x3FD0];
	(tm) =	ssettm $0x1  }
0x91: {  	s18 =	sld [smem:$0x3FFB];
	_ =	sdelay $0x3  }
0x92: {  	_ =	strace s18  }
0x93: {  	s3 =	sld [smem:$0x3FFC];
	_ =	sdelay $0x3  }
0x94: {  	_ =	strace s3  }
0x95: {  	s3 =	sld [smem:$0x3FFD];
	_ =	sdelay $0x3  }
0x96: {  	_ =	strace s3  }
0x97: {  	_ =	strace $0x8FFFFFFF  }
0x98: {  	s19 =	sld [smem:$0x3FDB];
	_ =	sdelay $0x1  }
0x99: {  	s4 =	simm.s32 $_scs_section_size  }
0x9a: {  	s5 =	simm.s32 $_size__tile_overlayer_lowered;
	s6 =	simm.s32 $_tile_overlayer_lowered  }
0x9b: {  	s22 =	simm.s32 $0x1BFF;
	s21 =	sshll.u32 s6, $0x1;
	s3 =	sadd.s32 s4, s19  }
0x9c: {  	s7 =	simm.s32 $0x0;
	s20 =	sshll.u32 s5, $0x1;
	s5 =	sadd.s32 s21, s3  }
0x9d: {  	[timem:s7], [sflag:s22] =	dma.local [hbm:s5], s20  }
0x9e: {  	_ =	swait.ge [sflag:s22], s20  }
0x9f: {  	s4 =	ssub.s32 $0x0, s20;
	[sflag:s22] =	ssyncset.done $0x0  }
0xa0: {  	[sflag:s22] =	ssyncadd.s32 s4;
	_ =	sdelay $0x1  }
0xa1: {  	s23 =	simm.s32 $0x1B8B  }
0xa2: {  	_ =	swait.ge [sflag:s23], $0x1  }
0xa3: {  	[sflag:s23] =	ssyncset.done $0x0  }
0xa4: {  	s25 =	simm.s32 $0x1B8E;
	s24 =	sld [smem:$0x3FFE];
	[sflag:s23] =	ssyncadd.s32 $0xFFFFFFFF  }
0xa5: {  	s26 =	simm.s32 $execute0_lowered;
	[smem:$0x3FD2] =	sst s25  }
0xa6: {  	s5 =	sshll.u32 s26, $0x1;
	_ =	strace $0x80000046;
	[dreg:$0x1] =	wrdreg $0xFFFFFFFF  }
0xa7: {  	s28 =	simm.s32 $_size_execute0_lowered;
	s3 =	sadd.s32 s3, s5;
	[dreg:$0x0] =	wrdreg $0x0  }
0xa8: {  	s5 =	sshll.u32 s28, $0x1;
	[dreg:$0x2] =	wrdreg s3  }
0xa9: {  	[dreg:$0x3] =	wrdreg s5  }
0xaa: {  	[dreg:$0x4] =	wrdreg $0xC0  }
0xab: {  	_ =	task [dreg:s7], $0x5FFFF  }
0xac: {  	[dreg:$0x1] =	wrdreg $0xFFFFFFFF  }
0xad: {  	[dreg:$0x0] =	wrdreg $0x60  }
0xae: {  	[dreg:$0x2] =	wrdreg s24  }
0xaf: {  	[dreg:$0x3] =	wrdreg s2  }
0xb0: {  	[dreg:$0x4] =	wrdreg $0x0  }
0xb1: {  	[dreg:$0x5] =	wrdreg $0x9  }
0xb2: {  	_ =	task.clear_ibuf [dreg:s7], $0x6FFFF;
	_ =	strace $0x90000046  }
0xb3: {  	s29 =	simm.s32 $0x9;
	_ =	strace $0x80000048  }
0xb4: {  	_ =	swait.ge [sflag:s29], $0x1  }
0xb5: {  	[sflag:s29] =	ssyncadd.s32 $0xFFFFFFFF  }
0xb6: {  	_ =	strace $0x90000048  }
0xb7: {  	_ =	sfence  }
0xb8: {  	s30 =	sld [smem:$0x0];
	_ =	sdelay $0x2  }
0xb9: {  	s31 =	sshll.u32 s1, $0xD;
	s1 =	sshrl.u32 s1, $0x2  }
0xba: {  	s3 =	sand.u32 $0x4000, s31;
	s1 =	sadd.s32 s1, s30  }
0xbb: {  	s0 =	sor.u32 s3, s0;
	s1 =	sshll.u32 s1, $0x11  }
0xbc: {  	s0 =	sor.u32 s1, s0  }
0xbd: {  	s0 =	sadd.s32 $0x8F2B, s0  }
0xbe: {  	[sflag:s0] =	ssyncadd.remote.s32 $0x1  }
0xbf: {  	_ =	sfence.sel $0xFFFF  }
0xc0: {  	[dreg:$0x0] =	wrdreg $0xFFFFFFFF;
	(pc) =	sbr.abs _section_cstart, $3  }
0xc1: {  	[dreg:$0x1] =	wrdreg $0xFFFFFFFF  }
0xc2: {  	_ =	task.clear_ibuf [dreg:s7], $0x2FFFF;
	_ =	strace $0x9FFFFFFF  }
0xc3: {  	(tm) =	ssettm $0x7FFFFFFF  }
tec
execute0_lowered:
.L_overlay_start_1:
0x0: {  	(tag) =	ssettag $0x1  }
0x1: {  	s0 =	rddreg [dreg:$0x0]  }
0x2: {  	s8 =	rddreg [dreg:$0x1]  }
0x3: {  	s1 =	rddreg [dreg:$0x2];
	s2 =	srdreg.scid  }
0x4: {  	s3 =	simm.s32 $0x0;
	s17 =	simm.s32 $0x40;
	s6 =	sand.u32 $0x1, s2  }
0x5: {  	s21 =	simm.s32 $0x16110;
	s2 =	stileid.u32;
	s5 =	smul.u32 $0x138800, s6  }
0x6: {  	s28 =	simm.s32 $0x1D950;
	s29 =	simm.s32 $0x18510;
	s7 =	smul.u32 $0x2800, s2  }
0x7: {  	s30 =	simm.s32 $0x1D990;
	s31 =	simm.s32 $0x1A910;
	s12 =	smul.u32 $0x27100, s6  }
0x8: {  	[smem:$0x7FF] =	sst s3;
	s4 =	sadd.s32 $0x6A200, s0;
	s23 =	smul.u32 $0x5A00, s2  }
0x9: {  	_ =	strace $0x80000047;
	s9 =	sshll.u32 s2, $0x1;
	s14 =	smul.u32 $0xB400, s2  }
0xa: {  	s22 =	ssub.s32 $0x2, s6;
	s15 =	smul.u32 $0x500, s2;
	s9 =	sor.u32 s6, s9  }
0xb: {  	s11 =	sshrl.u32 s22, $0x1;
	s7 =	sadd.s32 s7, s5;
	s5 =	sadd.s32 $0x65200, s0  }
0xc: {  	s10 =	sshll.u32 s9, $0x3;
	s9 =	ssub.s32 $0x13A7, s9;
	s13 =	ssub.s32 s22, s11  }
0xd: {  	s25 =	sshrl.u32 s14, $0x2;
	s12 =	sadd.s32 s15, s12;
	s7 =	sshrl.u32 s7, $0x3  }
0xe: {  	s10 =	sadd.s32 s10, s0;
	s6 =	sshrl.u32 s9, $0x5;
	s13 =	smax.u32 s13, $0x1  }
0xf: {  	s9 =	sshrl.u32 s23, $0x2;
	s15 =	sadd.s32 s25, s1;
	s26 =	sshrl.u32 s12, $0x3  }
0x10: {  	s0 =	sadd.s32 s7, s0;
	s24 =	sadd.s32 $0x3700, s10;
	[dreg:$0x6] =	wrdreg s13  }
0x11: {  	s7 =	sadd.s32 $0x3600, s10;
	s10 =	sadd.s32 $0x3800, s10;
	[dreg:$0x4] =	wrdreg s24  }
0x12: {  	s11 =	sadd.s32 $0xFFFFFFFE, s6;
	s9 =	sadd.s32 s9, s1;
	[dreg:$0x5] =	wrdreg s10  }
0x13: {  	v0 =	vimm.f32 $0.0e+00;
	vm0 =	vcmask $0x1F00;
	vm1 =	vcmask $0x2320;
	s16 =	sadd.s32 s26, s8;
	[dreg:$0x7] =	wrdreg s9;
	s0 =	sadd.s32 $0x96200, s0  }
0x14: {  	v1 =	vsel vm0, $0x3F800000, v0;
	v2 =	vsel vm1, $0x3F800000, v0;
	s26 =	simm.s32 $0x1D910;
	s10 =	sadd.s32 $0xFFFFFFFF, s6;
	[dreg:$0x8] =	wrdreg s0  }
.LBB2_1:
0x15: {  	s8 =	simm.s32 $0x0;
	s9 =	simm.s32 $0x240  }
.LBB2_2:
0x16: {  	p0 =	sne.s32 s9, $0x57C0;
	[tilespmem:s8+$0x16190] =	vst v0  }
0x17: {  	[tilespmem:s8+$0x16110] =	vst v0  }
0x18: {  	[tilespmem:s8+$0x16120] =	vst v0  }
0x19: {  	[tilespmem:s8+$0x16130] =	vst v0  }
.Ltmp0:
0x1a: {  	[tilespmem:s8+$0x16140] =	vst v0;
	(pc) =	sbr.rel @p0 .LBB2_2-.Ltmp0, $4  }
0x1b: {  	[tilespmem:s8+$0x16150] =	vst v0  }
0x1c: {  	[tilespmem:s8+$0x16160] =	vst v0  }
0x1d: {  	[tilespmem:s8+$0x16170] =	vst v0  }
0x1e: {  	[tilespmem:s8+$0x16180] =	vst v0;
	s8 =	sshra.s32 s9, $0x2;
	s9 =	sadd.s32 $0x240, s9  }
0x1f: {  	[tilespmem:s8+$0x16190] =	vst v0  }
0x20: {  	[tilespmem:s8+$0x16110] =	vst v0  }
0x21: {  	[tilespmem:s8+$0x16120] =	vst v0  }
0x22: {  	[tilespmem:s8+$0x16130] =	vst v0  }
0x23: {  	[tilespmem:s8+$0x16140] =	vst v0  }
0x24: {  	[tilespmem:s8+$0x16150] =	vst v0  }
0x25: {  	[tilespmem:s8+$0x16160] =	vst v0;
	s9 =	sadd.s32 $0x0, s2  }
0x26: {  	[tilespmem:s8+$0x16170] =	vst v0;
	p0 =	sgt.u32 s9, $0xF9  }
0x27: {  	[tilespmem:s8+$0x16180] =	vst v0;
	s0 =	rddreg [dreg:$0x7];
	s8 =	simm.s32 @!p0 $0x16110;
	s18 =	simm.s32 @!p0 $0xD  }
0x28: {  	[spmem:s0] =	stream.linear.scatter @!p0 [tilespmem:s8], [sflag:$0xD], $0x1680, $0x38;
	[tilespmem:$0x1D9D0] =	vst v63  }
0x29: {  	s12 =	simm.s32 $0x20;
	_ =	swait.ge @!p0 [sflag:s18], $0x1680  }
0x2a: {  	s9 =	simm.s32 $0x10;
	s8 =	sadd.s32 $0x16800, s0;
	[sflag:s18] =	ssyncset.done @!p0 $0x0  }
.LBB2_4:
0x2b: {  	s19 =	sadd.s32 s9, s2;
	s9 =	smov.u32 s12;
	s12 =	sadd.s32 $0x10, s12  }
0x2c: {  	[sflag:s18] =	ssyncadd.s32 @!p0 $0xFFFFE980;
	p1 =	sne.s32 s12, $0x100  }
.Ltmp1:
0x2d: {  	p0 =	sgt.u32 s19, $0xF9;
	(pc) =	sbr.rel @p1 .LBB2_4-.Ltmp1, $4  }
0x2e: {  	s19 =	simm.s32 @!p0 $0x16110;
	s18 =	simm.s32 @!p0 $0xD  }
0x2f: {  	[spmem:s8] =	stream.linear.scatter @!p0 [tilespmem:s19], [sflag:$0xD], $0x1680, $0x38;
	[tilespmem:$0x1D9D0] =	vst v63  }
0x30: {  	_ =	swait.ge @!p0 [sflag:s18], $0x1680  }
0x31: {  	s8 =	sadd.s32 $0x16800, s8;
	[sflag:s18] =	ssyncset.done @!p0 $0x0  }
0x32: {  	s9 =	sadd.s32 s9, s2  }
0x33: {  	p1 =	sgt.u32 s9, $0xF9  }
0x34: {  	[sflag:s18] =	ssyncadd.s32 @!p0 $0xFFFFE980;
	s9 =	simm.s32 @!p1 $0x16110;
	s12 =	simm.s32 @!p1 $0xD  }
0x35: {  	[spmem:s8] =	stream.linear.scatter @!p1 [tilespmem:s9], [sflag:$0xD], $0x1680, $0x38;
	[tilespmem:$0x1D9D0] =	vst v63  }
0x36: {  	_ =	swait.ge @!p1 [sflag:s12], $0x1680  }
0x37: {  	[sflag:s12] =	ssyncset.done @!p1 $0x0  }
0x38: {  	s14 =	simm.s32 $0x4E200;
	[sflag:s12] =	ssyncadd.s32 @!p1 $0xFFFFE980  }
0x39: {  	s0 =	simm.s32 $0x15F90;
	s18 =	simm.s32 $0x1;
	[bflag:$0x0] =	sbarrier.arrive $0xFFFF  }
0x3a: {  	[tilespmem:s0], [sflag:$0x1] =	stream.strided.gather [hbm4b:s7+s17], $0x80, s14, s17, $0x38;
	[tilespmem:$0x1D9D0] =	vst v63  }
0x3b: {  	_ =	swait.ge [sflag:s18], $0x80  }
0x3c: {  	[sflag:s18] =	ssyncset.done $0x0  }
0x3d: {  	[sflag:s18] =	ssyncadd.s32 $0xFFFFFF80  }
0x3e: {  	[tilespmem:s21], [sflag:$0x4] =	stream.indirect.gather [hbm4b:s4+s17], $0x90, s0, s17, $0xb8;
	[tilespmem:$0x1D9D0] =	vst v63  }
0x3f: {  	s19 =	simm.s32 $0x15FD0;
	s20 =	simm.s32 $0x1CD10  }
0x40: {  	[tilespmem:s20], [sflag:$0x7] =	stream.indirect.gather [hbm4b:s5+s17], $0x10, s19, s17, $0xb8;
	[tilespmem:$0x1D9D0] =	vst v63  }
.Ltmp2:
0x41: {  	s23 =	simm.s32 $0x16010;
	s22 =	rddreg [dreg:$0x4];
	(pc) =	sbr.rel .LBB2_6-.Ltmp2, $4  }
0x42: {  	[tilespmem:s23], [sflag:$0x2] =	stream.strided.gather [hbm4b:s22+s17], $0x80, s14, s17, $0x38;
	[tilespmem:$0x1D9D0] =	vst v63  }
0x43: {  	s25 =	simm.s32 $0x16090;
	s24 =	rddreg [dreg:$0x5]  }
0x44: {  	[tilespmem:s25], [sflag:$0x3] =	stream.strided.gather [hbm4b:s24+s17], $0x80, s14, s17, $0x38;
	[tilespmem:$0x1D9D0] =	vst v63  }
0x45: {  	s24 =	simm.s32 $0x0  }
.LBB2_18:
0x46: {  	s24 =	sadd.s32 $0x1, s24  }
0x47: {  	p0 =	sne.s32 s24, $0x35  }
.Ltmp3:
0x48: {  	_ = 	snop;
	(pc) =	sbr.rel @!p0 .LBB2_19-.Ltmp3, $1  }
0x49: {  	_ =	sdelay $0x3  }
.LBB2_6:
0x4a: {  	s25 =	smul.u32 $0x3, s24;
	_ =	sdelay $0x1  }
0x4b: {  	p1 =	sge.u32 s25, s10  }
0x4c: {  	s8 =	simm.s32 @!p1 $0x2  }
0x4d: {  	p0 =	seq.s32 @!p1 s24, $0x0;
	_ =	swait.ge @!p1 [sflag:s8], $0x80  }
0x4e: {  	p0 =	por p0, p1;
	[sflag:s8] =	ssyncset.done @!p1 $0x0  }
0x4f: {  	[sflag:s8] =	ssyncadd.s32 @!p1 $0xFFFFFF80;
	s8 =	simm.s32 @!p0 $0xB  }
0x50: {  	_ =	swait.ge @!p0 [sflag:s8], $0x2400  }
0x51: {  	s9 =	simm.s32 @!p1 $0x16010;
	[sflag:s8] =	ssyncset.done @!p0 $0x0  }
0x52: {  	s12 =	simm.s32 @!p1 $0x18510;
	[sflag:s8] =	ssyncadd.s32 @!p0 $0xFFFFDC00;
	s8 =	simm.s32 @!p1 $0x40  }
0x53: {  	[tilespmem:s12], [sflag:$0x5] =	stream.indirect.gather @!p1 [hbm4b:s4+s8], $0x90, s9, s8, $0xb8;
	[tilespmem:$0x1D9D0] =	vst v63  }
0x54: {  	p2 =	sge.u32 s25, s6;
	s9 =	simm.s32 @!p1 $0x16050;
	s12 =	simm.s32 @!p1 $0x1D110  }
0x55: {  	[tilespmem:s12], [sflag:$0x8] =	stream.indirect.gather @!p1 [hbm4b:s5+s8], $0x10, s9, s8, $0xb8;
	[tilespmem:$0x1D9D0] =	vst v63  }
0x56: {  	s8 =	simm.s32 @!p2 $0x4  }
0x57: {  	_ =	swait.ge @!p2 [sflag:s8], $0x2400  }
0x58: {  	[sflag:s8] =	ssyncset.done @!p2 $0x0  }
0x59: {  	[sflag:s8] =	ssyncadd.s32 @!p2 $0xFFFFDC00;
	s8 =	simm.s32 @!p2 $0x7  }
0x5a: {  	_ =	swait.ge @!p2 [sflag:s8], $0x400  }
0x5b: {  	[sflag:s8] =	ssyncset.done @!p2 $0x0  }
0x5c: {  	[sflag:s8] =	ssyncadd.s32 @!p2 $0xFFFFFC00  }
0x5d: {  	v3 =	vld @!p2 [tilespmem:$0x15FD0]  }
0x5e: {  	v4 =	vld @!p2 [tilespmem:$0x15FE0]  }
0x5f: {  	v5 =	vld @!p2 [tilespmem:$0x15FF0]  }
0x60: {  	v6 =	vld @!p2 [tilespmem:$0x16000];
	_ =	sdelay $0x1  }
.Ltmp4:
0x61: {  	s8 =	sadd.s32 $0x3, s25;
	[tilespmem:$0x1D910] =	vst @!p2 v3;
	(pc) =	sbr.rel @p2 .LBB2_10-.Ltmp4, $4  }
0x62: {  	p0 =	sge.u32 s8, s6;
	[tilespmem:$0x1D920] =	vst @!p2 v4  }
0x63: {  	s8 =	sshll.u32 @!p0 s8, $0x8;
	s9 =	simm.s32 @!p0 $0x40;
	[tilespmem:$0x1D930] =	vst @!p2 v5  }
0x64: {  	s12 =	simm.s32 @!p0 $0x4E200;
	s18 =	simm.s32 @!p0 $0x15F90;
	s8 =	sadd.s32 @!p0 s8, s7;
	[tilespmem:$0x1D940] =	vst @!p2 v6  }
0x65: {  	[tilespmem:s18], [sflag:$0x1] =	stream.strided.gather @!p0 [hbm4b:s8+s9], $0x80, s12, s9, $0x38;
	[tilespmem:$0x1D9D0] =	vst v63  }
0x66: {  	s8 =	simm.s32 $0x1CD30  }
0x67: {  	s19 =	simm.s32 $0x16230;
	v4 =	vld [tilespmem:s8+$0xFFFFFFF0]  }
0x68: {  	v5 =	vld [tilespmem:s19+$0xFFFFFFF0]  }
0x69: {  	v3 =	vld [tilespmem:s19+$0xFFFFFF60]  }
0x6a: {  	v6 =	vld [tilespmem:s8+$0xFFFFFFE0];
	_ =	sdelay $0x2  }
0x6b: {  	v4 =	vadd.f32 v4, v5;
	_ =	sdelay $0x1  }
0x6c: {  	v3 =	vadd.f32 v6, v3;
	v6 =	vmul.f32 $2.000000030e-01, v4  }
0x6d: {  	v8 =	vld [tilespmem:s8+$0x0];
	vm0 =	vgt.f32 v4, $0.0e+00  }
0x6e: {  	v9 =	vld [tilespmem:s19+$0x80];
	v10 =	vmul.f32 $2.000000030e-01, v3;
	v4 =	vsel vm0, v4, v6  }
0x6f: {  	v7 =	vld [tilespmem:s8+$0x10];
	vm1 =	vgt.f32 v3, $0.0e+00;
	v4 =	vmul.f32 $1.442695020e+00, v4  }
0x70: {  	v5 =	vld [tilespmem:s19+$0x110];
	v3 =	vsel vm1, v3, v10  }
0x71: {  	v3 =	vmul.f32 $1.442695020e+00, v3;
	(erf) = vpow2.f32 v4;
	_ =	sdelay $0x1  }
0x72: {  	v6 =	vadd.f32 v8, v9;
	(erf) = vpow2.f32 v3;
	_ =	sdelay $0x1  }
0x73: {  	v5 =	vadd.f32 v7, v5;
	v7 =	vmul.f32 $2.000000030e-01, v6  }
0x74: {  	vm10 =	vgt.f32 v6, $0.0e+00  }
0x75: {  	v11 =	vld [tilespmem:s19+$0xFFFFFF20];
	v3 =	vsel vm10, v6, v7  }
0x76: {  	v14 =	vld [tilespmem:s19+$0xFFFFFF00];
	v4 =	vmul.f32 $2.000000030e-01, v5;
	v3 =	vmul.f32 $1.442695020e+00, v3  }
0x77: {  	v19 =	vld [tilespmem:s19+$0xFFFFFF70];
	vm11 =	vgt.f32 v5, $0.0e+00  }
0x78: {  	v21 =	vld [tilespmem:s19+$0xFFFFFFD0];
	v4 =	vsel vm11, v5, v4;
	(erf) = vpow2.f32 v3;
	v5 =	vpop (erf)  }
0x79: {  	v24 =	vld [tilespmem:s19+$0x100];
	v4 =	vmul.f32 $1.442695020e+00, v4;
	v5 =	vmul.f32 v1, v5  }
0x7a: {  	s9 =	simm.s32 $0x1CD70;
	v29 =	vld [tilespmem:s19+$0xFFFFFF90];
	v9 =	vpop (erf)  }
0x7b: {  	s8 =	simm.s32 $0x16470;
	v33 =	vld [tilespmem:s9+$0x10];
	(erf) = vpow2.f32 v4;
	v9 =	vmul.f32 v1, v9;
	v12 =	vadd.f32 v2, v5  }
0x7c: {  	v32 =	vld [tilespmem:s8+$0xFFFFFF60]  }
0x7d: {  	v35 =	vld [tilespmem:s8+$0x80];
	v13 =	vadd.f32 v2, v9;
	v15 =	vbroadcast v12, $0x0;
	v16 =	vbroadcast v12, $0x1  }
0x7e: {  	v36 =	vld [tilespmem:s8+$0xFFFFFFF0];
	v26 =	vbroadcast v12, $0x4;
	v28 =	vbroadcast v12, $0x2  }
0x7f: {  	v6 =	vld [tilespmem:s19+$0xFFFFFF80];
	v59 =	vbroadcast v12, $0x6;
	v18 =	vbroadcast v13, $0x4  }
0x80: {  	v5 =	vld [tilespmem:s19+$0xFFFFFEF0];
	v20 =	vbroadcast v13, $0x1;
	v22 =	vbroadcast v13, $0x7  }
0x81: {  	v3 =	vld [tilespmem:s19+$0xFFFFFF30];
	v9 =	vpop (erf);
	v23 =	vbroadcast v13, $0x2;
	v31 =	vbroadcast v13, $0x5  }
0x82: {  	v8 =	vld [tilespmem:s19+$0xFFFFFF40];
	v34 =	vbroadcast v13, $0x6;
	v25 =	vmul.f32 v1, v9  }
0x83: {  	v10 =	vld [tilespmem:s19+$0xFFFFFFB0];
	v15 =	vmul.f32 v15, v19;
	v28 =	vmul.f32 v28, v29  }
0x84: {  	v7 =	vld [tilespmem:s19+$0xA0];
	v17 =	vpop (erf);
	v21 =	vmul.f32 v21, v59;
	v6 =	vmul.f32 v16, v6  }
0x85: {  	v4 =	vld [tilespmem:s19+$0x90];
	v17 =	vmul.f32 v1, v17;
	v9 =	vmul.f32 v20, v5  }
0x86: {  	[tilespmem:s19+$0xFFFFFFF0] =	vst v12;
	v19 =	vld [tilespmem:s19+$0xE0];
	v14 =	vmul.f32 v23, v14;
	v3 =	vmul.f32 v3, v31  }
0x87: {  	v23 =	vld [tilespmem:s19+$0xFFFFFEE0];
	v11 =	vmul.f32 v11, v18;
	v8 =	vmul.f32 v8, v34;
	[tilespmem:s19+$0xFFFFFF70] =	vst v15;
	v17 =	vadd.f32 v2, v17  }
0x88: {  	v20 =	vld [tilespmem:s19+$0xFFFFFF10];
	v15 =	vbroadcast v13, $0x3;
	[tilespmem:s19+$0xFFFFFF30] =	vst v3;
	v3 =	vbroadcast v13, $0x0  }
0x89: {  	v18 =	vld [tilespmem:s9+$0x0];
	[tilespmem:s19+$0xFFFFFEF0] =	vst v9;
	v5 =	vbroadcast v17, $0x6;
	v27 =	vbroadcast v17, $0x7  }
0x8a: {  	[tilespmem:s19+$0xFFFFFF00] =	vst v14;
	v14 =	vld [tilespmem:s8+$0x110];
	v30 =	vbroadcast v17, $0x0;
	v9 =	vbroadcast v17, $0x3  }
0x8b: {  	[tilespmem:s19+$0xFFFFFF60] =	vst v13;
	v13 =	vld [tilespmem:s9+$0xFFFFFFF0];
	v57 =	vbroadcast v17, $0x5;
	v58 =	vbroadcast v17, $0x4  }
0x8c: {  	[tilespmem:s19+$0xFFFFFF20] =	vst v11;
	v11 =	vbroadcast v17, $0x2;
	v3 =	vmul.f32 v3, v23;
	v23 =	vld [tilespmem:s9+$0xFFFFFFE0]  }
0x8d: {  	[tilespmem:s19+$0xFFFFFFD0] =	vst v21;
	v15 =	vmul.f32 v15, v20;
	v24 =	vmul.f32 v24, v27  }
0x8e: {  	[tilespmem:s19+$0xFFFFFEE0] =	vst v3;
	v3 =	vmul.f32 v10, v26;
	v10 =	vbroadcast v17, $0x1  }
0x8f: {  	[tilespmem:s19+$0xFFFFFF40] =	vst v8;
	v20 =	vld [tilespmem:s19+$0xFFFFFFE0];
	v18 =	vadd.f32 v18, v35;
	v27 =	vbroadcast v12, $0x7;
	v19 =	vmul.f32 v19, v57  }
0x90: {  	v60 =	vld [tilespmem:s19+$0xD0];
	v4 =	vmul.f32 v30, v4;
	[tilespmem:s19+$0xFFFFFFB0] =	vst v3;
	v3 =	vmul.f32 v10, v7;
	v7 =	vadd.f32 v13, v36  }
0x91: {  	v62 =	vld [tilespmem:s19+$0x60];
	v14 =	vadd.f32 v33, v14;
	[tilespmem:s19+$0x100] =	vst v24;
	v24 =	vbroadcast v12, $0x3;
	v21 =	vadd.f32 v23, v32  }
0x92: {  	v8 =	vld [tilespmem:s19+$0xFFFFFFA0];
	vm15 =	vgt.f32 v18, $0.0e+00;
	[tilespmem:s19+$0x90] =	vst v4;
	v4 =	vbroadcast v12, $0x5;
	v16 =	vmul.f32 $2.000000030e-01, v7  }
0x93: {  	[tilespmem:s19+$0xFFFFFF10] =	vst v15;
	v15 =	vld [tilespmem:s19+$0xF0];
	v10 =	vmul.f32 $2.000000030e-01, v18;
	vm12 =	vgt.f32 v7, $0.0e+00;
	v12 =	vmul.f32 $2.000000030e-01, v21  }
0x94: {  	[tilespmem:s19+$0x110] =	vst v17;
	v17 =	vld [tilespmem:s19+$0x0];
	v20 =	vmul.f32 v20, v27;
	vm13 =	vgt.f32 v21, $0.0e+00;
	v7 =	vsel vm12, v7, v16  }
0x95: {  	[tilespmem:s19+$0xFFFFFF80] =	vst v6;
	v23 =	vadd.f32 v2, v25;
	v27 =	vld [tilespmem:s19+$0xFFFFFF50];
	v6 =	vsel vm13, v21, v12;
	v7 =	vmul.f32 $1.442695020e+00, v7  }
0x96: {  	v26 =	vmul.f32 $2.000000030e-01, v14;
	v13 =	vld [tilespmem:s19+$0xC0];
	vm14 =	vgt.f32 v14, $0.0e+00;
	v6 =	vmul.f32 $1.442695020e+00, v6  }
0x97: {  	v25 =	vld [tilespmem:s19+$0x70];
	v10 =	vsel vm15, v18, v10;
	v61 =	vbroadcast v23, $0x2;
	(erf) = vpow2.f32 v7  }
0x98: {  	v14 =	vsel vm14, v14, v26;
	[tilespmem:s19+$0xFFFFFFE0] =	vst v20;
	v20 =	vld [tilespmem:s19+$0xB0];
	v10 =	vmul.f32 $1.442695020e+00, v10;
	(erf) = vpow2.f32 v6  }
0x99: {  	v14 =	vmul.f32 $1.442695020e+00, v14;
	v16 =	vbroadcast v23, $0x7;
	v21 =	vld [tilespmem:s19+$0xFFFFFFC0]  }
0x9a: {  	[tilespmem:s19+$0xA0] =	vst v3;
	v3 =	vld [tilespmem:s8+$0xFFFFFF30];
	v12 =	vbroadcast v23, $0x6;
	v18 =	vmul.f32 v27, v22  }
0x9b: {  	[tilespmem:s19+$0xFFFFFF90] =	vst v28;
	v7 =	vmul.f32 v24, v8;
	v8 =	vld [tilespmem:s19+$0x20];
	v24 =	vbroadcast v23, $0x5  }
0x9c: {  	[tilespmem:s19+$0xE0] =	vst v19;
	v22 =	vld [tilespmem:s19+$0x50];
	v6 =	vmul.f32 v25, v16;
	(erf) = vpow2.f32 v10  }
0x9d: {  	[tilespmem:s19+$0xFFFFFF50] =	vst v18;
	v18 =	vbroadcast v23, $0x3;
	(erf) = vpow2.f32 v14;
	v14 =	vld [tilespmem:s19+$0x30]  }
0x9e: {  	[tilespmem:s19+$0x80] =	vst v23;
	v20 =	vmul.f32 v11, v20;
	v10 =	vld [tilespmem:s19+$0x40];
	v4 =	vmul.f32 v21, v4  }
0x9f: {  	v16 =	vld [tilespmem:s19+$0x10];
	[tilespmem:s19+$0x70] =	vst v6;
	v6 =	vbroadcast v23, $0x1;
	v21 =	vbroadcast v23, $0x0  }
0xa0: {  	v11 =	vld [tilespmem:s8+$0xFFFFFF00];
	[tilespmem:s19+$0xFFFFFFA0] =	vst v7;
	v7 =	vmul.f32 v61, v8;
	v8 =	vbroadcast v23, $0x4;
	v23 =	vpop (erf)  }
0xa1: {  	v26 =	vmul.f32 v62, v12;
	[tilespmem:s19+$0xB0] =	vst v20;
	v20 =	vld [tilespmem:s8+$0xFFFFFFD0];
	v22 =	vmul.f32 v22, v24;
	v12 =	vpop (erf)  }
0xa2: {  	v24 =	vld [tilespmem:s8+$0xFFFFFF70];
	[tilespmem:s19+$0xFFFFFFC0] =	vst v4;
	v14 =	vmul.f32 v18, v14;
	v18 =	vmul.f32 v1, v12  }
0xa3: {  	v4 =	vld [tilespmem:s8+$0x90];
	[tilespmem:s19+$0x50] =	vst v22;
	v8 =	vmul.f32 v10, v8;
	v23 =	vmul.f32 v1, v23  }
0xa4: {  	v16 =	vmul.f32 v6, v16;
	v6 =	vld [tilespmem:s8+$0xFFFFFF80];
	[tilespmem:s19+$0x20] =	vst v7  }
0xa5: {  	v27 =	vmul.f32 v15, v5;
	v22 =	vmul.f32 v9, v13;
	v7 =	vld [tilespmem:s8+$0xA0];
	[tilespmem:s19+$0x40] =	vst v8;
	v8 =	vadd.f32 v2, v23  }
0xa6: {  	v9 =	vmul.f32 v60, v58;
	[tilespmem:s19+$0x10] =	vst v16;
	v16 =	vmul.f32 v21, v17;
	v23 =	vld [tilespmem:s8+$0xFFFFFEF0];
	v17 =	vadd.f32 v2, v18;
	v18 =	vpop (erf)  }
0xa7: {  	v10 =	vld [tilespmem:s8+$0xFFFFFF40];
	[tilespmem:s19+$0x30] =	vst v14;
	v14 =	vbroadcast v8, $0x0;
	v13 =	vbroadcast v8, $0x1;
	v5 =	vpop (erf)  }
0xa8: {  	v21 =	vld [tilespmem:s8+$0xFFFFFF20];
	[tilespmem:s19+$0xC0] =	vst v22;
	v22 =	vbroadcast v8, $0x4;
	v5 =	vmul.f32 v1, v5  }
0xa9: {  	[tilespmem:s19+$0xF0] =	vst v27;
	v12 =	vld [tilespmem:s8+$0xFFFFFFB0];
	v15 =	vbroadcast v17, $0x4;
	v63 =	vbroadcast v17, $0x1  }
0xaa: {  	[tilespmem:s19+$0x60] =	vst v26;
	v25 =	vbroadcast v17, $0x2;
	v19 =	vmul.f32 v1, v18;
	v18 =	vld [tilespmem:s8+$0x100];
	v5 =	vadd.f32 v2, v5  }
0xab: {  	s12 =	simm.s32 $0x4;
	s18 =	simm.s32 $0x166B0;
	[tilespmem:s19+$0xD0] =	vst v9;
	v9 =	vbroadcast v17, $0x7;
	v26 =	vmul.f32 v63, v23;
	v23 =	vld [tilespmem:s8+$0xFFFFFF10]  }
.LBB2_8:
0xac: {  	v27 =	vld [tilespmem:s18+$0xFFFFFF30];
	s12 =	sadd.s32 $0x4, s12;
	v25 =	vmul.f32 v25, v11;
	v11 =	vbroadcast v5, $0x6;
	s9 =	sadd.s32 $0x40, s9;
	[tilespmem:s19+$0x0] =	vst v16;
	s19 =	smov.u32 s8  }
0xad: {  	s8 =	smov.u32 s18;
	p2 =	slt.u32 s12, $0x3C;
	v16 =	vld [tilespmem:s19+$0xFFFFFEE0];
	[tilespmem:s19+$0xFFFFFEF0] =	vst v26;
	v14 =	vmul.f32 v14, v24;
	v24 =	vbroadcast v5, $0x7  }
0xae: {  	v28 =	vbroadcast v5, $0x0;
	v26 =	vbroadcast v8, $0x2;
	[tilespmem:s19+$0xFFFFFFF0] =	vst v8;
	v29 =	vld [tilespmem:s19+$0xE0]  }
0xaf: {  	[tilespmem:s19+$0xFFFFFF00] =	vst v25;
	v25 =	vbroadcast v17, $0x5;
	v30 =	vld [tilespmem:s19+$0xFFFFFF90];
	v24 =	vmul.f32 v18, v24  }
0xb0: {  	v32 =	vbroadcast v8, $0x7;
	v31 =	vld [tilespmem:s18+$0xFFFFFF60];
	[tilespmem:s19+$0xFFFFFF70] =	vst v14;
	v14 =	vbroadcast v5, $0x3  }
0xb1: {  	v18 =	vmul.f32 v21, v15;
	v33 =	vld [tilespmem:s9+$0x10];
	v15 =	vmul.f32 v3, v25;
	[tilespmem:s19+$0xFFFFFF60] =	vst v17;
	v3 =	vmov v27  }
0xb2: {  	v25 =	vbroadcast v17, $0x3;
	v27 =	vbroadcast v5, $0x5;
	v21 =	vld [tilespmem:s18+$0x110]  }
0xb3: {  	v35 =	vbroadcast v17, $0x6;
	v34 =	vld [tilespmem:s9+$0x0];
	[tilespmem:s19+$0xFFFFFF30] =	vst v15;
	v15 =	vbroadcast v5, $0x4  }
0xb4: {  	v37 =	vbroadcast v17, $0x0;
	v17 =	vbroadcast v5, $0x2;
	v36 =	vld [tilespmem:s18+$0x80];
	[tilespmem:s19+$0xFFFFFF20] =	vst v18  }
0xb5: {  	v26 =	vmul.f32 v26, v30;
	v18 =	vmul.f32 v29, v27;
	v38 =	vld [tilespmem:s9+$0xFFFFFFF0]  }
0xb6: {  	v16 =	vmul.f32 v37, v16;
	v29 =	vbroadcast v8, $0x6;
	v27 =	vld [tilespmem:s18+$0xFFFFFFF0];
	[tilespmem:s19+$0x100] =	vst v24  }
0xb7: {  	v30 =	vbroadcast v5, $0x1;
	v24 =	vld [tilespmem:s9+$0xFFFFFFE0];
	v21 =	vadd.f32 v33, v21;
	[tilespmem:s19+$0xFFFFFF90] =	vst v26;
	v26 =	vbroadcast v8, $0x3  }
0xb8: {  	v19 =	vadd.f32 v2, v19;
	v12 =	vmul.f32 v12, v22;
	[tilespmem:s19+$0xFFFFFEE0] =	vst v16;
	v16 =	vmul.f32 v25, v23  }
0xb9: {  	v20 =	vmul.f32 v20, v29;
	v22 =	vadd.f32 v34, v36;
	v23 =	vmul.f32 $2.000000030e-01, v21;
	v25 =	vld [tilespmem:s19+$0xFFFFFFE0]  }
0xba: {  	v10 =	vmul.f32 v10, v35;
	v7 =	vmul.f32 v30, v7;
	vm0 =	vgt.f32 v21, $0.0e+00;
	[tilespmem:s19+$0xFFFFFF10] =	vst v16;
	v29 =	vld [tilespmem:s19+$0xF0]  }
0xbb: {  	v6 =	vmul.f32 v13, v6;
	v16 =	vadd.f32 v38, v27;
	v27 =	vmul.f32 $2.000000030e-01, v22;
	[tilespmem:s19+$0xFFFFFFB0] =	vst v12;
	v13 =	vld [tilespmem:s19+$0xD0]  }
0xbc: {  	v4 =	vmul.f32 v28, v4;
	v21 =	vsel vm0, v21, v23;
	v12 =	vadd.f32 v24, v31;
	[tilespmem:s19+$0xFFFFFFD0] =	vst v20;
	v20 =	vld [tilespmem:s19+$0xC0]  }
0xbd: {  	v8 =	vbroadcast v8, $0x5;
	vm0 =	vgt.f32 v22, $0.0e+00;
	v23 =	vmul.f32 $2.000000030e-01, v16;
	[tilespmem:s19+$0xFFFFFF40] =	vst v10;
	v10 =	vld [tilespmem:s19+$0xFFFFFFA0]  }
0xbe: {  	vm1 =	vgt.f32 v16, $0.0e+00;
	v24 =	vmul.f32 $2.000000030e-01, v12;
	v25 =	vmul.f32 v25, v32;
	v28 =	vld [tilespmem:s19+$0x70];
	[tilespmem:s19+$0x90] =	vst v4  }
0xbf: {  	vm2 =	vgt.f32 v12, $0.0e+00;
	v4 =	vsel vm1, v16, v23;
	v16 =	vld [tilespmem:s19+$0xFFFFFF50];
	v23 =	vbroadcast v19, $0x7;
	[tilespmem:s19+$0x80] =	vst v19  }
0xc0: {  	v12 =	vsel vm2, v12, v24;
	v4 =	vmul.f32 $1.442695020e+00, v4;
	[tilespmem:s19+$0xFFFFFFE0] =	vst v25;
	v24 =	vbroadcast v19, $0x6;
	v25 =	vld [tilespmem:s19+$0xB0]  }
0xc1: {  	v22 =	vsel vm0, v22, v27;
	v27 =	vbroadcast v19, $0x2;
	v12 =	vmul.f32 $1.442695020e+00, v12;
	[tilespmem:s19+$0xFFFFFF80] =	vst v6;
	v6 =	vld [tilespmem:s19+$0xFFFFFFC0]  }
0xc2: {  	(erf) = vpow2.f32 v4;
	v4 =	vmul.f32 v26, v10;
	v10 =	vld [tilespmem:s19+$0x60];
	[tilespmem:s19+$0xA0] =	vst v7  }
0xc3: {  	(erf) = vpow2.f32 v12;
	v7 =	vld [tilespmem:s19+$0x20];
	v12 =	vmul.f32 v28, v23;
	[tilespmem:s19+$0x110] =	vst v5  }
0xc4: {  	v5 =	vmul.f32 $1.442695020e+00, v22;
	v9 =	vmul.f32 v16, v9;
	[tilespmem:s19+$0xFFFFFFA0] =	vst v4;
	v16 =	vld [tilespmem:s19+$0x10]  }
0xc5: {  	v22 =	vbroadcast v19, $0x5;
	v4 =	vmul.f32 $1.442695020e+00, v21;
	v21 =	vld [tilespmem:s19+$0x50];
	[tilespmem:s19+$0x70] =	vst v12  }
0xc6: {  	(erf) = vpow2.f32 v5;
	[tilespmem:s19+$0xFFFFFF50] =	vst v9;
	v5 =	vmul.f32 v6, v8;
	v8 =	vld [tilespmem:s19+$0x40]  }
0xc7: {  	v6 =	vbroadcast v19, $0x1;
	(erf) = vpow2.f32 v4;
	v9 =	vld [tilespmem:s19+$0x30]  }
0xc8: {  	v12 =	vbroadcast v19, $0x4;
	[tilespmem:s19+$0xFFFFFFC0] =	vst v5;
	v5 =	vld [tilespmem:s19+$0x0];
	v7 =	vmul.f32 v27, v7  }
0xc9: {  	v23 =	vbroadcast v19, $0x3;
	v4 =	vld [tilespmem:s18+$0x90];
	v16 =	vmul.f32 v6, v16  }
0xca: {  	v19 =	vbroadcast v19, $0x0;
	v6 =	vld [tilespmem:s18+$0xFFFFFF80];
	[tilespmem:s19+$0x20] =	vst v7;
	v21 =	vmul.f32 v21, v22  }
0xcb: {  	v26 =	vmul.f32 v10, v24;
	v7 =	vld [tilespmem:s18+$0xA0];
	v22 =	vpop (erf);
	[tilespmem:s19+$0x10] =	vst v16;
	v8 =	vmul.f32 v8, v12  }
0xcc: {  	v10 =	vld [tilespmem:s18+$0xFFFFFF40];
	v22 =	vmul.f32 v1, v22;
	v12 =	vpop (erf);
	v9 =	vmul.f32 v23, v9;
	[tilespmem:s19+$0x50] =	vst v21  }
0xcd: {  	v24 =	vmul.f32 v1, v12;
	v12 =	vld [tilespmem:s18+$0xFFFFFFB0];
	v16 =	vmul.f32 v19, v5;
	[tilespmem:s19+$0x40] =	vst v8  }
0xce: {  	v5 =	vmul.f32 v17, v25;
	v19 =	vmul.f32 v14, v20;
	v21 =	vld [tilespmem:s18+$0xFFFFFF20];
	v8 =	vadd.f32 v2, v22;
	[tilespmem:s19+$0x30] =	vst v9  }
0xcf: {  	v27 =	vmul.f32 v29, v11;
	v9 =	vmul.f32 v13, v15;
	v17 =	vadd.f32 v2, v24;
	v22 =	vld [tilespmem:s18+$0xFFFFFEF0];
	v23 =	vpop (erf);
	[tilespmem:s19+$0xE0] =	vst v18  }
.Ltmp5:
0xd0: {  	v11 =	vld [tilespmem:s18+$0xFFFFFF00];
	v14 =	vbroadcast v8, $0x0;
	v13 =	vbroadcast v8, $0x1;
	v18 =	vpop (erf);
	[tilespmem:s19+$0xB0] =	vst v5;
	(pc) =	sbr.rel @p2 .LBB2_8-.Ltmp5, $4  }
0xd1: {  	v15 =	vbroadcast v17, $0x4;
	v24 =	vld [tilespmem:s18+$0xFFFFFF70];
	v5 =	vmul.f32 v1, v18;
	[tilespmem:s19+$0xD0] =	vst v9  }
0xd2: {  	v28 =	vbroadcast v17, $0x1;
	v9 =	vbroadcast v17, $0x7;
	v20 =	vld [tilespmem:s18+$0xFFFFFFD0];
	[tilespmem:s19+$0xC0] =	vst v19  }
0xd3: {  	v25 =	vbroadcast v17, $0x2;
	v19 =	vmul.f32 v1, v23;
	v5 =	vadd.f32 v2, v5;
	v18 =	vld [tilespmem:s18+$0x100];
	[tilespmem:s19+$0x60] =	vst v26  }
0xd4: {  	s18 =	sadd.s32 $0x240, s18;
	v26 =	vmul.f32 v28, v22;
	v23 =	vld [tilespmem:s8+$0xFFFFFF10];
	v22 =	vbroadcast v8, $0x4;
	[tilespmem:s19+$0xF0] =	vst v27  }
0xd5: {  	[tilespmem:s8+$0xFFFFFFF0] =	vst v8  }
0xd6: {  	[tilespmem:s8+$0xFFFFFF60] =	vst v17  }
0xd7: {  	[tilespmem:s19+$0x0] =	vst v16  }
0xd8: {  	v11 =	vmul.f32 v25, v11;
	[tilespmem:s8+$0x110] =	vst v5  }
0xd9: {  	v15 =	vmul.f32 v21, v15;
	[tilespmem:s8+$0xFFFFFEF0] =	vst v26  }
0xda: {  	v6 =	vmul.f32 v13, v6;
	[tilespmem:s8+$0xFFFFFF00] =	vst v11  }
0xdb: {  	v61 =	vbroadcast v17, $0x5;
	v37 =	vadd.f32 v2, v19;
	[tilespmem:s8+$0xFFFFFF20] =	vst v15  }
0xdc: {  	v29 =	vbroadcast v17, $0x6;
	v14 =	vmul.f32 v14, v24;
	[tilespmem:s8+$0xFFFFFF80] =	vst v6  }
0xdd: {  	v60 =	vld [tilespmem:s8+$0xFFFFFF90];
	v30 =	vbroadcast v5, $0x0;
	v3 =	vmul.f32 v3, v61;
	[tilespmem:s8+$0x80] =	vst v37  }
0xde: {  	v28 =	vld [tilespmem:s8+$0xFFFFFFE0];
	v40 =	vbroadcast v5, $0x1;
	v10 =	vmul.f32 v10, v29;
	[tilespmem:s8+$0xFFFFFF70] =	vst v14  }
0xdf: {  	v63 =	vbroadcast v5, $0x7;
	v36 =	vld [tilespmem:s8+$0x70];
	v4 =	vmul.f32 v30, v4;
	[tilespmem:s8+$0xFFFFFF30] =	vst v3  }
0xe0: {  	v62 =	vbroadcast v8, $0x2;
	v34 =	vld [tilespmem:s8+$0xFFFFFFA0];
	v6 =	vmul.f32 v40, v7;
	[tilespmem:s8+$0xFFFFFF40] =	vst v10  }
0xe1: {  	v32 =	vbroadcast v8, $0x7;
	v38 =	vld [tilespmem:s8+$0xFFFFFF50];
	v14 =	vmul.f32 v18, v63;
	[tilespmem:s8+$0x90] =	vst v4  }
0xe2: {  	v41 =	vld [tilespmem:s8+$0xFFFFFFC0];
	v19 =	vbroadcast v37, $0x7;
	[tilespmem:s8+$0xA0] =	vst v6;
	v11 =	vmul.f32 v62, v60  }
0xe3: {  	v43 =	vld [tilespmem:s8+$0x20];
	v44 =	vbroadcast v8, $0x3;
	[tilespmem:s8+$0x100] =	vst v14;
	v35 =	vmul.f32 v28, v32  }
0xe4: {  	v46 =	vld [tilespmem:s8+$0x50];
	v47 =	vbroadcast v8, $0x5;
	v13 =	vmul.f32 v36, v19;
	[tilespmem:s8+$0xFFFFFF90] =	vst v11  }
0xe5: {  	v33 =	vld [tilespmem:s8+$0xC0];
	v26 =	vbroadcast v8, $0x6;
	v10 =	vmul.f32 v44, v34;
	[tilespmem:s8+$0xFFFFFFE0] =	vst v35  }
0xe6: {  	v27 =	vld [tilespmem:s8+$0xFFFFFEE0];
	v48 =	vbroadcast v37, $0x2;
	v9 =	vmul.f32 v38, v9;
	[tilespmem:s8+$0x70] =	vst v13  }
0xe7: {  	v52 =	vbroadcast v37, $0x5;
	v8 =	vmul.f32 v41, v47;
	[tilespmem:s8+$0xFFFFFFA0] =	vst v10  }
0xe8: {  	v53 =	vld [tilespmem:s8+$0x0];
	v59 =	vbroadcast v5, $0x3;
	v7 =	vmul.f32 v48, v43;
	[tilespmem:s8+$0xFFFFFF50] =	vst v9  }
0xe9: {  	v3 =	vbroadcast v17, $0x0;
	v6 =	vmul.f32 v46, v52;
	[tilespmem:s8+$0xFFFFFFC0] =	vst v8  }
0xea: {  	v24 =	vbroadcast v17, $0x3;
	v62 =	vmul.f32 v59, v33;
	[tilespmem:s8+$0x20] =	vst v7  }
0xeb: {  	v45 =	vld [tilespmem:s8+$0x10];
	v4 =	vbroadcast v37, $0x0;
	v3 =	vmul.f32 v3, v27;
	[tilespmem:s8+$0x50] =	vst v6  }
0xec: {  	v49 =	vld [tilespmem:s8+$0x40];
	v27 =	vmul.f32 v24, v23;
	[tilespmem:s8+$0xC0] =	vst v62  }
0xed: {  	v51 =	vld [tilespmem:s8+$0x30];
	v4 =	vmul.f32 v4, v53;
	[tilespmem:s8+$0xFFFFFEE0] =	vst v3  }
0xee: {  	v25 =	vld [tilespmem:s8+$0xE0];
	v50 =	vbroadcast v37, $0x1;
	v3 =	vmul.f32 v12, v22;
	[tilespmem:s8+$0xFFFFFF10] =	vst v27  }
0xef: {  	v42 =	vld [tilespmem:s8+$0x60];
	v54 =	vbroadcast v37, $0x4;
	v11 =	vmul.f32 v20, v26;
	[tilespmem:s8+$0x0] =	vst v4  }
0xf0: {  	v55 =	vbroadcast v37, $0x3;
	v10 =	vmul.f32 v50, v45;
	[tilespmem:s8+$0xFFFFFFB0] =	vst v3;
	v3 =	vld [tilespmem:s8+$0xD0]  }
0xf1: {  	v39 =	vld [tilespmem:s8+$0xB0];
	v56 =	vbroadcast v5, $0x5;
	v9 =	vmul.f32 v49, v54;
	[tilespmem:s8+$0xFFFFFFD0] =	vst v11  }
0xf2: {  	v31 =	vld [tilespmem:s8+$0xF0];
	v60 =	vbroadcast v37, $0x6;
	v13 =	vmul.f32 v55, v51;
	[tilespmem:s8+$0x10] =	vst v10  }
0xf3: {  	v58 =	vbroadcast v5, $0x4;
	v7 =	vmul.f32 v25, v56;
	[tilespmem:s8+$0x40] =	vst v9  }
0xf4: {  	v57 =	vbroadcast v5, $0x2;
	v63 =	vmul.f32 v42, v60;
	[tilespmem:s8+$0x30] =	vst v13  }
0xf5: {  	v61 =	vbroadcast v5, $0x6;
	[tilespmem:s8+$0xE0] =	vst v7;
	v3 =	vmul.f32 v3, v58  }
0xf6: {  	v10 =	vmul.f32 v57, v39;
	[tilespmem:s8+$0x60] =	vst v63  }
0xf7: {  	[tilespmem:s8+$0xD0] =	vst v3;
	v3 =	vmul.f32 v31, v61  }
0xf8: {  	[tilespmem:s8+$0xB0] =	vst v10  }
0xf9: {  	[tilespmem:s8+$0xF0] =	vst v3  }
0xfa: {  	[spmem:s1] =	stream.indirect.scatter.add.f32 [tilespmem:s21], [sflag:$0xA], $0x90, s26, s17, $0xb8;
	[tilespmem:$0x1D9D0] =	vst v63  }
.LBB2_10:
0xfb: {  	p2 =	sge.u32 s25, s11  }
0xfc: {  	s8 =	simm.s32 @!p2 $0x3  }
0xfd: {  	p3 =	seq.s32 @!p2 s24, $0x0;
	_ =	swait.ge @!p2 [sflag:s8], $0x80  }
0xfe: {  	p3 =	por p3, p2;
	[sflag:s8] =	ssyncset.done @!p2 $0x0  }
0xff: {  	[sflag:s8] =	ssyncadd.s32 @!p2 $0xFFFFFF80;
	s8 =	simm.s32 @!p3 $0xC  }
0x100: {  	_ =	swait.ge @!p3 [sflag:s8], $0x2400  }
0x101: {  	s9 =	simm.s32 @!p2 $0x16090;
	[sflag:s8] =	ssyncset.done @!p3 $0x0  }
0x102: {  	s12 =	simm.s32 @!p2 $0x1A910;
	[sflag:s8] =	ssyncadd.s32 @!p3 $0xFFFFDC00;
	s8 =	simm.s32 @!p2 $0x40  }
0x103: {  	[tilespmem:s12], [sflag:$0x6] =	stream.indirect.gather @!p2 [hbm4b:s4+s8], $0x90, s9, s8, $0xb8;
	[tilespmem:$0x1D9D0] =	vst v63  }
0x104: {  	s9 =	simm.s32 @!p2 $0x160D0;
	s12 =	simm.s32 @!p2 $0x1D510  }
0x105: {  	[tilespmem:s12], [sflag:$0x9] =	stream.indirect.gather @!p2 [hbm4b:s5+s8], $0x10, s9, s8, $0xb8;
	[tilespmem:$0x1D9D0] =	vst v63  }
0x106: {  	s8 =	simm.s32 @!p1 $0x5  }
0x107: {  	_ =	swait.ge @!p1 [sflag:s8], $0x2400  }
0x108: {  	[sflag:s8] =	ssyncset.done @!p1 $0x0  }
0x109: {  	[sflag:s8] =	ssyncadd.s32 @!p1 $0xFFFFDC00;
	s8 =	simm.s32 @!p1 $0x8  }
0x10a: {  	_ =	swait.ge @!p1 [sflag:s8], $0x400  }
0x10b: {  	[sflag:s8] =	ssyncset.done @!p1 $0x0  }
0x10c: {  	[sflag:s8] =	ssyncadd.s32 @!p1 $0xFFFFFC00  }
0x10d: {  	v3 =	vld @!p1 [tilespmem:$0x16050]  }
0x10e: {  	v4 =	vld @!p1 [tilespmem:$0x16060]  }
0x10f: {  	v5 =	vld @!p1 [tilespmem:$0x16070]  }
0x110: {  	v6 =	vld @!p1 [tilespmem:$0x16080];
	_ =	sdelay $0x1  }
.Ltmp6:
0x111: {  	s8 =	sadd.s32 $0x4, s25;
	[tilespmem:$0x1D950] =	vst @!p1 v3;
	(pc) =	sbr.rel @p1 .LBB2_14-.Ltmp6, $4  }
0x112: {  	p3 =	sge.u32 s8, s6;
	[tilespmem:$0x1D960] =	vst @!p1 v4  }
0x113: {  	s8 =	sshll.u32 @!p3 s8, $0x8;
	s9 =	simm.s32 @!p3 $0x40;
	[tilespmem:$0x1D970] =	vst @!p1 v5  }
0x114: {  	s12 =	simm.s32 @!p3 $0x4E200;
	s18 =	simm.s32 @!p3 $0x16010;
	s8 =	sadd.s32 @!p3 s8, s7;
	[tilespmem:$0x1D980] =	vst @!p1 v6  }
0x115: {  	[tilespmem:s18], [sflag:$0x2] =	stream.strided.gather @!p3 [hbm4b:s8+s9], $0x80, s12, s9, $0x38;
	[tilespmem:$0x1D9D0] =	vst v63  }
0x116: {  	s8 =	simm.s32 $0x1D130  }
0x117: {  	s19 =	simm.s32 $0x18630;
	v4 =	vld [tilespmem:s8+$0xFFFFFFF0]  }
0x118: {  	v5 =	vld [tilespmem:s19+$0xFFFFFFF0]  }
0x119: {  	v3 =	vld [tilespmem:s19+$0xFFFFFF60]  }
0x11a: {  	v6 =	vld [tilespmem:s8+$0xFFFFFFE0];
	_ =	sdelay $0x2  }
0x11b: {  	v4 =	vadd.f32 v4, v5;
	_ =	sdelay $0x1  }
0x11c: {  	v3 =	vadd.f32 v6, v3;
	v6 =	vmul.f32 $2.000000030e-01, v4  }
0x11d: {  	v8 =	vld [tilespmem:s8+$0x0];
	vm0 =	vgt.f32 v4, $0.0e+00  }
0x11e: {  	v9 =	vld [tilespmem:s19+$0x80];
	v10 =	vmul.f32 $2.000000030e-01, v3;
	v4 =	vsel vm0, v4, v6  }
0x11f: {  	v7 =	vld [tilespmem:s8+$0x10];
	vm1 =	vgt.f32 v3, $0.0e+00;
	v4 =	vmul.f32 $1.442695020e+00, v4  }
0x120: {  	v5 =	vld [tilespmem:s19+$0x110];
	v3 =	vsel vm1, v3, v10  }
0x121: {  	v3 =	vmul.f32 $1.442695020e+00, v3;
	(erf) = vpow2.f32 v4;
	_ =	sdelay $0x1  }
0x122: {  	v6 =	vadd.f32 v8, v9;
	(erf) = vpow2.f32 v3;
	_ =	sdelay $0x1  }
0x123: {  	v5 =	vadd.f32 v7, v5;
	v7 =	vmul.f32 $2.000000030e-01, v6  }
0x124: {  	vm10 =	vgt.f32 v6, $0.0e+00  }
0x125: {  	v11 =	vld [tilespmem:s19+$0xFFFFFF20];
	v3 =	vsel vm10, v6, v7  }
0x126: {  	v14 =	vld [tilespmem:s19+$0xFFFFFF00];
	v4 =	vmul.f32 $2.000000030e-01, v5;
	v3 =	vmul.f32 $1.442695020e+00, v3  }
0x127: {  	v19 =	vld [tilespmem:s19+$0xFFFFFF70];
	vm11 =	vgt.f32 v5, $0.0e+00  }
0x128: {  	v21 =	vld [tilespmem:s19+$0xFFFFFFD0];
	v4 =	vsel vm11, v5, v4;
	(erf) = vpow2.f32 v3;
	v5 =	vpop (erf)  }
0x129: {  	v24 =	vld [tilespmem:s19+$0x100];
	v4 =	vmul.f32 $1.442695020e+00, v4;
	v5 =	vmul.f32 v1, v5  }
0x12a: {  	s9 =	simm.s32 $0x1D170;
	v29 =	vld [tilespmem:s19+$0xFFFFFF90];
	v9 =	vpop (erf)  }
0x12b: {  	s8 =	simm.s32 $0x18870;
	v33 =	vld [tilespmem:s9+$0x10];
	(erf) = vpow2.f32 v4;
	v9 =	vmul.f32 v1, v9;
	v12 =	vadd.f32 v2, v5  }
0x12c: {  	v32 =	vld [tilespmem:s8+$0xFFFFFF60]  }
0x12d: {  	v35 =	vld [tilespmem:s8+$0x80];
	v13 =	vadd.f32 v2, v9;
	v15 =	vbroadcast v12, $0x0;
	v16 =	vbroadcast v12, $0x1  }
0x12e: {  	v36 =	vld [tilespmem:s8+$0xFFFFFFF0];
	v26 =	vbroadcast v12, $0x4;
	v28 =	vbroadcast v12, $0x2  }
0x12f: {  	v6 =	vld [tilespmem:s19+$0xFFFFFF80];
	v59 =	vbroadcast v12, $0x6;
	v18 =	vbroadcast v13, $0x4  }
0x130: {  	v5 =	vld [tilespmem:s19+$0xFFFFFEF0];
	v20 =	vbroadcast v13, $0x1;
	v22 =	vbroadcast v13, $0x7  }
0x131: {  	v3 =	vld [tilespmem:s19+$0xFFFFFF30];
	v9 =	vpop (erf);
	v23 =	vbroadcast v13, $0x2;
	v31 =	vbroadcast v13, $0x5  }
0x132: {  	v8 =	vld [tilespmem:s19+$0xFFFFFF40];
	v34 =	vbroadcast v13, $0x6;
	v25 =	vmul.f32 v1, v9  }
0x133: {  	v10 =	vld [tilespmem:s19+$0xFFFFFFB0];
	v15 =	vmul.f32 v15, v19;
	v28 =	vmul.f32 v28, v29  }
0x134: {  	v7 =	vld [tilespmem:s19+$0xA0];
	v17 =	vpop (erf);
	v21 =	vmul.f32 v21, v59;
	v6 =	vmul.f32 v16, v6  }
0x135: {  	v4 =	vld [tilespmem:s19+$0x90];
	v17 =	vmul.f32 v1, v17;
	v9 =	vmul.f32 v20, v5  }
0x136: {  	[tilespmem:s19+$0xFFFFFFF0] =	vst v12;
	v19 =	vld [tilespmem:s19+$0xE0];
	v14 =	vmul.f32 v23, v14;
	v3 =	vmul.f32 v3, v31  }
0x137: {  	v23 =	vld [tilespmem:s19+$0xFFFFFEE0];
	v11 =	vmul.f32 v11, v18;
	v8 =	vmul.f32 v8, v34;
	[tilespmem:s19+$0xFFFFFF70] =	vst v15;
	v17 =	vadd.f32 v2, v17  }
0x138: {  	v20 =	vld [tilespmem:s19+$0xFFFFFF10];
	v15 =	vbroadcast v13, $0x3;
	[tilespmem:s19+$0xFFFFFF30] =	vst v3;
	v3 =	vbroadcast v13, $0x0  }
0x139: {  	v18 =	vld [tilespmem:s9+$0x0];
	[tilespmem:s19+$0xFFFFFEF0] =	vst v9;
	v5 =	vbroadcast v17, $0x6;
	v27 =	vbroadcast v17, $0x7  }
0x13a: {  	[tilespmem:s19+$0xFFFFFF00] =	vst v14;
	v14 =	vld [tilespmem:s8+$0x110];
	v30 =	vbroadcast v17, $0x0;
	v9 =	vbroadcast v17, $0x3  }
0x13b: {  	[tilespmem:s19+$0xFFFFFF60] =	vst v13;
	v13 =	vld [tilespmem:s9+$0xFFFFFFF0];
	v57 =	vbroadcast v17, $0x5;
	v58 =	vbroadcast v17, $0x4  }
0x13c: {  	[tilespmem:s19+$0xFFFFFF20] =	vst v11;
	v11 =	vbroadcast v17, $0x2;
	v3 =	vmul.f32 v3, v23;
	v23 =	vld [tilespmem:s9+$0xFFFFFFE0]  }
0x13d: {  	[tilespmem:s19+$0xFFFFFFD0] =	vst v21;
	v15 =	vmul.f32 v15, v20;
	v24 =	vmul.f32 v24, v27  }
0x13e: {  	[tilespmem:s19+$0xFFFFFEE0] =	vst v3;
	v3 =	vmul.f32 v10, v26;
	v10 =	vbroadcast v17, $0x1  }
0x13f: {  	[tilespmem:s19+$0xFFFFFF40] =	vst v8;
	v20 =	vld [tilespmem:s19+$0xFFFFFFE0];
	v18 =	vadd.f32 v18, v35;
	v27 =	vbroadcast v12, $0x7;
	v19 =	vmul.f32 v19, v57  }
0x140: {  	v60 =	vld [tilespmem:s19+$0xD0];
	v4 =	vmul.f32 v30, v4;
	[tilespmem:s19+$0xFFFFFFB0] =	vst v3;
	v3 =	vmul.f32 v10, v7;
	v7 =	vadd.f32 v13, v36  }
0x141: {  	v62 =	vld [tilespmem:s19+$0x60];
	v14 =	vadd.f32 v33, v14;
	[tilespmem:s19+$0x100] =	vst v24;
	v24 =	vbroadcast v12, $0x3;
	v21 =	vadd.f32 v23, v32  }
0x142: {  	v8 =	vld [tilespmem:s19+$0xFFFFFFA0];
	vm15 =	vgt.f32 v18, $0.0e+00;
	[tilespmem:s19+$0x90] =	vst v4;
	v4 =	vbroadcast v12, $0x5;
	v16 =	vmul.f32 $2.000000030e-01, v7  }
0x143: {  	[tilespmem:s19+$0xFFFFFF10] =	vst v15;
	v15 =	vld [tilespmem:s19+$0xF0];
	v10 =	vmul.f32 $2.000000030e-01, v18;
	vm12 =	vgt.f32 v7, $0.0e+00;
	v12 =	vmul.f32 $2.000000030e-01, v21  }
0x144: {  	[tilespmem:s19+$0x110] =	vst v17;
	v17 =	vld [tilespmem:s19+$0x0];
	v20 =	vmul.f32 v20, v27;
	vm13 =	vgt.f32 v21, $0.0e+00;
	v7 =	vsel vm12, v7, v16  }
0x145: {  	[tilespmem:s19+$0xFFFFFF80] =	vst v6;
	v23 =	vadd.f32 v2, v25;
	v27 =	vld [tilespmem:s19+$0xFFFFFF50];
	v6 =	vsel vm13, v21, v12;
	v7 =	vmul.f32 $1.442695020e+00, v7  }
0x146: {  	v26 =	vmul.f32 $2.000000030e-01, v14;
	v13 =	vld [tilespmem:s19+$0xC0];
	vm14 =	vgt.f32 v14, $0.0e+00;
	v6 =	vmul.f32 $1.442695020e+00, v6  }
0x147: {  	v25 =	vld [tilespmem:s19+$0x70];
	v10 =	vsel vm15, v18, v10;
	v61 =	vbroadcast v23, $0x2;
	(erf) = vpow2.f32 v7  }
0x148: {  	v14 =	vsel vm14, v14, v26;
	[tilespmem:s19+$0xFFFFFFE0] =	vst v20;
	v20 =	vld [tilespmem:s19+$0xB0];
	v10 =	vmul.f32 $1.442695020e+00, v10;
	(erf) = vpow2.f32 v6  }
0x149: {  	v14 =	vmul.f32 $1.442695020e+00, v14;
	v16 =	vbroadcast v23, $0x7;
	v21 =	vld [tilespmem:s19+$0xFFFFFFC0]  }
0x14a: {  	[tilespmem:s19+$0xA0] =	vst v3;
	v3 =	vld [tilespmem:s8+$0xFFFFFF30];
	v12 =	vbroadcast v23, $0x6;
	v18 =	vmul.f32 v27, v22  }
0x14b: {  	[tilespmem:s19+$0xFFFFFF90] =	vst v28;
	v7 =	vmul.f32 v24, v8;
	v8 =	vld [tilespmem:s19+$0x20];
	v24 =	vbroadcast v23, $0x5  }
0x14c: {  	[tilespmem:s19+$0xE0] =	vst v19;
	v22 =	vld [tilespmem:s19+$0x50];
	v6 =	vmul.f32 v25, v16;
	(erf) = vpow2.f32 v10  }
0x14d: {  	[tilespmem:s19+$0xFFFFFF50] =	vst v18;
	v18 =	vbroadcast v23, $0x3;
	(erf) = vpow2.f32 v14;
	v14 =	vld [tilespmem:s19+$0x30]  }
0x14e: {  	[tilespmem:s19+$0x80] =	vst v23;
	v20 =	vmul.f32 v11, v20;
	v10 =	vld [tilespmem:s19+$0x40];
	v4 =	vmul.f32 v21, v4  }
0x14f: {  	v16 =	vld [tilespmem:s19+$0x10];
	[tilespmem:s19+$0x70] =	vst v6;
	v6 =	vbroadcast v23, $0x1;
	v21 =	vbroadcast v23, $0x0  }
0x150: {  	v11 =	vld [tilespmem:s8+$0xFFFFFF00];
	[tilespmem:s19+$0xFFFFFFA0] =	vst v7;
	v7 =	vmul.f32 v61, v8;
	v8 =	vbroadcast v23, $0x4;
	v23 =	vpop (erf)  }
0x151: {  	v26 =	vmul.f32 v62, v12;
	[tilespmem:s19+$0xB0] =	vst v20;
	v20 =	vld [tilespmem:s8+$0xFFFFFFD0];
	v22 =	vmul.f32 v22, v24;
	v12 =	vpop (erf)  }
0x152: {  	v24 =	vld [tilespmem:s8+$0xFFFFFF70];
	[tilespmem:s19+$0xFFFFFFC0] =	vst v4;
	v14 =	vmul.f32 v18, v14;
	v18 =	vmul.f32 v1, v12  }
0x153: {  	v4 =	vld [tilespmem:s8+$0x90];
	[tilespmem:s19+$0x50] =	vst v22;
	v8 =	vmul.f32 v10, v8;
	v23 =	vmul.f32 v1, v23  }
0x154: {  	v16 =	vmul.f32 v6, v16;
	v6 =	vld [tilespmem:s8+$0xFFFFFF80];
	[tilespmem:s19+$0x20] =	vst v7  }
0x155: {  	v27 =	vmul.f32 v15, v5;
	v22 =	vmul.f32 v9, v13;
	v7 =	vld [tilespmem:s8+$0xA0];
	[tilespmem:s19+$0x40] =	vst v8;
	v8 =	vadd.f32 v2, v23  }
0x156: {  	v9 =	vmul.f32 v60, v58;
	[tilespmem:s19+$0x10] =	vst v16;
	v16 =	vmul.f32 v21, v17;
	v23 =	vld [tilespmem:s8+$0xFFFFFEF0];
	v17 =	vadd.f32 v2, v18;
	v18 =	vpop (erf)  }
0x157: {  	v10 =	vld [tilespmem:s8+$0xFFFFFF40];
	[tilespmem:s19+$0x30] =	vst v14;
	v14 =	vbroadcast v8, $0x0;
	v13 =	vbroadcast v8, $0x1;
	v5 =	vpop (erf)  }
0x158: {  	v21 =	vld [tilespmem:s8+$0xFFFFFF20];
	[tilespmem:s19+$0xC0] =	vst v22;
	v22 =	vbroadcast v8, $0x4;
	v5 =	vmul.f32 v1, v5  }
0x159: {  	[tilespmem:s19+$0xF0] =	vst v27;
	v12 =	vld [tilespmem:s8+$0xFFFFFFB0];
	v15 =	vbroadcast v17, $0x4;
	v63 =	vbroadcast v17, $0x1  }
0x15a: {  	[tilespmem:s19+$0x60] =	vst v26;
	v25 =	vbroadcast v17, $0x2;
	v19 =	vmul.f32 v1, v18;
	v18 =	vld [tilespmem:s8+$0x100];
	v5 =	vadd.f32 v2, v5  }
0x15b: {  	s12 =	simm.s32 $0x4;
	s18 =	simm.s32 $0x18AB0;
	[tilespmem:s19+$0xD0] =	vst v9;
	v9 =	vbroadcast v17, $0x7;
	v26 =	vmul.f32 v63, v23;
	v23 =	vld [tilespmem:s8+$0xFFFFFF10]  }
.LBB2_12:
0x15c: {  	v27 =	vld [tilespmem:s18+$0xFFFFFF30];
	s12 =	sadd.s32 $0x4, s12;
	v25 =	vmul.f32 v25, v11;
	v11 =	vbroadcast v5, $0x6;
	s9 =	sadd.s32 $0x40, s9;
	[tilespmem:s19+$0x0] =	vst v16;
	s19 =	smov.u32 s8  }
0x15d: {  	s8 =	smov.u32 s18;
	p1 =	slt.u32 s12, $0x3C;
	v16 =	vld [tilespmem:s19+$0xFFFFFEE0];
	[tilespmem:s19+$0xFFFFFEF0] =	vst v26;
	v14 =	vmul.f32 v14, v24;
	v24 =	vbroadcast v5, $0x7  }
0x15e: {  	v28 =	vbroadcast v5, $0x0;
	v26 =	vbroadcast v8, $0x2;
	[tilespmem:s19+$0xFFFFFFF0] =	vst v8;
	v29 =	vld [tilespmem:s19+$0xE0]  }
0x15f: {  	[tilespmem:s19+$0xFFFFFF00] =	vst v25;
	v25 =	vbroadcast v17, $0x5;
	v30 =	vld [tilespmem:s19+$0xFFFFFF90];
	v24 =	vmul.f32 v18, v24  }
0x160: {  	v32 =	vbroadcast v8, $0x7;
	v31 =	vld [tilespmem:s18+$0xFFFFFF60];
	[tilespmem:s19+$0xFFFFFF70] =	vst v14;
	v14 =	vbroadcast v5, $0x3  }
0x161: {  	v18 =	vmul.f32 v21, v15;
	v33 =	vld [tilespmem:s9+$0x10];
	v15 =	vmul.f32 v3, v25;
	[tilespmem:s19+$0xFFFFFF60] =	vst v17;
	v3 =	vmov v27  }
0x162: {  	v25 =	vbroadcast v17, $0x3;
	v27 =	vbroadcast v5, $0x5;
	v21 =	vld [tilespmem:s18+$0x110]  }
0x163: {  	v35 =	vbroadcast v17, $0x6;
	v34 =	vld [tilespmem:s9+$0x0];
	[tilespmem:s19+$0xFFFFFF30] =	vst v15;
	v15 =	vbroadcast v5, $0x4  }
0x164: {  	v37 =	vbroadcast v17, $0x0;
	v17 =	vbroadcast v5, $0x2;
	v36 =	vld [tilespmem:s18+$0x80];
	[tilespmem:s19+$0xFFFFFF20] =	vst v18  }
0x165: {  	v26 =	vmul.f32 v26, v30;
	v18 =	vmul.f32 v29, v27;
	v38 =	vld [tilespmem:s9+$0xFFFFFFF0]  }
0x166: {  	v16 =	vmul.f32 v37, v16;
	v29 =	vbroadcast v8, $0x6;
	v27 =	vld [tilespmem:s18+$0xFFFFFFF0];
	[tilespmem:s19+$0x100] =	vst v24  }
0x167: {  	v30 =	vbroadcast v5, $0x1;
	v24 =	vld [tilespmem:s9+$0xFFFFFFE0];
	v21 =	vadd.f32 v33, v21;
	[tilespmem:s19+$0xFFFFFF90] =	vst v26;
	v26 =	vbroadcast v8, $0x3  }
0x168: {  	v19 =	vadd.f32 v2, v19;
	v12 =	vmul.f32 v12, v22;
	[tilespmem:s19+$0xFFFFFEE0] =	vst v16;
	v16 =	vmul.f32 v25, v23  }
0x169: {  	v20 =	vmul.f32 v20, v29;
	v22 =	vadd.f32 v34, v36;
	v23 =	vmul.f32 $2.000000030e-01, v21;
	v25 =	vld [tilespmem:s19+$0xFFFFFFE0]  }
0x16a: {  	v10 =	vmul.f32 v10, v35;
	v7 =	vmul.f32 v30, v7;
	vm0 =	vgt.f32 v21, $0.0e+00;
	[tilespmem:s19+$0xFFFFFF10] =	vst v16;
	v29 =	vld [tilespmem:s19+$0xF0]  }
0x16b: {  	v6 =	vmul.f32 v13, v6;
	v16 =	vadd.f32 v38, v27;
	v27 =	vmul.f32 $2.000000030e-01, v22;
	[tilespmem:s19+$0xFFFFFFB0] =	vst v12;
	v13 =	vld [tilespmem:s19+$0xD0]  }
0x16c: {  	v4 =	vmul.f32 v28, v4;
	v21 =	vsel vm0, v21, v23;
	v12 =	vadd.f32 v24, v31;
	[tilespmem:s19+$0xFFFFFFD0] =	vst v20;
	v20 =	vld [tilespmem:s19+$0xC0]  }
0x16d: {  	v8 =	vbroadcast v8, $0x5;
	vm0 =	vgt.f32 v22, $0.0e+00;
	v23 =	vmul.f32 $2.000000030e-01, v16;
	[tilespmem:s19+$0xFFFFFF40] =	vst v10;
	v10 =	vld [tilespmem:s19+$0xFFFFFFA0]  }
0x16e: {  	vm1 =	vgt.f32 v16, $0.0e+00;
	v24 =	vmul.f32 $2.000000030e-01, v12;
	v25 =	vmul.f32 v25, v32;
	v28 =	vld [tilespmem:s19+$0x70];
	[tilespmem:s19+$0x90] =	vst v4  }
0x16f: {  	vm2 =	vgt.f32 v12, $0.0e+00;
	v4 =	vsel vm1, v16, v23;
	v16 =	vld [tilespmem:s19+$0xFFFFFF50];
	v23 =	vbroadcast v19, $0x7;
	[tilespmem:s19+$0x80] =	vst v19  }
0x170: {  	v12 =	vsel vm2, v12, v24;
	v4 =	vmul.f32 $1.442695020e+00, v4;
	[tilespmem:s19+$0xFFFFFFE0] =	vst v25;
	v24 =	vbroadcast v19, $0x6;
	v25 =	vld [tilespmem:s19+$0xB0]  }
0x171: {  	v22 =	vsel vm0, v22, v27;
	v27 =	vbroadcast v19, $0x2;
	v12 =	vmul.f32 $1.442695020e+00, v12;
	[tilespmem:s19+$0xFFFFFF80] =	vst v6;
	v6 =	vld [tilespmem:s19+$0xFFFFFFC0]  }
0x172: {  	(erf) = vpow2.f32 v4;
	v4 =	vmul.f32 v26, v10;
	v10 =	vld [tilespmem:s19+$0x60];
	[tilespmem:s19+$0xA0] =	vst v7  }
0x173: {  	(erf) = vpow2.f32 v12;
	v7 =	vld [tilespmem:s19+$0x20];
	v12 =	vmul.f32 v28, v23;
	[tilespmem:s19+$0x110] =	vst v5  }
0x174: {  	v5 =	vmul.f32 $1.442695020e+00, v22;
	v9 =	vmul.f32 v16, v9;
	[tilespmem:s19+$0xFFFFFFA0] =	vst v4;
	v16 =	vld [tilespmem:s19+$0x10]  }
0x175: {  	v22 =	vbroadcast v19, $0x5;
	v4 =	vmul.f32 $1.442695020e+00, v21;
	v21 =	vld [tilespmem:s19+$0x50];
	[tilespmem:s19+$0x70] =	vst v12  }
0x176: {  	(erf) = vpow2.f32 v5;
	[tilespmem:s19+$0xFFFFFF50] =	vst v9;
	v5 =	vmul.f32 v6, v8;
	v8 =	vld [tilespmem:s19+$0x40]  }
0x177: {  	v6 =	vbroadcast v19, $0x1;
	(erf) = vpow2.f32 v4;
	v9 =	vld [tilespmem:s19+$0x30]  }
0x178: {  	v12 =	vbroadcast v19, $0x4;
	[tilespmem:s19+$0xFFFFFFC0] =	vst v5;
	v5 =	vld [tilespmem:s19+$0x0];
	v7 =	vmul.f32 v27, v7  }
0x179: {  	v23 =	vbroadcast v19, $0x3;
	v4 =	vld [tilespmem:s18+$0x90];
	v16 =	vmul.f32 v6, v16  }
0x17a: {  	v19 =	vbroadcast v19, $0x0;
	v6 =	vld [tilespmem:s18+$0xFFFFFF80];
	[tilespmem:s19+$0x20] =	vst v7;
	v21 =	vmul.f32 v21, v22  }
0x17b: {  	v26 =	vmul.f32 v10, v24;
	v7 =	vld [tilespmem:s18+$0xA0];
	v22 =	vpop (erf);
	[tilespmem:s19+$0x10] =	vst v16;
	v8 =	vmul.f32 v8, v12  }
0x17c: {  	v10 =	vld [tilespmem:s18+$0xFFFFFF40];
	v22 =	vmul.f32 v1, v22;
	v12 =	vpop (erf);
	v9 =	vmul.f32 v23, v9;
	[tilespmem:s19+$0x50] =	vst v21  }
0x17d: {  	v24 =	vmul.f32 v1, v12;
	v12 =	vld [tilespmem:s18+$0xFFFFFFB0];
	v16 =	vmul.f32 v19, v5;
	[tilespmem:s19+$0x40] =	vst v8  }
0x17e: {  	v5 =	vmul.f32 v17, v25;
	v19 =	vmul.f32 v14, v20;
	v21 =	vld [tilespmem:s18+$0xFFFFFF20];
	v8 =	vadd.f32 v2, v22;
	[tilespmem:s19+$0x30] =	vst v9  }
0x17f: {  	v27 =	vmul.f32 v29, v11;
	v9 =	vmul.f32 v13, v15;
	v17 =	vadd.f32 v2, v24;
	v22 =	vld [tilespmem:s18+$0xFFFFFEF0];
	v23 =	vpop (erf);
	[tilespmem:s19+$0xE0] =	vst v18  }
.Ltmp7:
0x180: {  	v11 =	vld [tilespmem:s18+$0xFFFFFF00];
	v14 =	vbroadcast v8, $0x0;
	v13 =	vbroadcast v8, $0x1;
	v18 =	vpop (erf);
	[tilespmem:s19+$0xB0] =	vst v5;
	(pc) =	sbr.rel @p1 .LBB2_12-.Ltmp7, $4  }
0x181: {  	v15 =	vbroadcast v17, $0x4;
	v24 =	vld [tilespmem:s18+$0xFFFFFF70];
	v5 =	vmul.f32 v1, v18;
	[tilespmem:s19+$0xD0] =	vst v9  }
0x182: {  	v28 =	vbroadcast v17, $0x1;
	v9 =	vbroadcast v17, $0x7;
	v20 =	vld [tilespmem:s18+$0xFFFFFFD0];
	[tilespmem:s19+$0xC0] =	vst v19  }
0x183: {  	v25 =	vbroadcast v17, $0x2;
	v19 =	vmul.f32 v1, v23;
	v5 =	vadd.f32 v2, v5;
	v18 =	vld [tilespmem:s18+$0x100];
	[tilespmem:s19+$0x60] =	vst v26  }
0x184: {  	s18 =	sadd.s32 $0x240, s18;
	v26 =	vmul.f32 v28, v22;
	v23 =	vld [tilespmem:s8+$0xFFFFFF10];
	v22 =	vbroadcast v8, $0x4;
	[tilespmem:s19+$0xF0] =	vst v27  }
0x185: {  	[tilespmem:s8+$0xFFFFFFF0] =	vst v8  }
0x186: {  	[tilespmem:s8+$0xFFFFFF60] =	vst v17  }
0x187: {  	[tilespmem:s19+$0x0] =	vst v16  }
0x188: {  	v11 =	vmul.f32 v25, v11;
	[tilespmem:s8+$0x110] =	vst v5  }
0x189: {  	v15 =	vmul.f32 v21, v15;
	[tilespmem:s8+$0xFFFFFEF0] =	vst v26  }
0x18a: {  	v6 =	vmul.f32 v13, v6;
	[tilespmem:s8+$0xFFFFFF00] =	vst v11  }
0x18b: {  	v61 =	vbroadcast v17, $0x5;
	v37 =	vadd.f32 v2, v19;
	[tilespmem:s8+$0xFFFFFF20] =	vst v15  }
0x18c: {  	v29 =	vbroadcast v17, $0x6;
	v14 =	vmul.f32 v14, v24;
	[tilespmem:s8+$0xFFFFFF80] =	vst v6  }
0x18d: {  	v60 =	vld [tilespmem:s8+$0xFFFFFF90];
	v30 =	vbroadcast v5, $0x0;
	v3 =	vmul.f32 v3, v61;
	[tilespmem:s8+$0x80] =	vst v37  }
0x18e: {  	v28 =	vld [tilespmem:s8+$0xFFFFFFE0];
	v40 =	vbroadcast v5, $0x1;
	v10 =	vmul.f32 v10, v29;
	[tilespmem:s8+$0xFFFFFF70] =	vst v14  }
0x18f: {  	v63 =	vbroadcast v5, $0x7;
	v36 =	vld [tilespmem:s8+$0x70];
	v4 =	vmul.f32 v30, v4;
	[tilespmem:s8+$0xFFFFFF30] =	vst v3  }
0x190: {  	v62 =	vbroadcast v8, $0x2;
	v34 =	vld [tilespmem:s8+$0xFFFFFFA0];
	v6 =	vmul.f32 v40, v7;
	[tilespmem:s8+$0xFFFFFF40] =	vst v10  }
0x191: {  	v32 =	vbroadcast v8, $0x7;
	v38 =	vld [tilespmem:s8+$0xFFFFFF50];
	v14 =	vmul.f32 v18, v63;
	[tilespmem:s8+$0x90] =	vst v4  }
0x192: {  	v41 =	vld [tilespmem:s8+$0xFFFFFFC0];
	v19 =	vbroadcast v37, $0x7;
	[tilespmem:s8+$0xA0] =	vst v6;
	v11 =	vmul.f32 v62, v60  }
0x193: {  	v43 =	vld [tilespmem:s8+$0x20];
	v44 =	vbroadcast v8, $0x3;
	[tilespmem:s8+$0x100] =	vst v14;
	v35 =	vmul.f32 v28, v32  }
0x194: {  	v46 =	vld [tilespmem:s8+$0x50];
	v47 =	vbroadcast v8, $0x5;
	v13 =	vmul.f32 v36, v19;
	[tilespmem:s8+$0xFFFFFF90] =	vst v11  }
0x195: {  	v33 =	vld [tilespmem:s8+$0xC0];
	v26 =	vbroadcast v8, $0x6;
	v10 =	vmul.f32 v44, v34;
	[tilespmem:s8+$0xFFFFFFE0] =	vst v35  }
0x196: {  	v27 =	vld [tilespmem:s8+$0xFFFFFEE0];
	v48 =	vbroadcast v37, $0x2;
	v9 =	vmul.f32 v38, v9;
	[tilespmem:s8+$0x70] =	vst v13  }
0x197: {  	v52 =	vbroadcast v37, $0x5;
	v8 =	vmul.f32 v41, v47;
	[tilespmem:s8+$0xFFFFFFA0] =	vst v10  }
0x198: {  	v53 =	vld [tilespmem:s8+$0x0];
	v59 =	vbroadcast v5, $0x3;
	v7 =	vmul.f32 v48, v43;
	[tilespmem:s8+$0xFFFFFF50] =	vst v9  }
0x199: {  	v3 =	vbroadcast v17, $0x0;
	v6 =	vmul.f32 v46, v52;
	[tilespmem:s8+$0xFFFFFFC0] =	vst v8  }
0x19a: {  	v24 =	vbroadcast v17, $0x3;
	v62 =	vmul.f32 v59, v33;
	[tilespmem:s8+$0x20] =	vst v7  }
0x19b: {  	v45 =	vld [tilespmem:s8+$0x10];
	v4 =	vbroadcast v37, $0x0;
	v3 =	vmul.f32 v3, v27;
	[tilespmem:s8+$0x50] =	vst v6  }
0x19c: {  	v49 =	vld [tilespmem:s8+$0x40];
	v27 =	vmul.f32 v24, v23;
	[tilespmem:s8+$0xC0] =	vst v62  }
0x19d: {  	v51 =	vld [tilespmem:s8+$0x30];
	v4 =	vmul.f32 v4, v53;
	[tilespmem:s8+$0xFFFFFEE0] =	vst v3  }
0x19e: {  	v25 =	vld [tilespmem:s8+$0xE0];
	v50 =	vbroadcast v37, $0x1;
	v3 =	vmul.f32 v12, v22;
	[tilespmem:s8+$0xFFFFFF10] =	vst v27  }
0x19f: {  	v42 =	vld [tilespmem:s8+$0x60];
	v54 =	vbroadcast v37, $0x4;
	v11 =	vmul.f32 v20, v26;
	[tilespmem:s8+$0x0] =	vst v4  }
0x1a0: {  	v55 =	vbroadcast v37, $0x3;
	v10 =	vmul.f32 v50, v45;
	[tilespmem:s8+$0xFFFFFFB0] =	vst v3;
	v3 =	vld [tilespmem:s8+$0xD0]  }
0x1a1: {  	v39 =	vld [tilespmem:s8+$0xB0];
	v56 =	vbroadcast v5, $0x5;
	v9 =	vmul.f32 v49, v54;
	[tilespmem:s8+$0xFFFFFFD0] =	vst v11  }
0x1a2: {  	v31 =	vld [tilespmem:s8+$0xF0];
	v60 =	vbroadcast v37, $0x6;
	v13 =	vmul.f32 v55, v51;
	[tilespmem:s8+$0x10] =	vst v10  }
0x1a3: {  	v58 =	vbroadcast v5, $0x4;
	v7 =	vmul.f32 v25, v56;
	[tilespmem:s8+$0x40] =	vst v9  }
0x1a4: {  	v57 =	vbroadcast v5, $0x2;
	v63 =	vmul.f32 v42, v60;
	[tilespmem:s8+$0x30] =	vst v13  }
0x1a5: {  	v61 =	vbroadcast v5, $0x6;
	[tilespmem:s8+$0xE0] =	vst v7;
	v3 =	vmul.f32 v3, v58  }
0x1a6: {  	v10 =	vmul.f32 v57, v39;
	[tilespmem:s8+$0x60] =	vst v63  }
0x1a7: {  	[tilespmem:s8+$0xD0] =	vst v3;
	v3 =	vmul.f32 v31, v61  }
0x1a8: {  	[tilespmem:s8+$0xB0] =	vst v10  }
0x1a9: {  	[tilespmem:s8+$0xF0] =	vst v3  }
0x1aa: {  	[spmem:s1] =	stream.indirect.scatter.add.f32 [tilespmem:s29], [sflag:$0xB], $0x90, s28, s17, $0xb8;
	[tilespmem:$0x1D9D0] =	vst v63  }
.LBB2_14:
0x1ab: {  	s8 =	simm.s32 @!p0 $0x1  }
0x1ac: {  	_ =	swait.ge @!p0 [sflag:s8], $0x80  }
0x1ad: {  	[sflag:s8] =	ssyncset.done @!p0 $0x0  }
0x1ae: {  	[sflag:s8] =	ssyncadd.s32 @!p0 $0xFFFFFF80;
	s8 =	simm.s32 @!p0 $0xA  }
0x1af: {  	_ =	swait.ge @!p0 [sflag:s8], $0x2400  }
0x1b0: {  	s9 =	simm.s32 @!p0 $0x15F90;
	[sflag:s8] =	ssyncset.done @!p0 $0x0  }
0x1b1: {  	s12 =	simm.s32 @!p0 $0x16110;
	[sflag:s8] =	ssyncadd.s32 @!p0 $0xFFFFDC00;
	s8 =	simm.s32 @!p0 $0x40  }
0x1b2: {  	[tilespmem:s12], [sflag:$0x4] =	stream.indirect.gather @!p0 [hbm4b:s4+s8], $0x90, s9, s8, $0xb8;
	[tilespmem:$0x1D9D0] =	vst v63  }
0x1b3: {  	s9 =	simm.s32 @!p0 $0x15FD0;
	s12 =	simm.s32 @!p0 $0x1CD10  }
0x1b4: {  	[tilespmem:s12], [sflag:$0x7] =	stream.indirect.gather @!p0 [hbm4b:s5+s8], $0x10, s9, s8, $0xb8;
	[tilespmem:$0x1D9D0] =	vst v63  }
0x1b5: {  	s8 =	simm.s32 @!p2 $0x6  }
0x1b6: {  	_ =	swait.ge @!p2 [sflag:s8], $0x2400  }
0x1b7: {  	[sflag:s8] =	ssyncset.done @!p2 $0x0  }
0x1b8: {  	[sflag:s8] =	ssyncadd.s32 @!p2 $0xFFFFDC00;
	s8 =	simm.s32 @!p2 $0x9  }
0x1b9: {  	_ =	swait.ge @!p2 [sflag:s8], $0x400  }
0x1ba: {  	[sflag:s8] =	ssyncset.done @!p2 $0x0  }
0x1bb: {  	[sflag:s8] =	ssyncadd.s32 @!p2 $0xFFFFFC00  }
0x1bc: {  	v3 =	vld @!p2 [tilespmem:$0x160D0]  }
0x1bd: {  	v4 =	vld @!p2 [tilespmem:$0x160E0]  }
0x1be: {  	v5 =	vld @!p2 [tilespmem:$0x160F0]  }
0x1bf: {  	v6 =	vld @!p2 [tilespmem:$0x16100];
	_ =	sdelay $0x1  }
.Ltmp8:
0x1c0: {  	s8 =	sadd.s32 $0x5, s25;
	[tilespmem:$0x1D990] =	vst @!p2 v3;
	(pc) =	sbr.rel @p2 .LBB2_18-.Ltmp8, $4  }
0x1c1: {  	p0 =	sge.u32 s8, s6;
	[tilespmem:$0x1D9A0] =	vst @!p2 v4  }
0x1c2: {  	s8 =	sshll.u32 @!p0 s8, $0x8;
	s9 =	simm.s32 @!p0 $0x40;
	[tilespmem:$0x1D9B0] =	vst @!p2 v5  }
0x1c3: {  	s12 =	simm.s32 @!p0 $0x4E200;
	s18 =	simm.s32 @!p0 $0x16090;
	s8 =	sadd.s32 @!p0 s8, s7;
	[tilespmem:$0x1D9C0] =	vst @!p2 v6  }
0x1c4: {  	[tilespmem:s18], [sflag:$0x3] =	stream.strided.gather @!p0 [hbm4b:s8+s9], $0x80, s12, s9, $0x38;
	[tilespmem:$0x1D9D0] =	vst v63  }
0x1c5: {  	s8 =	simm.s32 $0x1D530  }
0x1c6: {  	s19 =	simm.s32 $0x1AA30;
	v4 =	vld [tilespmem:s8+$0xFFFFFFF0]  }
0x1c7: {  	v5 =	vld [tilespmem:s19+$0xFFFFFFF0]  }
0x1c8: {  	v3 =	vld [tilespmem:s19+$0xFFFFFF60]  }
0x1c9: {  	v6 =	vld [tilespmem:s8+$0xFFFFFFE0];
	_ =	sdelay $0x2  }
0x1ca: {  	v4 =	vadd.f32 v4, v5;
	_ =	sdelay $0x1  }
0x1cb: {  	v3 =	vadd.f32 v6, v3;
	v6 =	vmul.f32 $2.000000030e-01, v4  }
0x1cc: {  	v8 =	vld [tilespmem:s8+$0x0];
	vm0 =	vgt.f32 v4, $0.0e+00  }
0x1cd: {  	v9 =	vld [tilespmem:s19+$0x80];
	v10 =	vmul.f32 $2.000000030e-01, v3;
	v4 =	vsel vm0, v4, v6  }
0x1ce: {  	v7 =	vld [tilespmem:s8+$0x10];
	vm1 =	vgt.f32 v3, $0.0e+00;
	v4 =	vmul.f32 $1.442695020e+00, v4  }
0x1cf: {  	v5 =	vld [tilespmem:s19+$0x110];
	v3 =	vsel vm1, v3, v10  }
0x1d0: {  	v3 =	vmul.f32 $1.442695020e+00, v3;
	(erf) = vpow2.f32 v4;
	_ =	sdelay $0x1  }
0x1d1: {  	v6 =	vadd.f32 v8, v9;
	(erf) = vpow2.f32 v3;
	_ =	sdelay $0x1  }
0x1d2: {  	v5 =	vadd.f32 v7, v5;
	v7 =	vmul.f32 $2.000000030e-01, v6  }
0x1d3: {  	vm10 =	vgt.f32 v6, $0.0e+00  }
0x1d4: {  	v11 =	vld [tilespmem:s19+$0xFFFFFF20];
	v3 =	vsel vm10, v6, v7  }
0x1d5: {  	v14 =	vld [tilespmem:s19+$0xFFFFFF00];
	v4 =	vmul.f32 $2.000000030e-01, v5;
	v3 =	vmul.f32 $1.442695020e+00, v3  }
0x1d6: {  	v19 =	vld [tilespmem:s19+$0xFFFFFF70];
	vm11 =	vgt.f32 v5, $0.0e+00  }
0x1d7: {  	v21 =	vld [tilespmem:s19+$0xFFFFFFD0];
	v4 =	vsel vm11, v5, v4;
	(erf) = vpow2.f32 v3;
	v5 =	vpop (erf)  }
0x1d8: {  	v24 =	vld [tilespmem:s19+$0x100];
	v4 =	vmul.f32 $1.442695020e+00, v4;
	v5 =	vmul.f32 v1, v5  }
0x1d9: {  	s9 =	simm.s32 $0x1D570;
	v29 =	vld [tilespmem:s19+$0xFFFFFF90];
	v9 =	vpop (erf)  }
0x1da: {  	s8 =	simm.s32 $0x1AC70;
	v33 =	vld [tilespmem:s9+$0x10];
	(erf) = vpow2.f32 v4;
	v9 =	vmul.f32 v1, v9;
	v12 =	vadd.f32 v2, v5  }
0x1db: {  	v32 =	vld [tilespmem:s8+$0xFFFFFF60]  }
0x1dc: {  	v35 =	vld [tilespmem:s8+$0x80];
	v13 =	vadd.f32 v2, v9;
	v15 =	vbroadcast v12, $0x0;
	v16 =	vbroadcast v12, $0x1  }
0x1dd: {  	v36 =	vld [tilespmem:s8+$0xFFFFFFF0];
	v26 =	vbroadcast v12, $0x4;
	v28 =	vbroadcast v12, $0x2  }
0x1de: {  	v6 =	vld [tilespmem:s19+$0xFFFFFF80];
	v59 =	vbroadcast v12, $0x6;
	v18 =	vbroadcast v13, $0x4  }
0x1df: {  	v5 =	vld [tilespmem:s19+$0xFFFFFEF0];
	v20 =	vbroadcast v13, $0x1;
	v22 =	vbroadcast v13, $0x7  }
0x1e0: {  	v3 =	vld [tilespmem:s19+$0xFFFFFF30];
	v9 =	vpop (erf);
	v23 =	vbroadcast v13, $0x2;
	v31 =	vbroadcast v13, $0x5  }
0x1e1: {  	v8 =	vld [tilespmem:s19+$0xFFFFFF40];
	v34 =	vbroadcast v13, $0x6;
	v25 =	vmul.f32 v1, v9  }
0x1e2: {  	v10 =	vld [tilespmem:s19+$0xFFFFFFB0];
	v15 =	vmul.f32 v15, v19;
	v28 =	vmul.f32 v28, v29  }
0x1e3: {  	v7 =	vld [tilespmem:s19+$0xA0];
	v17 =	vpop (erf);
	v21 =	vmul.f32 v21, v59;
	v6 =	vmul.f32 v16, v6  }
0x1e4: {  	v4 =	vld [tilespmem:s19+$0x90];
	v17 =	vmul.f32 v1, v17;
	v9 =	vmul.f32 v20, v5  }
0x1e5: {  	[tilespmem:s19+$0xFFFFFFF0] =	vst v12;
	v19 =	vld [tilespmem:s19+$0xE0];
	v14 =	vmul.f32 v23, v14;
	v3 =	vmul.f32 v3, v31  }
0x1e6: {  	v23 =	vld [tilespmem:s19+$0xFFFFFEE0];
	v11 =	vmul.f32 v11, v18;
	v8 =	vmul.f32 v8, v34;
	[tilespmem:s19+$0xFFFFFF70] =	vst v15;
	v17 =	vadd.f32 v2, v17  }
0x1e7: {  	v20 =	vld [tilespmem:s19+$0xFFFFFF10];
	v15 =	vbroadcast v13, $0x3;
	[tilespmem:s19+$0xFFFFFF30] =	vst v3;
	v3 =	vbroadcast v13, $0x0  }
0x1e8: {  	v18 =	vld [tilespmem:s9+$0x0];
	[tilespmem:s19+$0xFFFFFEF0] =	vst v9;
	v5 =	vbroadcast v17, $0x6;
	v27 =	vbroadcast v17, $0x7  }
0x1e9: {  	[tilespmem:s19+$0xFFFFFF00] =	vst v14;
	v14 =	vld [tilespmem:s8+$0x110];
	v30 =	vbroadcast v17, $0x0;
	v9 =	vbroadcast v17, $0x3  }
0x1ea: {  	[tilespmem:s19+$0xFFFFFF60] =	vst v13;
	v13 =	vld [tilespmem:s9+$0xFFFFFFF0];
	v57 =	vbroadcast v17, $0x5;
	v58 =	vbroadcast v17, $0x4  }
0x1eb: {  	[tilespmem:s19+$0xFFFFFF20] =	vst v11;
	v11 =	vbroadcast v17, $0x2;
	v3 =	vmul.f32 v3, v23;
	v23 =	vld [tilespmem:s9+$0xFFFFFFE0]  }
0x1ec: {  	[tilespmem:s19+$0xFFFFFFD0] =	vst v21;
	v15 =	vmul.f32 v15, v20;
	v24 =	vmul.f32 v24, v27  }
0x1ed: {  	[tilespmem:s19+$0xFFFFFEE0] =	vst v3;
	v3 =	vmul.f32 v10, v26;
	v10 =	vbroadcast v17, $0x1  }
0x1ee: {  	[tilespmem:s19+$0xFFFFFF40] =	vst v8;
	v20 =	vld [tilespmem:s19+$0xFFFFFFE0];
	v18 =	vadd.f32 v18, v35;
	v27 =	vbroadcast v12, $0x7;
	v19 =	vmul.f32 v19, v57  }
0x1ef: {  	v60 =	vld [tilespmem:s19+$0xD0];
	v4 =	vmul.f32 v30, v4;
	[tilespmem:s19+$0xFFFFFFB0] =	vst v3;
	v3 =	vmul.f32 v10, v7;
	v7 =	vadd.f32 v13, v36  }
0x1f0: {  	v62 =	vld [tilespmem:s19+$0x60];
	v14 =	vadd.f32 v33, v14;
	[tilespmem:s19+$0x100] =	vst v24;
	v24 =	vbroadcast v12, $0x3;
	v21 =	vadd.f32 v23, v32  }
0x1f1: {  	v8 =	vld [tilespmem:s19+$0xFFFFFFA0];
	vm15 =	vgt.f32 v18, $0.0e+00;
	[tilespmem:s19+$0x90] =	vst v4;
	v4 =	vbroadcast v12, $0x5;
	v16 =	vmul.f32 $2.000000030e-01, v7  }
0x1f2: {  	[tilespmem:s19+$0xFFFFFF10] =	vst v15;
	v15 =	vld [tilespmem:s19+$0xF0];
	v10 =	vmul.f32 $2.000000030e-01, v18;
	vm12 =	vgt.f32 v7, $0.0e+00;
	v12 =	vmul.f32 $2.000000030e-01, v21  }
0x1f3: {  	[tilespmem:s19+$0x110] =	vst v17;
	v17 =	vld [tilespmem:s19+$0x0];
	v20 =	vmul.f32 v20, v27;
	vm13 =	vgt.f32 v21, $0.0e+00;
	v7 =	vsel vm12, v7, v16  }
0x1f4: {  	[tilespmem:s19+$0xFFFFFF80] =	vst v6;
	v23 =	vadd.f32 v2, v25;
	v27 =	vld [tilespmem:s19+$0xFFFFFF50];
	v6 =	vsel vm13, v21, v12;
	v7 =	vmul.f32 $1.442695020e+00, v7  }
0x1f5: {  	v26 =	vmul.f32 $2.000000030e-01, v14;
	v13 =	vld [tilespmem:s19+$0xC0];
	vm14 =	vgt.f32 v14, $0.0e+00;
	v6 =	vmul.f32 $1.442695020e+00, v6  }
0x1f6: {  	v25 =	vld [tilespmem:s19+$0x70];
	v10 =	vsel vm15, v18, v10;
	v61 =	vbroadcast v23, $0x2;
	(erf) = vpow2.f32 v7  }
0x1f7: {  	v14 =	vsel vm14, v14, v26;
	[tilespmem:s19+$0xFFFFFFE0] =	vst v20;
	v20 =	vld [tilespmem:s19+$0xB0];
	v10 =	vmul.f32 $1.442695020e+00, v10;
	(erf) = vpow2.f32 v6  }
0x1f8: {  	v14 =	vmul.f32 $1.442695020e+00, v14;
	v16 =	vbroadcast v23, $0x7;
	v21 =	vld [tilespmem:s19+$0xFFFFFFC0]  }
0x1f9: {  	[tilespmem:s19+$0xA0] =	vst v3;
	v3 =	vld [tilespmem:s8+$0xFFFFFF30];
	v12 =	vbroadcast v23, $0x6;
	v18 =	vmul.f32 v27, v22  }
0x1fa: {  	[tilespmem:s19+$0xFFFFFF90] =	vst v28;
	v7 =	vmul.f32 v24, v8;
	v8 =	vld [tilespmem:s19+$0x20];
	v24 =	vbroadcast v23, $0x5  }
0x1fb: {  	[tilespmem:s19+$0xE0] =	vst v19;
	v22 =	vld [tilespmem:s19+$0x50];
	v6 =	vmul.f32 v25, v16;
	(erf) = vpow2.f32 v10  }
0x1fc: {  	[tilespmem:s19+$0xFFFFFF50] =	vst v18;
	v18 =	vbroadcast v23, $0x3;
	(erf) = vpow2.f32 v14;
	v14 =	vld [tilespmem:s19+$0x30]  }
0x1fd: {  	[tilespmem:s19+$0x80] =	vst v23;
	v20 =	vmul.f32 v11, v20;
	v10 =	vld [tilespmem:s19+$0x40];
	v4 =	vmul.f32 v21, v4  }
0x1fe: {  	v16 =	vld [tilespmem:s19+$0x10];
	[tilespmem:s19+$0x70] =	vst v6;
	v6 =	vbroadcast v23, $0x1;
	v21 =	vbroadcast v23, $0x0  }
0x1ff: {  	v11 =	vld [tilespmem:s8+$0xFFFFFF00];
	[tilespmem:s19+$0xFFFFFFA0] =	vst v7;
	v7 =	vmul.f32 v61, v8;
	v8 =	vbroadcast v23, $0x4;
	v23 =	vpop (erf)  }
0x200: {  	v26 =	vmul.f32 v62, v12;
	[tilespmem:s19+$0xB0] =	vst v20;
	v20 =	vld [tilespmem:s8+$0xFFFFFFD0];
	v22 =	vmul.f32 v22, v24;
	v12 =	vpop (erf)  }
0x201: {  	v24 =	vld [tilespmem:s8+$0xFFFFFF70];
	[tilespmem:s19+$0xFFFFFFC0] =	vst v4;
	v14 =	vmul.f32 v18, v14;
	v18 =	vmul.f32 v1, v12  }
0x202: {  	v4 =	vld [tilespmem:s8+$0x90];
	[tilespmem:s19+$0x50] =	vst v22;
	v8 =	vmul.f32 v10, v8;
	v23 =	vmul.f32 v1, v23  }
0x203: {  	v16 =	vmul.f32 v6, v16;
	v6 =	vld [tilespmem:s8+$0xFFFFFF80];
	[tilespmem:s19+$0x20] =	vst v7  }
0x204: {  	v27 =	vmul.f32 v15, v5;
	v22 =	vmul.f32 v9, v13;
	v7 =	vld [tilespmem:s8+$0xA0];
	[tilespmem:s19+$0x40] =	vst v8;
	v8 =	vadd.f32 v2, v23  }
0x205: {  	v9 =	vmul.f32 v60, v58;
	[tilespmem:s19+$0x10] =	vst v16;
	v16 =	vmul.f32 v21, v17;
	v23 =	vld [tilespmem:s8+$0xFFFFFEF0];
	v17 =	vadd.f32 v2, v18;
	v18 =	vpop (erf)  }
0x206: {  	v10 =	vld [tilespmem:s8+$0xFFFFFF40];
	[tilespmem:s19+$0x30] =	vst v14;
	v14 =	vbroadcast v8, $0x0;
	v13 =	vbroadcast v8, $0x1;
	v5 =	vpop (erf)  }
0x207: {  	v21 =	vld [tilespmem:s8+$0xFFFFFF20];
	[tilespmem:s19+$0xC0] =	vst v22;
	v22 =	vbroadcast v8, $0x4;
	v5 =	vmul.f32 v1, v5  }
0x208: {  	[tilespmem:s19+$0xF0] =	vst v27;
	v12 =	vld [tilespmem:s8+$0xFFFFFFB0];
	v15 =	vbroadcast v17, $0x4;
	v63 =	vbroadcast v17, $0x1  }
0x209: {  	[tilespmem:s19+$0x60] =	vst v26;
	v25 =	vbroadcast v17, $0x2;
	v19 =	vmul.f32 v1, v18;
	v18 =	vld [tilespmem:s8+$0x100];
	v5 =	vadd.f32 v2, v5  }
0x20a: {  	s12 =	simm.s32 $0x4;
	s18 =	simm.s32 $0x1AEB0;
	[tilespmem:s19+$0xD0] =	vst v9;
	v9 =	vbroadcast v17, $0x7;
	v26 =	vmul.f32 v63, v23;
	v23 =	vld [tilespmem:s8+$0xFFFFFF10]  }
.LBB2_16:
0x20b: {  	v27 =	vld [tilespmem:s18+$0xFFFFFF30];
	s12 =	sadd.s32 $0x4, s12;
	v25 =	vmul.f32 v25, v11;
	v11 =	vbroadcast v5, $0x6;
	s9 =	sadd.s32 $0x40, s9;
	[tilespmem:s19+$0x0] =	vst v16;
	s19 =	smov.u32 s8  }
0x20c: {  	s8 =	smov.u32 s18;
	p0 =	slt.u32 s12, $0x3C;
	v16 =	vld [tilespmem:s19+$0xFFFFFEE0];
	[tilespmem:s19+$0xFFFFFEF0] =	vst v26;
	v14 =	vmul.f32 v14, v24;
	v24 =	vbroadcast v5, $0x7  }
0x20d: {  	v28 =	vbroadcast v5, $0x0;
	v26 =	vbroadcast v8, $0x2;
	[tilespmem:s19+$0xFFFFFFF0] =	vst v8;
	v29 =	vld [tilespmem:s19+$0xE0]  }
0x20e: {  	[tilespmem:s19+$0xFFFFFF00] =	vst v25;
	v25 =	vbroadcast v17, $0x5;
	v30 =	vld [tilespmem:s19+$0xFFFFFF90];
	v24 =	vmul.f32 v18, v24  }
0x20f: {  	v32 =	vbroadcast v8, $0x7;
	v31 =	vld [tilespmem:s18+$0xFFFFFF60];
	[tilespmem:s19+$0xFFFFFF70] =	vst v14;
	v14 =	vbroadcast v5, $0x3  }
0x210: {  	v18 =	vmul.f32 v21, v15;
	v33 =	vld [tilespmem:s9+$0x10];
	v15 =	vmul.f32 v3, v25;
	[tilespmem:s19+$0xFFFFFF60] =	vst v17;
	v3 =	vmov v27  }
0x211: {  	v25 =	vbroadcast v17, $0x3;
	v27 =	vbroadcast v5, $0x5;
	v21 =	vld [tilespmem:s18+$0x110]  }
0x212: {  	v35 =	vbroadcast v17, $0x6;
	v34 =	vld [tilespmem:s9+$0x0];
	[tilespmem:s19+$0xFFFFFF30] =	vst v15;
	v15 =	vbroadcast v5, $0x4  }
0x213: {  	v37 =	vbroadcast v17, $0x0;
	v17 =	vbroadcast v5, $0x2;
	v36 =	vld [tilespmem:s18+$0x80];
	[tilespmem:s19+$0xFFFFFF20] =	vst v18  }
0x214: {  	v26 =	vmul.f32 v26, v30;
	v18 =	vmul.f32 v29, v27;
	v38 =	vld [tilespmem:s9+$0xFFFFFFF0]  }
0x215: {  	v16 =	vmul.f32 v37, v16;
	v29 =	vbroadcast v8, $0x6;
	v27 =	vld [tilespmem:s18+$0xFFFFFFF0];
	[tilespmem:s19+$0x100] =	vst v24  }
0x216: {  	v30 =	vbroadcast v5, $0x1;
	v24 =	vld [tilespmem:s9+$0xFFFFFFE0];
	v21 =	vadd.f32 v33, v21;
	[tilespmem:s19+$0xFFFFFF90] =	vst v26;
	v26 =	vbroadcast v8, $0x3  }
0x217: {  	v19 =	vadd.f32 v2, v19;
	v12 =	vmul.f32 v12, v22;
	[tilespmem:s19+$0xFFFFFEE0] =	vst v16;
	v16 =	vmul.f32 v25, v23  }
0x218: {  	v20 =	vmul.f32 v20, v29;
	v22 =	vadd.f32 v34, v36;
	v23 =	vmul.f32 $2.000000030e-01, v21;
	v25 =	vld [tilespmem:s19+$0xFFFFFFE0]  }
0x219: {  	v10 =	vmul.f32 v10, v35;
	v7 =	vmul.f32 v30, v7;
	vm0 =	vgt.f32 v21, $0.0e+00;
	[tilespmem:s19+$0xFFFFFF10] =	vst v16;
	v29 =	vld [tilespmem:s19+$0xF0]  }
0x21a: {  	v6 =	vmul.f32 v13, v6;
	v16 =	vadd.f32 v38, v27;
	v27 =	vmul.f32 $2.000000030e-01, v22;
	[tilespmem:s19+$0xFFFFFFB0] =	vst v12;
	v13 =	vld [tilespmem:s19+$0xD0]  }
0x21b: {  	v4 =	vmul.f32 v28, v4;
	v21 =	vsel vm0, v21, v23;
	v12 =	vadd.f32 v24, v31;
	[tilespmem:s19+$0xFFFFFFD0] =	vst v20;
	v20 =	vld [tilespmem:s19+$0xC0]  }
0x21c: {  	v8 =	vbroadcast v8, $0x5;
	vm0 =	vgt.f32 v22, $0.0e+00;
	v23 =	vmul.f32 $2.000000030e-01, v16;
	[tilespmem:s19+$0xFFFFFF40] =	vst v10;
	v10 =	vld [tilespmem:s19+$0xFFFFFFA0]  }
0x21d: {  	vm1 =	vgt.f32 v16, $0.0e+00;
	v24 =	vmul.f32 $2.000000030e-01, v12;
	v25 =	vmul.f32 v25, v32;
	v28 =	vld [tilespmem:s19+$0x70];
	[tilespmem:s19+$0x90] =	vst v4  }
0x21e: {  	vm2 =	vgt.f32 v12, $0.0e+00;
	v4 =	vsel vm1, v16, v23;
	v16 =	vld [tilespmem:s19+$0xFFFFFF50];
	v23 =	vbroadcast v19, $0x7;
	[tilespmem:s19+$0x80] =	vst v19  }
0x21f: {  	v12 =	vsel vm2, v12, v24;
	v4 =	vmul.f32 $1.442695020e+00, v4;
	[tilespmem:s19+$0xFFFFFFE0] =	vst v25;
	v24 =	vbroadcast v19, $0x6;
	v25 =	vld [tilespmem:s19+$0xB0]  }
0x220: {  	v22 =	vsel vm0, v22, v27;
	v27 =	vbroadcast v19, $0x2;
	v12 =	vmul.f32 $1.442695020e+00, v12;
	[tilespmem:s19+$0xFFFFFF80] =	vst v6;
	v6 =	vld [tilespmem:s19+$0xFFFFFFC0]  }
0x221: {  	(erf) = vpow2.f32 v4;
	v4 =	vmul.f32 v26, v10;
	v10 =	vld [tilespmem:s19+$0x60];
	[tilespmem:s19+$0xA0] =	vst v7  }
0x222: {  	(erf) = vpow2.f32 v12;
	v7 =	vld [tilespmem:s19+$0x20];
	v12 =	vmul.f32 v28, v23;
	[tilespmem:s19+$0x110] =	vst v5  }
0x223: {  	v5 =	vmul.f32 $1.442695020e+00, v22;
	v9 =	vmul.f32 v16, v9;
	[tilespmem:s19+$0xFFFFFFA0] =	vst v4;
	v16 =	vld [tilespmem:s19+$0x10]  }
0x224: {  	v22 =	vbroadcast v19, $0x5;
	v4 =	vmul.f32 $1.442695020e+00, v21;
	v21 =	vld [tilespmem:s19+$0x50];
	[tilespmem:s19+$0x70] =	vst v12  }
0x225: {  	(erf) = vpow2.f32 v5;
	[tilespmem:s19+$0xFFFFFF50] =	vst v9;
	v5 =	vmul.f32 v6, v8;
	v8 =	vld [tilespmem:s19+$0x40]  }
0x226: {  	v6 =	vbroadcast v19, $0x1;
	(erf) = vpow2.f32 v4;
	v9 =	vld [tilespmem:s19+$0x30]  }
0x227: {  	v12 =	vbroadcast v19, $0x4;
	[tilespmem:s19+$0xFFFFFFC0] =	vst v5;
	v5 =	vld [tilespmem:s19+$0x0];
	v7 =	vmul.f32 v27, v7  }
0x228: {  	v23 =	vbroadcast v19, $0x3;
	v4 =	vld [tilespmem:s18+$0x90];
	v16 =	vmul.f32 v6, v16  }
0x229: {  	v19 =	vbroadcast v19, $0x0;
	v6 =	vld [tilespmem:s18+$0xFFFFFF80];
	[tilespmem:s19+$0x20] =	vst v7;
	v21 =	vmul.f32 v21, v22  }
0x22a: {  	v26 =	vmul.f32 v10, v24;
	v7 =	vld [tilespmem:s18+$0xA0];
	v22 =	vpop (erf);
	[tilespmem:s19+$0x10] =	vst v16;
	v8 =	vmul.f32 v8, v12  }
0x22b: {  	v10 =	vld [tilespmem:s18+$0xFFFFFF40];
	v22 =	vmul.f32 v1, v22;
	v12 =	vpop (erf);
	v9 =	vmul.f32 v23, v9;
	[tilespmem:s19+$0x50] =	vst v21  }
0x22c: {  	v24 =	vmul.f32 v1, v12;
	v12 =	vld [tilespmem:s18+$0xFFFFFFB0];
	v16 =	vmul.f32 v19, v5;
	[tilespmem:s19+$0x40] =	vst v8  }
0x22d: {  	v5 =	vmul.f32 v17, v25;
	v19 =	vmul.f32 v14, v20;
	v21 =	vld [tilespmem:s18+$0xFFFFFF20];
	v8 =	vadd.f32 v2, v22;
	[tilespmem:s19+$0x30] =	vst v9  }
0x22e: {  	v27 =	vmul.f32 v29, v11;
	v9 =	vmul.f32 v13, v15;
	v17 =	vadd.f32 v2, v24;
	v22 =	vld [tilespmem:s18+$0xFFFFFEF0];
	v23 =	vpop (erf);
	[tilespmem:s19+$0xE0] =	vst v18  }
.Ltmp9:
0x22f: {  	v11 =	vld [tilespmem:s18+$0xFFFFFF00];
	v14 =	vbroadcast v8, $0x0;
	v13 =	vbroadcast v8, $0x1;
	v18 =	vpop (erf);
	[tilespmem:s19+$0xB0] =	vst v5;
	(pc) =	sbr.rel @p0 .LBB2_16-.Ltmp9, $4  }
0x230: {  	v15 =	vbroadcast v17, $0x4;
	v24 =	vld [tilespmem:s18+$0xFFFFFF70];
	v5 =	vmul.f32 v1, v18;
	[tilespmem:s19+$0xD0] =	vst v9  }
0x231: {  	v28 =	vbroadcast v17, $0x1;
	v9 =	vbroadcast v17, $0x7;
	v20 =	vld [tilespmem:s18+$0xFFFFFFD0];
	[tilespmem:s19+$0xC0] =	vst v19  }
0x232: {  	v25 =	vbroadcast v17, $0x2;
	v19 =	vmul.f32 v1, v23;
	v5 =	vadd.f32 v2, v5;
	v18 =	vld [tilespmem:s18+$0x100];
	[tilespmem:s19+$0x60] =	vst v26  }
0x233: {  	s18 =	sadd.s32 $0x240, s18;
	v26 =	vmul.f32 v28, v22;
	v23 =	vld [tilespmem:s8+$0xFFFFFF10];
	v22 =	vbroadcast v8, $0x4;
	[tilespmem:s19+$0xF0] =	vst v27  }
0x234: {  	[tilespmem:s8+$0xFFFFFFF0] =	vst v8  }
0x235: {  	[tilespmem:s8+$0xFFFFFF60] =	vst v17  }
0x236: {  	[tilespmem:s19+$0x0] =	vst v16  }
0x237: {  	v11 =	vmul.f32 v25, v11;
	[tilespmem:s8+$0x110] =	vst v5  }
0x238: {  	v15 =	vmul.f32 v21, v15;
	[tilespmem:s8+$0xFFFFFEF0] =	vst v26  }
0x239: {  	v6 =	vmul.f32 v13, v6;
	[tilespmem:s8+$0xFFFFFF00] =	vst v11  }
0x23a: {  	v61 =	vbroadcast v17, $0x5;
	v37 =	vadd.f32 v2, v19;
	[tilespmem:s8+$0xFFFFFF20] =	vst v15  }
0x23b: {  	v29 =	vbroadcast v17, $0x6;
	v14 =	vmul.f32 v14, v24;
	[tilespmem:s8+$0xFFFFFF80] =	vst v6  }
0x23c: {  	v60 =	vld [tilespmem:s8+$0xFFFFFF90];
	v30 =	vbroadcast v5, $0x0;
	v3 =	vmul.f32 v3, v61;
	[tilespmem:s8+$0x80] =	vst v37  }
0x23d: {  	v28 =	vld [tilespmem:s8+$0xFFFFFFE0];
	v40 =	vbroadcast v5, $0x1;
	v10 =	vmul.f32 v10, v29;
	[tilespmem:s8+$0xFFFFFF70] =	vst v14  }
0x23e: {  	v63 =	vbroadcast v5, $0x7;
	v36 =	vld [tilespmem:s8+$0x70];
	v4 =	vmul.f32 v30, v4;
	[tilespmem:s8+$0xFFFFFF30] =	vst v3  }
0x23f: {  	v62 =	vbroadcast v8, $0x2;
	v34 =	vld [tilespmem:s8+$0xFFFFFFA0];
	v6 =	vmul.f32 v40, v7;
	[tilespmem:s8+$0xFFFFFF40] =	vst v10  }
0x240: {  	v32 =	vbroadcast v8, $0x7;
	v38 =	vld [tilespmem:s8+$0xFFFFFF50];
	v14 =	vmul.f32 v18, v63;
	[tilespmem:s8+$0x90] =	vst v4  }
0x241: {  	v41 =	vld [tilespmem:s8+$0xFFFFFFC0];
	v19 =	vbroadcast v37, $0x7;
	[tilespmem:s8+$0xA0] =	vst v6;
	v11 =	vmul.f32 v62, v60  }
0x242: {  	v43 =	vld [tilespmem:s8+$0x20];
	v44 =	vbroadcast v8, $0x3;
	[tilespmem:s8+$0x100] =	vst v14;
	v35 =	vmul.f32 v28, v32  }
0x243: {  	v46 =	vld [tilespmem:s8+$0x50];
	v47 =	vbroadcast v8, $0x5;
	v13 =	vmul.f32 v36, v19;
	[tilespmem:s8+$0xFFFFFF90] =	vst v11  }
0x244: {  	v33 =	vld [tilespmem:s8+$0xC0];
	v26 =	vbroadcast v8, $0x6;
	v10 =	vmul.f32 v44, v34;
	[tilespmem:s8+$0xFFFFFFE0] =	vst v35  }
0x245: {  	v27 =	vld [tilespmem:s8+$0xFFFFFEE0];
	v48 =	vbroadcast v37, $0x2;
	v9 =	vmul.f32 v38, v9;
	[tilespmem:s8+$0x70] =	vst v13  }
0x246: {  	v52 =	vbroadcast v37, $0x5;
	v8 =	vmul.f32 v41, v47;
	[tilespmem:s8+$0xFFFFFFA0] =	vst v10  }
0x247: {  	v53 =	vld [tilespmem:s8+$0x0];
	v59 =	vbroadcast v5, $0x3;
	v7 =	vmul.f32 v48, v43;
	[tilespmem:s8+$0xFFFFFF50] =	vst v9  }
0x248: {  	v3 =	vbroadcast v17, $0x0;
	v6 =	vmul.f32 v46, v52;
	[tilespmem:s8+$0xFFFFFFC0] =	vst v8  }
0x249: {  	v24 =	vbroadcast v17, $0x3;
	v62 =	vmul.f32 v59, v33;
	[tilespmem:s8+$0x20] =	vst v7  }
0x24a: {  	v45 =	vld [tilespmem:s8+$0x10];
	v4 =	vbroadcast v37, $0x0;
	v3 =	vmul.f32 v3, v27;
	[tilespmem:s8+$0x50] =	vst v6  }
0x24b: {  	v49 =	vld [tilespmem:s8+$0x40];
	v27 =	vmul.f32 v24, v23;
	[tilespmem:s8+$0xC0] =	vst v62  }
0x24c: {  	v51 =	vld [tilespmem:s8+$0x30];
	v4 =	vmul.f32 v4, v53;
	[tilespmem:s8+$0xFFFFFEE0] =	vst v3  }
0x24d: {  	v25 =	vld [tilespmem:s8+$0xE0];
	v50 =	vbroadcast v37, $0x1;
	v3 =	vmul.f32 v12, v22;
	[tilespmem:s8+$0xFFFFFF10] =	vst v27  }
0x24e: {  	v42 =	vld [tilespmem:s8+$0x60];
	v54 =	vbroadcast v37, $0x4;
	v11 =	vmul.f32 v20, v26;
	[tilespmem:s8+$0x0] =	vst v4  }
0x24f: {  	v55 =	vbroadcast v37, $0x3;
	v10 =	vmul.f32 v50, v45;
	[tilespmem:s8+$0xFFFFFFB0] =	vst v3;
	v3 =	vld [tilespmem:s8+$0xD0]  }
0x250: {  	v39 =	vld [tilespmem:s8+$0xB0];
	v56 =	vbroadcast v5, $0x5;
	v9 =	vmul.f32 v49, v54;
	[tilespmem:s8+$0xFFFFFFD0] =	vst v11  }
0x251: {  	v31 =	vld [tilespmem:s8+$0xF0];
	v60 =	vbroadcast v37, $0x6;
	v13 =	vmul.f32 v55, v51;
	[tilespmem:s8+$0x10] =	vst v10  }
0x252: {  	v58 =	vbroadcast v5, $0x4;
	v7 =	vmul.f32 v25, v56;
	[tilespmem:s8+$0x40] =	vst v9  }
0x253: {  	v57 =	vbroadcast v5, $0x2;
	v63 =	vmul.f32 v42, v60;
	[tilespmem:s8+$0x30] =	vst v13  }
0x254: {  	v61 =	vbroadcast v5, $0x6;
	[tilespmem:s8+$0xE0] =	vst v7;
	v3 =	vmul.f32 v3, v58  }
.Ltmp10:
0x255: {  	v10 =	vmul.f32 v57, v39;
	[tilespmem:s8+$0x60] =	vst v63;
	(pc) =	sbr.rel .LBB2_18-.Ltmp10, $4  }
0x256: {  	[tilespmem:s8+$0xD0] =	vst v3;
	v3 =	vmul.f32 v31, v61  }
0x257: {  	[tilespmem:s8+$0xB0] =	vst v10  }
0x258: {  	[tilespmem:s8+$0xF0] =	vst v3  }
0x259: {  	[spmem:s1] =	stream.indirect.scatter.add.f32 [tilespmem:s31], [sflag:$0xC], $0x90, s30, s17, $0xb8;
	[tilespmem:$0x1D9D0] =	vst v63  }
.LBB2_19:
0x25a: {  	s0 =	simm.s32 $0xA  }
0x25b: {  	_ =	swait.ge [sflag:s0], $0x2400  }
0x25c: {  	[sflag:s0] =	ssyncset.done $0x0  }
0x25d: {  	s24 =	simm.s32 $0xB;
	[sflag:s0] =	ssyncadd.s32 $0xFFFFDC00  }
0x25e: {  	_ =	swait.ge [sflag:s24], $0x2400  }
0x25f: {  	[sflag:s24] =	ssyncset.done $0x0  }
0x260: {  	s25 =	simm.s32 $0xC;
	[sflag:s24] =	ssyncadd.s32 $0xFFFFDC00  }
0x261: {  	s8 =	sadd.s32 $0x0, s2;
	_ =	swait.ge [sflag:s25], $0x2400  }
0x262: {  	p0 =	sgt.u32 s8, $0x7C;
	[sflag:s25] =	ssyncset.done $0x0  }
0x263: {  	s8 =	sshll.u32 @!p0 s2, $0x6;
	s12 =	simm.s32 @!p0 $0x1;
	[sflag:s25] =	ssyncadd.s32 $0xFFFFDC00  }
0x264: {  	s9 =	simm.s32 @!p0 $0x10;
	s19 =	sshrl.u32 @!p0 s15, $0x3;
	[bflag:$0x0] =	sbarrier.arrive $0xFFFF  }
0x265: {  	s18 =	sor.u32 @!p0 $0x1C0E, s8;
	s24 =	simm.s32 @!p0 $0x12;
	s0 =	rddreg [dreg:$0x8]  }
0x266: {  	[hbm:s0@s9], [sflag:s18] =	dma.strided @!p0 [spmem:s19@s24], $0x500, s12, $0x10   }
0x267: {  	s18 =	simm.s32 @!p0 $0xE  }
0x268: {  	s8 =	sor.u32 @!p0 $0x1C0D, s8;
	_ =	swait.ge @!p0 [sflag:s18], $0x500  }
0x269: {  	s25 =	simm.s32 @!p0 $0x2;
	s19 =	sadd.s32 @!p0 $0x80, s15;
	[sflag:s18] =	ssyncset.done @!p0 $0x0  }
0x26a: {  	s9 =	simm.s32 $0x10;
	s19 =	sshrl.u32 @!p0 s19, $0x3;
	[sflag:s18] =	ssyncadd.s32 @!p0 $0xFFFFFB00  }
0x26b: {  	[hbm:s16@s25], [sflag:s8] =	dma.strided @!p0 [spmem:s19@s24], $0xA0, s12, $0x2   }
0x26c: {  	s18 =	sadd.s32 $0x5000, s0;
	s19 =	simm.s32 $0x20;
	s24 =	simm.s32 @!p0 $0xD  }
0x26d: {  	s8 =	sadd.s32 $0xA00, s16;
	s12 =	sadd.s32 $0x2D000, s15;
	_ =	swait.ge @!p0 [sflag:s24], $0xA0  }
.LBB2_20:
0x26e: {  	s25 =	sadd.s32 s9, s2;
	[sflag:s24] =	ssyncset.done @!p0 $0x0  }
0x26f: {  	s9 =	smov.u32 s19;
	s19 =	sadd.s32 $0x10, s19;
	s20 =	smov.u32 s8  }
0x270: {  	p1 =	sne.s32 s19, $0x80;
	[sflag:s24] =	ssyncadd.s32 @!p0 $0xFFFFFF60;
	p0 =	sgt.u32 s25, $0x7C  }
0x271: {  	s24 =	sshll.u32 @!p0 s2, $0x6;
	s25 =	simm.s32 @!p0 $0x1;
	s0 =	simm.s32 @!p0 $0x10  }
0x272: {  	s23 =	sshrl.u32 @!p0 s12, $0x3;
	s13 =	simm.s32 @!p0 $0x12;
	s22 =	sor.u32 @!p0 $0x1C0E, s24  }
0x273: {  	[hbm:s18@s0], [sflag:s22] =	dma.strided @!p0 [spmem:s23@s13], $0x500, s25, $0x10   }
0x274: {  	s0 =	simm.s32 @!p0 $0xE;
	s22 =	sadd.s32 @!p0 $0x80, s12;
	s23 =	sor.u32 @!p0 $0x1C0D, s24  }
.Ltmp11:
0x275: {  	s22 =	sshrl.u32 @!p0 s22, $0x3;
	_ =	swait.ge @!p0 [sflag:s0], $0x500;
	(pc) =	sbr.rel @p1 .LBB2_20-.Ltmp11, $4  }
0x276: {  	s14 =	simm.s32 @!p0 $0x2;
	[sflag:s0] =	ssyncset.done @!p0 $0x0  }
0x277: {  	s8 =	sadd.s32 $0xA00, s8;
	s24 =	simm.s32 @!p0 $0xD;
	[sflag:s0] =	ssyncadd.s32 @!p0 $0xFFFFFB00  }
0x278: {  	[hbm:s20@s14], [sflag:s23] =	dma.strided @!p0 [spmem:s22@s13], $0xA0, s25, $0x2   }
0x279: {  	s18 =	sadd.s32 $0x5000, s18;
	s12 =	sadd.s32 $0x2D000, s12;
	_ =	swait.ge @!p0 [sflag:s24], $0xA0  }
0x27a: {  	s0 =	sadd.s32 s9, s2;
	[sflag:s24] =	ssyncset.done @!p0 $0x0  }
0x27b: {  	p1 =	sgt.u32 s0, $0x7C;
	[sflag:s24] =	ssyncadd.s32 @!p0 $0xFFFFFF60  }
0x27c: {  	s0 =	sshll.u32 @!p1 s2, $0x6;
	s9 =	simm.s32 @!p1 $0x1;
	s13 =	simm.s32 @!p1 $0x10  }
0x27d: {  	s19 =	sshrl.u32 @!p1 s12, $0x3;
	s20 =	simm.s32 @!p1 $0x12;
	s14 =	sor.u32 @!p1 $0x1C0E, s0  }
0x27e: {  	[hbm:s18@s13], [sflag:s14] =	dma.strided @!p1 [spmem:s19@s20], $0x500, s9, $0x10   }
0x27f: {  	s13 =	simm.s32 @!p1 $0xE  }
0x280: {  	s12 =	sadd.s32 @!p1 $0x80, s12;
	_ =	swait.ge @!p1 [sflag:s13], $0x500  }
0x281: {  	s0 =	sor.u32 @!p1 $0x1C0D, s0;
	s12 =	sshrl.u32 @!p1 s12, $0x3;
	[sflag:s13] =	ssyncset.done @!p1 $0x0  }
0x282: {  	s14 =	simm.s32 @!p1 $0x2;
	[sflag:s13] =	ssyncadd.s32 @!p1 $0xFFFFFB00;
	s13 =	simm.s32 @!p1 $0xD  }
0x283: {  	[hbm:s8@s14], [sflag:s0] =	dma.strided @!p1 [spmem:s12@s20], $0xA0, s9, $0x2   }
0x284: {  	_ =	swait.ge @!p1 [sflag:s13], $0xA0  }
0x285: {  	s3 =	sadd.s32 $0x1, s3;
	s25 =	rddreg [dreg:$0x6]  }
0x286: {  	p0 =	sne.s32 s3, s25  }
.Ltmp12:
0x287: {  	_ = 	snop;
	(pc) =	sbr.rel @p0 .LBB2_1-.Ltmp12, $3  }
0x288: {  	_ =	sdelay $0x1  }
0x289: {  	[sflag:s13] =	ssyncset.done @!p1 $0x0  }
0x28a: {  	[sflag:s13] =	ssyncadd.s32 @!p1 $0xFFFFFF60  }
0x28b: {  	_ =	sfence.sel $0x180000  }
0x28c: {  	[bflag:$0x0] =	sbarrier.arrive $0xFFFF  }
0x28d: {  	_ =	strace $0x90000047  }
0x28e: {  	[bflag:$0x2] =	sbarrier.arrive $0xFFFF  }
0x28f: {  	p0 =	sne.s32 s2, $0x0;
	s0 =	rddreg [dreg:$0x3]  }
0x290: {  	s0 =	sadd.s32 @!p0 $0x100000, s0  }
0x291: {  	[sflag:s0] =	ssyncadd.tile.s32 @!p0 $0x1;
	_ =	shalt  }
.Lfunc_end2:
_tile_overlayer_lowered:
.L_overlay_start_2:
0x292: {  	(tag) =	ssettag $0x2  }
0x293: {  	s0 =	rddreg [dreg:$0x0];
	s2 =	stileid.u32  }
0x294: {  	s1 =	rddreg [dreg:$0x1];
	p0 =	sne.s32 s2, $0x0  }
0x295: {  	s3 =	rddreg [dreg:$0x2];
	[bflag:$0x3] =	sbarrier.arrive $0xFFFF;
	s2 =	simm.s32 @!p0 $0x1C0D  }
0x296: {  	[timem:s3], [sflag:s2] =	dma.local @!p0 [hbm:s0], s1  }
0x297: {  	s0 =	simm.s32 @!p0 $0xD  }
0x298: {  	_ =	swait.ge @!p0 [sflag:s0], s1  }
0x299: {  	s1 =	ssub.s32 @!p0 $0x0, s1;
	[sflag:s0] =	ssyncset.done @!p0 $0x0  }
0x29a: {  	[sflag:s0] =	ssyncadd.s32 @!p0 s1  }
0x29b: {  	[bflag:$0x3] =	sbarrier.arrive $0xFFFF  }
0x29c: {  	_ =	shalt  }

</sc_bundles>
